<compile_context>
chip_gen: v7x
topology: tpu7x:2x2x1
jax: 0.10.2.dev20260603
libtpu: 0.0.44.dev20260713+nightly
codegen_flags: <defaults>
</compile_context>

<pallas_src>
import functools

import jax
import jax.numpy as jnp
from jax import lax
from jax.experimental import pallas as pl
from jax.experimental.pallas import tpu as pltpu
from jax.experimental.pallas import tpu_sc as plsc

N = 10000
E = 320000
D = 128
NHID = 8
NHEAD = 8
NCLASS = 16
ALPHA = 0.2

NCORE = 2
NSUB = 16
NW = NCORE * NSUB
EPW = E // NW
CHUNK = 80
NCHUNK = EPW // CHUNK
NPAD = 10240
ROWS_PT = NPAD // NSUB

_i32 = jnp.int32
_f32 = jnp.float32


def _iota16():
    return lax.iota(_i32, 16)


def _splat(v):
    return jnp.zeros((16,), _i32) + v



def _dense1_body(x_ref, w_ref, a_ref, h_ref, asat_ref, mx_ref):
    i = pl.program_id(0)
    hb = jnp.dot(x_ref[...], w_ref[...], preferred_element_type=_f32)
    asb = jnp.dot(hb, a_ref[...], preferred_element_type=_f32)
    h_ref[...] = hb
    asat_ref[...] = asb
    bm = jnp.broadcast_to(jnp.max(asb, axis=0, keepdims=True), (8, 16))

    @pl.when(i == 0)
    def _():
        mx_ref[...] = bm

    @pl.when(i > 0)
    def _():
        mx_ref[...] = jnp.maximum(mx_ref[...], bm)


def _dense1(x, w1cat, a1cat, blk=2000):
    return pl.pallas_call(
        _dense1_body,
        grid=(N // blk,),
        in_specs=[
            pl.BlockSpec((blk, D), lambda i: (i, 0)),
            pl.BlockSpec((D, NHEAD * NHID), lambda i: (0, 0)),
            pl.BlockSpec((NHEAD * NHID, 16), lambda i: (0, 0)),
        ],
        out_specs=[
            pl.BlockSpec((blk, NHEAD * NHID), lambda i: (i, 0)),
            pl.BlockSpec((blk, 16), lambda i: (i, 0)),
            pl.BlockSpec((8, 16), lambda i: (0, 0)),
        ],
        out_shape=[
            jax.ShapeDtypeStruct((N, NHEAD * NHID), _f32),
            jax.ShapeDtypeStruct((N, 16), _f32),
            jax.ShapeDtypeStruct((8, 16), _f32),
        ],
        name="dense1",
    )(x, w1cat, a1cat)


def _rsum_body(s_ref, out_ref):
    r = 1.0 / (s_ref[0] + s_ref[1] + 1e-10)
    out_ref[...] = jnp.concatenate([r, r], axis=1)


def _rsum(sumpart, blk=2048):
    return pl.pallas_call(
        _rsum_body,
        grid=(NPAD // blk,),
        in_specs=[pl.BlockSpec((2, blk, 8), lambda i: (0, i, 0))],
        out_specs=pl.BlockSpec((blk, 16), lambda i: (i, 0)),
        out_shape=jax.ShapeDtypeStruct((NPAD, 16), _f32),
        name="rsum",
    )(sumpart)


def _dense2_body(op_ref, b_ref, w_ref, a_ref, h2_ref, asat_ref, mx_ref):
    i = pl.program_id(0)
    hp = op_ref[0] + op_ref[1] + b_ref[...]
    h = jnp.where(hp > 0, hp, jnp.exp(hp) - 1.0)
    h2 = jnp.dot(h, w_ref[...], preferred_element_type=_f32)
    asb = jnp.dot(h2, a_ref[...], preferred_element_type=_f32)
    h2_ref[...] = h2
    asat_ref[...] = asb
    bm = jnp.broadcast_to(jnp.max(asb, axis=0, keepdims=True), (8, 16))

    @pl.when(i == 0)
    def _():
        mx_ref[...] = bm

    @pl.when(i > 0)
    def _():
        mx_ref[...] = jnp.maximum(mx_ref[...], bm)


def _dense2(outpart, b1mat, w2, a2pad, blk=1024):
    return pl.pallas_call(
        _dense2_body,
        grid=(NPAD // blk,),
        in_specs=[
            pl.BlockSpec((2, blk, 64), lambda i: (0, i, 0)),
            pl.BlockSpec((1, 64), lambda i: (0, 0)),
            pl.BlockSpec((64, NCLASS), lambda i: (0, 0)),
            pl.BlockSpec((NCLASS, 16), lambda i: (0, 0)),
        ],
        out_specs=[
            pl.BlockSpec((blk, NCLASS), lambda i: (i, 0)),
            pl.BlockSpec((blk, 16), lambda i: (i, 0)),
            pl.BlockSpec((8, 16), lambda i: (0, 0)),
        ],
        out_shape=[
            jax.ShapeDtypeStruct((NPAD, NCLASS), _f32),
            jax.ShapeDtypeStruct((NPAD, 16), _f32),
            jax.ShapeDtypeStruct((8, 16), _f32),
        ],
        name="dense2",
    )(outpart, b1mat, w2, a2pad)


def _final_body(op_ref, b_ref, out_ref):
    v = op_ref[0] + op_ref[1] + b_ref[...]
    m = jnp.max(v, axis=1, keepdims=True)
    ex = jnp.exp(v - m)
    out_ref[...] = (v - m) - jnp.log(jnp.sum(ex, axis=1, keepdims=True))


def _final(outpart2, b2mat, blk=1024):
    return pl.pallas_call(
        _final_body,
        grid=(NPAD // blk,),
        in_specs=[
            pl.BlockSpec((2, blk, NCLASS), lambda i: (0, i, 0)),
            pl.BlockSpec((1, NCLASS), lambda i: (0, 0)),
        ],
        out_specs=pl.BlockSpec((blk, NCLASS), lambda i: (i, 0)),
        out_shape=jax.ShapeDtypeStruct((NPAD, NCLASS), _f32),
        name="final_logsoftmax",
    )(outpart2, b2mat)



@functools.cache
def _mesh():
    return plsc.VectorSubcoreMesh(core_axis_name="c", subcore_axis_name="s",
                                  num_cores=NCORE, num_subcores=NSUB)


def _wid_base():
    c = lax.axis_index("c")
    s = lax.axis_index("s")
    return c, s, (s * NCORE + c) * EPW


def _edge_softmax_body(nheads, src_hbm, tgt_hbm, asat_hbm, ub_hbm, z8_hbm,
                       exp_hbm, sum_hbm,
                       srcall, tgtall, srows, trows, expb, ubv, shared_sum,
                       sem_s, sem_t, sem_w):
    c, s, ebase = _wid_base()
    wid = s * NCORE + c
    n0 = s * ROWS_PT
    pltpu.sync_copy(ub_hbm, ubv)
    pltpu.sync_copy(src_hbm.at[wid], srcall)
    pltpu.sync_copy(tgt_hbm.at[wid], tgtall)
    if nheads < 8:
        pltpu.sync_copy(z8_hbm.at[pl.ds(0, CHUNK)], expb.at[0])
        pltpu.sync_copy(z8_hbm.at[pl.ds(0, CHUNK)], expb.at[1])
    pltpu.sync_copy(z8_hbm.at[pl.ds(n0, ROWS_PT)],
                    shared_sum.at[pl.ds(n0, ROWS_PT)])
    plsc.subcore_barrier()

    def prefetch(t):
        p = lax.rem(t, 2)
        pltpu.async_copy(asat_hbm.at[srcall.at[t]], srows.at[p], sem_s.at[p])
        pltpu.async_copy(asat_hbm.at[tgtall.at[t]], trows.at[p], sem_t.at[p])

    prefetch(jnp.int32(0))

    def chunk(t, _):
        p = lax.rem(t, 2)
        e0 = ebase + t * CHUNK

        @pl.when(t + 1 < NCHUNK)
        def _():
            prefetch(t + 1)

        pltpu.make_async_copy(asat_hbm.at[srcall.at[t]], srows.at[p],
                              sem_s.at[p]).wait()
        pltpu.make_async_copy(asat_hbm.at[tgtall.at[t]], trows.at[p],
                              sem_t.at[p]).wait()

        @pl.when(t >= 2)
        def _():
            pltpu.make_async_copy(expb.at[p],
                                  exp_hbm.at[pl.ds(e0 - 2 * CHUNK, CHUNK)],
                                  sem_w.at[p]).wait()

        @plsc.parallel_loop(0, CHUNK // 16, 1, unroll=CHUNK // 16)
        def kb(k):
            rows = _iota16() + k * 16
            for h in range(nheads):
                s16 = plsc.load_gather(srows.at[p], [rows, _splat(h)])
                t16 = plsc.load_gather(trows.at[p], [rows, _splat(h + NHEAD)])
                e16 = s16 + t16
                e16 = jnp.maximum(e16, ALPHA * e16)
                ubh = plsc.load_gather(ubv, [_splat(h)])
                e16 = jnp.exp(e16 - ubh)
                plsc.store_scatter(expb.at[p], [rows, _splat(h)], e16)
        pltpu.async_copy(expb.at[p], exp_hbm.at[pl.ds(e0, CHUNK)],
                         sem_w.at[p])
        pltpu.sync_copy(expb.at[p], shared_sum.at[srcall.at[t]], add=True)
        return 0

    lax.fori_loop(0, NCHUNK, chunk, 0)
    for tl in (NCHUNK - 2, NCHUNK - 1):
        pf = tl % 2
        pltpu.make_async_copy(expb.at[pf],
                              exp_hbm.at[pl.ds(ebase + tl * CHUNK, CHUNK)],
                              sem_w.at[pf]).wait()
    plsc.subcore_barrier()
    pltpu.sync_copy(shared_sum.at[pl.ds(n0, ROWS_PT)],
                    sum_hbm.at[c, pl.ds(n0, ROWS_PT)])


def _edge_softmax(nheads, src, tgt, asat, ubpad, z8):
    body = functools.partial(_edge_softmax_body, nheads)
    k = pl.kernel(
        body,
        out_type=[
            jax.ShapeDtypeStruct((E, 8), _f32),
            jax.ShapeDtypeStruct((2, NPAD, 8), _f32),
        ],
        mesh=_mesh(),
        scratch_types=[
            pltpu.VMEM((NCHUNK, CHUNK), _i32),
            pltpu.VMEM((NCHUNK, CHUNK), _i32),
            pltpu.VMEM((2, CHUNK, 16), _f32),
            pltpu.VMEM((2, CHUNK, 16), _f32),
            pltpu.VMEM((2, CHUNK, 8), _f32),
            pltpu.VMEM((16,), _f32),
            pltpu.VMEM_SHARED((NPAD, 8), _f32),
            pltpu.SemaphoreType.DMA((2,)),
            pltpu.SemaphoreType.DMA((2,)),
            pltpu.SemaphoreType.DMA((2,)),
        ],
        compiler_params=pltpu.CompilerParams(needs_layout_passes=False, use_tc_tiling_on_sc=False),
        name=f"sc_edge_softmax_h{nheads}",
    )
    return k(src, tgt, asat, ubpad, z8)


def _edge_aggregate_body(nf, src_hbm, tgt_hbm, exp_hbm, rsum_hbm, h_hbm,
                         z_hbm, out_hbm,
                         srcall, tgtall, ht, rs, expb, attb, shared_out,
                         sem_h, sem_r, sem_e):
    nheads = nf // NHID if nf == 64 else 1
    lg = {8: 3, 16: 4}[nf // nheads]
    c, s, ebase = _wid_base()
    wid = s * NCORE + c
    n0 = s * ROWS_PT
    pltpu.sync_copy(src_hbm.at[wid], srcall)
    pltpu.sync_copy(tgt_hbm.at[wid], tgtall)
    pltpu.sync_copy(z_hbm.at[pl.ds(n0, ROWS_PT)],
                    shared_out.at[pl.ds(n0, ROWS_PT)])
    plsc.subcore_barrier()

    qcols = [lax.shift_right_logical(_iota16() + 16 * q, lg)
             for q in range(nf // 16)]

    def prefetch(t):
        p = lax.rem(t, 2)
        e0 = ebase + t * CHUNK
        pltpu.async_copy(h_hbm.at[tgtall.at[t]], ht.at[p], sem_h.at[p])
        pltpu.async_copy(rsum_hbm.at[srcall.at[t]], rs.at[p], sem_r.at[p])
        pltpu.async_copy(exp_hbm.at[pl.ds(e0, CHUNK)], expb.at[p],
                         sem_e.at[p])

    prefetch(jnp.int32(0))

    def chunk(t, _):
        p = lax.rem(t, 2)
        e0 = ebase + t * CHUNK

        @pl.when(t + 1 < NCHUNK)
        def _():
            prefetch(t + 1)

        pltpu.make_async_copy(h_hbm.at[tgtall.at[t]], ht.at[p],
                              sem_h.at[p]).wait()
        pltpu.make_async_copy(rsum_hbm.at[srcall.at[t]], rs.at[p],
                              sem_r.at[p]).wait()
        pltpu.make_async_copy(exp_hbm.at[pl.ds(e0, CHUNK)], expb.at[p],
                              sem_e.at[p]).wait()

        @plsc.parallel_loop(0, CHUNK // 16, 1, unroll=CHUNK // 16)
        def kb(k):
            rows = _iota16() + k * 16
            for h in range(nheads):
                a16 = (plsc.load_gather(expb.at[p], [rows, _splat(h)])
                       * plsc.load_gather(rs.at[p], [rows, _splat(h)]))
                plsc.store_scatter(attb, [rows, _splat(h)], a16)

        @plsc.parallel_loop(0, CHUNK, 1, unroll=4)
        def eb(i):
            ri = _splat(i)
            for q in range(nf // 16):
                a16 = plsc.load_gather(attb, [ri, qcols[q]])
                ht[p, i, pl.ds(16 * q, 16)] = a16 * ht[p, i, pl.ds(16 * q, 16)]
        pltpu.sync_copy(ht.at[p], shared_out.at[srcall.at[t]], add=True)
        return 0

    lax.fori_loop(0, NCHUNK, chunk, 0)
    plsc.subcore_barrier()
    pltpu.sync_copy(shared_out.at[pl.ds(n0, ROWS_PT)],
                    out_hbm.at[c, pl.ds(n0, ROWS_PT)])


def _edge_aggregate(nf, src, tgt, expv, rsum, h, z):
    body = functools.partial(_edge_aggregate_body, nf)
    k = pl.kernel(
        body,
        out_type=jax.ShapeDtypeStruct((2, NPAD, nf), _f32),
        mesh=_mesh(),
        scratch_types=[
            pltpu.VMEM((NCHUNK, CHUNK), _i32),
            pltpu.VMEM((NCHUNK, CHUNK), _i32),
            pltpu.VMEM((2, CHUNK, nf), _f32),
            pltpu.VMEM((2, CHUNK, 16), _f32),
            pltpu.VMEM((2, CHUNK, 8), _f32),
            pltpu.VMEM((CHUNK, 8), _f32),
            pltpu.VMEM_SHARED((NPAD, nf), _f32),
            pltpu.SemaphoreType.DMA((2,)),
            pltpu.SemaphoreType.DMA((2,)),
            pltpu.SemaphoreType.DMA((2,)),
        ],
        compiler_params=pltpu.CompilerParams(needs_layout_passes=False, use_tc_tiling_on_sc=False),
        name=f"sc_edge_aggregate_f{nf}",
    )
    return k(src, tgt, expv, rsum, h, z)



def _ub_from_mx(mx):
    m = jnp.max(mx, axis=0)
    ssum = m[:8] + m[8:]
    ub = jnp.maximum(ssum, ALPHA * ssum)
    return jnp.concatenate([ub, jnp.zeros((8,), _f32)])


def kernel(x, edge_index, W1, a1, b1, W2, a2, b2):
    src = edge_index[0].reshape(NW, NCHUNK, CHUNK)
    tgt = edge_index[1].reshape(NW, NCHUNK, CHUNK)

    w1cat = jnp.transpose(W1, (1, 0, 2)).reshape(D, NHEAD * NHID)
    eye8 = jnp.eye(NHEAD, dtype=_f32)
    a_src = (a1[:, :NHID, 0][:, :, None] * eye8[:, None, :]).reshape(
        NHEAD * NHID, NHEAD)
    a_tgt = (a1[:, NHID:, 0][:, :, None] * eye8[:, None, :]).reshape(
        NHEAD * NHID, NHEAD)
    a1cat = jnp.concatenate([a_src, a_tgt], axis=1)
    b1mat = b1[:, 0, :].reshape(1, NHEAD * NHID)
    w2m = W2[0]
    a2pad = jnp.concatenate(
        [a2[0, :NCLASS], jnp.zeros((NCLASS, 7), _f32),
         a2[0, NCLASS:], jnp.zeros((NCLASS, 7), _f32)], axis=1)
    b2mat = b2[0]

    z8 = jnp.zeros((NPAD, 8), _f32)
    z16 = jnp.zeros((NPAD, 16), _f32)
    z64 = jnp.zeros((NPAD, 64), _f32)

    h1, asat1, mx1 = _dense1(x, w1cat, a1cat)
    ub1 = _ub_from_mx(mx1)
    exp1, sum1p = _edge_softmax(NHEAD, src, tgt, asat1, ub1, z8)
    rsum1 = _rsum(sum1p)
    out1p = _edge_aggregate(64, src, tgt, exp1, rsum1, h1, z64)

    h2, asat2, mx2 = _dense2(out1p, b1mat, w2m, a2pad)
    ub2 = _ub_from_mx(mx2)
    exp2, sum2p = _edge_softmax(1, src, tgt, asat2, ub2, z8)
    rsum2 = _rsum(sum2p)
    out2p = _edge_aggregate(16, src, tgt, exp2, rsum2, h2, z16)

    return _final(out2p, b2mat)[:N]

# --- scband reference (transcript-rebuilt; emitter-appended) ---
"""Pipeline reference for scband-spgat-80719615361789 (READ-ONLY COPY).

The authoritative reference and input builder live on the scoring server;
editing this copy changes nothing except your own understanding.
"""

import jax, jax.numpy as jnp
import numpy as np

N = 10000
E = 320000
D = 128
NHID = 8
NHEAD = 8
NHEAD_OUT = 1
NCLASS = 16
ALPHA = 0.2


def gat_conv(x, edge_index, W, a, b, alpha):
    # h = x @ W
    h = jnp.matmul(x, W)
    src = edge_index[0]
    tgt = edge_index[1]
    # e = leaky_relu(cat([h[src], h[tgt]]) @ a)
    a_input = jnp.concatenate([h[src], h[tgt]], axis=1)
    e = jax.nn.leaky_relu(jnp.matmul(a_input, a), negative_slope=alpha)  # [E, 1]
    # sp_softmax: global max subtraction, scatter-add of exp into source rows
    v_max = e.max()
    exp_v = jnp.exp(e - v_max)
    exp_sum = jnp.zeros((h.shape[0], 1), dtype=h.dtype).at[src].add(exp_v)
    exp_sum = exp_sum + 1e-10
    att = exp_v / exp_sum[src]
    # sp_matmul: scatter-add att * h[tgt] into source rows
    h_prime = jnp.zeros_like(h).at[src].add(att * h[tgt])
    return h_prime + b


def setup_inputs(seed: int = 0):
    key = jax.random.key(seed)
    ks = jax.random.split(key, 8)
    x = jax.random.normal(ks[0], (N, D), dtype=jnp.float32)
    edge_index = jax.random.randint(ks[1], (2, E), 0, N, dtype=jnp.int32)
    W1 = jax.random.normal(ks[2], (NHEAD, D, NHID), dtype=jnp.float32) * (1.0 / np.sqrt(D))
    a1 = jax.random.normal(ks[3], (NHEAD, 2 * NHID, 1), dtype=jnp.float32) * (1.0 / np.sqrt(2 * NHID))
    b1 = jnp.zeros((NHEAD, 1, NHID), dtype=jnp.float32)
    W2 = jax.random.normal(ks[4], (NHEAD_OUT, NHEAD * NHID, NCLASS), dtype=jnp.float32) * (1.0 / np.sqrt(NHEAD * NHID))
    a2 = jax.random.normal(ks[5], (NHEAD_OUT, 2 * NCLASS, 1), dtype=jnp.float32) * (1.0 / np.sqrt(2 * NCLASS))
    b2 = jnp.zeros((NHEAD_OUT, 1, NCLASS), dtype=jnp.float32)
    return {"x": x, "edge_index": edge_index, "W1": W1, "a1": a1, "b1": b1, "W2": W2, "a2": a2, "b2": b2}


def reference(x, edge_index, W1, a1, b1, W2, a2, b2):
    # first multi-head layer: concat heads, elu
    heads = [gat_conv(x, edge_index, W1[i], a1[i], b1[i, 0], ALPHA) for i in range(NHEAD)]
    h = jax.nn.elu(jnp.concatenate(heads, axis=1))
    # output heads: averaged
    outs = [gat_conv(h, edge_index, W2[j], a2[j], b2[j, 0], ALPHA) for j in range(NHEAD_OUT)]
    out = sum(outs) / float(NHEAD_OUT)
    return jax.nn.log_softmax(out, axis=1)

if __name__ == "__main__":
    import jax
    _d = setup_inputs()
    print(jax.jit(kernel)(*tuple(_d.values())))

</pallas_src>

<mosaic_0001>
#map = affine_map<(d0, d1) -> (0, 0, 0)>
#map1 = affine_map<(d0, d1) -> (0, 0)>
#map2 = affine_map<(d0, d1) -> (0)>
module attributes {stable_mosaic.version = 14 : i64} {
  func.func @sc_edge_softmax_h1(%arg0: i32, %arg1: i32, %arg2: memref<32x125x80xi32, #tpu.memory_space<hbm>>, %arg3: memref<32x125x80xi32, #tpu.memory_space<hbm>>, %arg4: memref<10240x16xf32, #tpu.memory_space<hbm>>, %arg5: memref<16xf32, #tpu.memory_space<hbm>>, %arg6: memref<10240x8xf32, #tpu.memory_space<hbm>>, %arg7: memref<320000x8xf32, #tpu.memory_space<hbm>>, %arg8: memref<2x10240x8xf32, #tpu.memory_space<hbm>>, %arg9: memref<125x80xi32, #tpu.memory_space<vmem>>, %arg10: memref<125x80xi32, #tpu.memory_space<vmem>>, %arg11: memref<2x80x16xf32, #tpu.memory_space<vmem>>, %arg12: memref<2x80x16xf32, #tpu.memory_space<vmem>>, %arg13: memref<2x80x8xf32, #tpu.memory_space<vmem>>, %arg14: memref<16xf32, #tpu.memory_space<vmem>>, %arg15: memref<10240x8xf32, #tpu.memory_space<vmem_shared>>, %arg16: memref<2x!tpu.dma_semaphore, #tpu.memory_space<semaphore_mem>>, %arg17: memref<2x!tpu.dma_semaphore, #tpu.memory_space<semaphore_mem>>, %arg18: memref<2x!tpu.dma_semaphore, #tpu.memory_space<semaphore_mem>>) attributes {dimension_semantics = [#tpu.dimension_semantics<core_parallel>, #tpu.dimension_semantics<subcore_parallel>], iteration_bounds = array<i64: 2, 16>, scalar_prefetch = 0 : i64, scratch_operands = 10 : i64, tpu.core_type = #tpu.core_type<sc_vector_subcore>, window_params = [{transform_indices = #map}, {transform_indices = #map}, {transform_indices = #map1}, {transform_indices = #map2}, {transform_indices = #map1}, {transform_indices = #map1}, {transform_indices = #map}]} {
    %mul3A = arith.constant 2 : i32
    %mul3A_0 = arith.muli %arg1, %mul3A : i32
    %add3A = arith.addi %mul3A_0, %arg0 : i32
    %mul3A_1 = arith.constant 10000 : i32
    %mul3A_2 = arith.muli %add3A, %mul3A_1 : i32
    %mul3A_3 = arith.constant 2 : i32
    %mul3A_4 = arith.muli %arg1, %mul3A_3 : i32
    %add3A_5 = arith.addi %mul3A_4, %arg0 : i32
    %mul3A_6 = arith.constant 640 : i32
    %mul3A_7 = arith.muli %arg1, %mul3A_6 : i32
    "tpu.region"() ({
      %run_scoped3A_78 = tpu.sem_alloc : memref<!tpu.dma_semaphore, #tpu.memory_space<semaphore_mem>>
      tpu.enqueue_dma source(%arg5 : memref<16xf32, #tpu.memory_space<hbm>>) target(%arg14 : memref<16xf32, #tpu.memory_space<vmem>>) target_semaphore(%run_scoped3A_78 : memref<!tpu.dma_semaphore, #tpu.memory_space<semaphore_mem>>)
      tpu.wait_dma2 semaphore(%run_scoped3A_78 : memref<!tpu.dma_semaphore, #tpu.memory_space<semaphore_mem>>) src(%arg5 : memref<16xf32, #tpu.memory_space<hbm>>) dst(%arg14 : memref<16xf32, #tpu.memory_space<vmem>>)
      tpu.yield
    }) : () -> ()
    "tpu.region"() ({
      %run_scoped3A_78 = tpu.sem_alloc : memref<!tpu.dma_semaphore, #tpu.memory_space<semaphore_mem>>
      %dma_start3A_79 = arith.constant 0 : i32
      %dma_start3A_80 = arith.constant 0 : i32
      %dma_start3A_81 = tpu.memref_slice %arg2[%add3A_5, %dma_start3A_79, %dma_start3A_80] : memref<32x125x80xi32, #tpu.memory_space<hbm>> -> memref<1x125x80xi32, #tpu.memory_space<hbm>>
      %dma_start3A_82 = tpu.memref_squeeze %dma_start3A_81 : memref<1x125x80xi32, #tpu.memory_space<hbm>> -> memref<125x80xi32, #tpu.memory_space<hbm>>
      %dma_start3A_83 = arith.constant 0 : i32
      %dma_start3A_84 = arith.constant 0 : i32
      %dma_start3A_85 = tpu.memref_slice %arg2[%add3A_5, %dma_start3A_83, %dma_start3A_84] : memref<32x125x80xi32, #tpu.memory_space<hbm>> -> memref<1x125x80xi32, #tpu.memory_space<hbm>>
      %dma_start3A_86 = tpu.memref_squeeze %dma_start3A_85 : memref<1x125x80xi32, #tpu.memory_space<hbm>> -> memref<125x80xi32, #tpu.memory_space<hbm>>
      tpu.enqueue_dma source(%dma_start3A_86 : memref<125x80xi32, #tpu.memory_space<hbm>>) target(%arg9 : memref<125x80xi32, #tpu.memory_space<vmem>>) target_semaphore(%run_scoped3A_78 : memref<!tpu.dma_semaphore, #tpu.memory_space<semaphore_mem>>)
      %dma_wait3A_87 = arith.constant 0 : i32
      %dma_wait3A_88 = arith.constant 0 : i32
      %dma_wait3A_89 = tpu.memref_slice %arg2[%add3A_5, %dma_wait3A_87, %dma_wait3A_88] : memref<32x125x80xi32, #tpu.memory_space<hbm>> -> memref<1x125x80xi32, #tpu.memory_space<hbm>>
      %dma_wait3A_90 = tpu.memref_squeeze %dma_wait3A_89 : memref<1x125x80xi32, #tpu.memory_space<hbm>> -> memref<125x80xi32, #tpu.memory_space<hbm>>
      %dma_wait3A_91 = arith.constant 0 : i32
      %dma_wait3A_92 = arith.constant 0 : i32
      %dma_wait3A_93 = tpu.memref_slice %arg2[%add3A_5, %dma_wait3A_91, %dma_wait3A_92] : memref<32x125x80xi32, #tpu.memory_space<hbm>> -> memref<1x125x80xi32, #tpu.memory_space<hbm>>
      %dma_wait3A_94 = tpu.memref_squeeze %dma_wait3A_93 : memref<1x125x80xi32, #tpu.memory_space<hbm>> -> memref<125x80xi32, #tpu.memory_space<hbm>>
      tpu.wait_dma2 semaphore(%run_scoped3A_78 : memref<!tpu.dma_semaphore, #tpu.memory_space<semaphore_mem>>) src(%dma_wait3A_94 : memref<125x80xi32, #tpu.memory_space<hbm>>) dst(%arg9 : memref<125x80xi32, #tpu.memory_space<vmem>>)
      tpu.yield
    }) : () -> ()
    "tpu.region"() ({
      %run_scoped3A_78 = tpu.sem_alloc : memref<!tpu.dma_semaphore, #tpu.memory_space<semaphore_mem>>
      %dma_start3A_79 = arith.constant 0 : i32
      %dma_start3A_80 = arith.constant 0 : i32
      %dma_start3A_81 = tpu.memref_slice %arg3[%add3A_5, %dma_start3A_79, %dma_start3A_80] : memref<32x125x80xi32, #tpu.memory_space<hbm>> -> memref<1x125x80xi32, #tpu.memory_space<hbm>>
      %dma_start3A_82 = tpu.memref_squeeze %dma_start3A_81 : memref<1x125x80xi32, #tpu.memory_space<hbm>> -> memref<125x80xi32, #tpu.memory_space<hbm>>
      %dma_start3A_83 = arith.constant 0 : i32
      %dma_start3A_84 = arith.constant 0 : i32
      %dma_start3A_85 = tpu.memref_slice %arg3[%add3A_5, %dma_start3A_83, %dma_start3A_84] : memref<32x125x80xi32, #tpu.memory_space<hbm>> -> memref<1x125x80xi32, #tpu.memory_space<hbm>>
      %dma_start3A_86 = tpu.memref_squeeze %dma_start3A_85 : memref<1x125x80xi32, #tpu.memory_space<hbm>> -> memref<125x80xi32, #tpu.memory_space<hbm>>
      tpu.enqueue_dma source(%dma_start3A_86 : memref<125x80xi32, #tpu.memory_space<hbm>>) target(%arg10 : memref<125x80xi32, #tpu.memory_space<vmem>>) target_semaphore(%run_scoped3A_78 : memref<!tpu.dma_semaphore, #tpu.memory_space<semaphore_mem>>)
      %dma_wait3A_87 = arith.constant 0 : i32
      %dma_wait3A_88 = arith.constant 0 : i32
      %dma_wait3A_89 = tpu.memref_slice %arg3[%add3A_5, %dma_wait3A_87, %dma_wait3A_88] : memref<32x125x80xi32, #tpu.memory_space<hbm>> -> memref<1x125x80xi32, #tpu.memory_space<hbm>>
      %dma_wait3A_90 = tpu.memref_squeeze %dma_wait3A_89 : memref<1x125x80xi32, #tpu.memory_space<hbm>> -> memref<125x80xi32, #tpu.memory_space<hbm>>
      %dma_wait3A_91 = arith.constant 0 : i32
      %dma_wait3A_92 = arith.constant 0 : i32
      %dma_wait3A_93 = tpu.memref_slice %arg3[%add3A_5, %dma_wait3A_91, %dma_wait3A_92] : memref<32x125x80xi32, #tpu.memory_space<hbm>> -> memref<1x125x80xi32, #tpu.memory_space<hbm>>
      %dma_wait3A_94 = tpu.memref_squeeze %dma_wait3A_93 : memref<1x125x80xi32, #tpu.memory_space<hbm>> -> memref<125x80xi32, #tpu.memory_space<hbm>>
      tpu.wait_dma2 semaphore(%run_scoped3A_78 : memref<!tpu.dma_semaphore, #tpu.memory_space<semaphore_mem>>) src(%dma_wait3A_94 : memref<125x80xi32, #tpu.memory_space<hbm>>) dst(%arg10 : memref<125x80xi32, #tpu.memory_space<vmem>>)
      tpu.yield
    }) : () -> ()
    %run_scoped3A = arith.constant 0 : i32
    "tpu.region"() ({
      %run_scoped3A_78 = tpu.sem_alloc : memref<!tpu.dma_semaphore, #tpu.memory_space<semaphore_mem>>
      %dma_start3A_79 = arith.constant 0 : i32
      %dma_start3A_80 = arith.constant 0 : i32
      %dma_start3A_81 = tpu.memref_slice %arg13[%run_scoped3A, %dma_start3A_79, %dma_start3A_80] : memref<2x80x8xf32, #tpu.memory_space<vmem>> -> memref<1x80x8xf32, #tpu.memory_space<vmem>>
      %dma_start3A_82 = tpu.memref_squeeze %dma_start3A_81 : memref<1x80x8xf32, #tpu.memory_space<vmem>> -> memref<80x8xf32, #tpu.memory_space<vmem>>
      %dma_start3A_83 = arith.constant 0 : i32
      %dma_start3A_84 = arith.constant 0 : i32
      %dma_start3A_85 = tpu.memref_slice %arg6[%dma_start3A_83, %dma_start3A_84] : memref<10240x8xf32, #tpu.memory_space<hbm>> -> memref<80x8xf32, #tpu.memory_space<hbm>>
      %dma_start3A_86 = arith.constant 0 : i32
      %dma_start3A_87 = arith.constant 0 : i32
      %dma_start3A_88 = tpu.memref_slice %arg13[%run_scoped3A, %dma_start3A_86, %dma_start3A_87] : memref<2x80x8xf32, #tpu.memory_space<vmem>> -> memref<1x80x8xf32, #tpu.memory_space<vmem>>
      %dma_start3A_89 = tpu.memref_squeeze %dma_start3A_88 : memref<1x80x8xf32, #tpu.memory_space<vmem>> -> memref<80x8xf32, #tpu.memory_space<vmem>>
      %dma_start3A_90 = arith.constant 0 : i32
      %dma_start3A_91 = arith.constant 0 : i32
      %dma_start3A_92 = tpu.memref_slice %arg6[%dma_start3A_90, %dma_start3A_91] : memref<10240x8xf32, #tpu.memory_space<hbm>> -> memref<80x8xf32, #tpu.memory_space<hbm>>
      tpu.enqueue_dma source(%dma_start3A_92 : memref<80x8xf32, #tpu.memory_space<hbm>>) target(%dma_start3A_89 : memref<80x8xf32, #tpu.memory_space<vmem>>) target_semaphore(%run_scoped3A_78 : memref<!tpu.dma_semaphore, #tpu.memory_space<semaphore_mem>>)
      %dma_wait3A_93 = arith.constant 0 : i32
      %dma_wait3A_94 = arith.constant 0 : i32
      %dma_wait3A_95 = tpu.memref_slice %arg13[%run_scoped3A, %dma_wait3A_93, %dma_wait3A_94] : memref<2x80x8xf32, #tpu.memory_space<vmem>> -> memref<1x80x8xf32, #tpu.memory_space<vmem>>
      %dma_wait3A_96 = tpu.memref_squeeze %dma_wait3A_95 : memref<1x80x8xf32, #tpu.memory_space<vmem>> -> memref<80x8xf32, #tpu.memory_space<vmem>>
      %dma_wait3A_97 = arith.constant 0 : i32
      %dma_wait3A_98 = arith.constant 0 : i32
      %dma_wait3A_99 = tpu.memref_slice %arg6[%dma_wait3A_97, %dma_wait3A_98] : memref<10240x8xf32, #tpu.memory_space<hbm>> -> memref<80x8xf32, #tpu.memory_space<hbm>>
      %dma_wait3A_100 = arith.constant 0 : i32
      %dma_wait3A_101 = arith.constant 0 : i32
      %dma_wait3A_102 = tpu.memref_slice %arg13[%run_scoped3A, %dma_wait3A_100, %dma_wait3A_101] : memref<2x80x8xf32, #tpu.memory_space<vmem>> -> memref<1x80x8xf32, #tpu.memory_space<vmem>>
      %dma_wait3A_103 = tpu.memref_squeeze %dma_wait3A_102 : memref<1x80x8xf32, #tpu.memory_space<vmem>> -> memref<80x8xf32, #tpu.memory_space<vmem>>
      %dma_wait3A_104 = arith.constant 0 : i32
      %dma_wait3A_105 = arith.constant 0 : i32
      %dma_wait3A_106 = tpu.memref_slice %arg6[%dma_wait3A_104, %dma_wait3A_105] : memref<10240x8xf32, #tpu.memory_space<hbm>> -> memref<80x8xf32, #tpu.memory_space<hbm>>
      tpu.wait_dma2 semaphore(%run_scoped3A_78 : memref<!tpu.dma_semaphore, #tpu.memory_space<semaphore_mem>>) src(%dma_wait3A_106 : memref<80x8xf32, #tpu.memory_space<hbm>>) dst(%dma_wait3A_103 : memref<80x8xf32, #tpu.memory_space<vmem>>)
      tpu.yield
    }) : () -> ()
    %run_scoped3A_8 = arith.constant 1 : i32
    "tpu.region"() ({
      %run_scoped3A_78 = tpu.sem_alloc : memref<!tpu.dma_semaphore, #tpu.memory_space<semaphore_mem>>
      %dma_start3A_79 = arith.constant 0 : i32
      %dma_start3A_80 = arith.constant 0 : i32
      %dma_start3A_81 = tpu.memref_slice %arg13[%run_scoped3A_8, %dma_start3A_79, %dma_start3A_80] : memref<2x80x8xf32, #tpu.memory_space<vmem>> -> memref<1x80x8xf32, #tpu.memory_space<vmem>>
      %dma_start3A_82 = tpu.memref_squeeze %dma_start3A_81 : memref<1x80x8xf32, #tpu.memory_space<vmem>> -> memref<80x8xf32, #tpu.memory_space<vmem>>
      %dma_start3A_83 = arith.constant 0 : i32
      %dma_start3A_84 = arith.constant 0 : i32
      %dma_start3A_85 = tpu.memref_slice %arg6[%dma_start3A_83, %dma_start3A_84] : memref<10240x8xf32, #tpu.memory_space<hbm>> -> memref<80x8xf32, #tpu.memory_space<hbm>>
      %dma_start3A_86 = arith.constant 0 : i32
      %dma_start3A_87 = arith.constant 0 : i32
      %dma_start3A_88 = tpu.memref_slice %arg13[%run_scoped3A_8, %dma_start3A_86, %dma_start3A_87] : memref<2x80x8xf32, #tpu.memory_space<vmem>> -> memref<1x80x8xf32, #tpu.memory_space<vmem>>
      %dma_start3A_89 = tpu.memref_squeeze %dma_start3A_88 : memref<1x80x8xf32, #tpu.memory_space<vmem>> -> memref<80x8xf32, #tpu.memory_space<vmem>>
      %dma_start3A_90 = arith.constant 0 : i32
      %dma_start3A_91 = arith.constant 0 : i32
      %dma_start3A_92 = tpu.memref_slice %arg6[%dma_start3A_90, %dma_start3A_91] : memref<10240x8xf32, #tpu.memory_space<hbm>> -> memref<80x8xf32, #tpu.memory_space<hbm>>
      tpu.enqueue_dma source(%dma_start3A_92 : memref<80x8xf32, #tpu.memory_space<hbm>>) target(%dma_start3A_89 : memref<80x8xf32, #tpu.memory_space<vmem>>) target_semaphore(%run_scoped3A_78 : memref<!tpu.dma_semaphore, #tpu.memory_space<semaphore_mem>>)
      %dma_wait3A_93 = arith.constant 0 : i32
      %dma_wait3A_94 = arith.constant 0 : i32
      %dma_wait3A_95 = tpu.memref_slice %arg13[%run_scoped3A_8, %dma_wait3A_93, %dma_wait3A_94] : memref<2x80x8xf32, #tpu.memory_space<vmem>> -> memref<1x80x8xf32, #tpu.memory_space<vmem>>
      %dma_wait3A_96 = tpu.memref_squeeze %dma_wait3A_95 : memref<1x80x8xf32, #tpu.memory_space<vmem>> -> memref<80x8xf32, #tpu.memory_space<vmem>>
      %dma_wait3A_97 = arith.constant 0 : i32
      %dma_wait3A_98 = arith.constant 0 : i32
      %dma_wait3A_99 = tpu.memref_slice %arg6[%dma_wait3A_97, %dma_wait3A_98] : memref<10240x8xf32, #tpu.memory_space<hbm>> -> memref<80x8xf32, #tpu.memory_space<hbm>>
      %dma_wait3A_100 = arith.constant 0 : i32
      %dma_wait3A_101 = arith.constant 0 : i32
      %dma_wait3A_102 = tpu.memref_slice %arg13[%run_scoped3A_8, %dma_wait3A_100, %dma_wait3A_101] : memref<2x80x8xf32, #tpu.memory_space<vmem>> -> memref<1x80x8xf32, #tpu.memory_space<vmem>>
      %dma_wait3A_103 = tpu.memref_squeeze %dma_wait3A_102 : memref<1x80x8xf32, #tpu.memory_space<vmem>> -> memref<80x8xf32, #tpu.memory_space<vmem>>
      %dma_wait3A_104 = arith.constant 0 : i32
      %dma_wait3A_105 = arith.constant 0 : i32
      %dma_wait3A_106 = tpu.memref_slice %arg6[%dma_wait3A_104, %dma_wait3A_105] : memref<10240x8xf32, #tpu.memory_space<hbm>> -> memref<80x8xf32, #tpu.memory_space<hbm>>
      tpu.wait_dma2 semaphore(%run_scoped3A_78 : memref<!tpu.dma_semaphore, #tpu.memory_space<semaphore_mem>>) src(%dma_wait3A_106 : memref<80x8xf32, #tpu.memory_space<hbm>>) dst(%dma_wait3A_103 : memref<80x8xf32, #tpu.memory_space<vmem>>)
      tpu.yield
    }) : () -> ()
    "tpu.region"() ({
      %run_scoped3A_78 = tpu.sem_alloc : memref<!tpu.dma_semaphore, #tpu.memory_space<semaphore_mem>>
      %dma_start3A_79 = arith.constant 0 : i32
      %dma_start3A_80 = tpu.memref_slice %arg15[%mul3A_7, %dma_start3A_79] : memref<10240x8xf32, #tpu.memory_space<vmem_shared>> -> memref<640x8xf32, #tpu.memory_space<vmem_shared>>
      %dma_start3A_81 = arith.constant 0 : i32
      %dma_start3A_82 = tpu.memref_slice %arg6[%mul3A_7, %dma_start3A_81] : memref<10240x8xf32, #tpu.memory_space<hbm>> -> memref<640x8xf32, #tpu.memory_space<hbm>>
      tpu.enqueue_dma source(%dma_start3A_82 : memref<640x8xf32, #tpu.memory_space<hbm>>) target(%dma_start3A_80 : memref<640x8xf32, #tpu.memory_space<vmem_shared>>) target_semaphore(%run_scoped3A_78 : memref<!tpu.dma_semaphore, #tpu.memory_space<semaphore_mem>>)
      %dma_wait3A_83 = arith.constant 0 : i32
      %dma_wait3A_84 = tpu.memref_slice %arg15[%mul3A_7, %dma_wait3A_83] : memref<10240x8xf32, #tpu.memory_space<vmem_shared>> -> memref<640x8xf32, #tpu.memory_space<vmem_shared>>
      %dma_wait3A_85 = arith.constant 0 : i32
      %dma_wait3A_86 = tpu.memref_slice %arg6[%mul3A_7, %dma_wait3A_85] : memref<10240x8xf32, #tpu.memory_space<hbm>> -> memref<640x8xf32, #tpu.memory_space<hbm>>
      tpu.wait_dma2 semaphore(%run_scoped3A_78 : memref<!tpu.dma_semaphore, #tpu.memory_space<semaphore_mem>>) src(%dma_wait3A_86 : memref<640x8xf32, #tpu.memory_space<hbm>>) dst(%dma_wait3A_84 : memref<640x8xf32, #tpu.memory_space<vmem_shared>>)
      tpu.yield
    }) : () -> ()
    %barrier3A = arith.constant 0 : index
    tpu.barrier barrier_id(%barrier3A)
    %rem3A = arith.constant 0 : i32
    %rem3A_9 = arith.constant 2 : i32
    %rem3A_10 = arith.remsi %rem3A, %rem3A_9 : i32
    %dma_start3A = arith.constant 0 : i32
    %dma_start3A_11 = arith.constant 0 : i32
    %dma_start3A_12 = arith.constant 0 : i32
    %dma_start3A_13 = tpu.memref_slice %arg11[%rem3A_10, %dma_start3A_11, %dma_start3A_12] : memref<2x80x16xf32, #tpu.memory_space<vmem>> -> memref<1x80x16xf32, #tpu.memory_space<vmem>>
    %dma_start3A_14 = tpu.memref_squeeze %dma_start3A_13 : memref<1x80x16xf32, #tpu.memory_space<vmem>> -> memref<80x16xf32, #tpu.memory_space<vmem>>
    %dma_start3A_15 = arith.constant 0 : i32
    %dma_start3A_16 = tpu.memref_slice %arg9[%dma_start3A, %dma_start3A_15] : memref<125x80xi32, #tpu.memory_space<vmem>> -> memref<1x80xi32, #tpu.memory_space<vmem>>
    %dma_start3A_17 = tpu.memref_squeeze %dma_start3A_16 : memref<1x80xi32, #tpu.memory_space<vmem>> -> memref<80xi32, #tpu.memory_space<vmem>>
    %dma_start3A_18 = arith.constant 0 : i32
    %dma_start3A_19 = arith.constant 0 : i32
    %dma_start3A_20 = tpu.memref_slice %arg4[%dma_start3A_18, %dma_start3A_19] : memref<10240x16xf32, #tpu.memory_space<hbm>> -> memref<10240x16xf32, #tpu.memory_space<hbm>>
    %dma_start3A_21 = tpu.memref_slice %arg16[%rem3A_10] : memref<2x!tpu.dma_semaphore, #tpu.memory_space<semaphore_mem>> -> memref<1x!tpu.dma_semaphore, #tpu.memory_space<semaphore_mem>>
    %dma_start3A_22 = tpu.memref_squeeze %dma_start3A_21 : memref<1x!tpu.dma_semaphore, #tpu.memory_space<semaphore_mem>> -> memref<!tpu.dma_semaphore, #tpu.memory_space<semaphore_mem>>
    tpu.enqueue_indirect_dma source(%dma_start3A_20 : memref<10240x16xf32, #tpu.memory_space<hbm>>) target(%dma_start3A_14 : memref<80x16xf32, #tpu.memory_space<vmem>>) offsets(%dma_start3A_17 : memref<80xi32, #tpu.memory_space<vmem>>) semaphore(%dma_start3A_22 : memref<!tpu.dma_semaphore, #tpu.memory_space<semaphore_mem>>)
    %dma_start3A_23 = arith.constant 0 : i32
    %dma_start3A_24 = arith.constant 0 : i32
    %dma_start3A_25 = arith.constant 0 : i32
    %dma_start3A_26 = tpu.memref_slice %arg12[%rem3A_10, %dma_start3A_24, %dma_start3A_25] : memref<2x80x16xf32, #tpu.memory_space<vmem>> -> memref<1x80x16xf32, #tpu.memory_space<vmem>>
    %dma_start3A_27 = tpu.memref_squeeze %dma_start3A_26 : memref<1x80x16xf32, #tpu.memory_space<vmem>> -> memref<80x16xf32, #tpu.memory_space<vmem>>
    %dma_start3A_28 = arith.constant 0 : i32
    %dma_start3A_29 = tpu.memref_slice %arg10[%dma_start3A_23, %dma_start3A_28] : memref<125x80xi32, #tpu.memory_space<vmem>> -> memref<1x80xi32, #tpu.memory_space<vmem>>
    %dma_start3A_30 = tpu.memref_squeeze %dma_start3A_29 : memref<1x80xi32, #tpu.memory_space<vmem>> -> memref<80xi32, #tpu.memory_space<vmem>>
    %dma_start3A_31 = arith.constant 0 : i32
    %dma_start3A_32 = arith.constant 0 : i32
    %dma_start3A_33 = tpu.memref_slice %arg4[%dma_start3A_31, %dma_start3A_32] : memref<10240x16xf32, #tpu.memory_space<hbm>> -> memref<10240x16xf32, #tpu.memory_space<hbm>>
    %dma_start3A_34 = tpu.memref_slice %arg17[%rem3A_10] : memref<2x!tpu.dma_semaphore, #tpu.memory_space<semaphore_mem>> -> memref<1x!tpu.dma_semaphore, #tpu.memory_space<semaphore_mem>>
    %dma_start3A_35 = tpu.memref_squeeze %dma_start3A_34 : memref<1x!tpu.dma_semaphore, #tpu.memory_space<semaphore_mem>> -> memref<!tpu.dma_semaphore, #tpu.memory_space<semaphore_mem>>
    tpu.enqueue_indirect_dma source(%dma_start3A_33 : memref<10240x16xf32, #tpu.memory_space<hbm>>) target(%dma_start3A_27 : memref<80x16xf32, #tpu.memory_space<vmem>>) offsets(%dma_start3A_30 : memref<80xi32, #tpu.memory_space<vmem>>) semaphore(%dma_start3A_35 : memref<!tpu.dma_semaphore, #tpu.memory_space<semaphore_mem>>)
    %scan3A = arith.constant 0 : i32
    %scan3A_36 = arith.constant 0 : i32
    %scan3A_37 = arith.constant 125 : i32
    %scan3A_38 = arith.addi %scan3A_36, %scan3A_37 : i32
    %scan3A_39 = arith.constant 1 : i32
    %scan3A_40 = scf.for %scan3A_78 = %scan3A_36 to %scan3A_38 step %scan3A_39 iter_args(%scan3A_79 = %scan3A) -> (i32)  : i32 {
      %rem3A_80 = arith.constant 2 : i32
      %rem3A_81 = arith.remsi %scan3A_78, %rem3A_80 : i32
      %mul3A_82 = arith.constant 80 : i32
      %mul3A_83 = arith.muli %scan3A_78, %mul3A_82 : i32
      %add3A_84 = arith.addi %mul3A_2, %mul3A_83 : i32
      %add3A_85 = arith.constant 1 : i32
      %add3A_86 = arith.addi %scan3A_78, %add3A_85 : i32
      %lt3A = arith.constant 125 : i32
      %lt3A_87 = arith.cmpi slt, %add3A_86, %lt3A : i32
      %convert_element_type3A = arith.extui %lt3A_87 : i1 to i32
      %cond3A = arith.constant 0 : i32
      %cond3A_88 = arith.cmpi ne, %convert_element_type3A, %cond3A : i32
      scf.if %cond3A_88 {
        %add3A_134 = arith.constant 1 : i32
        %add3A_135 = arith.addi %scan3A_78, %add3A_134 : i32
        %rem3A_136 = arith.constant 2 : i32
        %rem3A_137 = arith.remsi %add3A_135, %rem3A_136 : i32
        %dma_start3A_138 = arith.constant 0 : i32
        %dma_start3A_139 = arith.constant 0 : i32
        %dma_start3A_140 = tpu.memref_slice %arg11[%rem3A_137, %dma_start3A_138, %dma_start3A_139] : memref<2x80x16xf32, #tpu.memory_space<vmem>> -> memref<1x80x16xf32, #tpu.memory_space<vmem>>
        %dma_start3A_141 = tpu.memref_squeeze %dma_start3A_140 : memref<1x80x16xf32, #tpu.memory_space<vmem>> -> memref<80x16xf32, #tpu.memory_space<vmem>>
        %dma_start3A_142 = arith.constant 0 : i32
        %dma_start3A_143 = tpu.memref_slice %arg9[%add3A_135, %dma_start3A_142] : memref<125x80xi32, #tpu.memory_space<vmem>> -> memref<1x80xi32, #tpu.memory_space<vmem>>
        %dma_start3A_144 = tpu.memref_squeeze %dma_start3A_143 : memref<1x80xi32, #tpu.memory_space<vmem>> -> memref<80xi32, #tpu.memory_space<vmem>>
        %dma_start3A_145 = arith.constant 0 : i32
        %dma_start3A_146 = arith.constant 0 : i32
        %dma_start3A_147 = tpu.memref_slice %arg4[%dma_start3A_145, %dma_start3A_146] : memref<10240x16xf32, #tpu.memory_space<hbm>> -> memref<10240x16xf32, #tpu.memory_space<hbm>>
        %dma_start3A_148 = tpu.memref_slice %arg16[%rem3A_137] : memref<2x!tpu.dma_semaphore, #tpu.memory_space<semaphore_mem>> -> memref<1x!tpu.dma_semaphore, #tpu.memory_space<semaphore_mem>>
        %dma_start3A_149 = tpu.memref_squeeze %dma_start3A_148 : memref<1x!tpu.dma_semaphore, #tpu.memory_space<semaphore_mem>> -> memref<!tpu.dma_semaphore, #tpu.memory_space<semaphore_mem>>
        tpu.enqueue_indirect_dma source(%dma_start3A_147 : memref<10240x16xf32, #tpu.memory_space<hbm>>) target(%dma_start3A_141 : memref<80x16xf32, #tpu.memory_space<vmem>>) offsets(%dma_start3A_144 : memref<80xi32, #tpu.memory_space<vmem>>) semaphore(%dma_start3A_149 : memref<!tpu.dma_semaphore, #tpu.memory_space<semaphore_mem>>)
        %dma_start3A_150 = arith.constant 0 : i32
        %dma_start3A_151 = arith.constant 0 : i32
        %dma_start3A_152 = tpu.memref_slice %arg12[%rem3A_137, %dma_start3A_150, %dma_start3A_151] : memref<2x80x16xf32, #tpu.memory_space<vmem>> -> memref<1x80x16xf32, #tpu.memory_space<vmem>>
        %dma_start3A_153 = tpu.memref_squeeze %dma_start3A_152 : memref<1x80x16xf32, #tpu.memory_space<vmem>> -> memref<80x16xf32, #tpu.memory_space<vmem>>
        %dma_start3A_154 = arith.constant 0 : i32
        %dma_start3A_155 = tpu.memref_slice %arg10[%add3A_135, %dma_start3A_154] : memref<125x80xi32, #tpu.memory_space<vmem>> -> memref<1x80xi32, #tpu.memory_space<vmem>>
        %dma_start3A_156 = tpu.memref_squeeze %dma_start3A_155 : memref<1x80xi32, #tpu.memory_space<vmem>> -> memref<80xi32, #tpu.memory_space<vmem>>
        %dma_start3A_157 = arith.constant 0 : i32
        %dma_start3A_158 = arith.constant 0 : i32
        %dma_start3A_159 = tpu.memref_slice %arg4[%dma_start3A_157, %dma_start3A_158] : memref<10240x16xf32, #tpu.memory_space<hbm>> -> memref<10240x16xf32, #tpu.memory_space<hbm>>
        %dma_start3A_160 = tpu.memref_slice %arg17[%rem3A_137] : memref<2x!tpu.dma_semaphore, #tpu.memory_space<semaphore_mem>> -> memref<1x!tpu.dma_semaphore, #tpu.memory_space<semaphore_mem>>
        %dma_start3A_161 = tpu.memref_squeeze %dma_start3A_160 : memref<1x!tpu.dma_semaphore, #tpu.memory_space<semaphore_mem>> -> memref<!tpu.dma_semaphore, #tpu.memory_space<semaphore_mem>>
        tpu.enqueue_indirect_dma source(%dma_start3A_159 : memref<10240x16xf32, #tpu.memory_space<hbm>>) target(%dma_start3A_153 : memref<80x16xf32, #tpu.memory_space<vmem>>) offsets(%dma_start3A_156 : memref<80xi32, #tpu.memory_space<vmem>>) semaphore(%dma_start3A_161 : memref<!tpu.dma_semaphore, #tpu.memory_space<semaphore_mem>>)
      } else {
      }
      %dma_wait3A_89 = arith.constant 0 : i32
      %dma_wait3A_90 = arith.constant 0 : i32
      %dma_wait3A_91 = tpu.memref_slice %arg11[%rem3A_81, %dma_wait3A_89, %dma_wait3A_90] : memref<2x80x16xf32, #tpu.memory_space<vmem>> -> memref<1x80x16xf32, #tpu.memory_space<vmem>>
      %dma_wait3A_92 = tpu.memref_squeeze %dma_wait3A_91 : memref<1x80x16xf32, #tpu.memory_space<vmem>> -> memref<80x16xf32, #tpu.memory_space<vmem>>
      %dma_wait3A_93 = arith.constant 0 : i32
      %dma_wait3A_94 = tpu.memref_slice %arg9[%scan3A_78, %dma_wait3A_93] : memref<125x80xi32, #tpu.memory_space<vmem>> -> memref<1x80xi32, #tpu.memory_space<vmem>>
      %dma_wait3A_95 = tpu.memref_squeeze %dma_wait3A_94 : memref<1x80xi32, #tpu.memory_space<vmem>> -> memref<80xi32, #tpu.memory_space<vmem>>
      %dma_wait3A_96 = arith.constant 0 : i32
      %dma_wait3A_97 = arith.constant 0 : i32
      %dma_wait3A_98 = tpu.memref_slice %arg4[%dma_wait3A_96, %dma_wait3A_97] : memref<10240x16xf32, #tpu.memory_space<hbm>> -> memref<10240x16xf32, #tpu.memory_space<hbm>>
      %dma_wait3A_99 = tpu.memref_slice %arg16[%rem3A_81] : memref<2x!tpu.dma_semaphore, #tpu.memory_space<semaphore_mem>> -> memref<1x!tpu.dma_semaphore, #tpu.memory_space<semaphore_mem>>
      %dma_wait3A_100 = tpu.memref_squeeze %dma_wait3A_99 : memref<1x!tpu.dma_semaphore, #tpu.memory_space<semaphore_mem>> -> memref<!tpu.dma_semaphore, #tpu.memory_space<semaphore_mem>>
      tpu.wait_indirect_dma semaphore(%dma_wait3A_100 : memref<!tpu.dma_semaphore, #tpu.memory_space<semaphore_mem>>) src(%dma_wait3A_98 : memref<10240x16xf32, #tpu.memory_space<hbm>>) dst(%dma_wait3A_92 : memref<80x16xf32, #tpu.memory_space<vmem>>)
      %dma_wait3A_101 = arith.constant 0 : i32
      %dma_wait3A_102 = arith.constant 0 : i32
      %dma_wait3A_103 = tpu.memref_slice %arg12[%rem3A_81, %dma_wait3A_101, %dma_wait3A_102] : memref<2x80x16xf32, #tpu.memory_space<vmem>> -> memref<1x80x16xf32, #tpu.memory_space<vmem>>
      %dma_wait3A_104 = tpu.memref_squeeze %dma_wait3A_103 : memref<1x80x16xf32, #tpu.memory_space<vmem>> -> memref<80x16xf32, #tpu.memory_space<vmem>>
      %dma_wait3A_105 = arith.constant 0 : i32
      %dma_wait3A_106 = tpu.memref_slice %arg10[%scan3A_78, %dma_wait3A_105] : memref<125x80xi32, #tpu.memory_space<vmem>> -> memref<1x80xi32, #tpu.memory_space<vmem>>
      %dma_wait3A_107 = tpu.memref_squeeze %dma_wait3A_106 : memref<1x80xi32, #tpu.memory_space<vmem>> -> memref<80xi32, #tpu.memory_space<vmem>>
      %dma_wait3A_108 = arith.constant 0 : i32
      %dma_wait3A_109 = arith.constant 0 : i32
      %dma_wait3A_110 = tpu.memref_slice %arg4[%dma_wait3A_108, %dma_wait3A_109] : memref<10240x16xf32, #tpu.memory_space<hbm>> -> memref<10240x16xf32, #tpu.memory_space<hbm>>
      %dma_wait3A_111 = tpu.memref_slice %arg17[%rem3A_81] : memref<2x!tpu.dma_semaphore, #tpu.memory_space<semaphore_mem>> -> memref<1x!tpu.dma_semaphore, #tpu.memory_space<semaphore_mem>>
      %dma_wait3A_112 = tpu.memref_squeeze %dma_wait3A_111 : memref<1x!tpu.dma_semaphore, #tpu.memory_space<semaphore_mem>> -> memref<!tpu.dma_semaphore, #tpu.memory_space<semaphore_mem>>
      tpu.wait_indirect_dma semaphore(%dma_wait3A_112 : memref<!tpu.dma_semaphore, #tpu.memory_space<semaphore_mem>>) src(%dma_wait3A_110 : memref<10240x16xf32, #tpu.memory_space<hbm>>) dst(%dma_wait3A_104 : memref<80x16xf32, #tpu.memory_space<vmem>>)
      %ge3A = arith.constant 2 : i32
      %ge3A_113 = arith.cmpi sge, %scan3A_78, %ge3A : i32
      %convert_element_type3A_114 = arith.extui %ge3A_113 : i1 to i32
      %cond3A_115 = arith.constant 0 : i32
      %cond3A_116 = arith.cmpi ne, %convert_element_type3A_114, %cond3A_115 : i32
      scf.if %cond3A_116 {
        %sub3A = arith.constant 160 : i32
        %sub3A_134 = arith.subi %add3A_84, %sub3A : i32
        %dma_wait3A_135 = arith.constant 0 : i32
        %dma_wait3A_136 = arith.constant 0 : i32
        %dma_wait3A_137 = tpu.memref_slice %arg13[%rem3A_81, %dma_wait3A_135, %dma_wait3A_136] : memref<2x80x8xf32, #tpu.memory_space<vmem>> -> memref<1x80x8xf32, #tpu.memory_space<vmem>>
        %dma_wait3A_138 = tpu.memref_squeeze %dma_wait3A_137 : memref<1x80x8xf32, #tpu.memory_space<vmem>> -> memref<80x8xf32, #tpu.memory_space<vmem>>
        %dma_wait3A_139 = arith.constant 0 : i32
        %dma_wait3A_140 = tpu.memref_slice %arg7[%sub3A_134, %dma_wait3A_139] : memref<320000x8xf32, #tpu.memory_space<hbm>> -> memref<80x8xf32, #tpu.memory_space<hbm>>
        %dma_wait3A_141 = tpu.memref_slice %arg18[%rem3A_81] : memref<2x!tpu.dma_semaphore, #tpu.memory_space<semaphore_mem>> -> memref<1x!tpu.dma_semaphore, #tpu.memory_space<semaphore_mem>>
        %dma_wait3A_142 = tpu.memref_squeeze %dma_wait3A_141 : memref<1x!tpu.dma_semaphore, #tpu.memory_space<semaphore_mem>> -> memref<!tpu.dma_semaphore, #tpu.memory_space<semaphore_mem>>
        %dma_wait3A_143 = arith.constant 0 : i32
        %dma_wait3A_144 = tpu.memref_slice %arg7[%sub3A_134, %dma_wait3A_143] : memref<320000x8xf32, #tpu.memory_space<hbm>> -> memref<80x8xf32, #tpu.memory_space<hbm>>
        %dma_wait3A_145 = arith.constant 0 : i32
        %dma_wait3A_146 = arith.constant 0 : i32
        %dma_wait3A_147 = tpu.memref_slice %arg13[%rem3A_81, %dma_wait3A_145, %dma_wait3A_146] : memref<2x80x8xf32, #tpu.memory_space<vmem>> -> memref<1x80x8xf32, #tpu.memory_space<vmem>>
        %dma_wait3A_148 = tpu.memref_squeeze %dma_wait3A_147 : memref<1x80x8xf32, #tpu.memory_space<vmem>> -> memref<80x8xf32, #tpu.memory_space<vmem>>
        tpu.wait_dma2 semaphore(%dma_wait3A_142 : memref<!tpu.dma_semaphore, #tpu.memory_space<semaphore_mem>>) src(%dma_wait3A_148 : memref<80x8xf32, #tpu.memory_space<vmem>>) dst(%dma_wait3A_144 : memref<80x8xf32, #tpu.memory_space<hbm>>)
      } else {
      }
      %parallel_loop3A = arith.constant 0 : i32
      %parallel_loop3A_117 = arith.constant 5 : i32
      %parallel_loop3A_118 = arith.constant 1 : i32
      scf.for %parallel_loop3A_134 = %parallel_loop3A to %parallel_loop3A_117 step %parallel_loop3A_118  : i32 {
        %parallel_loop3A_135 = tpu.iota {dimensions = array<i32: 0>} : vector<16xi32>
        %parallel_loop3A_136 = arith.constant 16 : i32
        %parallel_loop3A_137 = arith.muli %parallel_loop3A_134, %parallel_loop3A_136 : i32
        %parallel_loop3A_138 = vector.broadcast %parallel_loop3A_137 : i32 to vector<16xi32>
        %parallel_loop3A_139 = arith.addi %parallel_loop3A_135, %parallel_loop3A_138 : vector<16xi32>
        %parallel_loop3A_140 = arith.constant 0 : i32
        %parallel_loop3A_141 = vector.broadcast %parallel_loop3A_140 : i32 to vector<16xi32>
        %parallel_loop3A_142 = arith.constant 0 : i32
        %parallel_loop3A_143 = vector.broadcast %parallel_loop3A_142 : i32 to vector<16xi32>
        %parallel_loop3A_144 = arith.addi %parallel_loop3A_141, %parallel_loop3A_143 : vector<16xi32>
        %parallel_loop3A_145 = arith.constant 0 : i32
        %parallel_loop3A_146 = arith.constant 0 : i32
        %parallel_loop3A_147 = tpu.memref_slice %arg11[%rem3A_81, %parallel_loop3A_145, %parallel_loop3A_146] : memref<2x80x16xf32, #tpu.memory_space<vmem>> -> memref<1x80x16xf32, #tpu.memory_space<vmem>>
        %parallel_loop3A_148 = tpu.memref_squeeze %parallel_loop3A_147 : memref<1x80x16xf32, #tpu.memory_space<vmem>> -> memref<80x16xf32, #tpu.memory_space<vmem>>
        %parallel_loop3A_149 = tpu.vector_load_idx %parallel_loop3A_148[%parallel_loop3A_139, %parallel_loop3A_144] : memref<80x16xf32, #tpu.memory_space<vmem>>[vector<16xi32>, vector<16xi32>], vector<16xf32>,
        %parallel_loop3A_150 = arith.constant 0 : i32
        %parallel_loop3A_151 = vector.broadcast %parallel_loop3A_150 : i32 to vector<16xi32>
        %parallel_loop3A_152 = arith.constant 8 : i32
        %parallel_loop3A_153 = vector.broadcast %parallel_loop3A_152 : i32 to vector<16xi32>
        %parallel_loop3A_154 = arith.addi %parallel_loop3A_151, %parallel_loop3A_153 : vector<16xi32>
        %parallel_loop3A_155 = arith.constant 0 : i32
        %parallel_loop3A_156 = arith.constant 0 : i32
        %parallel_loop3A_157 = tpu.memref_slice %arg12[%rem3A_81, %parallel_loop3A_155, %parallel_loop3A_156] : memref<2x80x16xf32, #tpu.memory_space<vmem>> -> memref<1x80x16xf32, #tpu.memory_space<vmem>>
        %parallel_loop3A_158 = tpu.memref_squeeze %parallel_loop3A_157 : memref<1x80x16xf32, #tpu.memory_space<vmem>> -> memref<80x16xf32, #tpu.memory_space<vmem>>
        %parallel_loop3A_159 = tpu.vector_load_idx %parallel_loop3A_158[%parallel_loop3A_139, %parallel_loop3A_154] : memref<80x16xf32, #tpu.memory_space<vmem>>[vector<16xi32>, vector<16xi32>], vector<16xf32>,
        %parallel_loop3A_160 = arith.addf %parallel_loop3A_149, %parallel_loop3A_159 : vector<16xf32>
        %parallel_loop3A_161 = arith.constant 2.000000e-01 : f32
        %parallel_loop3A_162 = vector.broadcast %parallel_loop3A_161 : f32 to vector<16xf32>
        %parallel_loop3A_163 = arith.mulf %parallel_loop3A_162, %parallel_loop3A_160 : vector<16xf32>
        %parallel_loop3A_164 = arith.maximumf %parallel_loop3A_160, %parallel_loop3A_163 : vector<16xf32>
        %parallel_loop3A_165 = arith.constant 0 : i32
        %parallel_loop3A_166 = vector.broadcast %parallel_loop3A_165 : i32 to vector<16xi32>
        %parallel_loop3A_167 = arith.constant 0 : i32
        %parallel_loop3A_168 = vector.broadcast %parallel_loop3A_167 : i32 to vector<16xi32>
        %parallel_loop3A_169 = arith.addi %parallel_loop3A_166, %parallel_loop3A_168 : vector<16xi32>
        %parallel_loop3A_170 = tpu.vector_load_idx %arg14[%parallel_loop3A_169] : memref<16xf32, #tpu.memory_space<vmem>>[vector<16xi32>], vector<16xf32>,
        %parallel_loop3A_171 = arith.subf %parallel_loop3A_164, %parallel_loop3A_170 : vector<16xf32>
        %parallel_loop3A_172 = math.exp %parallel_loop3A_171 : vector<16xf32>
        %parallel_loop3A_173 = arith.constant 0 : i32
        %parallel_loop3A_174 = vector.broadcast %parallel_loop3A_173 : i32 to vector<16xi32>
        %parallel_loop3A_175 = arith.constant 0 : i32
        %parallel_loop3A_176 = vector.broadcast %parallel_loop3A_175 : i32 to vector<16xi32>
        %parallel_loop3A_177 = arith.addi %parallel_loop3A_174, %parallel_loop3A_176 : vector<16xi32>
        %parallel_loop3A_178 = arith.constant 0 : i32
        %parallel_loop3A_179 = arith.constant 0 : i32
        %parallel_loop3A_180 = tpu.memref_slice %arg13[%rem3A_81, %parallel_loop3A_178, %parallel_loop3A_179] : memref<2x80x8xf32, #tpu.memory_space<vmem>> -> memref<1x80x8xf32, #tpu.memory_space<vmem>>
        %parallel_loop3A_181 = tpu.memref_squeeze %parallel_loop3A_180 : memref<1x80x8xf32, #tpu.memory_space<vmem>> -> memref<80x8xf32, #tpu.memory_space<vmem>>
        tpu.vector_store_idx %parallel_loop3A_181[%parallel_loop3A_139, %parallel_loop3A_177], %parallel_loop3A_172 : memref<80x8xf32, #tpu.memory_space<vmem>>[vector<16xi32>, vector<16xi32>], vector<16xf32>,
      } {sc.loop_unroll_factor = 5 : i64, sc.parallel_access}
      %dma_start3A_119 = arith.constant 0 : i32
      %dma_start3A_120 = arith.constant 0 : i32
      %dma_start3A_121 = tpu.memref_slice %arg13[%rem3A_81, %dma_start3A_119, %dma_start3A_120] : memref<2x80x8xf32, #tpu.memory_space<vmem>> -> memref<1x80x8xf32, #tpu.memory_space<vmem>>
      %dma_start3A_122 = tpu.memref_squeeze %dma_start3A_121 : memref<1x80x8xf32, #tpu.memory_space<vmem>> -> memref<80x8xf32, #tpu.memory_space<vmem>>
      %dma_start3A_123 = arith.constant 0 : i32
      %dma_start3A_124 = tpu.memref_slice %arg7[%add3A_84, %dma_start3A_123] : memref<320000x8xf32, #tpu.memory_space<hbm>> -> memref<80x8xf32, #tpu.memory_space<hbm>>
      %dma_start3A_125 = tpu.memref_slice %arg18[%rem3A_81] : memref<2x!tpu.dma_semaphore, #tpu.memory_space<semaphore_mem>> -> memref<1x!tpu.dma_semaphore, #tpu.memory_space<semaphore_mem>>
      %dma_start3A_126 = tpu.memref_squeeze %dma_start3A_125 : memref<1x!tpu.dma_semaphore, #tpu.memory_space<semaphore_mem>> -> memref<!tpu.dma_semaphore, #tpu.memory_space<semaphore_mem>>
      %dma_start3A_127 = arith.constant 0 : i32
      %dma_start3A_128 = tpu.memref_slice %arg7[%add3A_84, %dma_start3A_127] : memref<320000x8xf32, #tpu.memory_space<hbm>> -> memref<80x8xf32, #tpu.memory_space<hbm>>
      %dma_start3A_129 = arith.constant 0 : i32
      %dma_start3A_130 = arith.constant 0 : i32
      %dma_start3A_131 = tpu.memref_slice %arg13[%rem3A_81, %dma_start3A_129, %dma_start3A_130] : memref<2x80x8xf32, #tpu.memory_space<vmem>> -> memref<1x80x8xf32, #tpu.memory_space<vmem>>
      %dma_start3A_132 = tpu.memref_squeeze %dma_start3A_131 : memref<1x80x8xf32, #tpu.memory_space<vmem>> -> memref<80x8xf32, #tpu.memory_space<vmem>>
      tpu.enqueue_dma source(%dma_start3A_132 : memref<80x8xf32, #tpu.memory_space<vmem>>) target(%dma_start3A_128 : memref<80x8xf32, #tpu.memory_space<hbm>>) target_semaphore(%dma_start3A_126 : memref<!tpu.dma_semaphore, #tpu.memory_space<semaphore_mem>>)
      "tpu.region"() ({
        %run_scoped3A_134 = tpu.sem_alloc : memref<!tpu.dma_semaphore, #tpu.memory_space<semaphore_mem>>
        %dma_start3A_135 = arith.constant 0 : i32
        %dma_start3A_136 = arith.constant 0 : i32
        %dma_start3A_137 = tpu.memref_slice %arg13[%rem3A_81, %dma_start3A_135, %dma_start3A_136] : memref<2x80x8xf32, #tpu.memory_space<vmem>> -> memref<1x80x8xf32, #tpu.memory_space<vmem>>
        %dma_start3A_138 = tpu.memref_squeeze %dma_start3A_137 : memref<1x80x8xf32, #tpu.memory_space<vmem>> -> memref<80x8xf32, #tpu.memory_space<vmem>>
        %dma_start3A_139 = arith.constant 0 : i32
        %dma_start3A_140 = tpu.memref_slice %arg9[%scan3A_78, %dma_start3A_139] : memref<125x80xi32, #tpu.memory_space<vmem>> -> memref<1x80xi32, #tpu.memory_space<vmem>>
        %dma_start3A_141 = tpu.memref_squeeze %dma_start3A_140 : memref<1x80xi32, #tpu.memory_space<vmem>> -> memref<80xi32, #tpu.memory_space<vmem>>
        %dma_start3A_142 = arith.constant 0 : i32
        %dma_start3A_143 = arith.constant 0 : i32
        %dma_start3A_144 = tpu.memref_slice %arg15[%dma_start3A_142, %dma_start3A_143] : memref<10240x8xf32, #tpu.memory_space<vmem_shared>> -> memref<10240x8xf32, #tpu.memory_space<vmem_shared>>
        tpu.enqueue_indirect_dma source(%dma_start3A_138 : memref<80x8xf32, #tpu.memory_space<vmem>>) target(%dma_start3A_144 : memref<10240x8xf32, #tpu.memory_space<vmem_shared>>) offsets(%dma_start3A_141 : memref<80xi32, #tpu.memory_space<vmem>>) semaphore(%run_scoped3A_134 : memref<!tpu.dma_semaphore, #tpu.memory_space<semaphore_mem>>) {add = true}
        %dma_wait3A_145 = arith.constant 0 : i32
        %dma_wait3A_146 = arith.constant 0 : i32
        %dma_wait3A_147 = tpu.memref_slice %arg13[%rem3A_81, %dma_wait3A_145, %dma_wait3A_146] : memref<2x80x8xf32, #tpu.memory_space<vmem>> -> memref<1x80x8xf32, #tpu.memory_space<vmem>>
        %dma_wait3A_148 = tpu.memref_squeeze %dma_wait3A_147 : memref<1x80x8xf32, #tpu.memory_space<vmem>> -> memref<80x8xf32, #tpu.memory_space<vmem>>
        %dma_wait3A_149 = arith.constant 0 : i32
        %dma_wait3A_150 = tpu.memref_slice %arg9[%scan3A_78, %dma_wait3A_149] : memref<125x80xi32, #tpu.memory_space<vmem>> -> memref<1x80xi32, #tpu.memory_space<vmem>>
        %dma_wait3A_151 = tpu.memref_squeeze %dma_wait3A_150 : memref<1x80xi32, #tpu.memory_space<vmem>> -> memref<80xi32, #tpu.memory_space<vmem>>
        %dma_wait3A_152 = arith.constant 0 : i32
        %dma_wait3A_153 = arith.constant 0 : i32
        %dma_wait3A_154 = tpu.memref_slice %arg15[%dma_wait3A_152, %dma_wait3A_153] : memref<10240x8xf32, #tpu.memory_space<vmem_shared>> -> memref<10240x8xf32, #tpu.memory_space<vmem_shared>>
        tpu.wait_indirect_dma semaphore(%run_scoped3A_134 : memref<!tpu.dma_semaphore, #tpu.memory_space<semaphore_mem>>) src(%dma_wait3A_148 : memref<80x8xf32, #tpu.memory_space<vmem>>) dst(%dma_wait3A_154 : memref<10240x8xf32, #tpu.memory_space<vmem_shared>>)
        tpu.yield
      }) : () -> ()
      %scan3A_133 = arith.constant 0 : i32
      scf.yield %scan3A_133 : i32
    }
    %scan3A_41 = arith.constant 125 : i32
    %add3A_42 = arith.constant 9840 : i32
    %add3A_43 = arith.addi %mul3A_2, %add3A_42 : i32
    %dma_wait3A = arith.constant 1 : i32
    %dma_wait3A_44 = arith.constant 1 : i32
    %dma_wait3A_45 = arith.constant 0 : i32
    %dma_wait3A_46 = arith.constant 0 : i32
    %dma_wait3A_47 = tpu.memref_slice %arg13[%dma_wait3A, %dma_wait3A_45, %dma_wait3A_46] : memref<2x80x8xf32, #tpu.memory_space<vmem>> -> memref<1x80x8xf32, #tpu.memory_space<vmem>>
    %dma_wait3A_48 = tpu.memref_squeeze %dma_wait3A_47 : memref<1x80x8xf32, #tpu.memory_space<vmem>> -> memref<80x8xf32, #tpu.memory_space<vmem>>
    %dma_wait3A_49 = arith.constant 0 : i32
    %dma_wait3A_50 = tpu.memref_slice %arg7[%add3A_43, %dma_wait3A_49] : memref<320000x8xf32, #tpu.memory_space<hbm>> -> memref<80x8xf32, #tpu.memory_space<hbm>>
    %dma_wait3A_51 = tpu.memref_slice %arg18[%dma_wait3A_44] : memref<2x!tpu.dma_semaphore, #tpu.memory_space<semaphore_mem>> -> memref<1x!tpu.dma_semaphore, #tpu.memory_space<semaphore_mem>>
    %dma_wait3A_52 = tpu.memref_squeeze %dma_wait3A_51 : memref<1x!tpu.dma_semaphore, #tpu.memory_space<semaphore_mem>> -> memref<!tpu.dma_semaphore, #tpu.memory_space<semaphore_mem>>
    %dma_wait3A_53 = arith.constant 0 : i32
    %dma_wait3A_54 = tpu.memref_slice %arg7[%add3A_43, %dma_wait3A_53] : memref<320000x8xf32, #tpu.memory_space<hbm>> -> memref<80x8xf32, #tpu.memory_space<hbm>>
    %dma_wait3A_55 = arith.constant 0 : i32
    %dma_wait3A_56 = arith.constant 0 : i32
    %dma_wait3A_57 = tpu.memref_slice %arg13[%dma_wait3A, %dma_wait3A_55, %dma_wait3A_56] : memref<2x80x8xf32, #tpu.memory_space<vmem>> -> memref<1x80x8xf32, #tpu.memory_space<vmem>>
    %dma_wait3A_58 = tpu.memref_squeeze %dma_wait3A_57 : memref<1x80x8xf32, #tpu.memory_space<vmem>> -> memref<80x8xf32, #tpu.memory_space<vmem>>
    tpu.wait_dma2 semaphore(%dma_wait3A_52 : memref<!tpu.dma_semaphore, #tpu.memory_space<semaphore_mem>>) src(%dma_wait3A_58 : memref<80x8xf32, #tpu.memory_space<vmem>>) dst(%dma_wait3A_54 : memref<80x8xf32, #tpu.memory_space<hbm>>)
    %add3A_59 = arith.constant 9920 : i32
    %add3A_60 = arith.addi %mul3A_2, %add3A_59 : i32
    %dma_wait3A_61 = arith.constant 0 : i32
    %dma_wait3A_62 = arith.constant 0 : i32
    %dma_wait3A_63 = arith.constant 0 : i32
    %dma_wait3A_64 = arith.constant 0 : i32
    %dma_wait3A_65 = tpu.memref_slice %arg13[%dma_wait3A_61, %dma_wait3A_63, %dma_wait3A_64] : memref<2x80x8xf32, #tpu.memory_space<vmem>> -> memref<1x80x8xf32, #tpu.memory_space<vmem>>
    %dma_wait3A_66 = tpu.memref_squeeze %dma_wait3A_65 : memref<1x80x8xf32, #tpu.memory_space<vmem>> -> memref<80x8xf32, #tpu.memory_space<vmem>>
    %dma_wait3A_67 = arith.constant 0 : i32
    %dma_wait3A_68 = tpu.memref_slice %arg7[%add3A_60, %dma_wait3A_67] : memref<320000x8xf32, #tpu.memory_space<hbm>> -> memref<80x8xf32, #tpu.memory_space<hbm>>
    %dma_wait3A_69 = tpu.memref_slice %arg18[%dma_wait3A_62] : memref<2x!tpu.dma_semaphore, #tpu.memory_space<semaphore_mem>> -> memref<1x!tpu.dma_semaphore, #tpu.memory_space<semaphore_mem>>
    %dma_wait3A_70 = tpu.memref_squeeze %dma_wait3A_69 : memref<1x!tpu.dma_semaphore, #tpu.memory_space<semaphore_mem>> -> memref<!tpu.dma_semaphore, #tpu.memory_space<semaphore_mem>>
    %dma_wait3A_71 = arith.constant 0 : i32
    %dma_wait3A_72 = tpu.memref_slice %arg7[%add3A_60, %dma_wait3A_71] : memref<320000x8xf32, #tpu.memory_space<hbm>> -> memref<80x8xf32, #tpu.memory_space<hbm>>
    %dma_wait3A_73 = arith.constant 0 : i32
    %dma_wait3A_74 = arith.constant 0 : i32
    %dma_wait3A_75 = tpu.memref_slice %arg13[%dma_wait3A_61, %dma_wait3A_73, %dma_wait3A_74] : memref<2x80x8xf32, #tpu.memory_space<vmem>> -> memref<1x80x8xf32, #tpu.memory_space<vmem>>
    %dma_wait3A_76 = tpu.memref_squeeze %dma_wait3A_75 : memref<1x80x8xf32, #tpu.memory_space<vmem>> -> memref<80x8xf32, #tpu.memory_space<vmem>>
    tpu.wait_dma2 semaphore(%dma_wait3A_70 : memref<!tpu.dma_semaphore, #tpu.memory_space<semaphore_mem>>) src(%dma_wait3A_76 : memref<80x8xf32, #tpu.memory_space<vmem>>) dst(%dma_wait3A_72 : memref<80x8xf32, #tpu.memory_space<hbm>>)
    %barrier3A_77 = arith.constant 0 : index
    tpu.barrier barrier_id(%barrier3A_77)
    "tpu.region"() ({
      %run_scoped3A_78 = tpu.sem_alloc : memref<!tpu.dma_semaphore, #tpu.memory_space<semaphore_mem>>
      %dma_start3A_79 = arith.constant 0 : i32
      %dma_start3A_80 = tpu.memref_slice %arg8[%arg0, %mul3A_7, %dma_start3A_79] : memref<2x10240x8xf32, #tpu.memory_space<hbm>> -> memref<1x640x8xf32, #tpu.memory_space<hbm>>
      %dma_start3A_81 = tpu.memref_squeeze %dma_start3A_80 : memref<1x640x8xf32, #tpu.memory_space<hbm>> -> memref<640x8xf32, #tpu.memory_space<hbm>>
      %dma_start3A_82 = arith.constant 0 : i32
      %dma_start3A_83 = tpu.memref_slice %arg15[%mul3A_7, %dma_start3A_82] : memref<10240x8xf32, #tpu.memory_space<vmem_shared>> -> memref<640x8xf32, #tpu.memory_space<vmem_shared>>
      tpu.enqueue_dma source(%dma_start3A_83 : memref<640x8xf32, #tpu.memory_space<vmem_shared>>) target(%dma_start3A_81 : memref<640x8xf32, #tpu.memory_space<hbm>>) target_semaphore(%run_scoped3A_78 : memref<!tpu.dma_semaphore, #tpu.memory_space<semaphore_mem>>)
      %dma_wait3A_84 = arith.constant 0 : i32
      %dma_wait3A_85 = tpu.memref_slice %arg8[%arg0, %mul3A_7, %dma_wait3A_84] : memref<2x10240x8xf32, #tpu.memory_space<hbm>> -> memref<1x640x8xf32, #tpu.memory_space<hbm>>
      %dma_wait3A_86 = tpu.memref_squeeze %dma_wait3A_85 : memref<1x640x8xf32, #tpu.memory_space<hbm>> -> memref<640x8xf32, #tpu.memory_space<hbm>>
      %dma_wait3A_87 = arith.constant 0 : i32
      %dma_wait3A_88 = tpu.memref_slice %arg15[%mul3A_7, %dma_wait3A_87] : memref<10240x8xf32, #tpu.memory_space<vmem_shared>> -> memref<640x8xf32, #tpu.memory_space<vmem_shared>>
      tpu.wait_dma2 semaphore(%run_scoped3A_78 : memref<!tpu.dma_semaphore, #tpu.memory_space<semaphore_mem>>) src(%dma_wait3A_88 : memref<640x8xf32, #tpu.memory_space<vmem_shared>>) dst(%dma_wait3A_86 : memref<640x8xf32, #tpu.memory_space<hbm>>)
      tpu.yield
    }) : () -> ()
    return
  }
}

#map = affine_map<(d0, d1) -> (0, 0, 0)>
#map1 = affine_map<(d0, d1) -> (0, 0)>
module attributes {stable_mosaic.version = 14 : i64} {
  func.func @sc_edge_aggregate_f16(%arg0: i32, %arg1: i32, %arg2: memref<32x125x80xi32, #tpu.memory_space<hbm>>, %arg3: memref<32x125x80xi32, #tpu.memory_space<hbm>>, %arg4: memref<320000x8xf32, #tpu.memory_space<hbm>>, %arg5: memref<10240x16xf32, #tpu.memory_space<hbm>>, %arg6: memref<10240x16xf32, #tpu.memory_space<hbm>>, %arg7: memref<10240x16xf32, #tpu.memory_space<hbm>>, %arg8: memref<2x10240x16xf32, #tpu.memory_space<hbm>>, %arg9: memref<125x80xi32, #tpu.memory_space<vmem>>, %arg10: memref<125x80xi32, #tpu.memory_space<vmem>>, %arg11: memref<2x80x16xf32, #tpu.memory_space<vmem>>, %arg12: memref<2x80x16xf32, #tpu.memory_space<vmem>>, %arg13: memref<2x80x8xf32, #tpu.memory_space<vmem>>, %arg14: memref<80x8xf32, #tpu.memory_space<vmem>>, %arg15: memref<10240x16xf32, #tpu.memory_space<vmem_shared>>, %arg16: memref<2x!tpu.dma_semaphore, #tpu.memory_space<semaphore_mem>>, %arg17: memref<2x!tpu.dma_semaphore, #tpu.memory_space<semaphore_mem>>, %arg18: memref<2x!tpu.dma_semaphore, #tpu.memory_space<semaphore_mem>>) attributes {dimension_semantics = [#tpu.dimension_semantics<core_parallel>, #tpu.dimension_semantics<subcore_parallel>], iteration_bounds = array<i64: 2, 16>, scalar_prefetch = 0 : i64, scratch_operands = 10 : i64, tpu.core_type = #tpu.core_type<sc_vector_subcore>, window_params = [{transform_indices = #map}, {transform_indices = #map}, {transform_indices = #map1}, {transform_indices = #map1}, {transform_indices = #map1}, {transform_indices = #map1}, {transform_indices = #map}]} {
    %mul3A = arith.constant 2 : i32
    %mul3A_0 = arith.muli %arg1, %mul3A : i32
    %add3A = arith.addi %mul3A_0, %arg0 : i32
    %mul3A_1 = arith.constant 10000 : i32
    %mul3A_2 = arith.muli %add3A, %mul3A_1 : i32
    %mul3A_3 = arith.constant 2 : i32
    %mul3A_4 = arith.muli %arg1, %mul3A_3 : i32
    %add3A_5 = arith.addi %mul3A_4, %arg0 : i32
    %mul3A_6 = arith.constant 640 : i32
    %mul3A_7 = arith.muli %arg1, %mul3A_6 : i32
    "tpu.region"() ({
      %run_scoped3A = tpu.sem_alloc : memref<!tpu.dma_semaphore, #tpu.memory_space<semaphore_mem>>
      %dma_start3A_65 = arith.constant 0 : i32
      %dma_start3A_66 = arith.constant 0 : i32
      %dma_start3A_67 = tpu.memref_slice %arg2[%add3A_5, %dma_start3A_65, %dma_start3A_66] : memref<32x125x80xi32, #tpu.memory_space<hbm>> -> memref<1x125x80xi32, #tpu.memory_space<hbm>>
      %dma_start3A_68 = tpu.memref_squeeze %dma_start3A_67 : memref<1x125x80xi32, #tpu.memory_space<hbm>> -> memref<125x80xi32, #tpu.memory_space<hbm>>
      %dma_start3A_69 = arith.constant 0 : i32
      %dma_start3A_70 = arith.constant 0 : i32
      %dma_start3A_71 = tpu.memref_slice %arg2[%add3A_5, %dma_start3A_69, %dma_start3A_70] : memref<32x125x80xi32, #tpu.memory_space<hbm>> -> memref<1x125x80xi32, #tpu.memory_space<hbm>>
      %dma_start3A_72 = tpu.memref_squeeze %dma_start3A_71 : memref<1x125x80xi32, #tpu.memory_space<hbm>> -> memref<125x80xi32, #tpu.memory_space<hbm>>
      tpu.enqueue_dma source(%dma_start3A_72 : memref<125x80xi32, #tpu.memory_space<hbm>>) target(%arg9 : memref<125x80xi32, #tpu.memory_space<vmem>>) target_semaphore(%run_scoped3A : memref<!tpu.dma_semaphore, #tpu.memory_space<semaphore_mem>>)
      %dma_wait3A = arith.constant 0 : i32
      %dma_wait3A_73 = arith.constant 0 : i32
      %dma_wait3A_74 = tpu.memref_slice %arg2[%add3A_5, %dma_wait3A, %dma_wait3A_73] : memref<32x125x80xi32, #tpu.memory_space<hbm>> -> memref<1x125x80xi32, #tpu.memory_space<hbm>>
      %dma_wait3A_75 = tpu.memref_squeeze %dma_wait3A_74 : memref<1x125x80xi32, #tpu.memory_space<hbm>> -> memref<125x80xi32, #tpu.memory_space<hbm>>
      %dma_wait3A_76 = arith.constant 0 : i32
      %dma_wait3A_77 = arith.constant 0 : i32
      %dma_wait3A_78 = tpu.memref_slice %arg2[%add3A_5, %dma_wait3A_76, %dma_wait3A_77] : memref<32x125x80xi32, #tpu.memory_space<hbm>> -> memref<1x125x80xi32, #tpu.memory_space<hbm>>
      %dma_wait3A_79 = tpu.memref_squeeze %dma_wait3A_78 : memref<1x125x80xi32, #tpu.memory_space<hbm>> -> memref<125x80xi32, #tpu.memory_space<hbm>>
      tpu.wait_dma2 semaphore(%run_scoped3A : memref<!tpu.dma_semaphore, #tpu.memory_space<semaphore_mem>>) src(%dma_wait3A_79 : memref<125x80xi32, #tpu.memory_space<hbm>>) dst(%arg9 : memref<125x80xi32, #tpu.memory_space<vmem>>)
      tpu.yield
    }) : () -> ()
    "tpu.region"() ({
      %run_scoped3A = tpu.sem_alloc : memref<!tpu.dma_semaphore, #tpu.memory_space<semaphore_mem>>
      %dma_start3A_65 = arith.constant 0 : i32
      %dma_start3A_66 = arith.constant 0 : i32
      %dma_start3A_67 = tpu.memref_slice %arg3[%add3A_5, %dma_start3A_65, %dma_start3A_66] : memref<32x125x80xi32, #tpu.memory_space<hbm>> -> memref<1x125x80xi32, #tpu.memory_space<hbm>>
      %dma_start3A_68 = tpu.memref_squeeze %dma_start3A_67 : memref<1x125x80xi32, #tpu.memory_space<hbm>> -> memref<125x80xi32, #tpu.memory_space<hbm>>
      %dma_start3A_69 = arith.constant 0 : i32
      %dma_start3A_70 = arith.constant 0 : i32
      %dma_start3A_71 = tpu.memref_slice %arg3[%add3A_5, %dma_start3A_69, %dma_start3A_70] : memref<32x125x80xi32, #tpu.memory_space<hbm>> -> memref<1x125x80xi32, #tpu.memory_space<hbm>>
      %dma_start3A_72 = tpu.memref_squeeze %dma_start3A_71 : memref<1x125x80xi32, #tpu.memory_space<hbm>> -> memref<125x80xi32, #tpu.memory_space<hbm>>
      tpu.enqueue_dma source(%dma_start3A_72 : memref<125x80xi32, #tpu.memory_space<hbm>>) target(%arg10 : memref<125x80xi32, #tpu.memory_space<vmem>>) target_semaphore(%run_scoped3A : memref<!tpu.dma_semaphore, #tpu.memory_space<semaphore_mem>>)
      %dma_wait3A = arith.constant 0 : i32
      %dma_wait3A_73 = arith.constant 0 : i32
      %dma_wait3A_74 = tpu.memref_slice %arg3[%add3A_5, %dma_wait3A, %dma_wait3A_73] : memref<32x125x80xi32, #tpu.memory_space<hbm>> -> memref<1x125x80xi32, #tpu.memory_space<hbm>>
      %dma_wait3A_75 = tpu.memref_squeeze %dma_wait3A_74 : memref<1x125x80xi32, #tpu.memory_space<hbm>> -> memref<125x80xi32, #tpu.memory_space<hbm>>
      %dma_wait3A_76 = arith.constant 0 : i32
      %dma_wait3A_77 = arith.constant 0 : i32
      %dma_wait3A_78 = tpu.memref_slice %arg3[%add3A_5, %dma_wait3A_76, %dma_wait3A_77] : memref<32x125x80xi32, #tpu.memory_space<hbm>> -> memref<1x125x80xi32, #tpu.memory_space<hbm>>
      %dma_wait3A_79 = tpu.memref_squeeze %dma_wait3A_78 : memref<1x125x80xi32, #tpu.memory_space<hbm>> -> memref<125x80xi32, #tpu.memory_space<hbm>>
      tpu.wait_dma2 semaphore(%run_scoped3A : memref<!tpu.dma_semaphore, #tpu.memory_space<semaphore_mem>>) src(%dma_wait3A_79 : memref<125x80xi32, #tpu.memory_space<hbm>>) dst(%arg10 : memref<125x80xi32, #tpu.memory_space<vmem>>)
      tpu.yield
    }) : () -> ()
    "tpu.region"() ({
      %run_scoped3A = tpu.sem_alloc : memref<!tpu.dma_semaphore, #tpu.memory_space<semaphore_mem>>
      %dma_start3A_65 = arith.constant 0 : i32
      %dma_start3A_66 = tpu.memref_slice %arg15[%mul3A_7, %dma_start3A_65] : memref<10240x16xf32, #tpu.memory_space<vmem_shared>> -> memref<640x16xf32, #tpu.memory_space<vmem_shared>>
      %dma_start3A_67 = arith.constant 0 : i32
      %dma_start3A_68 = tpu.memref_slice %arg7[%mul3A_7, %dma_start3A_67] : memref<10240x16xf32, #tpu.memory_space<hbm>> -> memref<640x16xf32, #tpu.memory_space<hbm>>
      tpu.enqueue_dma source(%dma_start3A_68 : memref<640x16xf32, #tpu.memory_space<hbm>>) target(%dma_start3A_66 : memref<640x16xf32, #tpu.memory_space<vmem_shared>>) target_semaphore(%run_scoped3A : memref<!tpu.dma_semaphore, #tpu.memory_space<semaphore_mem>>)
      %dma_wait3A = arith.constant 0 : i32
      %dma_wait3A_69 = tpu.memref_slice %arg15[%mul3A_7, %dma_wait3A] : memref<10240x16xf32, #tpu.memory_space<vmem_shared>> -> memref<640x16xf32, #tpu.memory_space<vmem_shared>>
      %dma_wait3A_70 = arith.constant 0 : i32
      %dma_wait3A_71 = tpu.memref_slice %arg7[%mul3A_7, %dma_wait3A_70] : memref<10240x16xf32, #tpu.memory_space<hbm>> -> memref<640x16xf32, #tpu.memory_space<hbm>>
      tpu.wait_dma2 semaphore(%run_scoped3A : memref<!tpu.dma_semaphore, #tpu.memory_space<semaphore_mem>>) src(%dma_wait3A_71 : memref<640x16xf32, #tpu.memory_space<hbm>>) dst(%dma_wait3A_69 : memref<640x16xf32, #tpu.memory_space<vmem_shared>>)
      tpu.yield
    }) : () -> ()
    %barrier3A = arith.constant 0 : index
    tpu.barrier barrier_id(%barrier3A)
    %iota3A = tpu.iota {dimensions = array<i32: 0>} : vector<16xi32>
    %add3A_8 = arith.constant 0 : i32
    %add3A_9 = vector.broadcast %add3A_8 : i32 to vector<16xi32>
    %add3A_10 = arith.addi %iota3A, %add3A_9 : vector<16xi32>
    %shift_right_logical3A = arith.constant 4 : i32
    %shift_right_logical3A_11 = vector.broadcast %shift_right_logical3A : i32 to vector<16xi32>
    %shift_right_logical3A_12 = arith.shrui %add3A_10, %shift_right_logical3A_11 : vector<16xi32>
    %rem3A = arith.constant 0 : i32
    %rem3A_13 = arith.constant 2 : i32
    %rem3A_14 = arith.remsi %rem3A, %rem3A_13 : i32
    %mul3A_15 = arith.constant 0 : i32
    %mul3A_16 = arith.constant 80 : i32
    %mul3A_17 = arith.muli %mul3A_15, %mul3A_16 : i32
    %add3A_18 = arith.addi %mul3A_2, %mul3A_17 : i32
    %dma_start3A = arith.constant 0 : i32
    %dma_start3A_19 = arith.constant 0 : i32
    %dma_start3A_20 = arith.constant 0 : i32
    %dma_start3A_21 = tpu.memref_slice %arg11[%rem3A_14, %dma_start3A_19, %dma_start3A_20] : memref<2x80x16xf32, #tpu.memory_space<vmem>> -> memref<1x80x16xf32, #tpu.memory_space<vmem>>
    %dma_start3A_22 = tpu.memref_squeeze %dma_start3A_21 : memref<1x80x16xf32, #tpu.memory_space<vmem>> -> memref<80x16xf32, #tpu.memory_space<vmem>>
    %dma_start3A_23 = arith.constant 0 : i32
    %dma_start3A_24 = tpu.memref_slice %arg10[%dma_start3A, %dma_start3A_23] : memref<125x80xi32, #tpu.memory_space<vmem>> -> memref<1x80xi32, #tpu.memory_space<vmem>>
    %dma_start3A_25 = tpu.memref_squeeze %dma_start3A_24 : memref<1x80xi32, #tpu.memory_space<vmem>> -> memref<80xi32, #tpu.memory_space<vmem>>
    %dma_start3A_26 = arith.constant 0 : i32
    %dma_start3A_27 = arith.constant 0 : i32
    %dma_start3A_28 = tpu.memref_slice %arg6[%dma_start3A_26, %dma_start3A_27] : memref<10240x16xf32, #tpu.memory_space<hbm>> -> memref<10240x16xf32, #tpu.memory_space<hbm>>
    %dma_start3A_29 = tpu.memref_slice %arg16[%rem3A_14] : memref<2x!tpu.dma_semaphore, #tpu.memory_space<semaphore_mem>> -> memref<1x!tpu.dma_semaphore, #tpu.memory_space<semaphore_mem>>
    %dma_start3A_30 = tpu.memref_squeeze %dma_start3A_29 : memref<1x!tpu.dma_semaphore, #tpu.memory_space<semaphore_mem>> -> memref<!tpu.dma_semaphore, #tpu.memory_space<semaphore_mem>>
    tpu.enqueue_indirect_dma source(%dma_start3A_28 : memref<10240x16xf32, #tpu.memory_space<hbm>>) target(%dma_start3A_22 : memref<80x16xf32, #tpu.memory_space<vmem>>) offsets(%dma_start3A_25 : memref<80xi32, #tpu.memory_space<vmem>>) semaphore(%dma_start3A_30 : memref<!tpu.dma_semaphore, #tpu.memory_space<semaphore_mem>>)
    %dma_start3A_31 = arith.constant 0 : i32
    %dma_start3A_32 = arith.constant 0 : i32
    %dma_start3A_33 = arith.constant 0 : i32
    %dma_start3A_34 = tpu.memref_slice %arg12[%rem3A_14, %dma_start3A_32, %dma_start3A_33] : memref<2x80x16xf32, #tpu.memory_space<vmem>> -> memref<1x80x16xf32, #tpu.memory_space<vmem>>
    %dma_start3A_35 = tpu.memref_squeeze %dma_start3A_34 : memref<1x80x16xf32, #tpu.memory_space<vmem>> -> memref<80x16xf32, #tpu.memory_space<vmem>>
    %dma_start3A_36 = arith.constant 0 : i32
    %dma_start3A_37 = tpu.memref_slice %arg9[%dma_start3A_31, %dma_start3A_36] : memref<125x80xi32, #tpu.memory_space<vmem>> -> memref<1x80xi32, #tpu.memory_space<vmem>>
    %dma_start3A_38 = tpu.memref_squeeze %dma_start3A_37 : memref<1x80xi32, #tpu.memory_space<vmem>> -> memref<80xi32, #tpu.memory_space<vmem>>
    %dma_start3A_39 = arith.constant 0 : i32
    %dma_start3A_40 = arith.constant 0 : i32
    %dma_start3A_41 = tpu.memref_slice %arg5[%dma_start3A_39, %dma_start3A_40] : memref<10240x16xf32, #tpu.memory_space<hbm>> -> memref<10240x16xf32, #tpu.memory_space<hbm>>
    %dma_start3A_42 = tpu.memref_slice %arg17[%rem3A_14] : memref<2x!tpu.dma_semaphore, #tpu.memory_space<semaphore_mem>> -> memref<1x!tpu.dma_semaphore, #tpu.memory_space<semaphore_mem>>
    %dma_start3A_43 = tpu.memref_squeeze %dma_start3A_42 : memref<1x!tpu.dma_semaphore, #tpu.memory_space<semaphore_mem>> -> memref<!tpu.dma_semaphore, #tpu.memory_space<semaphore_mem>>
    tpu.enqueue_indirect_dma source(%dma_start3A_41 : memref<10240x16xf32, #tpu.memory_space<hbm>>) target(%dma_start3A_35 : memref<80x16xf32, #tpu.memory_space<vmem>>) offsets(%dma_start3A_38 : memref<80xi32, #tpu.memory_space<vmem>>) semaphore(%dma_start3A_43 : memref<!tpu.dma_semaphore, #tpu.memory_space<semaphore_mem>>)
    %dma_start3A_44 = arith.constant 0 : i32
    %dma_start3A_45 = arith.constant 0 : i32
    %dma_start3A_46 = tpu.memref_slice %arg13[%rem3A_14, %dma_start3A_44, %dma_start3A_45] : memref<2x80x8xf32, #tpu.memory_space<vmem>> -> memref<1x80x8xf32, #tpu.memory_space<vmem>>
    %dma_start3A_47 = tpu.memref_squeeze %dma_start3A_46 : memref<1x80x8xf32, #tpu.memory_space<vmem>> -> memref<80x8xf32, #tpu.memory_space<vmem>>
    %dma_start3A_48 = arith.constant 0 : i32
    %dma_start3A_49 = tpu.memref_slice %arg4[%add3A_18, %dma_start3A_48] : memref<320000x8xf32, #tpu.memory_space<hbm>> -> memref<80x8xf32, #tpu.memory_space<hbm>>
    %dma_start3A_50 = tpu.memref_slice %arg18[%rem3A_14] : memref<2x!tpu.dma_semaphore, #tpu.memory_space<semaphore_mem>> -> memref<1x!tpu.dma_semaphore, #tpu.memory_space<semaphore_mem>>
    %dma_start3A_51 = tpu.memref_squeeze %dma_start3A_50 : memref<1x!tpu.dma_semaphore, #tpu.memory_space<semaphore_mem>> -> memref<!tpu.dma_semaphore, #tpu.memory_space<semaphore_mem>>
    %dma_start3A_52 = arith.constant 0 : i32
    %dma_start3A_53 = arith.constant 0 : i32
    %dma_start3A_54 = tpu.memref_slice %arg13[%rem3A_14, %dma_start3A_52, %dma_start3A_53] : memref<2x80x8xf32, #tpu.memory_space<vmem>> -> memref<1x80x8xf32, #tpu.memory_space<vmem>>
    %dma_start3A_55 = tpu.memref_squeeze %dma_start3A_54 : memref<1x80x8xf32, #tpu.memory_space<vmem>> -> memref<80x8xf32, #tpu.memory_space<vmem>>
    %dma_start3A_56 = arith.constant 0 : i32
    %dma_start3A_57 = tpu.memref_slice %arg4[%add3A_18, %dma_start3A_56] : memref<320000x8xf32, #tpu.memory_space<hbm>> -> memref<80x8xf32, #tpu.memory_space<hbm>>
    tpu.enqueue_dma source(%dma_start3A_57 : memref<80x8xf32, #tpu.memory_space<hbm>>) target(%dma_start3A_55 : memref<80x8xf32, #tpu.memory_space<vmem>>) target_semaphore(%dma_start3A_51 : memref<!tpu.dma_semaphore, #tpu.memory_space<semaphore_mem>>)
    %scan3A = arith.constant 0 : i32
    %scan3A_58 = arith.constant 0 : i32
    %scan3A_59 = arith.constant 125 : i32
    %scan3A_60 = arith.addi %scan3A_58, %scan3A_59 : i32
    %scan3A_61 = arith.constant 1 : i32
    %scan3A_62 = scf.for %scan3A_65 = %scan3A_58 to %scan3A_60 step %scan3A_61 iter_args(%scan3A_66 = %scan3A) -> (i32)  : i32 {
      %rem3A_67 = arith.constant 2 : i32
      %rem3A_68 = arith.remsi %scan3A_65, %rem3A_67 : i32
      %mul3A_69 = arith.constant 80 : i32
      %mul3A_70 = arith.muli %scan3A_65, %mul3A_69 : i32
      %add3A_71 = arith.addi %mul3A_2, %mul3A_70 : i32
      %add3A_72 = arith.constant 1 : i32
      %add3A_73 = arith.addi %scan3A_65, %add3A_72 : i32
      %lt3A = arith.constant 125 : i32
      %lt3A_74 = arith.cmpi slt, %add3A_73, %lt3A : i32
      %convert_element_type3A = arith.extui %lt3A_74 : i1 to i32
      %cond3A = arith.constant 0 : i32
      %cond3A_75 = arith.cmpi ne, %convert_element_type3A, %cond3A : i32
      scf.if %cond3A_75 {
        %add3A_119 = arith.constant 1 : i32
        %add3A_120 = arith.addi %scan3A_65, %add3A_119 : i32
        %rem3A_121 = arith.constant 2 : i32
        %rem3A_122 = arith.remsi %add3A_120, %rem3A_121 : i32
        %mul3A_123 = arith.constant 80 : i32
        %mul3A_124 = arith.muli %add3A_120, %mul3A_123 : i32
        %add3A_125 = arith.addi %mul3A_2, %mul3A_124 : i32
        %dma_start3A_126 = arith.constant 0 : i32
        %dma_start3A_127 = arith.constant 0 : i32
        %dma_start3A_128 = tpu.memref_slice %arg11[%rem3A_122, %dma_start3A_126, %dma_start3A_127] : memref<2x80x16xf32, #tpu.memory_space<vmem>> -> memref<1x80x16xf32, #tpu.memory_space<vmem>>
        %dma_start3A_129 = tpu.memref_squeeze %dma_start3A_128 : memref<1x80x16xf32, #tpu.memory_space<vmem>> -> memref<80x16xf32, #tpu.memory_space<vmem>>
        %dma_start3A_130 = arith.constant 0 : i32
        %dma_start3A_131 = tpu.memref_slice %arg10[%add3A_120, %dma_start3A_130] : memref<125x80xi32, #tpu.memory_space<vmem>> -> memref<1x80xi32, #tpu.memory_space<vmem>>
        %dma_start3A_132 = tpu.memref_squeeze %dma_start3A_131 : memref<1x80xi32, #tpu.memory_space<vmem>> -> memref<80xi32, #tpu.memory_space<vmem>>
        %dma_start3A_133 = arith.constant 0 : i32
        %dma_start3A_134 = arith.constant 0 : i32
        %dma_start3A_135 = tpu.memref_slice %arg6[%dma_start3A_133, %dma_start3A_134] : memref<10240x16xf32, #tpu.memory_space<hbm>> -> memref<10240x16xf32, #tpu.memory_space<hbm>>
        %dma_start3A_136 = tpu.memref_slice %arg16[%rem3A_122] : memref<2x!tpu.dma_semaphore, #tpu.memory_space<semaphore_mem>> -> memref<1x!tpu.dma_semaphore, #tpu.memory_space<semaphore_mem>>
        %dma_start3A_137 = tpu.memref_squeeze %dma_start3A_136 : memref<1x!tpu.dma_semaphore, #tpu.memory_space<semaphore_mem>> -> memref<!tpu.dma_semaphore, #tpu.memory_space<semaphore_mem>>
        tpu.enqueue_indirect_dma source(%dma_start3A_135 : memref<10240x16xf32, #tpu.memory_space<hbm>>) target(%dma_start3A_129 : memref<80x16xf32, #tpu.memory_space<vmem>>) offsets(%dma_start3A_132 : memref<80xi32, #tpu.memory_space<vmem>>) semaphore(%dma_start3A_137 : memref<!tpu.dma_semaphore, #tpu.memory_space<semaphore_mem>>)
        %dma_start3A_138 = arith.constant 0 : i32
        %dma_start3A_139 = arith.constant 0 : i32
        %dma_start3A_140 = tpu.memref_slice %arg12[%rem3A_122, %dma_start3A_138, %dma_start3A_139] : memref<2x80x16xf32, #tpu.memory_space<vmem>> -> memref<1x80x16xf32, #tpu.memory_space<vmem>>
        %dma_start3A_141 = tpu.memref_squeeze %dma_start3A_140 : memref<1x80x16xf32, #tpu.memory_space<vmem>> -> memref<80x16xf32, #tpu.memory_space<vmem>>
        %dma_start3A_142 = arith.constant 0 : i32
        %dma_start3A_143 = tpu.memref_slice %arg9[%add3A_120, %dma_start3A_142] : memref<125x80xi32, #tpu.memory_space<vmem>> -> memref<1x80xi32, #tpu.memory_space<vmem>>
        %dma_start3A_144 = tpu.memref_squeeze %dma_start3A_143 : memref<1x80xi32, #tpu.memory_space<vmem>> -> memref<80xi32, #tpu.memory_space<vmem>>
        %dma_start3A_145 = arith.constant 0 : i32
        %dma_start3A_146 = arith.constant 0 : i32
        %dma_start3A_147 = tpu.memref_slice %arg5[%dma_start3A_145, %dma_start3A_146] : memref<10240x16xf32, #tpu.memory_space<hbm>> -> memref<10240x16xf32, #tpu.memory_space<hbm>>
        %dma_start3A_148 = tpu.memref_slice %arg17[%rem3A_122] : memref<2x!tpu.dma_semaphore, #tpu.memory_space<semaphore_mem>> -> memref<1x!tpu.dma_semaphore, #tpu.memory_space<semaphore_mem>>
        %dma_start3A_149 = tpu.memref_squeeze %dma_start3A_148 : memref<1x!tpu.dma_semaphore, #tpu.memory_space<semaphore_mem>> -> memref<!tpu.dma_semaphore, #tpu.memory_space<semaphore_mem>>
        tpu.enqueue_indirect_dma source(%dma_start3A_147 : memref<10240x16xf32, #tpu.memory_space<hbm>>) target(%dma_start3A_141 : memref<80x16xf32, #tpu.memory_space<vmem>>) offsets(%dma_start3A_144 : memref<80xi32, #tpu.memory_space<vmem>>) semaphore(%dma_start3A_149 : memref<!tpu.dma_semaphore, #tpu.memory_space<semaphore_mem>>)
        %dma_start3A_150 = arith.constant 0 : i32
        %dma_start3A_151 = arith.constant 0 : i32
        %dma_start3A_152 = tpu.memref_slice %arg13[%rem3A_122, %dma_start3A_150, %dma_start3A_151] : memref<2x80x8xf32, #tpu.memory_space<vmem>> -> memref<1x80x8xf32, #tpu.memory_space<vmem>>
        %dma_start3A_153 = tpu.memref_squeeze %dma_start3A_152 : memref<1x80x8xf32, #tpu.memory_space<vmem>> -> memref<80x8xf32, #tpu.memory_space<vmem>>
        %dma_start3A_154 = arith.constant 0 : i32
        %dma_start3A_155 = tpu.memref_slice %arg4[%add3A_125, %dma_start3A_154] : memref<320000x8xf32, #tpu.memory_space<hbm>> -> memref<80x8xf32, #tpu.memory_space<hbm>>
        %dma_start3A_156 = tpu.memref_slice %arg18[%rem3A_122] : memref<2x!tpu.dma_semaphore, #tpu.memory_space<semaphore_mem>> -> memref<1x!tpu.dma_semaphore, #tpu.memory_space<semaphore_mem>>
        %dma_start3A_157 = tpu.memref_squeeze %dma_start3A_156 : memref<1x!tpu.dma_semaphore, #tpu.memory_space<semaphore_mem>> -> memref<!tpu.dma_semaphore, #tpu.memory_space<semaphore_mem>>
        %dma_start3A_158 = arith.constant 0 : i32
        %dma_start3A_159 = arith.constant 0 : i32
        %dma_start3A_160 = tpu.memref_slice %arg13[%rem3A_122, %dma_start3A_158, %dma_start3A_159] : memref<2x80x8xf32, #tpu.memory_space<vmem>> -> memref<1x80x8xf32, #tpu.memory_space<vmem>>
        %dma_start3A_161 = tpu.memref_squeeze %dma_start3A_160 : memref<1x80x8xf32, #tpu.memory_space<vmem>> -> memref<80x8xf32, #tpu.memory_space<vmem>>
        %dma_start3A_162 = arith.constant 0 : i32
        %dma_start3A_163 = tpu.memref_slice %arg4[%add3A_125, %dma_start3A_162] : memref<320000x8xf32, #tpu.memory_space<hbm>> -> memref<80x8xf32, #tpu.memory_space<hbm>>
        tpu.enqueue_dma source(%dma_start3A_163 : memref<80x8xf32, #tpu.memory_space<hbm>>) target(%dma_start3A_161 : memref<80x8xf32, #tpu.memory_space<vmem>>) target_semaphore(%dma_start3A_157 : memref<!tpu.dma_semaphore, #tpu.memory_space<semaphore_mem>>)
      } else {
      }
      %dma_wait3A = arith.constant 0 : i32
      %dma_wait3A_76 = arith.constant 0 : i32
      %dma_wait3A_77 = tpu.memref_slice %arg11[%rem3A_68, %dma_wait3A, %dma_wait3A_76] : memref<2x80x16xf32, #tpu.memory_space<vmem>> -> memref<1x80x16xf32, #tpu.memory_space<vmem>>
      %dma_wait3A_78 = tpu.memref_squeeze %dma_wait3A_77 : memref<1x80x16xf32, #tpu.memory_space<vmem>> -> memref<80x16xf32, #tpu.memory_space<vmem>>
      %dma_wait3A_79 = arith.constant 0 : i32
      %dma_wait3A_80 = tpu.memref_slice %arg10[%scan3A_65, %dma_wait3A_79] : memref<125x80xi32, #tpu.memory_space<vmem>> -> memref<1x80xi32, #tpu.memory_space<vmem>>
      %dma_wait3A_81 = tpu.memref_squeeze %dma_wait3A_80 : memref<1x80xi32, #tpu.memory_space<vmem>> -> memref<80xi32, #tpu.memory_space<vmem>>
      %dma_wait3A_82 = arith.constant 0 : i32
      %dma_wait3A_83 = arith.constant 0 : i32
      %dma_wait3A_84 = tpu.memref_slice %arg6[%dma_wait3A_82, %dma_wait3A_83] : memref<10240x16xf32, #tpu.memory_space<hbm>> -> memref<10240x16xf32, #tpu.memory_space<hbm>>
      %dma_wait3A_85 = tpu.memref_slice %arg16[%rem3A_68] : memref<2x!tpu.dma_semaphore, #tpu.memory_space<semaphore_mem>> -> memref<1x!tpu.dma_semaphore, #tpu.memory_space<semaphore_mem>>
      %dma_wait3A_86 = tpu.memref_squeeze %dma_wait3A_85 : memref<1x!tpu.dma_semaphore, #tpu.memory_space<semaphore_mem>> -> memref<!tpu.dma_semaphore, #tpu.memory_space<semaphore_mem>>
      tpu.wait_indirect_dma semaphore(%dma_wait3A_86 : memref<!tpu.dma_semaphore, #tpu.memory_space<semaphore_mem>>) src(%dma_wait3A_84 : memref<10240x16xf32, #tpu.memory_space<hbm>>) dst(%dma_wait3A_78 : memref<80x16xf32, #tpu.memory_space<vmem>>)
      %dma_wait3A_87 = arith.constant 0 : i32
      %dma_wait3A_88 = arith.constant 0 : i32
      %dma_wait3A_89 = tpu.memref_slice %arg12[%rem3A_68, %dma_wait3A_87, %dma_wait3A_88] : memref<2x80x16xf32, #tpu.memory_space<vmem>> -> memref<1x80x16xf32, #tpu.memory_space<vmem>>
      %dma_wait3A_90 = tpu.memref_squeeze %dma_wait3A_89 : memref<1x80x16xf32, #tpu.memory_space<vmem>> -> memref<80x16xf32, #tpu.memory_space<vmem>>
      %dma_wait3A_91 = arith.constant 0 : i32
      %dma_wait3A_92 = tpu.memref_slice %arg9[%scan3A_65, %dma_wait3A_91] : memref<125x80xi32, #tpu.memory_space<vmem>> -> memref<1x80xi32, #tpu.memory_space<vmem>>
      %dma_wait3A_93 = tpu.memref_squeeze %dma_wait3A_92 : memref<1x80xi32, #tpu.memory_space<vmem>> -> memref<80xi32, #tpu.memory_space<vmem>>
      %dma_wait3A_94 = arith.constant 0 : i32
      %dma_wait3A_95 = arith.constant 0 : i32
      %dma_wait3A_96 = tpu.memref_slice %arg5[%dma_wait3A_94, %dma_wait3A_95] : memref<10240x16xf32, #tpu.memory_space<hbm>> -> memref<10240x16xf32, #tpu.memory_space<hbm>>
      %dma_wait3A_97 = tpu.memref_slice %arg17[%rem3A_68] : memref<2x!tpu.dma_semaphore, #tpu.memory_space<semaphore_mem>> -> memref<1x!tpu.dma_semaphore, #tpu.memory_space<semaphore_mem>>
      %dma_wait3A_98 = tpu.memref_squeeze %dma_wait3A_97 : memref<1x!tpu.dma_semaphore, #tpu.memory_space<semaphore_mem>> -> memref<!tpu.dma_semaphore, #tpu.memory_space<semaphore_mem>>
      tpu.wait_indirect_dma semaphore(%dma_wait3A_98 : memref<!tpu.dma_semaphore, #tpu.memory_space<semaphore_mem>>) src(%dma_wait3A_96 : memref<10240x16xf32, #tpu.memory_space<hbm>>) dst(%dma_wait3A_90 : memref<80x16xf32, #tpu.memory_space<vmem>>)
      %dma_wait3A_99 = arith.constant 0 : i32
      %dma_wait3A_100 = arith.constant 0 : i32
      %dma_wait3A_101 = tpu.memref_slice %arg13[%rem3A_68, %dma_wait3A_99, %dma_wait3A_100] : memref<2x80x8xf32, #tpu.memory_space<vmem>> -> memref<1x80x8xf32, #tpu.memory_space<vmem>>
      %dma_wait3A_102 = tpu.memref_squeeze %dma_wait3A_101 : memref<1x80x8xf32, #tpu.memory_space<vmem>> -> memref<80x8xf32, #tpu.memory_space<vmem>>
      %dma_wait3A_103 = arith.constant 0 : i32
      %dma_wait3A_104 = tpu.memref_slice %arg4[%add3A_71, %dma_wait3A_103] : memref<320000x8xf32, #tpu.memory_space<hbm>> -> memref<80x8xf32, #tpu.memory_space<hbm>>
      %dma_wait3A_105 = tpu.memref_slice %arg18[%rem3A_68] : memref<2x!tpu.dma_semaphore, #tpu.memory_space<semaphore_mem>> -> memref<1x!tpu.dma_semaphore, #tpu.memory_space<semaphore_mem>>
      %dma_wait3A_106 = tpu.memref_squeeze %dma_wait3A_105 : memref<1x!tpu.dma_semaphore, #tpu.memory_space<semaphore_mem>> -> memref<!tpu.dma_semaphore, #tpu.memory_space<semaphore_mem>>
      %dma_wait3A_107 = arith.constant 0 : i32
      %dma_wait3A_108 = arith.constant 0 : i32
      %dma_wait3A_109 = tpu.memref_slice %arg13[%rem3A_68, %dma_wait3A_107, %dma_wait3A_108] : memref<2x80x8xf32, #tpu.memory_space<vmem>> -> memref<1x80x8xf32, #tpu.memory_space<vmem>>
      %dma_wait3A_110 = tpu.memref_squeeze %dma_wait3A_109 : memref<1x80x8xf32, #tpu.memory_space<vmem>> -> memref<80x8xf32, #tpu.memory_space<vmem>>
      %dma_wait3A_111 = arith.constant 0 : i32
      %dma_wait3A_112 = tpu.memref_slice %arg4[%add3A_71, %dma_wait3A_111] : memref<320000x8xf32, #tpu.memory_space<hbm>> -> memref<80x8xf32, #tpu.memory_space<hbm>>
      tpu.wait_dma2 semaphore(%dma_wait3A_106 : memref<!tpu.dma_semaphore, #tpu.memory_space<semaphore_mem>>) src(%dma_wait3A_112 : memref<80x8xf32, #tpu.memory_space<hbm>>) dst(%dma_wait3A_110 : memref<80x8xf32, #tpu.memory_space<vmem>>)
      %parallel_loop3A = arith.constant 0 : i32
      %parallel_loop3A_113 = arith.constant 5 : i32
      %parallel_loop3A_114 = arith.constant 1 : i32
      scf.for %parallel_loop3A_119 = %parallel_loop3A to %parallel_loop3A_113 step %parallel_loop3A_114  : i32 {
        %parallel_loop3A_120 = tpu.iota {dimensions = array<i32: 0>} : vector<16xi32>
        %parallel_loop3A_121 = arith.constant 16 : i32
        %parallel_loop3A_122 = arith.muli %parallel_loop3A_119, %parallel_loop3A_121 : i32
        %parallel_loop3A_123 = vector.broadcast %parallel_loop3A_122 : i32 to vector<16xi32>
        %parallel_loop3A_124 = arith.addi %parallel_loop3A_120, %parallel_loop3A_123 : vector<16xi32>
        %parallel_loop3A_125 = arith.constant 0 : i32
        %parallel_loop3A_126 = vector.broadcast %parallel_loop3A_125 : i32 to vector<16xi32>
        %parallel_loop3A_127 = arith.constant 0 : i32
        %parallel_loop3A_128 = vector.broadcast %parallel_loop3A_127 : i32 to vector<16xi32>
        %parallel_loop3A_129 = arith.addi %parallel_loop3A_126, %parallel_loop3A_128 : vector<16xi32>
        %parallel_loop3A_130 = arith.constant 0 : i32
        %parallel_loop3A_131 = arith.constant 0 : i32
        %parallel_loop3A_132 = tpu.memref_slice %arg13[%rem3A_68, %parallel_loop3A_130, %parallel_loop3A_131] : memref<2x80x8xf32, #tpu.memory_space<vmem>> -> memref<1x80x8xf32, #tpu.memory_space<vmem>>
        %parallel_loop3A_133 = tpu.memref_squeeze %parallel_loop3A_132 : memref<1x80x8xf32, #tpu.memory_space<vmem>> -> memref<80x8xf32, #tpu.memory_space<vmem>>
        %parallel_loop3A_134 = tpu.vector_load_idx %parallel_loop3A_133[%parallel_loop3A_124, %parallel_loop3A_129] : memref<80x8xf32, #tpu.memory_space<vmem>>[vector<16xi32>, vector<16xi32>], vector<16xf32>,
        %parallel_loop3A_135 = arith.constant 0 : i32
        %parallel_loop3A_136 = vector.broadcast %parallel_loop3A_135 : i32 to vector<16xi32>
        %parallel_loop3A_137 = arith.constant 0 : i32
        %parallel_loop3A_138 = vector.broadcast %parallel_loop3A_137 : i32 to vector<16xi32>
        %parallel_loop3A_139 = arith.addi %parallel_loop3A_136, %parallel_loop3A_138 : vector<16xi32>
        %parallel_loop3A_140 = arith.constant 0 : i32
        %parallel_loop3A_141 = arith.constant 0 : i32
        %parallel_loop3A_142 = tpu.memref_slice %arg12[%rem3A_68, %parallel_loop3A_140, %parallel_loop3A_141] : memref<2x80x16xf32, #tpu.memory_space<vmem>> -> memref<1x80x16xf32, #tpu.memory_space<vmem>>
        %parallel_loop3A_143 = tpu.memref_squeeze %parallel_loop3A_142 : memref<1x80x16xf32, #tpu.memory_space<vmem>> -> memref<80x16xf32, #tpu.memory_space<vmem>>
        %parallel_loop3A_144 = tpu.vector_load_idx %parallel_loop3A_143[%parallel_loop3A_124, %parallel_loop3A_139] : memref<80x16xf32, #tpu.memory_space<vmem>>[vector<16xi32>, vector<16xi32>], vector<16xf32>,
        %parallel_loop3A_145 = arith.mulf %parallel_loop3A_134, %parallel_loop3A_144 : vector<16xf32>
        %parallel_loop3A_146 = arith.constant 0 : i32
        %parallel_loop3A_147 = vector.broadcast %parallel_loop3A_146 : i32 to vector<16xi32>
        %parallel_loop3A_148 = arith.constant 0 : i32
        %parallel_loop3A_149 = vector.broadcast %parallel_loop3A_148 : i32 to vector<16xi32>
        %parallel_loop3A_150 = arith.addi %parallel_loop3A_147, %parallel_loop3A_149 : vector<16xi32>
        tpu.vector_store_idx %arg14[%parallel_loop3A_124, %parallel_loop3A_150], %parallel_loop3A_145 : memref<80x8xf32, #tpu.memory_space<vmem>>[vector<16xi32>, vector<16xi32>], vector<16xf32>,
      } {sc.loop_unroll_factor = 5 : i64, sc.parallel_access}
      %parallel_loop3A_115 = arith.constant 0 : i32
      %parallel_loop3A_116 = arith.constant 80 : i32
      %parallel_loop3A_117 = arith.constant 1 : i32
      scf.for %parallel_loop3A_119 = %parallel_loop3A_115 to %parallel_loop3A_116 step %parallel_loop3A_117  : i32 {
        %parallel_loop3A_120 = arith.constant 0 : i32
        %parallel_loop3A_121 = vector.broadcast %parallel_loop3A_120 : i32 to vector<16xi32>
        %parallel_loop3A_122 = vector.broadcast %parallel_loop3A_119 : i32 to vector<16xi32>
        %parallel_loop3A_123 = arith.addi %parallel_loop3A_121, %parallel_loop3A_122 : vector<16xi32>
        %parallel_loop3A_124 = tpu.vector_load_idx %arg14[%parallel_loop3A_123, %shift_right_logical3A_12] : memref<80x8xf32, #tpu.memory_space<vmem>>[vector<16xi32>, vector<16xi32>], vector<16xf32>,
        %parallel_loop3A_125 = arith.index_cast %rem3A_68 : i32 to index
        %parallel_loop3A_126 = arith.index_cast %parallel_loop3A_119 : i32 to index
        %parallel_loop3A_127 = arith.constant 0 : index
        %parallel_loop3A_128 = tpu.vector_load %arg11[%parallel_loop3A_125, %parallel_loop3A_126, %parallel_loop3A_127] {strides = array<i32>} : memref<2x80x16xf32, #tpu.memory_space<vmem>>, vector<16xf32>,
        %parallel_loop3A_129 = arith.mulf %parallel_loop3A_124, %parallel_loop3A_128 : vector<16xf32>
        %parallel_loop3A_130 = arith.index_cast %rem3A_68 : i32 to index
        %parallel_loop3A_131 = arith.index_cast %parallel_loop3A_119 : i32 to index
        %parallel_loop3A_132 = arith.constant 0 : index
        %parallel_loop3A_133 = tpu.vector_load %arg11[%parallel_loop3A_130, %parallel_loop3A_131, %parallel_loop3A_132] {strides = array<i32>} : memref<2x80x16xf32, #tpu.memory_space<vmem>>, vector<16xf32>,
        tpu.vector_store %arg11[%parallel_loop3A_130, %parallel_loop3A_131, %parallel_loop3A_132], %parallel_loop3A_129 {strides = array<i32>} : memref<2x80x16xf32, #tpu.memory_space<vmem>>, vector<16xf32>,
      } {sc.loop_unroll_factor = 4 : i64, sc.parallel_access}
      "tpu.region"() ({
        %run_scoped3A = tpu.sem_alloc : memref<!tpu.dma_semaphore, #tpu.memory_space<semaphore_mem>>
        %dma_start3A_119 = arith.constant 0 : i32
        %dma_start3A_120 = arith.constant 0 : i32
        %dma_start3A_121 = tpu.memref_slice %arg11[%rem3A_68, %dma_start3A_119, %dma_start3A_120] : memref<2x80x16xf32, #tpu.memory_space<vmem>> -> memref<1x80x16xf32, #tpu.memory_space<vmem>>
        %dma_start3A_122 = tpu.memref_squeeze %dma_start3A_121 : memref<1x80x16xf32, #tpu.memory_space<vmem>> -> memref<80x16xf32, #tpu.memory_space<vmem>>
        %dma_start3A_123 = arith.constant 0 : i32
        %dma_start3A_124 = tpu.memref_slice %arg9[%scan3A_65, %dma_start3A_123] : memref<125x80xi32, #tpu.memory_space<vmem>> -> memref<1x80xi32, #tpu.memory_space<vmem>>
        %dma_start3A_125 = tpu.memref_squeeze %dma_start3A_124 : memref<1x80xi32, #tpu.memory_space<vmem>> -> memref<80xi32, #tpu.memory_space<vmem>>
        %dma_start3A_126 = arith.constant 0 : i32
        %dma_start3A_127 = arith.constant 0 : i32
        %dma_start3A_128 = tpu.memref_slice %arg15[%dma_start3A_126, %dma_start3A_127] : memref<10240x16xf32, #tpu.memory_space<vmem_shared>> -> memref<10240x16xf32, #tpu.memory_space<vmem_shared>>
        tpu.enqueue_indirect_dma source(%dma_start3A_122 : memref<80x16xf32, #tpu.memory_space<vmem>>) target(%dma_start3A_128 : memref<10240x16xf32, #tpu.memory_space<vmem_shared>>) offsets(%dma_start3A_125 : memref<80xi32, #tpu.memory_space<vmem>>) semaphore(%run_scoped3A : memref<!tpu.dma_semaphore, #tpu.memory_space<semaphore_mem>>) {add = true}
        %dma_wait3A_129 = arith.constant 0 : i32
        %dma_wait3A_130 = arith.constant 0 : i32
        %dma_wait3A_131 = tpu.memref_slice %arg11[%rem3A_68, %dma_wait3A_129, %dma_wait3A_130] : memref<2x80x16xf32, #tpu.memory_space<vmem>> -> memref<1x80x16xf32, #tpu.memory_space<vmem>>
        %dma_wait3A_132 = tpu.memref_squeeze %dma_wait3A_131 : memref<1x80x16xf32, #tpu.memory_space<vmem>> -> memref<80x16xf32, #tpu.memory_space<vmem>>
        %dma_wait3A_133 = arith.constant 0 : i32
        %dma_wait3A_134 = tpu.memref_slice %arg9[%scan3A_65, %dma_wait3A_133] : memref<125x80xi32, #tpu.memory_space<vmem>> -> memref<1x80xi32, #tpu.memory_space<vmem>>
        %dma_wait3A_135 = tpu.memref_squeeze %dma_wait3A_134 : memref<1x80xi32, #tpu.memory_space<vmem>> -> memref<80xi32, #tpu.memory_space<vmem>>
        %dma_wait3A_136 = arith.constant 0 : i32
        %dma_wait3A_137 = arith.constant 0 : i32
        %dma_wait3A_138 = tpu.memref_slice %arg15[%dma_wait3A_136, %dma_wait3A_137] : memref<10240x16xf32, #tpu.memory_space<vmem_shared>> -> memref<10240x16xf32, #tpu.memory_space<vmem_shared>>
        tpu.wait_indirect_dma semaphore(%run_scoped3A : memref<!tpu.dma_semaphore, #tpu.memory_space<semaphore_mem>>) src(%dma_wait3A_132 : memref<80x16xf32, #tpu.memory_space<vmem>>) dst(%dma_wait3A_138 : memref<10240x16xf32, #tpu.memory_space<vmem_shared>>)
        tpu.yield
      }) : () -> ()
      %scan3A_118 = arith.constant 0 : i32
      scf.yield %scan3A_118 : i32
    }
    %scan3A_63 = arith.constant 125 : i32
    %barrier3A_64 = arith.constant 0 : index
    tpu.barrier barrier_id(%barrier3A_64)
    "tpu.region"() ({
      %run_scoped3A = tpu.sem_alloc : memref<!tpu.dma_semaphore, #tpu.memory_space<semaphore_mem>>
      %dma_start3A_65 = arith.constant 0 : i32
      %dma_start3A_66 = tpu.memref_slice %arg8[%arg0, %mul3A_7, %dma_start3A_65] : memref<2x10240x16xf32, #tpu.memory_space<hbm>> -> memref<1x640x16xf32, #tpu.memory_space<hbm>>
      %dma_start3A_67 = tpu.memref_squeeze %dma_start3A_66 : memref<1x640x16xf32, #tpu.memory_space<hbm>> -> memref<640x16xf32, #tpu.memory_space<hbm>>
      %dma_start3A_68 = arith.constant 0 : i32
      %dma_start3A_69 = tpu.memref_slice %arg15[%mul3A_7, %dma_start3A_68] : memref<10240x16xf32, #tpu.memory_space<vmem_shared>> -> memref<640x16xf32, #tpu.memory_space<vmem_shared>>
      tpu.enqueue_dma source(%dma_start3A_69 : memref<640x16xf32, #tpu.memory_space<vmem_shared>>) target(%dma_start3A_67 : memref<640x16xf32, #tpu.memory_space<hbm>>) target_semaphore(%run_scoped3A : memref<!tpu.dma_semaphore, #tpu.memory_space<semaphore_mem>>)
      %dma_wait3A = arith.constant 0 : i32
      %dma_wait3A_70 = tpu.memref_slice %arg8[%arg0, %mul3A_7, %dma_wait3A] : memref<2x10240x16xf32, #tpu.memory_space<hbm>> -> memref<1x640x16xf32, #tpu.memory_space<hbm>>
      %dma_wait3A_71 = tpu.memref_squeeze %dma_wait3A_70 : memref<1x640x16xf32, #tpu.memory_space<hbm>> -> memref<640x16xf32, #tpu.memory_space<hbm>>
      %dma_wait3A_72 = arith.constant 0 : i32
      %dma_wait3A_73 = tpu.memref_slice %arg15[%mul3A_7, %dma_wait3A_72] : memref<10240x16xf32, #tpu.memory_space<vmem_shared>> -> memref<640x16xf32, #tpu.memory_space<vmem_shared>>
      tpu.wait_dma2 semaphore(%run_scoped3A : memref<!tpu.dma_semaphore, #tpu.memory_space<semaphore_mem>>) src(%dma_wait3A_73 : memref<640x16xf32, #tpu.memory_space<vmem_shared>>) dst(%dma_wait3A_71 : memref<640x16xf32, #tpu.memory_space<hbm>>)
      tpu.yield
    }) : () -> ()
    return
  }
}

#map = affine_map<(d0, d1) -> (0, 0, 0)>
#map1 = affine_map<(d0, d1) -> (0, 0)>
#map2 = affine_map<(d0, d1) -> (0)>
module attributes {stable_mosaic.version = 14 : i64} {
  func.func @sc_edge_softmax_h8(%arg0: i32, %arg1: i32, %arg2: memref<32x125x80xi32, #tpu.memory_space<hbm>>, %arg3: memref<32x125x80xi32, #tpu.memory_space<hbm>>, %arg4: memref<10000x16xf32, #tpu.memory_space<hbm>>, %arg5: memref<16xf32, #tpu.memory_space<hbm>>, %arg6: memref<10240x8xf32, #tpu.memory_space<hbm>>, %arg7: memref<320000x8xf32, #tpu.memory_space<hbm>>, %arg8: memref<2x10240x8xf32, #tpu.memory_space<hbm>>, %arg9: memref<125x80xi32, #tpu.memory_space<vmem>>, %arg10: memref<125x80xi32, #tpu.memory_space<vmem>>, %arg11: memref<2x80x16xf32, #tpu.memory_space<vmem>>, %arg12: memref<2x80x16xf32, #tpu.memory_space<vmem>>, %arg13: memref<2x80x8xf32, #tpu.memory_space<vmem>>, %arg14: memref<16xf32, #tpu.memory_space<vmem>>, %arg15: memref<10240x8xf32, #tpu.memory_space<vmem_shared>>, %arg16: memref<2x!tpu.dma_semaphore, #tpu.memory_space<semaphore_mem>>, %arg17: memref<2x!tpu.dma_semaphore, #tpu.memory_space<semaphore_mem>>, %arg18: memref<2x!tpu.dma_semaphore, #tpu.memory_space<semaphore_mem>>) attributes {dimension_semantics = [#tpu.dimension_semantics<core_parallel>, #tpu.dimension_semantics<subcore_parallel>], iteration_bounds = array<i64: 2, 16>, scalar_prefetch = 0 : i64, scratch_operands = 10 : i64, tpu.core_type = #tpu.core_type<sc_vector_subcore>, window_params = [{transform_indices = #map}, {transform_indices = #map}, {transform_indices = #map1}, {transform_indices = #map2}, {transform_indices = #map1}, {transform_indices = #map1}, {transform_indices = #map}]} {
    %mul3A = arith.constant 2 : i32
    %mul3A_0 = arith.muli %arg1, %mul3A : i32
    %add3A = arith.addi %mul3A_0, %arg0 : i32
    %mul3A_1 = arith.constant 10000 : i32
    %mul3A_2 = arith.muli %add3A, %mul3A_1 : i32
    %mul3A_3 = arith.constant 2 : i32
    %mul3A_4 = arith.muli %arg1, %mul3A_3 : i32
    %add3A_5 = arith.addi %mul3A_4, %arg0 : i32
    %mul3A_6 = arith.constant 640 : i32
    %mul3A_7 = arith.muli %arg1, %mul3A_6 : i32
    "tpu.region"() ({
      %run_scoped3A = tpu.sem_alloc : memref<!tpu.dma_semaphore, #tpu.memory_space<semaphore_mem>>
      tpu.enqueue_dma source(%arg5 : memref<16xf32, #tpu.memory_space<hbm>>) target(%arg14 : memref<16xf32, #tpu.memory_space<vmem>>) target_semaphore(%run_scoped3A : memref<!tpu.dma_semaphore, #tpu.memory_space<semaphore_mem>>)
      tpu.wait_dma2 semaphore(%run_scoped3A : memref<!tpu.dma_semaphore, #tpu.memory_space<semaphore_mem>>) src(%arg5 : memref<16xf32, #tpu.memory_space<hbm>>) dst(%arg14 : memref<16xf32, #tpu.memory_space<vmem>>)
      tpu.yield
    }) : () -> ()
    "tpu.region"() ({
      %run_scoped3A = tpu.sem_alloc : memref<!tpu.dma_semaphore, #tpu.memory_space<semaphore_mem>>
      %dma_start3A_77 = arith.constant 0 : i32
      %dma_start3A_78 = arith.constant 0 : i32
      %dma_start3A_79 = tpu.memref_slice %arg2[%add3A_5, %dma_start3A_77, %dma_start3A_78] : memref<32x125x80xi32, #tpu.memory_space<hbm>> -> memref<1x125x80xi32, #tpu.memory_space<hbm>>
      %dma_start3A_80 = tpu.memref_squeeze %dma_start3A_79 : memref<1x125x80xi32, #tpu.memory_space<hbm>> -> memref<125x80xi32, #tpu.memory_space<hbm>>
      %dma_start3A_81 = arith.constant 0 : i32
      %dma_start3A_82 = arith.constant 0 : i32
      %dma_start3A_83 = tpu.memref_slice %arg2[%add3A_5, %dma_start3A_81, %dma_start3A_82] : memref<32x125x80xi32, #tpu.memory_space<hbm>> -> memref<1x125x80xi32, #tpu.memory_space<hbm>>
      %dma_start3A_84 = tpu.memref_squeeze %dma_start3A_83 : memref<1x125x80xi32, #tpu.memory_space<hbm>> -> memref<125x80xi32, #tpu.memory_space<hbm>>
      tpu.enqueue_dma source(%dma_start3A_84 : memref<125x80xi32, #tpu.memory_space<hbm>>) target(%arg9 : memref<125x80xi32, #tpu.memory_space<vmem>>) target_semaphore(%run_scoped3A : memref<!tpu.dma_semaphore, #tpu.memory_space<semaphore_mem>>)
      %dma_wait3A_85 = arith.constant 0 : i32
      %dma_wait3A_86 = arith.constant 0 : i32
      %dma_wait3A_87 = tpu.memref_slice %arg2[%add3A_5, %dma_wait3A_85, %dma_wait3A_86] : memref<32x125x80xi32, #tpu.memory_space<hbm>> -> memref<1x125x80xi32, #tpu.memory_space<hbm>>
      %dma_wait3A_88 = tpu.memref_squeeze %dma_wait3A_87 : memref<1x125x80xi32, #tpu.memory_space<hbm>> -> memref<125x80xi32, #tpu.memory_space<hbm>>
      %dma_wait3A_89 = arith.constant 0 : i32
      %dma_wait3A_90 = arith.constant 0 : i32
      %dma_wait3A_91 = tpu.memref_slice %arg2[%add3A_5, %dma_wait3A_89, %dma_wait3A_90] : memref<32x125x80xi32, #tpu.memory_space<hbm>> -> memref<1x125x80xi32, #tpu.memory_space<hbm>>
      %dma_wait3A_92 = tpu.memref_squeeze %dma_wait3A_91 : memref<1x125x80xi32, #tpu.memory_space<hbm>> -> memref<125x80xi32, #tpu.memory_space<hbm>>
      tpu.wait_dma2 semaphore(%run_scoped3A : memref<!tpu.dma_semaphore, #tpu.memory_space<semaphore_mem>>) src(%dma_wait3A_92 : memref<125x80xi32, #tpu.memory_space<hbm>>) dst(%arg9 : memref<125x80xi32, #tpu.memory_space<vmem>>)
      tpu.yield
    }) : () -> ()
    "tpu.region"() ({
      %run_scoped3A = tpu.sem_alloc : memref<!tpu.dma_semaphore, #tpu.memory_space<semaphore_mem>>
      %dma_start3A_77 = arith.constant 0 : i32
      %dma_start3A_78 = arith.constant 0 : i32
      %dma_start3A_79 = tpu.memref_slice %arg3[%add3A_5, %dma_start3A_77, %dma_start3A_78] : memref<32x125x80xi32, #tpu.memory_space<hbm>> -> memref<1x125x80xi32, #tpu.memory_space<hbm>>
      %dma_start3A_80 = tpu.memref_squeeze %dma_start3A_79 : memref<1x125x80xi32, #tpu.memory_space<hbm>> -> memref<125x80xi32, #tpu.memory_space<hbm>>
      %dma_start3A_81 = arith.constant 0 : i32
      %dma_start3A_82 = arith.constant 0 : i32
      %dma_start3A_83 = tpu.memref_slice %arg3[%add3A_5, %dma_start3A_81, %dma_start3A_82] : memref<32x125x80xi32, #tpu.memory_space<hbm>> -> memref<1x125x80xi32, #tpu.memory_space<hbm>>
      %dma_start3A_84 = tpu.memref_squeeze %dma_start3A_83 : memref<1x125x80xi32, #tpu.memory_space<hbm>> -> memref<125x80xi32, #tpu.memory_space<hbm>>
      tpu.enqueue_dma source(%dma_start3A_84 : memref<125x80xi32, #tpu.memory_space<hbm>>) target(%arg10 : memref<125x80xi32, #tpu.memory_space<vmem>>) target_semaphore(%run_scoped3A : memref<!tpu.dma_semaphore, #tpu.memory_space<semaphore_mem>>)
      %dma_wait3A_85 = arith.constant 0 : i32
      %dma_wait3A_86 = arith.constant 0 : i32
      %dma_wait3A_87 = tpu.memref_slice %arg3[%add3A_5, %dma_wait3A_85, %dma_wait3A_86] : memref<32x125x80xi32, #tpu.memory_space<hbm>> -> memref<1x125x80xi32, #tpu.memory_space<hbm>>
      %dma_wait3A_88 = tpu.memref_squeeze %dma_wait3A_87 : memref<1x125x80xi32, #tpu.memory_space<hbm>> -> memref<125x80xi32, #tpu.memory_space<hbm>>
      %dma_wait3A_89 = arith.constant 0 : i32
      %dma_wait3A_90 = arith.constant 0 : i32
      %dma_wait3A_91 = tpu.memref_slice %arg3[%add3A_5, %dma_wait3A_89, %dma_wait3A_90] : memref<32x125x80xi32, #tpu.memory_space<hbm>> -> memref<1x125x80xi32, #tpu.memory_space<hbm>>
      %dma_wait3A_92 = tpu.memref_squeeze %dma_wait3A_91 : memref<1x125x80xi32, #tpu.memory_space<hbm>> -> memref<125x80xi32, #tpu.memory_space<hbm>>
      tpu.wait_dma2 semaphore(%run_scoped3A : memref<!tpu.dma_semaphore, #tpu.memory_space<semaphore_mem>>) src(%dma_wait3A_92 : memref<125x80xi32, #tpu.memory_space<hbm>>) dst(%arg10 : memref<125x80xi32, #tpu.memory_space<vmem>>)
      tpu.yield
    }) : () -> ()
    "tpu.region"() ({
      %run_scoped3A = tpu.sem_alloc : memref<!tpu.dma_semaphore, #tpu.memory_space<semaphore_mem>>
      %dma_start3A_77 = arith.constant 0 : i32
      %dma_start3A_78 = tpu.memref_slice %arg15[%mul3A_7, %dma_start3A_77] : memref<10240x8xf32, #tpu.memory_space<vmem_shared>> -> memref<640x8xf32, #tpu.memory_space<vmem_shared>>
      %dma_start3A_79 = arith.constant 0 : i32
      %dma_start3A_80 = tpu.memref_slice %arg6[%mul3A_7, %dma_start3A_79] : memref<10240x8xf32, #tpu.memory_space<hbm>> -> memref<640x8xf32, #tpu.memory_space<hbm>>
      tpu.enqueue_dma source(%dma_start3A_80 : memref<640x8xf32, #tpu.memory_space<hbm>>) target(%dma_start3A_78 : memref<640x8xf32, #tpu.memory_space<vmem_shared>>) target_semaphore(%run_scoped3A : memref<!tpu.dma_semaphore, #tpu.memory_space<semaphore_mem>>)
      %dma_wait3A_81 = arith.constant 0 : i32
      %dma_wait3A_82 = tpu.memref_slice %arg15[%mul3A_7, %dma_wait3A_81] : memref<10240x8xf32, #tpu.memory_space<vmem_shared>> -> memref<640x8xf32, #tpu.memory_space<vmem_shared>>
      %dma_wait3A_83 = arith.constant 0 : i32
      %dma_wait3A_84 = tpu.memref_slice %arg6[%mul3A_7, %dma_wait3A_83] : memref<10240x8xf32, #tpu.memory_space<hbm>> -> memref<640x8xf32, #tpu.memory_space<hbm>>
      tpu.wait_dma2 semaphore(%run_scoped3A : memref<!tpu.dma_semaphore, #tpu.memory_space<semaphore_mem>>) src(%dma_wait3A_84 : memref<640x8xf32, #tpu.memory_space<hbm>>) dst(%dma_wait3A_82 : memref<640x8xf32, #tpu.memory_space<vmem_shared>>)
      tpu.yield
    }) : () -> ()
    %barrier3A = arith.constant 0 : index
    tpu.barrier barrier_id(%barrier3A)
    %rem3A = arith.constant 0 : i32
    %rem3A_8 = arith.constant 2 : i32
    %rem3A_9 = arith.remsi %rem3A, %rem3A_8 : i32
    %dma_start3A = arith.constant 0 : i32
    %dma_start3A_10 = arith.constant 0 : i32
    %dma_start3A_11 = arith.constant 0 : i32
    %dma_start3A_12 = tpu.memref_slice %arg11[%rem3A_9, %dma_start3A_10, %dma_start3A_11] : memref<2x80x16xf32, #tpu.memory_space<vmem>> -> memref<1x80x16xf32, #tpu.memory_space<vmem>>
    %dma_start3A_13 = tpu.memref_squeeze %dma_start3A_12 : memref<1x80x16xf32, #tpu.memory_space<vmem>> -> memref<80x16xf32, #tpu.memory_space<vmem>>
    %dma_start3A_14 = arith.constant 0 : i32
    %dma_start3A_15 = tpu.memref_slice %arg9[%dma_start3A, %dma_start3A_14] : memref<125x80xi32, #tpu.memory_space<vmem>> -> memref<1x80xi32, #tpu.memory_space<vmem>>
    %dma_start3A_16 = tpu.memref_squeeze %dma_start3A_15 : memref<1x80xi32, #tpu.memory_space<vmem>> -> memref<80xi32, #tpu.memory_space<vmem>>
    %dma_start3A_17 = arith.constant 0 : i32
    %dma_start3A_18 = arith.constant 0 : i32
    %dma_start3A_19 = tpu.memref_slice %arg4[%dma_start3A_17, %dma_start3A_18] : memref<10000x16xf32, #tpu.memory_space<hbm>> -> memref<10000x16xf32, #tpu.memory_space<hbm>>
    %dma_start3A_20 = tpu.memref_slice %arg16[%rem3A_9] : memref<2x!tpu.dma_semaphore, #tpu.memory_space<semaphore_mem>> -> memref<1x!tpu.dma_semaphore, #tpu.memory_space<semaphore_mem>>
    %dma_start3A_21 = tpu.memref_squeeze %dma_start3A_20 : memref<1x!tpu.dma_semaphore, #tpu.memory_space<semaphore_mem>> -> memref<!tpu.dma_semaphore, #tpu.memory_space<semaphore_mem>>
    tpu.enqueue_indirect_dma source(%dma_start3A_19 : memref<10000x16xf32, #tpu.memory_space<hbm>>) target(%dma_start3A_13 : memref<80x16xf32, #tpu.memory_space<vmem>>) offsets(%dma_start3A_16 : memref<80xi32, #tpu.memory_space<vmem>>) semaphore(%dma_start3A_21 : memref<!tpu.dma_semaphore, #tpu.memory_space<semaphore_mem>>)
    %dma_start3A_22 = arith.constant 0 : i32
    %dma_start3A_23 = arith.constant 0 : i32
    %dma_start3A_24 = arith.constant 0 : i32
    %dma_start3A_25 = tpu.memref_slice %arg12[%rem3A_9, %dma_start3A_23, %dma_start3A_24] : memref<2x80x16xf32, #tpu.memory_space<vmem>> -> memref<1x80x16xf32, #tpu.memory_space<vmem>>
    %dma_start3A_26 = tpu.memref_squeeze %dma_start3A_25 : memref<1x80x16xf32, #tpu.memory_space<vmem>> -> memref<80x16xf32, #tpu.memory_space<vmem>>
    %dma_start3A_27 = arith.constant 0 : i32
    %dma_start3A_28 = tpu.memref_slice %arg10[%dma_start3A_22, %dma_start3A_27] : memref<125x80xi32, #tpu.memory_space<vmem>> -> memref<1x80xi32, #tpu.memory_space<vmem>>
    %dma_start3A_29 = tpu.memref_squeeze %dma_start3A_28 : memref<1x80xi32, #tpu.memory_space<vmem>> -> memref<80xi32, #tpu.memory_space<vmem>>
    %dma_start3A_30 = arith.constant 0 : i32
    %dma_start3A_31 = arith.constant 0 : i32
    %dma_start3A_32 = tpu.memref_slice %arg4[%dma_start3A_30, %dma_start3A_31] : memref<10000x16xf32, #tpu.memory_space<hbm>> -> memref<10000x16xf32, #tpu.memory_space<hbm>>
    %dma_start3A_33 = tpu.memref_slice %arg17[%rem3A_9] : memref<2x!tpu.dma_semaphore, #tpu.memory_space<semaphore_mem>> -> memref<1x!tpu.dma_semaphore, #tpu.memory_space<semaphore_mem>>
    %dma_start3A_34 = tpu.memref_squeeze %dma_start3A_33 : memref<1x!tpu.dma_semaphore, #tpu.memory_space<semaphore_mem>> -> memref<!tpu.dma_semaphore, #tpu.memory_space<semaphore_mem>>
    tpu.enqueue_indirect_dma source(%dma_start3A_32 : memref<10000x16xf32, #tpu.memory_space<hbm>>) target(%dma_start3A_26 : memref<80x16xf32, #tpu.memory_space<vmem>>) offsets(%dma_start3A_29 : memref<80xi32, #tpu.memory_space<vmem>>) semaphore(%dma_start3A_34 : memref<!tpu.dma_semaphore, #tpu.memory_space<semaphore_mem>>)
    %scan3A = arith.constant 0 : i32
    %scan3A_35 = arith.constant 0 : i32
    %scan3A_36 = arith.constant 125 : i32
    %scan3A_37 = arith.addi %scan3A_35, %scan3A_36 : i32
    %scan3A_38 = arith.constant 1 : i32
    %scan3A_39 = scf.for %scan3A_77 = %scan3A_35 to %scan3A_37 step %scan3A_38 iter_args(%scan3A_78 = %scan3A) -> (i32)  : i32 {
      %rem3A_79 = arith.constant 2 : i32
      %rem3A_80 = arith.remsi %scan3A_77, %rem3A_79 : i32
      %mul3A_81 = arith.constant 80 : i32
      %mul3A_82 = arith.muli %scan3A_77, %mul3A_81 : i32
      %add3A_83 = arith.addi %mul3A_2, %mul3A_82 : i32
      %add3A_84 = arith.constant 1 : i32
      %add3A_85 = arith.addi %scan3A_77, %add3A_84 : i32
      %lt3A = arith.constant 125 : i32
      %lt3A_86 = arith.cmpi slt, %add3A_85, %lt3A : i32
      %convert_element_type3A = arith.extui %lt3A_86 : i1 to i32
      %cond3A = arith.constant 0 : i32
      %cond3A_87 = arith.cmpi ne, %convert_element_type3A, %cond3A : i32
      scf.if %cond3A_87 {
        %add3A_133 = arith.constant 1 : i32
        %add3A_134 = arith.addi %scan3A_77, %add3A_133 : i32
        %rem3A_135 = arith.constant 2 : i32
        %rem3A_136 = arith.remsi %add3A_134, %rem3A_135 : i32
        %dma_start3A_137 = arith.constant 0 : i32
        %dma_start3A_138 = arith.constant 0 : i32
        %dma_start3A_139 = tpu.memref_slice %arg11[%rem3A_136, %dma_start3A_137, %dma_start3A_138] : memref<2x80x16xf32, #tpu.memory_space<vmem>> -> memref<1x80x16xf32, #tpu.memory_space<vmem>>
        %dma_start3A_140 = tpu.memref_squeeze %dma_start3A_139 : memref<1x80x16xf32, #tpu.memory_space<vmem>> -> memref<80x16xf32, #tpu.memory_space<vmem>>
        %dma_start3A_141 = arith.constant 0 : i32
        %dma_start3A_142 = tpu.memref_slice %arg9[%add3A_134, %dma_start3A_141] : memref<125x80xi32, #tpu.memory_space<vmem>> -> memref<1x80xi32, #tpu.memory_space<vmem>>
        %dma_start3A_143 = tpu.memref_squeeze %dma_start3A_142 : memref<1x80xi32, #tpu.memory_space<vmem>> -> memref<80xi32, #tpu.memory_space<vmem>>
        %dma_start3A_144 = arith.constant 0 : i32
        %dma_start3A_145 = arith.constant 0 : i32
        %dma_start3A_146 = tpu.memref_slice %arg4[%dma_start3A_144, %dma_start3A_145] : memref<10000x16xf32, #tpu.memory_space<hbm>> -> memref<10000x16xf32, #tpu.memory_space<hbm>>
        %dma_start3A_147 = tpu.memref_slice %arg16[%rem3A_136] : memref<2x!tpu.dma_semaphore, #tpu.memory_space<semaphore_mem>> -> memref<1x!tpu.dma_semaphore, #tpu.memory_space<semaphore_mem>>
        %dma_start3A_148 = tpu.memref_squeeze %dma_start3A_147 : memref<1x!tpu.dma_semaphore, #tpu.memory_space<semaphore_mem>> -> memref<!tpu.dma_semaphore, #tpu.memory_space<semaphore_mem>>
        tpu.enqueue_indirect_dma source(%dma_start3A_146 : memref<10000x16xf32, #tpu.memory_space<hbm>>) target(%dma_start3A_140 : memref<80x16xf32, #tpu.memory_space<vmem>>) offsets(%dma_start3A_143 : memref<80xi32, #tpu.memory_space<vmem>>) semaphore(%dma_start3A_148 : memref<!tpu.dma_semaphore, #tpu.memory_space<semaphore_mem>>)
        %dma_start3A_149 = arith.constant 0 : i32
        %dma_start3A_150 = arith.constant 0 : i32
        %dma_start3A_151 = tpu.memref_slice %arg12[%rem3A_136, %dma_start3A_149, %dma_start3A_150] : memref<2x80x16xf32, #tpu.memory_space<vmem>> -> memref<1x80x16xf32, #tpu.memory_space<vmem>>
        %dma_start3A_152 = tpu.memref_squeeze %dma_start3A_151 : memref<1x80x16xf32, #tpu.memory_space<vmem>> -> memref<80x16xf32, #tpu.memory_space<vmem>>
        %dma_start3A_153 = arith.constant 0 : i32
        %dma_start3A_154 = tpu.memref_slice %arg10[%add3A_134, %dma_start3A_153] : memref<125x80xi32, #tpu.memory_space<vmem>> -> memref<1x80xi32, #tpu.memory_space<vmem>>
        %dma_start3A_155 = tpu.memref_squeeze %dma_start3A_154 : memref<1x80xi32, #tpu.memory_space<vmem>> -> memref<80xi32, #tpu.memory_space<vmem>>
        %dma_start3A_156 = arith.constant 0 : i32
        %dma_start3A_157 = arith.constant 0 : i32
        %dma_start3A_158 = tpu.memref_slice %arg4[%dma_start3A_156, %dma_start3A_157] : memref<10000x16xf32, #tpu.memory_space<hbm>> -> memref<10000x16xf32, #tpu.memory_space<hbm>>
        %dma_start3A_159 = tpu.memref_slice %arg17[%rem3A_136] : memref<2x!tpu.dma_semaphore, #tpu.memory_space<semaphore_mem>> -> memref<1x!tpu.dma_semaphore, #tpu.memory_space<semaphore_mem>>
        %dma_start3A_160 = tpu.memref_squeeze %dma_start3A_159 : memref<1x!tpu.dma_semaphore, #tpu.memory_space<semaphore_mem>> -> memref<!tpu.dma_semaphore, #tpu.memory_space<semaphore_mem>>
        tpu.enqueue_indirect_dma source(%dma_start3A_158 : memref<10000x16xf32, #tpu.memory_space<hbm>>) target(%dma_start3A_152 : memref<80x16xf32, #tpu.memory_space<vmem>>) offsets(%dma_start3A_155 : memref<80xi32, #tpu.memory_space<vmem>>) semaphore(%dma_start3A_160 : memref<!tpu.dma_semaphore, #tpu.memory_space<semaphore_mem>>)
      } else {
      }
      %dma_wait3A_88 = arith.constant 0 : i32
      %dma_wait3A_89 = arith.constant 0 : i32
      %dma_wait3A_90 = tpu.memref_slice %arg11[%rem3A_80, %dma_wait3A_88, %dma_wait3A_89] : memref<2x80x16xf32, #tpu.memory_space<vmem>> -> memref<1x80x16xf32, #tpu.memory_space<vmem>>
      %dma_wait3A_91 = tpu.memref_squeeze %dma_wait3A_90 : memref<1x80x16xf32, #tpu.memory_space<vmem>> -> memref<80x16xf32, #tpu.memory_space<vmem>>
      %dma_wait3A_92 = arith.constant 0 : i32
      %dma_wait3A_93 = tpu.memref_slice %arg9[%scan3A_77, %dma_wait3A_92] : memref<125x80xi32, #tpu.memory_space<vmem>> -> memref<1x80xi32, #tpu.memory_space<vmem>>
      %dma_wait3A_94 = tpu.memref_squeeze %dma_wait3A_93 : memref<1x80xi32, #tpu.memory_space<vmem>> -> memref<80xi32, #tpu.memory_space<vmem>>
      %dma_wait3A_95 = arith.constant 0 : i32
      %dma_wait3A_96 = arith.constant 0 : i32
      %dma_wait3A_97 = tpu.memref_slice %arg4[%dma_wait3A_95, %dma_wait3A_96] : memref<10000x16xf32, #tpu.memory_space<hbm>> -> memref<10000x16xf32, #tpu.memory_space<hbm>>
      %dma_wait3A_98 = tpu.memref_slice %arg16[%rem3A_80] : memref<2x!tpu.dma_semaphore, #tpu.memory_space<semaphore_mem>> -> memref<1x!tpu.dma_semaphore, #tpu.memory_space<semaphore_mem>>
      %dma_wait3A_99 = tpu.memref_squeeze %dma_wait3A_98 : memref<1x!tpu.dma_semaphore, #tpu.memory_space<semaphore_mem>> -> memref<!tpu.dma_semaphore, #tpu.memory_space<semaphore_mem>>
      tpu.wait_indirect_dma semaphore(%dma_wait3A_99 : memref<!tpu.dma_semaphore, #tpu.memory_space<semaphore_mem>>) src(%dma_wait3A_97 : memref<10000x16xf32, #tpu.memory_space<hbm>>) dst(%dma_wait3A_91 : memref<80x16xf32, #tpu.memory_space<vmem>>)
      %dma_wait3A_100 = arith.constant 0 : i32
      %dma_wait3A_101 = arith.constant 0 : i32
      %dma_wait3A_102 = tpu.memref_slice %arg12[%rem3A_80, %dma_wait3A_100, %dma_wait3A_101] : memref<2x80x16xf32, #tpu.memory_space<vmem>> -> memref<1x80x16xf32, #tpu.memory_space<vmem>>
      %dma_wait3A_103 = tpu.memref_squeeze %dma_wait3A_102 : memref<1x80x16xf32, #tpu.memory_space<vmem>> -> memref<80x16xf32, #tpu.memory_space<vmem>>
      %dma_wait3A_104 = arith.constant 0 : i32
      %dma_wait3A_105 = tpu.memref_slice %arg10[%scan3A_77, %dma_wait3A_104] : memref<125x80xi32, #tpu.memory_space<vmem>> -> memref<1x80xi32, #tpu.memory_space<vmem>>
      %dma_wait3A_106 = tpu.memref_squeeze %dma_wait3A_105 : memref<1x80xi32, #tpu.memory_space<vmem>> -> memref<80xi32, #tpu.memory_space<vmem>>
      %dma_wait3A_107 = arith.constant 0 : i32
      %dma_wait3A_108 = arith.constant 0 : i32
      %dma_wait3A_109 = tpu.memref_slice %arg4[%dma_wait3A_107, %dma_wait3A_108] : memref<10000x16xf32, #tpu.memory_space<hbm>> -> memref<10000x16xf32, #tpu.memory_space<hbm>>
      %dma_wait3A_110 = tpu.memref_slice %arg17[%rem3A_80] : memref<2x!tpu.dma_semaphore, #tpu.memory_space<semaphore_mem>> -> memref<1x!tpu.dma_semaphore, #tpu.memory_space<semaphore_mem>>
      %dma_wait3A_111 = tpu.memref_squeeze %dma_wait3A_110 : memref<1x!tpu.dma_semaphore, #tpu.memory_space<semaphore_mem>> -> memref<!tpu.dma_semaphore, #tpu.memory_space<semaphore_mem>>
      tpu.wait_indirect_dma semaphore(%dma_wait3A_111 : memref<!tpu.dma_semaphore, #tpu.memory_space<semaphore_mem>>) src(%dma_wait3A_109 : memref<10000x16xf32, #tpu.memory_space<hbm>>) dst(%dma_wait3A_103 : memref<80x16xf32, #tpu.memory_space<vmem>>)
      %ge3A = arith.constant 2 : i32
      %ge3A_112 = arith.cmpi sge, %scan3A_77, %ge3A : i32
      %convert_element_type3A_113 = arith.extui %ge3A_112 : i1 to i32
      %cond3A_114 = arith.constant 0 : i32
      %cond3A_115 = arith.cmpi ne, %convert_element_type3A_113, %cond3A_114 : i32
      scf.if %cond3A_115 {
        %sub3A = arith.constant 160 : i32
        %sub3A_133 = arith.subi %add3A_83, %sub3A : i32
        %dma_wait3A_134 = arith.constant 0 : i32
        %dma_wait3A_135 = arith.constant 0 : i32
        %dma_wait3A_136 = tpu.memref_slice %arg13[%rem3A_80, %dma_wait3A_134, %dma_wait3A_135] : memref<2x80x8xf32, #tpu.memory_space<vmem>> -> memref<1x80x8xf32, #tpu.memory_space<vmem>>
        %dma_wait3A_137 = tpu.memref_squeeze %dma_wait3A_136 : memref<1x80x8xf32, #tpu.memory_space<vmem>> -> memref<80x8xf32, #tpu.memory_space<vmem>>
        %dma_wait3A_138 = arith.constant 0 : i32
        %dma_wait3A_139 = tpu.memref_slice %arg7[%sub3A_133, %dma_wait3A_138] : memref<320000x8xf32, #tpu.memory_space<hbm>> -> memref<80x8xf32, #tpu.memory_space<hbm>>
        %dma_wait3A_140 = tpu.memref_slice %arg18[%rem3A_80] : memref<2x!tpu.dma_semaphore, #tpu.memory_space<semaphore_mem>> -> memref<1x!tpu.dma_semaphore, #tpu.memory_space<semaphore_mem>>
        %dma_wait3A_141 = tpu.memref_squeeze %dma_wait3A_140 : memref<1x!tpu.dma_semaphore, #tpu.memory_space<semaphore_mem>> -> memref<!tpu.dma_semaphore, #tpu.memory_space<semaphore_mem>>
        %dma_wait3A_142 = arith.constant 0 : i32
        %dma_wait3A_143 = tpu.memref_slice %arg7[%sub3A_133, %dma_wait3A_142] : memref<320000x8xf32, #tpu.memory_space<hbm>> -> memref<80x8xf32, #tpu.memory_space<hbm>>
        %dma_wait3A_144 = arith.constant 0 : i32
        %dma_wait3A_145 = arith.constant 0 : i32
        %dma_wait3A_146 = tpu.memref_slice %arg13[%rem3A_80, %dma_wait3A_144, %dma_wait3A_145] : memref<2x80x8xf32, #tpu.memory_space<vmem>> -> memref<1x80x8xf32, #tpu.memory_space<vmem>>
        %dma_wait3A_147 = tpu.memref_squeeze %dma_wait3A_146 : memref<1x80x8xf32, #tpu.memory_space<vmem>> -> memref<80x8xf32, #tpu.memory_space<vmem>>
        tpu.wait_dma2 semaphore(%dma_wait3A_141 : memref<!tpu.dma_semaphore, #tpu.memory_space<semaphore_mem>>) src(%dma_wait3A_147 : memref<80x8xf32, #tpu.memory_space<vmem>>) dst(%dma_wait3A_143 : memref<80x8xf32, #tpu.memory_space<hbm>>)
      } else {
      }
      %parallel_loop3A = arith.constant 0 : i32
      %parallel_loop3A_116 = arith.constant 5 : i32
      %parallel_loop3A_117 = arith.constant 1 : i32
      scf.for %parallel_loop3A_133 = %parallel_loop3A to %parallel_loop3A_116 step %parallel_loop3A_117  : i32 {
        %parallel_loop3A_134 = tpu.iota {dimensions = array<i32: 0>} : vector<16xi32>
        %parallel_loop3A_135 = arith.constant 16 : i32
        %parallel_loop3A_136 = arith.muli %parallel_loop3A_133, %parallel_loop3A_135 : i32
        %parallel_loop3A_137 = vector.broadcast %parallel_loop3A_136 : i32 to vector<16xi32>
        %parallel_loop3A_138 = arith.addi %parallel_loop3A_134, %parallel_loop3A_137 : vector<16xi32>
        %parallel_loop3A_139 = arith.constant 0 : i32
        %parallel_loop3A_140 = vector.broadcast %parallel_loop3A_139 : i32 to vector<16xi32>
        %parallel_loop3A_141 = arith.constant 0 : i32
        %parallel_loop3A_142 = vector.broadcast %parallel_loop3A_141 : i32 to vector<16xi32>
        %parallel_loop3A_143 = arith.addi %parallel_loop3A_140, %parallel_loop3A_142 : vector<16xi32>
        %parallel_loop3A_144 = arith.constant 0 : i32
        %parallel_loop3A_145 = arith.constant 0 : i32
        %parallel_loop3A_146 = tpu.memref_slice %arg11[%rem3A_80, %parallel_loop3A_144, %parallel_loop3A_145] : memref<2x80x16xf32, #tpu.memory_space<vmem>> -> memref<1x80x16xf32, #tpu.memory_space<vmem>>
        %parallel_loop3A_147 = tpu.memref_squeeze %parallel_loop3A_146 : memref<1x80x16xf32, #tpu.memory_space<vmem>> -> memref<80x16xf32, #tpu.memory_space<vmem>>
        %parallel_loop3A_148 = tpu.vector_load_idx %parallel_loop3A_147[%parallel_loop3A_138, %parallel_loop3A_143] : memref<80x16xf32, #tpu.memory_space<vmem>>[vector<16xi32>, vector<16xi32>], vector<16xf32>,
        %parallel_loop3A_149 = arith.constant 0 : i32
        %parallel_loop3A_150 = vector.broadcast %parallel_loop3A_149 : i32 to vector<16xi32>
        %parallel_loop3A_151 = arith.constant 8 : i32
        %parallel_loop3A_152 = vector.broadcast %parallel_loop3A_151 : i32 to vector<16xi32>
        %parallel_loop3A_153 = arith.addi %parallel_loop3A_150, %parallel_loop3A_152 : vector<16xi32>
        %parallel_loop3A_154 = arith.constant 0 : i32
        %parallel_loop3A_155 = arith.constant 0 : i32
        %parallel_loop3A_156 = tpu.memref_slice %arg12[%rem3A_80, %parallel_loop3A_154, %parallel_loop3A_155] : memref<2x80x16xf32, #tpu.memory_space<vmem>> -> memref<1x80x16xf32, #tpu.memory_space<vmem>>
        %parallel_loop3A_157 = tpu.memref_squeeze %parallel_loop3A_156 : memref<1x80x16xf32, #tpu.memory_space<vmem>> -> memref<80x16xf32, #tpu.memory_space<vmem>>
        %parallel_loop3A_158 = tpu.vector_load_idx %parallel_loop3A_157[%parallel_loop3A_138, %parallel_loop3A_153] : memref<80x16xf32, #tpu.memory_space<vmem>>[vector<16xi32>, vector<16xi32>], vector<16xf32>,
        %parallel_loop3A_159 = arith.addf %parallel_loop3A_148, %parallel_loop3A_158 : vector<16xf32>
        %parallel_loop3A_160 = arith.constant 2.000000e-01 : f32
        %parallel_loop3A_161 = vector.broadcast %parallel_loop3A_160 : f32 to vector<16xf32>
        %parallel_loop3A_162 = arith.mulf %parallel_loop3A_161, %parallel_loop3A_159 : vector<16xf32>
        %parallel_loop3A_163 = arith.maximumf %parallel_loop3A_159, %parallel_loop3A_162 : vector<16xf32>
        %parallel_loop3A_164 = arith.constant 0 : i32
        %parallel_loop3A_165 = vector.broadcast %parallel_loop3A_164 : i32 to vector<16xi32>
        %parallel_loop3A_166 = arith.constant 0 : i32
        %parallel_loop3A_167 = vector.broadcast %parallel_loop3A_166 : i32 to vector<16xi32>
        %parallel_loop3A_168 = arith.addi %parallel_loop3A_165, %parallel_loop3A_167 : vector<16xi32>
        %parallel_loop3A_169 = tpu.vector_load_idx %arg14[%parallel_loop3A_168] : memref<16xf32, #tpu.memory_space<vmem>>[vector<16xi32>], vector<16xf32>,
        %parallel_loop3A_170 = arith.subf %parallel_loop3A_163, %parallel_loop3A_169 : vector<16xf32>
        %parallel_loop3A_171 = math.exp %parallel_loop3A_170 : vector<16xf32>
        %parallel_loop3A_172 = arith.constant 0 : i32
        %parallel_loop3A_173 = vector.broadcast %parallel_loop3A_172 : i32 to vector<16xi32>
        %parallel_loop3A_174 = arith.constant 0 : i32
        %parallel_loop3A_175 = vector.broadcast %parallel_loop3A_174 : i32 to vector<16xi32>
        %parallel_loop3A_176 = arith.addi %parallel_loop3A_173, %parallel_loop3A_175 : vector<16xi32>
        %parallel_loop3A_177 = arith.constant 0 : i32
        %parallel_loop3A_178 = arith.constant 0 : i32
        %parallel_loop3A_179 = tpu.memref_slice %arg13[%rem3A_80, %parallel_loop3A_177, %parallel_loop3A_178] : memref<2x80x8xf32, #tpu.memory_space<vmem>> -> memref<1x80x8xf32, #tpu.memory_space<vmem>>
        %parallel_loop3A_180 = tpu.memref_squeeze %parallel_loop3A_179 : memref<1x80x8xf32, #tpu.memory_space<vmem>> -> memref<80x8xf32, #tpu.memory_space<vmem>>
        tpu.vector_store_idx %parallel_loop3A_180[%parallel_loop3A_138, %parallel_loop3A_176], %parallel_loop3A_171 : memref<80x8xf32, #tpu.memory_space<vmem>>[vector<16xi32>, vector<16xi32>], vector<16xf32>,
        %parallel_loop3A_181 = arith.constant 0 : i32
        %parallel_loop3A_182 = vector.broadcast %parallel_loop3A_181 : i32 to vector<16xi32>
        %parallel_loop3A_183 = arith.constant 1 : i32
        %parallel_loop3A_184 = vector.broadcast %parallel_loop3A_183 : i32 to vector<16xi32>
        %parallel_loop3A_185 = arith.addi %parallel_loop3A_182, %parallel_loop3A_184 : vector<16xi32>
        %parallel_loop3A_186 = arith.constant 0 : i32
        %parallel_loop3A_187 = arith.constant 0 : i32
        %parallel_loop3A_188 = tpu.memref_slice %arg11[%rem3A_80, %parallel_loop3A_186, %parallel_loop3A_187] : memref<2x80x16xf32, #tpu.memory_space<vmem>> -> memref<1x80x16xf32, #tpu.memory_space<vmem>>
        %parallel_loop3A_189 = tpu.memref_squeeze %parallel_loop3A_188 : memref<1x80x16xf32, #tpu.memory_space<vmem>> -> memref<80x16xf32, #tpu.memory_space<vmem>>
        %parallel_loop3A_190 = tpu.vector_load_idx %parallel_loop3A_189[%parallel_loop3A_138, %parallel_loop3A_185] : memref<80x16xf32, #tpu.memory_space<vmem>>[vector<16xi32>, vector<16xi32>], vector<16xf32>,
        %parallel_loop3A_191 = arith.constant 0 : i32
        %parallel_loop3A_192 = vector.broadcast %parallel_loop3A_191 : i32 to vector<16xi32>
        %parallel_loop3A_193 = arith.constant 9 : i32
        %parallel_loop3A_194 = vector.broadcast %parallel_loop3A_193 : i32 to vector<16xi32>
        %parallel_loop3A_195 = arith.addi %parallel_loop3A_192, %parallel_loop3A_194 : vector<16xi32>
        %parallel_loop3A_196 = arith.constant 0 : i32
        %parallel_loop3A_197 = arith.constant 0 : i32
        %parallel_loop3A_198 = tpu.memref_slice %arg12[%rem3A_80, %parallel_loop3A_196, %parallel_loop3A_197] : memref<2x80x16xf32, #tpu.memory_space<vmem>> -> memref<1x80x16xf32, #tpu.memory_space<vmem>>
        %parallel_loop3A_199 = tpu.memref_squeeze %parallel_loop3A_198 : memref<1x80x16xf32, #tpu.memory_space<vmem>> -> memref<80x16xf32, #tpu.memory_space<vmem>>
        %parallel_loop3A_200 = tpu.vector_load_idx %parallel_loop3A_199[%parallel_loop3A_138, %parallel_loop3A_195] : memref<80x16xf32, #tpu.memory_space<vmem>>[vector<16xi32>, vector<16xi32>], vector<16xf32>,
        %parallel_loop3A_201 = arith.addf %parallel_loop3A_190, %parallel_loop3A_200 : vector<16xf32>
        %parallel_loop3A_202 = arith.constant 2.000000e-01 : f32
        %parallel_loop3A_203 = vector.broadcast %parallel_loop3A_202 : f32 to vector<16xf32>
        %parallel_loop3A_204 = arith.mulf %parallel_loop3A_203, %parallel_loop3A_201 : vector<16xf32>
        %parallel_loop3A_205 = arith.maximumf %parallel_loop3A_201, %parallel_loop3A_204 : vector<16xf32>
        %parallel_loop3A_206 = arith.constant 0 : i32
        %parallel_loop3A_207 = vector.broadcast %parallel_loop3A_206 : i32 to vector<16xi32>
        %parallel_loop3A_208 = arith.constant 1 : i32
        %parallel_loop3A_209 = vector.broadcast %parallel_loop3A_208 : i32 to vector<16xi32>
        %parallel_loop3A_210 = arith.addi %parallel_loop3A_207, %parallel_loop3A_209 : vector<16xi32>
        %parallel_loop3A_211 = tpu.vector_load_idx %arg14[%parallel_loop3A_210] : memref<16xf32, #tpu.memory_space<vmem>>[vector<16xi32>], vector<16xf32>,
        %parallel_loop3A_212 = arith.subf %parallel_loop3A_205, %parallel_loop3A_211 : vector<16xf32>
        %parallel_loop3A_213 = math.exp %parallel_loop3A_212 : vector<16xf32>
        %parallel_loop3A_214 = arith.constant 0 : i32
        %parallel_loop3A_215 = vector.broadcast %parallel_loop3A_214 : i32 to vector<16xi32>
        %parallel_loop3A_216 = arith.constant 1 : i32
        %parallel_loop3A_217 = vector.broadcast %parallel_loop3A_216 : i32 to vector<16xi32>
        %parallel_loop3A_218 = arith.addi %parallel_loop3A_215, %parallel_loop3A_217 : vector<16xi32>
        %parallel_loop3A_219 = arith.constant 0 : i32
        %parallel_loop3A_220 = arith.constant 0 : i32
        %parallel_loop3A_221 = tpu.memref_slice %arg13[%rem3A_80, %parallel_loop3A_219, %parallel_loop3A_220] : memref<2x80x8xf32, #tpu.memory_space<vmem>> -> memref<1x80x8xf32, #tpu.memory_space<vmem>>
        %parallel_loop3A_222 = tpu.memref_squeeze %parallel_loop3A_221 : memref<1x80x8xf32, #tpu.memory_space<vmem>> -> memref<80x8xf32, #tpu.memory_space<vmem>>
        tpu.vector_store_idx %parallel_loop3A_222[%parallel_loop3A_138, %parallel_loop3A_218], %parallel_loop3A_213 : memref<80x8xf32, #tpu.memory_space<vmem>>[vector<16xi32>, vector<16xi32>], vector<16xf32>,
        %parallel_loop3A_223 = arith.constant 0 : i32
        %parallel_loop3A_224 = vector.broadcast %parallel_loop3A_223 : i32 to vector<16xi32>
        %parallel_loop3A_225 = arith.constant 2 : i32
        %parallel_loop3A_226 = vector.broadcast %parallel_loop3A_225 : i32 to vector<16xi32>
        %parallel_loop3A_227 = arith.addi %parallel_loop3A_224, %parallel_loop3A_226 : vector<16xi32>
        %parallel_loop3A_228 = arith.constant 0 : i32
        %parallel_loop3A_229 = arith.constant 0 : i32
        %parallel_loop3A_230 = tpu.memref_slice %arg11[%rem3A_80, %parallel_loop3A_228, %parallel_loop3A_229] : memref<2x80x16xf32, #tpu.memory_space<vmem>> -> memref<1x80x16xf32, #tpu.memory_space<vmem>>
        %parallel_loop3A_231 = tpu.memref_squeeze %parallel_loop3A_230 : memref<1x80x16xf32, #tpu.memory_space<vmem>> -> memref<80x16xf32, #tpu.memory_space<vmem>>
        %parallel_loop3A_232 = tpu.vector_load_idx %parallel_loop3A_231[%parallel_loop3A_138, %parallel_loop3A_227] : memref<80x16xf32, #tpu.memory_space<vmem>>[vector<16xi32>, vector<16xi32>], vector<16xf32>,
        %parallel_loop3A_233 = arith.constant 0 : i32
        %parallel_loop3A_234 = vector.broadcast %parallel_loop3A_233 : i32 to vector<16xi32>
        %parallel_loop3A_235 = arith.constant 10 : i32
        %parallel_loop3A_236 = vector.broadcast %parallel_loop3A_235 : i32 to vector<16xi32>
        %parallel_loop3A_237 = arith.addi %parallel_loop3A_234, %parallel_loop3A_236 : vector<16xi32>
        %parallel_loop3A_238 = arith.constant 0 : i32
        %parallel_loop3A_239 = arith.constant 0 : i32
        %parallel_loop3A_240 = tpu.memref_slice %arg12[%rem3A_80, %parallel_loop3A_238, %parallel_loop3A_239] : memref<2x80x16xf32, #tpu.memory_space<vmem>> -> memref<1x80x16xf32, #tpu.memory_space<vmem>>
        %parallel_loop3A_241 = tpu.memref_squeeze %parallel_loop3A_240 : memref<1x80x16xf32, #tpu.memory_space<vmem>> -> memref<80x16xf32, #tpu.memory_space<vmem>>
        %parallel_loop3A_242 = tpu.vector_load_idx %parallel_loop3A_241[%parallel_loop3A_138, %parallel_loop3A_237] : memref<80x16xf32, #tpu.memory_space<vmem>>[vector<16xi32>, vector<16xi32>], vector<16xf32>,
        %parallel_loop3A_243 = arith.addf %parallel_loop3A_232, %parallel_loop3A_242 : vector<16xf32>
        %parallel_loop3A_244 = arith.constant 2.000000e-01 : f32
        %parallel_loop3A_245 = vector.broadcast %parallel_loop3A_244 : f32 to vector<16xf32>
        %parallel_loop3A_246 = arith.mulf %parallel_loop3A_245, %parallel_loop3A_243 : vector<16xf32>
        %parallel_loop3A_247 = arith.maximumf %parallel_loop3A_243, %parallel_loop3A_246 : vector<16xf32>
        %parallel_loop3A_248 = arith.constant 0 : i32
        %parallel_loop3A_249 = vector.broadcast %parallel_loop3A_248 : i32 to vector<16xi32>
        %parallel_loop3A_250 = arith.constant 2 : i32
        %parallel_loop3A_251 = vector.broadcast %parallel_loop3A_250 : i32 to vector<16xi32>
        %parallel_loop3A_252 = arith.addi %parallel_loop3A_249, %parallel_loop3A_251 : vector<16xi32>
        %parallel_loop3A_253 = tpu.vector_load_idx %arg14[%parallel_loop3A_252] : memref<16xf32, #tpu.memory_space<vmem>>[vector<16xi32>], vector<16xf32>,
        %parallel_loop3A_254 = arith.subf %parallel_loop3A_247, %parallel_loop3A_253 : vector<16xf32>
        %parallel_loop3A_255 = math.exp %parallel_loop3A_254 : vector<16xf32>
        %parallel_loop3A_256 = arith.constant 0 : i32
        %parallel_loop3A_257 = vector.broadcast %parallel_loop3A_256 : i32 to vector<16xi32>
        %parallel_loop3A_258 = arith.constant 2 : i32
        %parallel_loop3A_259 = vector.broadcast %parallel_loop3A_258 : i32 to vector<16xi32>
        %parallel_loop3A_260 = arith.addi %parallel_loop3A_257, %parallel_loop3A_259 : vector<16xi32>
        %parallel_loop3A_261 = arith.constant 0 : i32
        %parallel_loop3A_262 = arith.constant 0 : i32
        %parallel_loop3A_263 = tpu.memref_slice %arg13[%rem3A_80, %parallel_loop3A_261, %parallel_loop3A_262] : memref<2x80x8xf32, #tpu.memory_space<vmem>> -> memref<1x80x8xf32, #tpu.memory_space<vmem>>
        %parallel_loop3A_264 = tpu.memref_squeeze %parallel_loop3A_263 : memref<1x80x8xf32, #tpu.memory_space<vmem>> -> memref<80x8xf32, #tpu.memory_space<vmem>>
        tpu.vector_store_idx %parallel_loop3A_264[%parallel_loop3A_138, %parallel_loop3A_260], %parallel_loop3A_255 : memref<80x8xf32, #tpu.memory_space<vmem>>[vector<16xi32>, vector<16xi32>], vector<16xf32>,
        %parallel_loop3A_265 = arith.constant 0 : i32
        %parallel_loop3A_266 = vector.broadcast %parallel_loop3A_265 : i32 to vector<16xi32>
        %parallel_loop3A_267 = arith.constant 3 : i32
        %parallel_loop3A_268 = vector.broadcast %parallel_loop3A_267 : i32 to vector<16xi32>
        %parallel_loop3A_269 = arith.addi %parallel_loop3A_266, %parallel_loop3A_268 : vector<16xi32>
        %parallel_loop3A_270 = arith.constant 0 : i32
        %parallel_loop3A_271 = arith.constant 0 : i32
        %parallel_loop3A_272 = tpu.memref_slice %arg11[%rem3A_80, %parallel_loop3A_270, %parallel_loop3A_271] : memref<2x80x16xf32, #tpu.memory_space<vmem>> -> memref<1x80x16xf32, #tpu.memory_space<vmem>>
        %parallel_loop3A_273 = tpu.memref_squeeze %parallel_loop3A_272 : memref<1x80x16xf32, #tpu.memory_space<vmem>> -> memref<80x16xf32, #tpu.memory_space<vmem>>
        %parallel_loop3A_274 = tpu.vector_load_idx %parallel_loop3A_273[%parallel_loop3A_138, %parallel_loop3A_269] : memref<80x16xf32, #tpu.memory_space<vmem>>[vector<16xi32>, vector<16xi32>], vector<16xf32>,
        %parallel_loop3A_275 = arith.constant 0 : i32
        %parallel_loop3A_276 = vector.broadcast %parallel_loop3A_275 : i32 to vector<16xi32>
        %parallel_loop3A_277 = arith.constant 11 : i32
        %parallel_loop3A_278 = vector.broadcast %parallel_loop3A_277 : i32 to vector<16xi32>
        %parallel_loop3A_279 = arith.addi %parallel_loop3A_276, %parallel_loop3A_278 : vector<16xi32>
        %parallel_loop3A_280 = arith.constant 0 : i32
        %parallel_loop3A_281 = arith.constant 0 : i32
        %parallel_loop3A_282 = tpu.memref_slice %arg12[%rem3A_80, %parallel_loop3A_280, %parallel_loop3A_281] : memref<2x80x16xf32, #tpu.memory_space<vmem>> -> memref<1x80x16xf32, #tpu.memory_space<vmem>>
        %parallel_loop3A_283 = tpu.memref_squeeze %parallel_loop3A_282 : memref<1x80x16xf32, #tpu.memory_space<vmem>> -> memref<80x16xf32, #tpu.memory_space<vmem>>
        %parallel_loop3A_284 = tpu.vector_load_idx %parallel_loop3A_283[%parallel_loop3A_138, %parallel_loop3A_279] : memref<80x16xf32, #tpu.memory_space<vmem>>[vector<16xi32>, vector<16xi32>], vector<16xf32>,
        %parallel_loop3A_285 = arith.addf %parallel_loop3A_274, %parallel_loop3A_284 : vector<16xf32>
        %parallel_loop3A_286 = arith.constant 2.000000e-01 : f32
        %parallel_loop3A_287 = vector.broadcast %parallel_loop3A_286 : f32 to vector<16xf32>
        %parallel_loop3A_288 = arith.mulf %parallel_loop3A_287, %parallel_loop3A_285 : vector<16xf32>
        %parallel_loop3A_289 = arith.maximumf %parallel_loop3A_285, %parallel_loop3A_288 : vector<16xf32>
        %parallel_loop3A_290 = arith.constant 0 : i32
        %parallel_loop3A_291 = vector.broadcast %parallel_loop3A_290 : i32 to vector<16xi32>
        %parallel_loop3A_292 = arith.constant 3 : i32
        %parallel_loop3A_293 = vector.broadcast %parallel_loop3A_292 : i32 to vector<16xi32>
        %parallel_loop3A_294 = arith.addi %parallel_loop3A_291, %parallel_loop3A_293 : vector<16xi32>
        %parallel_loop3A_295 = tpu.vector_load_idx %arg14[%parallel_loop3A_294] : memref<16xf32, #tpu.memory_space<vmem>>[vector<16xi32>], vector<16xf32>,
        %parallel_loop3A_296 = arith.subf %parallel_loop3A_289, %parallel_loop3A_295 : vector<16xf32>
        %parallel_loop3A_297 = math.exp %parallel_loop3A_296 : vector<16xf32>
        %parallel_loop3A_298 = arith.constant 0 : i32
        %parallel_loop3A_299 = vector.broadcast %parallel_loop3A_298 : i32 to vector<16xi32>
        %parallel_loop3A_300 = arith.constant 3 : i32
        %parallel_loop3A_301 = vector.broadcast %parallel_loop3A_300 : i32 to vector<16xi32>
        %parallel_loop3A_302 = arith.addi %parallel_loop3A_299, %parallel_loop3A_301 : vector<16xi32>
        %parallel_loop3A_303 = arith.constant 0 : i32
        %parallel_loop3A_304 = arith.constant 0 : i32
        %parallel_loop3A_305 = tpu.memref_slice %arg13[%rem3A_80, %parallel_loop3A_303, %parallel_loop3A_304] : memref<2x80x8xf32, #tpu.memory_space<vmem>> -> memref<1x80x8xf32, #tpu.memory_space<vmem>>
        %parallel_loop3A_306 = tpu.memref_squeeze %parallel_loop3A_305 : memref<1x80x8xf32, #tpu.memory_space<vmem>> -> memref<80x8xf32, #tpu.memory_space<vmem>>
        tpu.vector_store_idx %parallel_loop3A_306[%parallel_loop3A_138, %parallel_loop3A_302], %parallel_loop3A_297 : memref<80x8xf32, #tpu.memory_space<vmem>>[vector<16xi32>, vector<16xi32>], vector<16xf32>,
        %parallel_loop3A_307 = arith.constant 0 : i32
        %parallel_loop3A_308 = vector.broadcast %parallel_loop3A_307 : i32 to vector<16xi32>
        %parallel_loop3A_309 = arith.constant 4 : i32
        %parallel_loop3A_310 = vector.broadcast %parallel_loop3A_309 : i32 to vector<16xi32>
        %parallel_loop3A_311 = arith.addi %parallel_loop3A_308, %parallel_loop3A_310 : vector<16xi32>
        %parallel_loop3A_312 = arith.constant 0 : i32
        %parallel_loop3A_313 = arith.constant 0 : i32
        %parallel_loop3A_314 = tpu.memref_slice %arg11[%rem3A_80, %parallel_loop3A_312, %parallel_loop3A_313] : memref<2x80x16xf32, #tpu.memory_space<vmem>> -> memref<1x80x16xf32, #tpu.memory_space<vmem>>
        %parallel_loop3A_315 = tpu.memref_squeeze %parallel_loop3A_314 : memref<1x80x16xf32, #tpu.memory_space<vmem>> -> memref<80x16xf32, #tpu.memory_space<vmem>>
        %parallel_loop3A_316 = tpu.vector_load_idx %parallel_loop3A_315[%parallel_loop3A_138, %parallel_loop3A_311] : memref<80x16xf32, #tpu.memory_space<vmem>>[vector<16xi32>, vector<16xi32>], vector<16xf32>,
        %parallel_loop3A_317 = arith.constant 0 : i32
        %parallel_loop3A_318 = vector.broadcast %parallel_loop3A_317 : i32 to vector<16xi32>
        %parallel_loop3A_319 = arith.constant 12 : i32
        %parallel_loop3A_320 = vector.broadcast %parallel_loop3A_319 : i32 to vector<16xi32>
        %parallel_loop3A_321 = arith.addi %parallel_loop3A_318, %parallel_loop3A_320 : vector<16xi32>
        %parallel_loop3A_322 = arith.constant 0 : i32
        %parallel_loop3A_323 = arith.constant 0 : i32
        %parallel_loop3A_324 = tpu.memref_slice %arg12[%rem3A_80, %parallel_loop3A_322, %parallel_loop3A_323] : memref<2x80x16xf32, #tpu.memory_space<vmem>> -> memref<1x80x16xf32, #tpu.memory_space<vmem>>
        %parallel_loop3A_325 = tpu.memref_squeeze %parallel_loop3A_324 : memref<1x80x16xf32, #tpu.memory_space<vmem>> -> memref<80x16xf32, #tpu.memory_space<vmem>>
        %parallel_loop3A_326 = tpu.vector_load_idx %parallel_loop3A_325[%parallel_loop3A_138, %parallel_loop3A_321] : memref<80x16xf32, #tpu.memory_space<vmem>>[vector<16xi32>, vector<16xi32>], vector<16xf32>,
        %parallel_loop3A_327 = arith.addf %parallel_loop3A_316, %parallel_loop3A_326 : vector<16xf32>
        %parallel_loop3A_328 = arith.constant 2.000000e-01 : f32
        %parallel_loop3A_329 = vector.broadcast %parallel_loop3A_328 : f32 to vector<16xf32>
        %parallel_loop3A_330 = arith.mulf %parallel_loop3A_329, %parallel_loop3A_327 : vector<16xf32>
        %parallel_loop3A_331 = arith.maximumf %parallel_loop3A_327, %parallel_loop3A_330 : vector<16xf32>
        %parallel_loop3A_332 = arith.constant 0 : i32
        %parallel_loop3A_333 = vector.broadcast %parallel_loop3A_332 : i32 to vector<16xi32>
        %parallel_loop3A_334 = arith.constant 4 : i32
        %parallel_loop3A_335 = vector.broadcast %parallel_loop3A_334 : i32 to vector<16xi32>
        %parallel_loop3A_336 = arith.addi %parallel_loop3A_333, %parallel_loop3A_335 : vector<16xi32>
        %parallel_loop3A_337 = tpu.vector_load_idx %arg14[%parallel_loop3A_336] : memref<16xf32, #tpu.memory_space<vmem>>[vector<16xi32>], vector<16xf32>,
        %parallel_loop3A_338 = arith.subf %parallel_loop3A_331, %parallel_loop3A_337 : vector<16xf32>
        %parallel_loop3A_339 = math.exp %parallel_loop3A_338 : vector<16xf32>
        %parallel_loop3A_340 = arith.constant 0 : i32
        %parallel_loop3A_341 = vector.broadcast %parallel_loop3A_340 : i32 to vector<16xi32>
        %parallel_loop3A_342 = arith.constant 4 : i32
        %parallel_loop3A_343 = vector.broadcast %parallel_loop3A_342 : i32 to vector<16xi32>
        %parallel_loop3A_344 = arith.addi %parallel_loop3A_341, %parallel_loop3A_343 : vector<16xi32>
        %parallel_loop3A_345 = arith.constant 0 : i32
        %parallel_loop3A_346 = arith.constant 0 : i32
        %parallel_loop3A_347 = tpu.memref_slice %arg13[%rem3A_80, %parallel_loop3A_345, %parallel_loop3A_346] : memref<2x80x8xf32, #tpu.memory_space<vmem>> -> memref<1x80x8xf32, #tpu.memory_space<vmem>>
        %parallel_loop3A_348 = tpu.memref_squeeze %parallel_loop3A_347 : memref<1x80x8xf32, #tpu.memory_space<vmem>> -> memref<80x8xf32, #tpu.memory_space<vmem>>
        tpu.vector_store_idx %parallel_loop3A_348[%parallel_loop3A_138, %parallel_loop3A_344], %parallel_loop3A_339 : memref<80x8xf32, #tpu.memory_space<vmem>>[vector<16xi32>, vector<16xi32>], vector<16xf32>,
        %parallel_loop3A_349 = arith.constant 0 : i32
        %parallel_loop3A_350 = vector.broadcast %parallel_loop3A_349 : i32 to vector<16xi32>
        %parallel_loop3A_351 = arith.constant 5 : i32
        %parallel_loop3A_352 = vector.broadcast %parallel_loop3A_351 : i32 to vector<16xi32>
        %parallel_loop3A_353 = arith.addi %parallel_loop3A_350, %parallel_loop3A_352 : vector<16xi32>
        %parallel_loop3A_354 = arith.constant 0 : i32
        %parallel_loop3A_355 = arith.constant 0 : i32
        %parallel_loop3A_356 = tpu.memref_slice %arg11[%rem3A_80, %parallel_loop3A_354, %parallel_loop3A_355] : memref<2x80x16xf32, #tpu.memory_space<vmem>> -> memref<1x80x16xf32, #tpu.memory_space<vmem>>
        %parallel_loop3A_357 = tpu.memref_squeeze %parallel_loop3A_356 : memref<1x80x16xf32, #tpu.memory_space<vmem>> -> memref<80x16xf32, #tpu.memory_space<vmem>>
        %parallel_loop3A_358 = tpu.vector_load_idx %parallel_loop3A_357[%parallel_loop3A_138, %parallel_loop3A_353] : memref<80x16xf32, #tpu.memory_space<vmem>>[vector<16xi32>, vector<16xi32>], vector<16xf32>,
        %parallel_loop3A_359 = arith.constant 0 : i32
        %parallel_loop3A_360 = vector.broadcast %parallel_loop3A_359 : i32 to vector<16xi32>
        %parallel_loop3A_361 = arith.constant 13 : i32
        %parallel_loop3A_362 = vector.broadcast %parallel_loop3A_361 : i32 to vector<16xi32>
        %parallel_loop3A_363 = arith.addi %parallel_loop3A_360, %parallel_loop3A_362 : vector<16xi32>
        %parallel_loop3A_364 = arith.constant 0 : i32
        %parallel_loop3A_365 = arith.constant 0 : i32
        %parallel_loop3A_366 = tpu.memref_slice %arg12[%rem3A_80, %parallel_loop3A_364, %parallel_loop3A_365] : memref<2x80x16xf32, #tpu.memory_space<vmem>> -> memref<1x80x16xf32, #tpu.memory_space<vmem>>
        %parallel_loop3A_367 = tpu.memref_squeeze %parallel_loop3A_366 : memref<1x80x16xf32, #tpu.memory_space<vmem>> -> memref<80x16xf32, #tpu.memory_space<vmem>>
        %parallel_loop3A_368 = tpu.vector_load_idx %parallel_loop3A_367[%parallel_loop3A_138, %parallel_loop3A_363] : memref<80x16xf32, #tpu.memory_space<vmem>>[vector<16xi32>, vector<16xi32>], vector<16xf32>,
        %parallel_loop3A_369 = arith.addf %parallel_loop3A_358, %parallel_loop3A_368 : vector<16xf32>
        %parallel_loop3A_370 = arith.constant 2.000000e-01 : f32
        %parallel_loop3A_371 = vector.broadcast %parallel_loop3A_370 : f32 to vector<16xf32>
        %parallel_loop3A_372 = arith.mulf %parallel_loop3A_371, %parallel_loop3A_369 : vector<16xf32>
        %parallel_loop3A_373 = arith.maximumf %parallel_loop3A_369, %parallel_loop3A_372 : vector<16xf32>
        %parallel_loop3A_374 = arith.constant 0 : i32
        %parallel_loop3A_375 = vector.broadcast %parallel_loop3A_374 : i32 to vector<16xi32>
        %parallel_loop3A_376 = arith.constant 5 : i32
        %parallel_loop3A_377 = vector.broadcast %parallel_loop3A_376 : i32 to vector<16xi32>
        %parallel_loop3A_378 = arith.addi %parallel_loop3A_375, %parallel_loop3A_377 : vector<16xi32>
        %parallel_loop3A_379 = tpu.vector_load_idx %arg14[%parallel_loop3A_378] : memref<16xf32, #tpu.memory_space<vmem>>[vector<16xi32>], vector<16xf32>,
        %parallel_loop3A_380 = arith.subf %parallel_loop3A_373, %parallel_loop3A_379 : vector<16xf32>
        %parallel_loop3A_381 = math.exp %parallel_loop3A_380 : vector<16xf32>
        %parallel_loop3A_382 = arith.constant 0 : i32
        %parallel_loop3A_383 = vector.broadcast %parallel_loop3A_382 : i32 to vector<16xi32>
        %parallel_loop3A_384 = arith.constant 5 : i32
        %parallel_loop3A_385 = vector.broadcast %parallel_loop3A_384 : i32 to vector<16xi32>
        %parallel_loop3A_386 = arith.addi %parallel_loop3A_383, %parallel_loop3A_385 : vector<16xi32>
        %parallel_loop3A_387 = arith.constant 0 : i32
        %parallel_loop3A_388 = arith.constant 0 : i32
        %parallel_loop3A_389 = tpu.memref_slice %arg13[%rem3A_80, %parallel_loop3A_387, %parallel_loop3A_388] : memref<2x80x8xf32, #tpu.memory_space<vmem>> -> memref<1x80x8xf32, #tpu.memory_space<vmem>>
        %parallel_loop3A_390 = tpu.memref_squeeze %parallel_loop3A_389 : memref<1x80x8xf32, #tpu.memory_space<vmem>> -> memref<80x8xf32, #tpu.memory_space<vmem>>
        tpu.vector_store_idx %parallel_loop3A_390[%parallel_loop3A_138, %parallel_loop3A_386], %parallel_loop3A_381 : memref<80x8xf32, #tpu.memory_space<vmem>>[vector<16xi32>, vector<16xi32>], vector<16xf32>,
        %parallel_loop3A_391 = arith.constant 0 : i32
        %parallel_loop3A_392 = vector.broadcast %parallel_loop3A_391 : i32 to vector<16xi32>
        %parallel_loop3A_393 = arith.constant 6 : i32
        %parallel_loop3A_394 = vector.broadcast %parallel_loop3A_393 : i32 to vector<16xi32>
        %parallel_loop3A_395 = arith.addi %parallel_loop3A_392, %parallel_loop3A_394 : vector<16xi32>
        %parallel_loop3A_396 = arith.constant 0 : i32
        %parallel_loop3A_397 = arith.constant 0 : i32
        %parallel_loop3A_398 = tpu.memref_slice %arg11[%rem3A_80, %parallel_loop3A_396, %parallel_loop3A_397] : memref<2x80x16xf32, #tpu.memory_space<vmem>> -> memref<1x80x16xf32, #tpu.memory_space<vmem>>
        %parallel_loop3A_399 = tpu.memref_squeeze %parallel_loop3A_398 : memref<1x80x16xf32, #tpu.memory_space<vmem>> -> memref<80x16xf32, #tpu.memory_space<vmem>>
        %parallel_loop3A_400 = tpu.vector_load_idx %parallel_loop3A_399[%parallel_loop3A_138, %parallel_loop3A_395] : memref<80x16xf32, #tpu.memory_space<vmem>>[vector<16xi32>, vector<16xi32>], vector<16xf32>,
        %parallel_loop3A_401 = arith.constant 0 : i32
        %parallel_loop3A_402 = vector.broadcast %parallel_loop3A_401 : i32 to vector<16xi32>
        %parallel_loop3A_403 = arith.constant 14 : i32
        %parallel_loop3A_404 = vector.broadcast %parallel_loop3A_403 : i32 to vector<16xi32>
        %parallel_loop3A_405 = arith.addi %parallel_loop3A_402, %parallel_loop3A_404 : vector<16xi32>
        %parallel_loop3A_406 = arith.constant 0 : i32
        %parallel_loop3A_407 = arith.constant 0 : i32
        %parallel_loop3A_408 = tpu.memref_slice %arg12[%rem3A_80, %parallel_loop3A_406, %parallel_loop3A_407] : memref<2x80x16xf32, #tpu.memory_space<vmem>> -> memref<1x80x16xf32, #tpu.memory_space<vmem>>
        %parallel_loop3A_409 = tpu.memref_squeeze %parallel_loop3A_408 : memref<1x80x16xf32, #tpu.memory_space<vmem>> -> memref<80x16xf32, #tpu.memory_space<vmem>>
        %parallel_loop3A_410 = tpu.vector_load_idx %parallel_loop3A_409[%parallel_loop3A_138, %parallel_loop3A_405] : memref<80x16xf32, #tpu.memory_space<vmem>>[vector<16xi32>, vector<16xi32>], vector<16xf32>,
        %parallel_loop3A_411 = arith.addf %parallel_loop3A_400, %parallel_loop3A_410 : vector<16xf32>
        %parallel_loop3A_412 = arith.constant 2.000000e-01 : f32
        %parallel_loop3A_413 = vector.broadcast %parallel_loop3A_412 : f32 to vector<16xf32>
        %parallel_loop3A_414 = arith.mulf %parallel_loop3A_413, %parallel_loop3A_411 : vector<16xf32>
        %parallel_loop3A_415 = arith.maximumf %parallel_loop3A_411, %parallel_loop3A_414 : vector<16xf32>
        %parallel_loop3A_416 = arith.constant 0 : i32
        %parallel_loop3A_417 = vector.broadcast %parallel_loop3A_416 : i32 to vector<16xi32>
        %parallel_loop3A_418 = arith.constant 6 : i32
        %parallel_loop3A_419 = vector.broadcast %parallel_loop3A_418 : i32 to vector<16xi32>
        %parallel_loop3A_420 = arith.addi %parallel_loop3A_417, %parallel_loop3A_419 : vector<16xi32>
        %parallel_loop3A_421 = tpu.vector_load_idx %arg14[%parallel_loop3A_420] : memref<16xf32, #tpu.memory_space<vmem>>[vector<16xi32>], vector<16xf32>,
        %parallel_loop3A_422 = arith.subf %parallel_loop3A_415, %parallel_loop3A_421 : vector<16xf32>
        %parallel_loop3A_423 = math.exp %parallel_loop3A_422 : vector<16xf32>
        %parallel_loop3A_424 = arith.constant 0 : i32
        %parallel_loop3A_425 = vector.broadcast %parallel_loop3A_424 : i32 to vector<16xi32>
        %parallel_loop3A_426 = arith.constant 6 : i32
        %parallel_loop3A_427 = vector.broadcast %parallel_loop3A_426 : i32 to vector<16xi32>
        %parallel_loop3A_428 = arith.addi %parallel_loop3A_425, %parallel_loop3A_427 : vector<16xi32>
        %parallel_loop3A_429 = arith.constant 0 : i32
        %parallel_loop3A_430 = arith.constant 0 : i32
        %parallel_loop3A_431 = tpu.memref_slice %arg13[%rem3A_80, %parallel_loop3A_429, %parallel_loop3A_430] : memref<2x80x8xf32, #tpu.memory_space<vmem>> -> memref<1x80x8xf32, #tpu.memory_space<vmem>>
        %parallel_loop3A_432 = tpu.memref_squeeze %parallel_loop3A_431 : memref<1x80x8xf32, #tpu.memory_space<vmem>> -> memref<80x8xf32, #tpu.memory_space<vmem>>
        tpu.vector_store_idx %parallel_loop3A_432[%parallel_loop3A_138, %parallel_loop3A_428], %parallel_loop3A_423 : memref<80x8xf32, #tpu.memory_space<vmem>>[vector<16xi32>, vector<16xi32>], vector<16xf32>,
        %parallel_loop3A_433 = arith.constant 0 : i32
        %parallel_loop3A_434 = vector.broadcast %parallel_loop3A_433 : i32 to vector<16xi32>
        %parallel_loop3A_435 = arith.constant 7 : i32
        %parallel_loop3A_436 = vector.broadcast %parallel_loop3A_435 : i32 to vector<16xi32>
        %parallel_loop3A_437 = arith.addi %parallel_loop3A_434, %parallel_loop3A_436 : vector<16xi32>
        %parallel_loop3A_438 = arith.constant 0 : i32
        %parallel_loop3A_439 = arith.constant 0 : i32
        %parallel_loop3A_440 = tpu.memref_slice %arg11[%rem3A_80, %parallel_loop3A_438, %parallel_loop3A_439] : memref<2x80x16xf32, #tpu.memory_space<vmem>> -> memref<1x80x16xf32, #tpu.memory_space<vmem>>
        %parallel_loop3A_441 = tpu.memref_squeeze %parallel_loop3A_440 : memref<1x80x16xf32, #tpu.memory_space<vmem>> -> memref<80x16xf32, #tpu.memory_space<vmem>>
        %parallel_loop3A_442 = tpu.vector_load_idx %parallel_loop3A_441[%parallel_loop3A_138, %parallel_loop3A_437] : memref<80x16xf32, #tpu.memory_space<vmem>>[vector<16xi32>, vector<16xi32>], vector<16xf32>,
        %parallel_loop3A_443 = arith.constant 0 : i32
        %parallel_loop3A_444 = vector.broadcast %parallel_loop3A_443 : i32 to vector<16xi32>
        %parallel_loop3A_445 = arith.constant 15 : i32
        %parallel_loop3A_446 = vector.broadcast %parallel_loop3A_445 : i32 to vector<16xi32>
        %parallel_loop3A_447 = arith.addi %parallel_loop3A_444, %parallel_loop3A_446 : vector<16xi32>
        %parallel_loop3A_448 = arith.constant 0 : i32
        %parallel_loop3A_449 = arith.constant 0 : i32
        %parallel_loop3A_450 = tpu.memref_slice %arg12[%rem3A_80, %parallel_loop3A_448, %parallel_loop3A_449] : memref<2x80x16xf32, #tpu.memory_space<vmem>> -> memref<1x80x16xf32, #tpu.memory_space<vmem>>
        %parallel_loop3A_451 = tpu.memref_squeeze %parallel_loop3A_450 : memref<1x80x16xf32, #tpu.memory_space<vmem>> -> memref<80x16xf32, #tpu.memory_space<vmem>>
        %parallel_loop3A_452 = tpu.vector_load_idx %parallel_loop3A_451[%parallel_loop3A_138, %parallel_loop3A_447] : memref<80x16xf32, #tpu.memory_space<vmem>>[vector<16xi32>, vector<16xi32>], vector<16xf32>,
        %parallel_loop3A_453 = arith.addf %parallel_loop3A_442, %parallel_loop3A_452 : vector<16xf32>
        %parallel_loop3A_454 = arith.constant 2.000000e-01 : f32
        %parallel_loop3A_455 = vector.broadcast %parallel_loop3A_454 : f32 to vector<16xf32>
        %parallel_loop3A_456 = arith.mulf %parallel_loop3A_455, %parallel_loop3A_453 : vector<16xf32>
        %parallel_loop3A_457 = arith.maximumf %parallel_loop3A_453, %parallel_loop3A_456 : vector<16xf32>
        %parallel_loop3A_458 = arith.constant 0 : i32
        %parallel_loop3A_459 = vector.broadcast %parallel_loop3A_458 : i32 to vector<16xi32>
        %parallel_loop3A_460 = arith.constant 7 : i32
        %parallel_loop3A_461 = vector.broadcast %parallel_loop3A_460 : i32 to vector<16xi32>
        %parallel_loop3A_462 = arith.addi %parallel_loop3A_459, %parallel_loop3A_461 : vector<16xi32>
        %parallel_loop3A_463 = tpu.vector_load_idx %arg14[%parallel_loop3A_462] : memref<16xf32, #tpu.memory_space<vmem>>[vector<16xi32>], vector<16xf32>,
        %parallel_loop3A_464 = arith.subf %parallel_loop3A_457, %parallel_loop3A_463 : vector<16xf32>
        %parallel_loop3A_465 = math.exp %parallel_loop3A_464 : vector<16xf32>
        %parallel_loop3A_466 = arith.constant 0 : i32
        %parallel_loop3A_467 = vector.broadcast %parallel_loop3A_466 : i32 to vector<16xi32>
        %parallel_loop3A_468 = arith.constant 7 : i32
        %parallel_loop3A_469 = vector.broadcast %parallel_loop3A_468 : i32 to vector<16xi32>
        %parallel_loop3A_470 = arith.addi %parallel_loop3A_467, %parallel_loop3A_469 : vector<16xi32>
        %parallel_loop3A_471 = arith.constant 0 : i32
        %parallel_loop3A_472 = arith.constant 0 : i32
        %parallel_loop3A_473 = tpu.memref_slice %arg13[%rem3A_80, %parallel_loop3A_471, %parallel_loop3A_472] : memref<2x80x8xf32, #tpu.memory_space<vmem>> -> memref<1x80x8xf32, #tpu.memory_space<vmem>>
        %parallel_loop3A_474 = tpu.memref_squeeze %parallel_loop3A_473 : memref<1x80x8xf32, #tpu.memory_space<vmem>> -> memref<80x8xf32, #tpu.memory_space<vmem>>
        tpu.vector_store_idx %parallel_loop3A_474[%parallel_loop3A_138, %parallel_loop3A_470], %parallel_loop3A_465 : memref<80x8xf32, #tpu.memory_space<vmem>>[vector<16xi32>, vector<16xi32>], vector<16xf32>,
      } {sc.loop_unroll_factor = 5 : i64, sc.parallel_access}
      %dma_start3A_118 = arith.constant 0 : i32
      %dma_start3A_119 = arith.constant 0 : i32
      %dma_start3A_120 = tpu.memref_slice %arg13[%rem3A_80, %dma_start3A_118, %dma_start3A_119] : memref<2x80x8xf32, #tpu.memory_space<vmem>> -> memref<1x80x8xf32, #tpu.memory_space<vmem>>
      %dma_start3A_121 = tpu.memref_squeeze %dma_start3A_120 : memref<1x80x8xf32, #tpu.memory_space<vmem>> -> memref<80x8xf32, #tpu.memory_space<vmem>>
      %dma_start3A_122 = arith.constant 0 : i32
      %dma_start3A_123 = tpu.memref_slice %arg7[%add3A_83, %dma_start3A_122] : memref<320000x8xf32, #tpu.memory_space<hbm>> -> memref<80x8xf32, #tpu.memory_space<hbm>>
      %dma_start3A_124 = tpu.memref_slice %arg18[%rem3A_80] : memref<2x!tpu.dma_semaphore, #tpu.memory_space<semaphore_mem>> -> memref<1x!tpu.dma_semaphore, #tpu.memory_space<semaphore_mem>>
      %dma_start3A_125 = tpu.memref_squeeze %dma_start3A_124 : memref<1x!tpu.dma_semaphore, #tpu.memory_space<semaphore_mem>> -> memref<!tpu.dma_semaphore, #tpu.memory_space<semaphore_mem>>
      %dma_start3A_126 = arith.constant 0 : i32
      %dma_start3A_127 = tpu.memref_slice %arg7[%add3A_83, %dma_start3A_126] : memref<320000x8xf32, #tpu.memory_space<hbm>> -> memref<80x8xf32, #tpu.memory_space<hbm>>
      %dma_start3A_128 = arith.constant 0 : i32
      %dma_start3A_129 = arith.constant 0 : i32
      %dma_start3A_130 = tpu.memref_slice %arg13[%rem3A_80, %dma_start3A_128, %dma_start3A_129] : memref<2x80x8xf32, #tpu.memory_space<vmem>> -> memref<1x80x8xf32, #tpu.memory_space<vmem>>
      %dma_start3A_131 = tpu.memref_squeeze %dma_start3A_130 : memref<1x80x8xf32, #tpu.memory_space<vmem>> -> memref<80x8xf32, #tpu.memory_space<vmem>>
      tpu.enqueue_dma source(%dma_start3A_131 : memref<80x8xf32, #tpu.memory_space<vmem>>) target(%dma_start3A_127 : memref<80x8xf32, #tpu.memory_space<hbm>>) target_semaphore(%dma_start3A_125 : memref<!tpu.dma_semaphore, #tpu.memory_space<semaphore_mem>>)
      "tpu.region"() ({
        %run_scoped3A = tpu.sem_alloc : memref<!tpu.dma_semaphore, #tpu.memory_space<semaphore_mem>>
        %dma_start3A_133 = arith.constant 0 : i32
        %dma_start3A_134 = arith.constant 0 : i32
        %dma_start3A_135 = tpu.memref_slice %arg13[%rem3A_80, %dma_start3A_133, %dma_start3A_134] : memref<2x80x8xf32, #tpu.memory_space<vmem>> -> memref<1x80x8xf32, #tpu.memory_space<vmem>>
        %dma_start3A_136 = tpu.memref_squeeze %dma_start3A_135 : memref<1x80x8xf32, #tpu.memory_space<vmem>> -> memref<80x8xf32, #tpu.memory_space<vmem>>
        %dma_start3A_137 = arith.constant 0 : i32
        %dma_start3A_138 = tpu.memref_slice %arg9[%scan3A_77, %dma_start3A_137] : memref<125x80xi32, #tpu.memory_space<vmem>> -> memref<1x80xi32, #tpu.memory_space<vmem>>
        %dma_start3A_139 = tpu.memref_squeeze %dma_start3A_138 : memref<1x80xi32, #tpu.memory_space<vmem>> -> memref<80xi32, #tpu.memory_space<vmem>>
        %dma_start3A_140 = arith.constant 0 : i32
        %dma_start3A_141 = arith.constant 0 : i32
        %dma_start3A_142 = tpu.memref_slice %arg15[%dma_start3A_140, %dma_start3A_141] : memref<10240x8xf32, #tpu.memory_space<vmem_shared>> -> memref<10240x8xf32, #tpu.memory_space<vmem_shared>>
        tpu.enqueue_indirect_dma source(%dma_start3A_136 : memref<80x8xf32, #tpu.memory_space<vmem>>) target(%dma_start3A_142 : memref<10240x8xf32, #tpu.memory_space<vmem_shared>>) offsets(%dma_start3A_139 : memref<80xi32, #tpu.memory_space<vmem>>) semaphore(%run_scoped3A : memref<!tpu.dma_semaphore, #tpu.memory_space<semaphore_mem>>) {add = true}
        %dma_wait3A_143 = arith.constant 0 : i32
        %dma_wait3A_144 = arith.constant 0 : i32
        %dma_wait3A_145 = tpu.memref_slice %arg13[%rem3A_80, %dma_wait3A_143, %dma_wait3A_144] : memref<2x80x8xf32, #tpu.memory_space<vmem>> -> memref<1x80x8xf32, #tpu.memory_space<vmem>>
        %dma_wait3A_146 = tpu.memref_squeeze %dma_wait3A_145 : memref<1x80x8xf32, #tpu.memory_space<vmem>> -> memref<80x8xf32, #tpu.memory_space<vmem>>
        %dma_wait3A_147 = arith.constant 0 : i32
        %dma_wait3A_148 = tpu.memref_slice %arg9[%scan3A_77, %dma_wait3A_147] : memref<125x80xi32, #tpu.memory_space<vmem>> -> memref<1x80xi32, #tpu.memory_space<vmem>>
        %dma_wait3A_149 = tpu.memref_squeeze %dma_wait3A_148 : memref<1x80xi32, #tpu.memory_space<vmem>> -> memref<80xi32, #tpu.memory_space<vmem>>
        %dma_wait3A_150 = arith.constant 0 : i32
        %dma_wait3A_151 = arith.constant 0 : i32
        %dma_wait3A_152 = tpu.memref_slice %arg15[%dma_wait3A_150, %dma_wait3A_151] : memref<10240x8xf32, #tpu.memory_space<vmem_shared>> -> memref<10240x8xf32, #tpu.memory_space<vmem_shared>>
        tpu.wait_indirect_dma semaphore(%run_scoped3A : memref<!tpu.dma_semaphore, #tpu.memory_space<semaphore_mem>>) src(%dma_wait3A_146 : memref<80x8xf32, #tpu.memory_space<vmem>>) dst(%dma_wait3A_152 : memref<10240x8xf32, #tpu.memory_space<vmem_shared>>)
        tpu.yield
      }) : () -> ()
      %scan3A_132 = arith.constant 0 : i32
      scf.yield %scan3A_132 : i32
    }
    %scan3A_40 = arith.constant 125 : i32
    %add3A_41 = arith.constant 9840 : i32
    %add3A_42 = arith.addi %mul3A_2, %add3A_41 : i32
    %dma_wait3A = arith.constant 1 : i32
    %dma_wait3A_43 = arith.constant 1 : i32
    %dma_wait3A_44 = arith.constant 0 : i32
    %dma_wait3A_45 = arith.constant 0 : i32
    %dma_wait3A_46 = tpu.memref_slice %arg13[%dma_wait3A, %dma_wait3A_44, %dma_wait3A_45] : memref<2x80x8xf32, #tpu.memory_space<vmem>> -> memref<1x80x8xf32, #tpu.memory_space<vmem>>
    %dma_wait3A_47 = tpu.memref_squeeze %dma_wait3A_46 : memref<1x80x8xf32, #tpu.memory_space<vmem>> -> memref<80x8xf32, #tpu.memory_space<vmem>>
    %dma_wait3A_48 = arith.constant 0 : i32
    %dma_wait3A_49 = tpu.memref_slice %arg7[%add3A_42, %dma_wait3A_48] : memref<320000x8xf32, #tpu.memory_space<hbm>> -> memref<80x8xf32, #tpu.memory_space<hbm>>
    %dma_wait3A_50 = tpu.memref_slice %arg18[%dma_wait3A_43] : memref<2x!tpu.dma_semaphore, #tpu.memory_space<semaphore_mem>> -> memref<1x!tpu.dma_semaphore, #tpu.memory_space<semaphore_mem>>
    %dma_wait3A_51 = tpu.memref_squeeze %dma_wait3A_50 : memref<1x!tpu.dma_semaphore, #tpu.memory_space<semaphore_mem>> -> memref<!tpu.dma_semaphore, #tpu.memory_space<semaphore_mem>>
    %dma_wait3A_52 = arith.constant 0 : i32
    %dma_wait3A_53 = tpu.memref_slice %arg7[%add3A_42, %dma_wait3A_52] : memref<320000x8xf32, #tpu.memory_space<hbm>> -> memref<80x8xf32, #tpu.memory_space<hbm>>
    %dma_wait3A_54 = arith.constant 0 : i32
    %dma_wait3A_55 = arith.constant 0 : i32
    %dma_wait3A_56 = tpu.memref_slice %arg13[%dma_wait3A, %dma_wait3A_54, %dma_wait3A_55] : memref<2x80x8xf32, #tpu.memory_space<vmem>> -> memref<1x80x8xf32, #tpu.memory_space<vmem>>
    %dma_wait3A_57 = tpu.memref_squeeze %dma_wait3A_56 : memref<1x80x8xf32, #tpu.memory_space<vmem>> -> memref<80x8xf32, #tpu.memory_space<vmem>>
    tpu.wait_dma2 semaphore(%dma_wait3A_51 : memref<!tpu.dma_semaphore, #tpu.memory_space<semaphore_mem>>) src(%dma_wait3A_57 : memref<80x8xf32, #tpu.memory_space<vmem>>) dst(%dma_wait3A_53 : memref<80x8xf32, #tpu.memory_space<hbm>>)
    %add3A_58 = arith.constant 9920 : i32
    %add3A_59 = arith.addi %mul3A_2, %add3A_58 : i32
    %dma_wait3A_60 = arith.constant 0 : i32
    %dma_wait3A_61 = arith.constant 0 : i32
    %dma_wait3A_62 = arith.constant 0 : i32
    %dma_wait3A_63 = arith.constant 0 : i32
    %dma_wait3A_64 = tpu.memref_slice %arg13[%dma_wait3A_60, %dma_wait3A_62, %dma_wait3A_63] : memref<2x80x8xf32, #tpu.memory_space<vmem>> -> memref<1x80x8xf32, #tpu.memory_space<vmem>>
    %dma_wait3A_65 = tpu.memref_squeeze %dma_wait3A_64 : memref<1x80x8xf32, #tpu.memory_space<vmem>> -> memref<80x8xf32, #tpu.memory_space<vmem>>
    %dma_wait3A_66 = arith.constant 0 : i32
    %dma_wait3A_67 = tpu.memref_slice %arg7[%add3A_59, %dma_wait3A_66] : memref<320000x8xf32, #tpu.memory_space<hbm>> -> memref<80x8xf32, #tpu.memory_space<hbm>>
    %dma_wait3A_68 = tpu.memref_slice %arg18[%dma_wait3A_61] : memref<2x!tpu.dma_semaphore, #tpu.memory_space<semaphore_mem>> -> memref<1x!tpu.dma_semaphore, #tpu.memory_space<semaphore_mem>>
    %dma_wait3A_69 = tpu.memref_squeeze %dma_wait3A_68 : memref<1x!tpu.dma_semaphore, #tpu.memory_space<semaphore_mem>> -> memref<!tpu.dma_semaphore, #tpu.memory_space<semaphore_mem>>
    %dma_wait3A_70 = arith.constant 0 : i32
    %dma_wait3A_71 = tpu.memref_slice %arg7[%add3A_59, %dma_wait3A_70] : memref<320000x8xf32, #tpu.memory_space<hbm>> -> memref<80x8xf32, #tpu.memory_space<hbm>>
    %dma_wait3A_72 = arith.constant 0 : i32
    %dma_wait3A_73 = arith.constant 0 : i32
    %dma_wait3A_74 = tpu.memref_slice %arg13[%dma_wait3A_60, %dma_wait3A_72, %dma_wait3A_73] : memref<2x80x8xf32, #tpu.memory_space<vmem>> -> memref<1x80x8xf32, #tpu.memory_space<vmem>>
    %dma_wait3A_75 = tpu.memref_squeeze %dma_wait3A_74 : memref<1x80x8xf32, #tpu.memory_space<vmem>> -> memref<80x8xf32, #tpu.memory_space<vmem>>
    tpu.wait_dma2 semaphore(%dma_wait3A_69 : memref<!tpu.dma_semaphore, #tpu.memory_space<semaphore_mem>>) src(%dma_wait3A_75 : memref<80x8xf32, #tpu.memory_space<vmem>>) dst(%dma_wait3A_71 : memref<80x8xf32, #tpu.memory_space<hbm>>)
    %barrier3A_76 = arith.constant 0 : index
    tpu.barrier barrier_id(%barrier3A_76)
    "tpu.region"() ({
      %run_scoped3A = tpu.sem_alloc : memref<!tpu.dma_semaphore, #tpu.memory_space<semaphore_mem>>
      %dma_start3A_77 = arith.constant 0 : i32
      %dma_start3A_78 = tpu.memref_slice %arg8[%arg0, %mul3A_7, %dma_start3A_77] : memref<2x10240x8xf32, #tpu.memory_space<hbm>> -> memref<1x640x8xf32, #tpu.memory_space<hbm>>
      %dma_start3A_79 = tpu.memref_squeeze %dma_start3A_78 : memref<1x640x8xf32, #tpu.memory_space<hbm>> -> memref<640x8xf32, #tpu.memory_space<hbm>>
      %dma_start3A_80 = arith.constant 0 : i32
      %dma_start3A_81 = tpu.memref_slice %arg15[%mul3A_7, %dma_start3A_80] : memref<10240x8xf32, #tpu.memory_space<vmem_shared>> -> memref<640x8xf32, #tpu.memory_space<vmem_shared>>
      tpu.enqueue_dma source(%dma_start3A_81 : memref<640x8xf32, #tpu.memory_space<vmem_shared>>) target(%dma_start3A_79 : memref<640x8xf32, #tpu.memory_space<hbm>>) target_semaphore(%run_scoped3A : memref<!tpu.dma_semaphore, #tpu.memory_space<semaphore_mem>>)
      %dma_wait3A_82 = arith.constant 0 : i32
      %dma_wait3A_83 = tpu.memref_slice %arg8[%arg0, %mul3A_7, %dma_wait3A_82] : memref<2x10240x8xf32, #tpu.memory_space<hbm>> -> memref<1x640x8xf32, #tpu.memory_space<hbm>>
      %dma_wait3A_84 = tpu.memref_squeeze %dma_wait3A_83 : memref<1x640x8xf32, #tpu.memory_space<hbm>> -> memref<640x8xf32, #tpu.memory_space<hbm>>
      %dma_wait3A_85 = arith.constant 0 : i32
      %dma_wait3A_86 = tpu.memref_slice %arg15[%mul3A_7, %dma_wait3A_85] : memref<10240x8xf32, #tpu.memory_space<vmem_shared>> -> memref<640x8xf32, #tpu.memory_space<vmem_shared>>
      tpu.wait_dma2 semaphore(%run_scoped3A : memref<!tpu.dma_semaphore, #tpu.memory_space<semaphore_mem>>) src(%dma_wait3A_86 : memref<640x8xf32, #tpu.memory_space<vmem_shared>>) dst(%dma_wait3A_84 : memref<640x8xf32, #tpu.memory_space<hbm>>)
      tpu.yield
    }) : () -> ()
    return
  }
}

#map = affine_map<(d0, d1) -> (0, 0, 0)>
#map1 = affine_map<(d0, d1) -> (0, 0)>
module attributes {stable_mosaic.version = 14 : i64} {
  func.func @sc_edge_aggregate_f64(%arg0: i32, %arg1: i32, %arg2: memref<32x125x80xi32, #tpu.memory_space<hbm>>, %arg3: memref<32x125x80xi32, #tpu.memory_space<hbm>>, %arg4: memref<320000x8xf32, #tpu.memory_space<hbm>>, %arg5: memref<10240x16xf32, #tpu.memory_space<hbm>>, %arg6: memref<10000x64xf32, #tpu.memory_space<hbm>>, %arg7: memref<10240x64xf32, #tpu.memory_space<hbm>>, %arg8: memref<2x10240x64xf32, #tpu.memory_space<hbm>>, %arg9: memref<125x80xi32, #tpu.memory_space<vmem>>, %arg10: memref<125x80xi32, #tpu.memory_space<vmem>>, %arg11: memref<2x80x64xf32, #tpu.memory_space<vmem>>, %arg12: memref<2x80x16xf32, #tpu.memory_space<vmem>>, %arg13: memref<2x80x8xf32, #tpu.memory_space<vmem>>, %arg14: memref<80x8xf32, #tpu.memory_space<vmem>>, %arg15: memref<10240x64xf32, #tpu.memory_space<vmem_shared>>, %arg16: memref<2x!tpu.dma_semaphore, #tpu.memory_space<semaphore_mem>>, %arg17: memref<2x!tpu.dma_semaphore, #tpu.memory_space<semaphore_mem>>, %arg18: memref<2x!tpu.dma_semaphore, #tpu.memory_space<semaphore_mem>>) attributes {dimension_semantics = [#tpu.dimension_semantics<core_parallel>, #tpu.dimension_semantics<subcore_parallel>], iteration_bounds = array<i64: 2, 16>, scalar_prefetch = 0 : i64, scratch_operands = 10 : i64, tpu.core_type = #tpu.core_type<sc_vector_subcore>, window_params = [{transform_indices = #map}, {transform_indices = #map}, {transform_indices = #map1}, {transform_indices = #map1}, {transform_indices = #map1}, {transform_indices = #map1}, {transform_indices = #map}]} {
    %mul3A = arith.constant 2 : i32
    %mul3A_0 = arith.muli %arg1, %mul3A : i32
    %add3A = arith.addi %mul3A_0, %arg0 : i32
    %mul3A_1 = arith.constant 10000 : i32
    %mul3A_2 = arith.muli %add3A, %mul3A_1 : i32
    %mul3A_3 = arith.constant 2 : i32
    %mul3A_4 = arith.muli %arg1, %mul3A_3 : i32
    %add3A_5 = arith.addi %mul3A_4, %arg0 : i32
    %mul3A_6 = arith.constant 640 : i32
    %mul3A_7 = arith.muli %arg1, %mul3A_6 : i32
    "tpu.region"() ({
      %run_scoped3A = tpu.sem_alloc : memref<!tpu.dma_semaphore, #tpu.memory_space<semaphore_mem>>
      %dma_start3A_86 = arith.constant 0 : i32
      %dma_start3A_87 = arith.constant 0 : i32
      %dma_start3A_88 = tpu.memref_slice %arg2[%add3A_5, %dma_start3A_86, %dma_start3A_87] : memref<32x125x80xi32, #tpu.memory_space<hbm>> -> memref<1x125x80xi32, #tpu.memory_space<hbm>>
      %dma_start3A_89 = tpu.memref_squeeze %dma_start3A_88 : memref<1x125x80xi32, #tpu.memory_space<hbm>> -> memref<125x80xi32, #tpu.memory_space<hbm>>
      %dma_start3A_90 = arith.constant 0 : i32
      %dma_start3A_91 = arith.constant 0 : i32
      %dma_start3A_92 = tpu.memref_slice %arg2[%add3A_5, %dma_start3A_90, %dma_start3A_91] : memref<32x125x80xi32, #tpu.memory_space<hbm>> -> memref<1x125x80xi32, #tpu.memory_space<hbm>>
      %dma_start3A_93 = tpu.memref_squeeze %dma_start3A_92 : memref<1x125x80xi32, #tpu.memory_space<hbm>> -> memref<125x80xi32, #tpu.memory_space<hbm>>
      tpu.enqueue_dma source(%dma_start3A_93 : memref<125x80xi32, #tpu.memory_space<hbm>>) target(%arg9 : memref<125x80xi32, #tpu.memory_space<vmem>>) target_semaphore(%run_scoped3A : memref<!tpu.dma_semaphore, #tpu.memory_space<semaphore_mem>>)
      %dma_wait3A = arith.constant 0 : i32
      %dma_wait3A_94 = arith.constant 0 : i32
      %dma_wait3A_95 = tpu.memref_slice %arg2[%add3A_5, %dma_wait3A, %dma_wait3A_94] : memref<32x125x80xi32, #tpu.memory_space<hbm>> -> memref<1x125x80xi32, #tpu.memory_space<hbm>>
      %dma_wait3A_96 = tpu.memref_squeeze %dma_wait3A_95 : memref<1x125x80xi32, #tpu.memory_space<hbm>> -> memref<125x80xi32, #tpu.memory_space<hbm>>
      %dma_wait3A_97 = arith.constant 0 : i32
      %dma_wait3A_98 = arith.constant 0 : i32
      %dma_wait3A_99 = tpu.memref_slice %arg2[%add3A_5, %dma_wait3A_97, %dma_wait3A_98] : memref<32x125x80xi32, #tpu.memory_space<hbm>> -> memref<1x125x80xi32, #tpu.memory_space<hbm>>
      %dma_wait3A_100 = tpu.memref_squeeze %dma_wait3A_99 : memref<1x125x80xi32, #tpu.memory_space<hbm>> -> memref<125x80xi32, #tpu.memory_space<hbm>>
      tpu.wait_dma2 semaphore(%run_scoped3A : memref<!tpu.dma_semaphore, #tpu.memory_space<semaphore_mem>>) src(%dma_wait3A_100 : memref<125x80xi32, #tpu.memory_space<hbm>>) dst(%arg9 : memref<125x80xi32, #tpu.memory_space<vmem>>)
      tpu.yield
    }) : () -> ()
    "tpu.region"() ({
      %run_scoped3A = tpu.sem_alloc : memref<!tpu.dma_semaphore, #tpu.memory_space<semaphore_mem>>
      %dma_start3A_86 = arith.constant 0 : i32
      %dma_start3A_87 = arith.constant 0 : i32
      %dma_start3A_88 = tpu.memref_slice %arg3[%add3A_5, %dma_start3A_86, %dma_start3A_87] : memref<32x125x80xi32, #tpu.memory_space<hbm>> -> memref<1x125x80xi32, #tpu.memory_space<hbm>>
      %dma_start3A_89 = tpu.memref_squeeze %dma_start3A_88 : memref<1x125x80xi32, #tpu.memory_space<hbm>> -> memref<125x80xi32, #tpu.memory_space<hbm>>
      %dma_start3A_90 = arith.constant 0 : i32
      %dma_start3A_91 = arith.constant 0 : i32
      %dma_start3A_92 = tpu.memref_slice %arg3[%add3A_5, %dma_start3A_90, %dma_start3A_91] : memref<32x125x80xi32, #tpu.memory_space<hbm>> -> memref<1x125x80xi32, #tpu.memory_space<hbm>>
      %dma_start3A_93 = tpu.memref_squeeze %dma_start3A_92 : memref<1x125x80xi32, #tpu.memory_space<hbm>> -> memref<125x80xi32, #tpu.memory_space<hbm>>
      tpu.enqueue_dma source(%dma_start3A_93 : memref<125x80xi32, #tpu.memory_space<hbm>>) target(%arg10 : memref<125x80xi32, #tpu.memory_space<vmem>>) target_semaphore(%run_scoped3A : memref<!tpu.dma_semaphore, #tpu.memory_space<semaphore_mem>>)
      %dma_wait3A = arith.constant 0 : i32
      %dma_wait3A_94 = arith.constant 0 : i32
      %dma_wait3A_95 = tpu.memref_slice %arg3[%add3A_5, %dma_wait3A, %dma_wait3A_94] : memref<32x125x80xi32, #tpu.memory_space<hbm>> -> memref<1x125x80xi32, #tpu.memory_space<hbm>>
      %dma_wait3A_96 = tpu.memref_squeeze %dma_wait3A_95 : memref<1x125x80xi32, #tpu.memory_space<hbm>> -> memref<125x80xi32, #tpu.memory_space<hbm>>
      %dma_wait3A_97 = arith.constant 0 : i32
      %dma_wait3A_98 = arith.constant 0 : i32
      %dma_wait3A_99 = tpu.memref_slice %arg3[%add3A_5, %dma_wait3A_97, %dma_wait3A_98] : memref<32x125x80xi32, #tpu.memory_space<hbm>> -> memref<1x125x80xi32, #tpu.memory_space<hbm>>
      %dma_wait3A_100 = tpu.memref_squeeze %dma_wait3A_99 : memref<1x125x80xi32, #tpu.memory_space<hbm>> -> memref<125x80xi32, #tpu.memory_space<hbm>>
      tpu.wait_dma2 semaphore(%run_scoped3A : memref<!tpu.dma_semaphore, #tpu.memory_space<semaphore_mem>>) src(%dma_wait3A_100 : memref<125x80xi32, #tpu.memory_space<hbm>>) dst(%arg10 : memref<125x80xi32, #tpu.memory_space<vmem>>)
      tpu.yield
    }) : () -> ()
    "tpu.region"() ({
      %run_scoped3A = tpu.sem_alloc : memref<!tpu.dma_semaphore, #tpu.memory_space<semaphore_mem>>
      %dma_start3A_86 = arith.constant 0 : i32
      %dma_start3A_87 = tpu.memref_slice %arg15[%mul3A_7, %dma_start3A_86] : memref<10240x64xf32, #tpu.memory_space<vmem_shared>> -> memref<640x64xf32, #tpu.memory_space<vmem_shared>>
      %dma_start3A_88 = arith.constant 0 : i32
      %dma_start3A_89 = tpu.memref_slice %arg7[%mul3A_7, %dma_start3A_88] : memref<10240x64xf32, #tpu.memory_space<hbm>> -> memref<640x64xf32, #tpu.memory_space<hbm>>
      tpu.enqueue_dma source(%dma_start3A_89 : memref<640x64xf32, #tpu.memory_space<hbm>>) target(%dma_start3A_87 : memref<640x64xf32, #tpu.memory_space<vmem_shared>>) target_semaphore(%run_scoped3A : memref<!tpu.dma_semaphore, #tpu.memory_space<semaphore_mem>>)
      %dma_wait3A = arith.constant 0 : i32
      %dma_wait3A_90 = tpu.memref_slice %arg15[%mul3A_7, %dma_wait3A] : memref<10240x64xf32, #tpu.memory_space<vmem_shared>> -> memref<640x64xf32, #tpu.memory_space<vmem_shared>>
      %dma_wait3A_91 = arith.constant 0 : i32
      %dma_wait3A_92 = tpu.memref_slice %arg7[%mul3A_7, %dma_wait3A_91] : memref<10240x64xf32, #tpu.memory_space<hbm>> -> memref<640x64xf32, #tpu.memory_space<hbm>>
      tpu.wait_dma2 semaphore(%run_scoped3A : memref<!tpu.dma_semaphore, #tpu.memory_space<semaphore_mem>>) src(%dma_wait3A_92 : memref<640x64xf32, #tpu.memory_space<hbm>>) dst(%dma_wait3A_90 : memref<640x64xf32, #tpu.memory_space<vmem_shared>>)
      tpu.yield
    }) : () -> ()
    %barrier3A = arith.constant 0 : index
    tpu.barrier barrier_id(%barrier3A)
    %iota3A = tpu.iota {dimensions = array<i32: 0>} : vector<16xi32>
    %add3A_8 = arith.constant 0 : i32
    %add3A_9 = vector.broadcast %add3A_8 : i32 to vector<16xi32>
    %add3A_10 = arith.addi %iota3A, %add3A_9 : vector<16xi32>
    %shift_right_logical3A = arith.constant 3 : i32
    %shift_right_logical3A_11 = vector.broadcast %shift_right_logical3A : i32 to vector<16xi32>
    %shift_right_logical3A_12 = arith.shrui %add3A_10, %shift_right_logical3A_11 : vector<16xi32>
    %iota3A_13 = tpu.iota {dimensions = array<i32: 0>} : vector<16xi32>
    %add3A_14 = arith.constant 16 : i32
    %add3A_15 = vector.broadcast %add3A_14 : i32 to vector<16xi32>
    %add3A_16 = arith.addi %iota3A_13, %add3A_15 : vector<16xi32>
    %shift_right_logical3A_17 = arith.constant 3 : i32
    %shift_right_logical3A_18 = vector.broadcast %shift_right_logical3A_17 : i32 to vector<16xi32>
    %shift_right_logical3A_19 = arith.shrui %add3A_16, %shift_right_logical3A_18 : vector<16xi32>
    %iota3A_20 = tpu.iota {dimensions = array<i32: 0>} : vector<16xi32>
    %add3A_21 = arith.constant 32 : i32
    %add3A_22 = vector.broadcast %add3A_21 : i32 to vector<16xi32>
    %add3A_23 = arith.addi %iota3A_20, %add3A_22 : vector<16xi32>
    %shift_right_logical3A_24 = arith.constant 3 : i32
    %shift_right_logical3A_25 = vector.broadcast %shift_right_logical3A_24 : i32 to vector<16xi32>
    %shift_right_logical3A_26 = arith.shrui %add3A_23, %shift_right_logical3A_25 : vector<16xi32>
    %iota3A_27 = tpu.iota {dimensions = array<i32: 0>} : vector<16xi32>
    %add3A_28 = arith.constant 48 : i32
    %add3A_29 = vector.broadcast %add3A_28 : i32 to vector<16xi32>
    %add3A_30 = arith.addi %iota3A_27, %add3A_29 : vector<16xi32>
    %shift_right_logical3A_31 = arith.constant 3 : i32
    %shift_right_logical3A_32 = vector.broadcast %shift_right_logical3A_31 : i32 to vector<16xi32>
    %shift_right_logical3A_33 = arith.shrui %add3A_30, %shift_right_logical3A_32 : vector<16xi32>
    %rem3A = arith.constant 0 : i32
    %rem3A_34 = arith.constant 2 : i32
    %rem3A_35 = arith.remsi %rem3A, %rem3A_34 : i32
    %mul3A_36 = arith.constant 0 : i32
    %mul3A_37 = arith.constant 80 : i32
    %mul3A_38 = arith.muli %mul3A_36, %mul3A_37 : i32
    %add3A_39 = arith.addi %mul3A_2, %mul3A_38 : i32
    %dma_start3A = arith.constant 0 : i32
    %dma_start3A_40 = arith.constant 0 : i32
    %dma_start3A_41 = arith.constant 0 : i32
    %dma_start3A_42 = tpu.memref_slice %arg11[%rem3A_35, %dma_start3A_40, %dma_start3A_41] : memref<2x80x64xf32, #tpu.memory_space<vmem>> -> memref<1x80x64xf32, #tpu.memory_space<vmem>>
    %dma_start3A_43 = tpu.memref_squeeze %dma_start3A_42 : memref<1x80x64xf32, #tpu.memory_space<vmem>> -> memref<80x64xf32, #tpu.memory_space<vmem>>
    %dma_start3A_44 = arith.constant 0 : i32
    %dma_start3A_45 = tpu.memref_slice %arg10[%dma_start3A, %dma_start3A_44] : memref<125x80xi32, #tpu.memory_space<vmem>> -> memref<1x80xi32, #tpu.memory_space<vmem>>
    %dma_start3A_46 = tpu.memref_squeeze %dma_start3A_45 : memref<1x80xi32, #tpu.memory_space<vmem>> -> memref<80xi32, #tpu.memory_space<vmem>>
    %dma_start3A_47 = arith.constant 0 : i32
    %dma_start3A_48 = arith.constant 0 : i32
    %dma_start3A_49 = tpu.memref_slice %arg6[%dma_start3A_47, %dma_start3A_48] : memref<10000x64xf32, #tpu.memory_space<hbm>> -> memref<10000x64xf32, #tpu.memory_space<hbm>>
    %dma_start3A_50 = tpu.memref_slice %arg16[%rem3A_35] : memref<2x!tpu.dma_semaphore, #tpu.memory_space<semaphore_mem>> -> memref<1x!tpu.dma_semaphore, #tpu.memory_space<semaphore_mem>>
    %dma_start3A_51 = tpu.memref_squeeze %dma_start3A_50 : memref<1x!tpu.dma_semaphore, #tpu.memory_space<semaphore_mem>> -> memref<!tpu.dma_semaphore, #tpu.memory_space<semaphore_mem>>
    tpu.enqueue_indirect_dma source(%dma_start3A_49 : memref<10000x64xf32, #tpu.memory_space<hbm>>) target(%dma_start3A_43 : memref<80x64xf32, #tpu.memory_space<vmem>>) offsets(%dma_start3A_46 : memref<80xi32, #tpu.memory_space<vmem>>) semaphore(%dma_start3A_51 : memref<!tpu.dma_semaphore, #tpu.memory_space<semaphore_mem>>)
    %dma_start3A_52 = arith.constant 0 : i32
    %dma_start3A_53 = arith.constant 0 : i32
    %dma_start3A_54 = arith.constant 0 : i32
    %dma_start3A_55 = tpu.memref_slice %arg12[%rem3A_35, %dma_start3A_53, %dma_start3A_54] : memref<2x80x16xf32, #tpu.memory_space<vmem>> -> memref<1x80x16xf32, #tpu.memory_space<vmem>>
    %dma_start3A_56 = tpu.memref_squeeze %dma_start3A_55 : memref<1x80x16xf32, #tpu.memory_space<vmem>> -> memref<80x16xf32, #tpu.memory_space<vmem>>
    %dma_start3A_57 = arith.constant 0 : i32
    %dma_start3A_58 = tpu.memref_slice %arg9[%dma_start3A_52, %dma_start3A_57] : memref<125x80xi32, #tpu.memory_space<vmem>> -> memref<1x80xi32, #tpu.memory_space<vmem>>
    %dma_start3A_59 = tpu.memref_squeeze %dma_start3A_58 : memref<1x80xi32, #tpu.memory_space<vmem>> -> memref<80xi32, #tpu.memory_space<vmem>>
    %dma_start3A_60 = arith.constant 0 : i32
    %dma_start3A_61 = arith.constant 0 : i32
    %dma_start3A_62 = tpu.memref_slice %arg5[%dma_start3A_60, %dma_start3A_61] : memref<10240x16xf32, #tpu.memory_space<hbm>> -> memref<10240x16xf32, #tpu.memory_space<hbm>>
    %dma_start3A_63 = tpu.memref_slice %arg17[%rem3A_35] : memref<2x!tpu.dma_semaphore, #tpu.memory_space<semaphore_mem>> -> memref<1x!tpu.dma_semaphore, #tpu.memory_space<semaphore_mem>>
    %dma_start3A_64 = tpu.memref_squeeze %dma_start3A_63 : memref<1x!tpu.dma_semaphore, #tpu.memory_space<semaphore_mem>> -> memref<!tpu.dma_semaphore, #tpu.memory_space<semaphore_mem>>
    tpu.enqueue_indirect_dma source(%dma_start3A_62 : memref<10240x16xf32, #tpu.memory_space<hbm>>) target(%dma_start3A_56 : memref<80x16xf32, #tpu.memory_space<vmem>>) offsets(%dma_start3A_59 : memref<80xi32, #tpu.memory_space<vmem>>) semaphore(%dma_start3A_64 : memref<!tpu.dma_semaphore, #tpu.memory_space<semaphore_mem>>)
    %dma_start3A_65 = arith.constant 0 : i32
    %dma_start3A_66 = arith.constant 0 : i32
    %dma_start3A_67 = tpu.memref_slice %arg13[%rem3A_35, %dma_start3A_65, %dma_start3A_66] : memref<2x80x8xf32, #tpu.memory_space<vmem>> -> memref<1x80x8xf32, #tpu.memory_space<vmem>>
    %dma_start3A_68 = tpu.memref_squeeze %dma_start3A_67 : memref<1x80x8xf32, #tpu.memory_space<vmem>> -> memref<80x8xf32, #tpu.memory_space<vmem>>
    %dma_start3A_69 = arith.constant 0 : i32
    %dma_start3A_70 = tpu.memref_slice %arg4[%add3A_39, %dma_start3A_69] : memref<320000x8xf32, #tpu.memory_space<hbm>> -> memref<80x8xf32, #tpu.memory_space<hbm>>
    %dma_start3A_71 = tpu.memref_slice %arg18[%rem3A_35] : memref<2x!tpu.dma_semaphore, #tpu.memory_space<semaphore_mem>> -> memref<1x!tpu.dma_semaphore, #tpu.memory_space<semaphore_mem>>
    %dma_start3A_72 = tpu.memref_squeeze %dma_start3A_71 : memref<1x!tpu.dma_semaphore, #tpu.memory_space<semaphore_mem>> -> memref<!tpu.dma_semaphore, #tpu.memory_space<semaphore_mem>>
    %dma_start3A_73 = arith.constant 0 : i32
    %dma_start3A_74 = arith.constant 0 : i32
    %dma_start3A_75 = tpu.memref_slice %arg13[%rem3A_35, %dma_start3A_73, %dma_start3A_74] : memref<2x80x8xf32, #tpu.memory_space<vmem>> -> memref<1x80x8xf32, #tpu.memory_space<vmem>>
    %dma_start3A_76 = tpu.memref_squeeze %dma_start3A_75 : memref<1x80x8xf32, #tpu.memory_space<vmem>> -> memref<80x8xf32, #tpu.memory_space<vmem>>
    %dma_start3A_77 = arith.constant 0 : i32
    %dma_start3A_78 = tpu.memref_slice %arg4[%add3A_39, %dma_start3A_77] : memref<320000x8xf32, #tpu.memory_space<hbm>> -> memref<80x8xf32, #tpu.memory_space<hbm>>
    tpu.enqueue_dma source(%dma_start3A_78 : memref<80x8xf32, #tpu.memory_space<hbm>>) target(%dma_start3A_76 : memref<80x8xf32, #tpu.memory_space<vmem>>) target_semaphore(%dma_start3A_72 : memref<!tpu.dma_semaphore, #tpu.memory_space<semaphore_mem>>)
    %scan3A = arith.constant 0 : i32
    %scan3A_79 = arith.constant 0 : i32
    %scan3A_80 = arith.constant 125 : i32
    %scan3A_81 = arith.addi %scan3A_79, %scan3A_80 : i32
    %scan3A_82 = arith.constant 1 : i32
    %scan3A_83 = scf.for %scan3A_86 = %scan3A_79 to %scan3A_81 step %scan3A_82 iter_args(%scan3A_87 = %scan3A) -> (i32)  : i32 {
      %rem3A_88 = arith.constant 2 : i32
      %rem3A_89 = arith.remsi %scan3A_86, %rem3A_88 : i32
      %mul3A_90 = arith.constant 80 : i32
      %mul3A_91 = arith.muli %scan3A_86, %mul3A_90 : i32
      %add3A_92 = arith.addi %mul3A_2, %mul3A_91 : i32
      %add3A_93 = arith.constant 1 : i32
      %add3A_94 = arith.addi %scan3A_86, %add3A_93 : i32
      %lt3A = arith.constant 125 : i32
      %lt3A_95 = arith.cmpi slt, %add3A_94, %lt3A : i32
      %convert_element_type3A = arith.extui %lt3A_95 : i1 to i32
      %cond3A = arith.constant 0 : i32
      %cond3A_96 = arith.cmpi ne, %convert_element_type3A, %cond3A : i32
      scf.if %cond3A_96 {
        %add3A_140 = arith.constant 1 : i32
        %add3A_141 = arith.addi %scan3A_86, %add3A_140 : i32
        %rem3A_142 = arith.constant 2 : i32
        %rem3A_143 = arith.remsi %add3A_141, %rem3A_142 : i32
        %mul3A_144 = arith.constant 80 : i32
        %mul3A_145 = arith.muli %add3A_141, %mul3A_144 : i32
        %add3A_146 = arith.addi %mul3A_2, %mul3A_145 : i32
        %dma_start3A_147 = arith.constant 0 : i32
        %dma_start3A_148 = arith.constant 0 : i32
        %dma_start3A_149 = tpu.memref_slice %arg11[%rem3A_143, %dma_start3A_147, %dma_start3A_148] : memref<2x80x64xf32, #tpu.memory_space<vmem>> -> memref<1x80x64xf32, #tpu.memory_space<vmem>>
        %dma_start3A_150 = tpu.memref_squeeze %dma_start3A_149 : memref<1x80x64xf32, #tpu.memory_space<vmem>> -> memref<80x64xf32, #tpu.memory_space<vmem>>
        %dma_start3A_151 = arith.constant 0 : i32
        %dma_start3A_152 = tpu.memref_slice %arg10[%add3A_141, %dma_start3A_151] : memref<125x80xi32, #tpu.memory_space<vmem>> -> memref<1x80xi32, #tpu.memory_space<vmem>>
        %dma_start3A_153 = tpu.memref_squeeze %dma_start3A_152 : memref<1x80xi32, #tpu.memory_space<vmem>> -> memref<80xi32, #tpu.memory_space<vmem>>
        %dma_start3A_154 = arith.constant 0 : i32
        %dma_start3A_155 = arith.constant 0 : i32
        %dma_start3A_156 = tpu.memref_slice %arg6[%dma_start3A_154, %dma_start3A_155] : memref<10000x64xf32, #tpu.memory_space<hbm>> -> memref<10000x64xf32, #tpu.memory_space<hbm>>
        %dma_start3A_157 = tpu.memref_slice %arg16[%rem3A_143] : memref<2x!tpu.dma_semaphore, #tpu.memory_space<semaphore_mem>> -> memref<1x!tpu.dma_semaphore, #tpu.memory_space<semaphore_mem>>
        %dma_start3A_158 = tpu.memref_squeeze %dma_start3A_157 : memref<1x!tpu.dma_semaphore, #tpu.memory_space<semaphore_mem>> -> memref<!tpu.dma_semaphore, #tpu.memory_space<semaphore_mem>>
        tpu.enqueue_indirect_dma source(%dma_start3A_156 : memref<10000x64xf32, #tpu.memory_space<hbm>>) target(%dma_start3A_150 : memref<80x64xf32, #tpu.memory_space<vmem>>) offsets(%dma_start3A_153 : memref<80xi32, #tpu.memory_space<vmem>>) semaphore(%dma_start3A_158 : memref<!tpu.dma_semaphore, #tpu.memory_space<semaphore_mem>>)
        %dma_start3A_159 = arith.constant 0 : i32
        %dma_start3A_160 = arith.constant 0 : i32
        %dma_start3A_161 = tpu.memref_slice %arg12[%rem3A_143, %dma_start3A_159, %dma_start3A_160] : memref<2x80x16xf32, #tpu.memory_space<vmem>> -> memref<1x80x16xf32, #tpu.memory_space<vmem>>
        %dma_start3A_162 = tpu.memref_squeeze %dma_start3A_161 : memref<1x80x16xf32, #tpu.memory_space<vmem>> -> memref<80x16xf32, #tpu.memory_space<vmem>>
        %dma_start3A_163 = arith.constant 0 : i32
        %dma_start3A_164 = tpu.memref_slice %arg9[%add3A_141, %dma_start3A_163] : memref<125x80xi32, #tpu.memory_space<vmem>> -> memref<1x80xi32, #tpu.memory_space<vmem>>
        %dma_start3A_165 = tpu.memref_squeeze %dma_start3A_164 : memref<1x80xi32, #tpu.memory_space<vmem>> -> memref<80xi32, #tpu.memory_space<vmem>>
        %dma_start3A_166 = arith.constant 0 : i32
        %dma_start3A_167 = arith.constant 0 : i32
        %dma_start3A_168 = tpu.memref_slice %arg5[%dma_start3A_166, %dma_start3A_167] : memref<10240x16xf32, #tpu.memory_space<hbm>> -> memref<10240x16xf32, #tpu.memory_space<hbm>>
        %dma_start3A_169 = tpu.memref_slice %arg17[%rem3A_143] : memref<2x!tpu.dma_semaphore, #tpu.memory_space<semaphore_mem>> -> memref<1x!tpu.dma_semaphore, #tpu.memory_space<semaphore_mem>>
        %dma_start3A_170 = tpu.memref_squeeze %dma_start3A_169 : memref<1x!tpu.dma_semaphore, #tpu.memory_space<semaphore_mem>> -> memref<!tpu.dma_semaphore, #tpu.memory_space<semaphore_mem>>
        tpu.enqueue_indirect_dma source(%dma_start3A_168 : memref<10240x16xf32, #tpu.memory_space<hbm>>) target(%dma_start3A_162 : memref<80x16xf32, #tpu.memory_space<vmem>>) offsets(%dma_start3A_165 : memref<80xi32, #tpu.memory_space<vmem>>) semaphore(%dma_start3A_170 : memref<!tpu.dma_semaphore, #tpu.memory_space<semaphore_mem>>)
        %dma_start3A_171 = arith.constant 0 : i32
        %dma_start3A_172 = arith.constant 0 : i32
        %dma_start3A_173 = tpu.memref_slice %arg13[%rem3A_143, %dma_start3A_171, %dma_start3A_172] : memref<2x80x8xf32, #tpu.memory_space<vmem>> -> memref<1x80x8xf32, #tpu.memory_space<vmem>>
        %dma_start3A_174 = tpu.memref_squeeze %dma_start3A_173 : memref<1x80x8xf32, #tpu.memory_space<vmem>> -> memref<80x8xf32, #tpu.memory_space<vmem>>
        %dma_start3A_175 = arith.constant 0 : i32
        %dma_start3A_176 = tpu.memref_slice %arg4[%add3A_146, %dma_start3A_175] : memref<320000x8xf32, #tpu.memory_space<hbm>> -> memref<80x8xf32, #tpu.memory_space<hbm>>
        %dma_start3A_177 = tpu.memref_slice %arg18[%rem3A_143] : memref<2x!tpu.dma_semaphore, #tpu.memory_space<semaphore_mem>> -> memref<1x!tpu.dma_semaphore, #tpu.memory_space<semaphore_mem>>
        %dma_start3A_178 = tpu.memref_squeeze %dma_start3A_177 : memref<1x!tpu.dma_semaphore, #tpu.memory_space<semaphore_mem>> -> memref<!tpu.dma_semaphore, #tpu.memory_space<semaphore_mem>>
        %dma_start3A_179 = arith.constant 0 : i32
        %dma_start3A_180 = arith.constant 0 : i32
        %dma_start3A_181 = tpu.memref_slice %arg13[%rem3A_143, %dma_start3A_179, %dma_start3A_180] : memref<2x80x8xf32, #tpu.memory_space<vmem>> -> memref<1x80x8xf32, #tpu.memory_space<vmem>>
        %dma_start3A_182 = tpu.memref_squeeze %dma_start3A_181 : memref<1x80x8xf32, #tpu.memory_space<vmem>> -> memref<80x8xf32, #tpu.memory_space<vmem>>
        %dma_start3A_183 = arith.constant 0 : i32
        %dma_start3A_184 = tpu.memref_slice %arg4[%add3A_146, %dma_start3A_183] : memref<320000x8xf32, #tpu.memory_space<hbm>> -> memref<80x8xf32, #tpu.memory_space<hbm>>
        tpu.enqueue_dma source(%dma_start3A_184 : memref<80x8xf32, #tpu.memory_space<hbm>>) target(%dma_start3A_182 : memref<80x8xf32, #tpu.memory_space<vmem>>) target_semaphore(%dma_start3A_178 : memref<!tpu.dma_semaphore, #tpu.memory_space<semaphore_mem>>)
      } else {
      }
      %dma_wait3A = arith.constant 0 : i32
      %dma_wait3A_97 = arith.constant 0 : i32
      %dma_wait3A_98 = tpu.memref_slice %arg11[%rem3A_89, %dma_wait3A, %dma_wait3A_97] : memref<2x80x64xf32, #tpu.memory_space<vmem>> -> memref<1x80x64xf32, #tpu.memory_space<vmem>>
      %dma_wait3A_99 = tpu.memref_squeeze %dma_wait3A_98 : memref<1x80x64xf32, #tpu.memory_space<vmem>> -> memref<80x64xf32, #tpu.memory_space<vmem>>
      %dma_wait3A_100 = arith.constant 0 : i32
      %dma_wait3A_101 = tpu.memref_slice %arg10[%scan3A_86, %dma_wait3A_100] : memref<125x80xi32, #tpu.memory_space<vmem>> -> memref<1x80xi32, #tpu.memory_space<vmem>>
      %dma_wait3A_102 = tpu.memref_squeeze %dma_wait3A_101 : memref<1x80xi32, #tpu.memory_space<vmem>> -> memref<80xi32, #tpu.memory_space<vmem>>
      %dma_wait3A_103 = arith.constant 0 : i32
      %dma_wait3A_104 = arith.constant 0 : i32
      %dma_wait3A_105 = tpu.memref_slice %arg6[%dma_wait3A_103, %dma_wait3A_104] : memref<10000x64xf32, #tpu.memory_space<hbm>> -> memref<10000x64xf32, #tpu.memory_space<hbm>>
      %dma_wait3A_106 = tpu.memref_slice %arg16[%rem3A_89] : memref<2x!tpu.dma_semaphore, #tpu.memory_space<semaphore_mem>> -> memref<1x!tpu.dma_semaphore, #tpu.memory_space<semaphore_mem>>
      %dma_wait3A_107 = tpu.memref_squeeze %dma_wait3A_106 : memref<1x!tpu.dma_semaphore, #tpu.memory_space<semaphore_mem>> -> memref<!tpu.dma_semaphore, #tpu.memory_space<semaphore_mem>>
      tpu.wait_indirect_dma semaphore(%dma_wait3A_107 : memref<!tpu.dma_semaphore, #tpu.memory_space<semaphore_mem>>) src(%dma_wait3A_105 : memref<10000x64xf32, #tpu.memory_space<hbm>>) dst(%dma_wait3A_99 : memref<80x64xf32, #tpu.memory_space<vmem>>)
      %dma_wait3A_108 = arith.constant 0 : i32
      %dma_wait3A_109 = arith.constant 0 : i32
      %dma_wait3A_110 = tpu.memref_slice %arg12[%rem3A_89, %dma_wait3A_108, %dma_wait3A_109] : memref<2x80x16xf32, #tpu.memory_space<vmem>> -> memref<1x80x16xf32, #tpu.memory_space<vmem>>
      %dma_wait3A_111 = tpu.memref_squeeze %dma_wait3A_110 : memref<1x80x16xf32, #tpu.memory_space<vmem>> -> memref<80x16xf32, #tpu.memory_space<vmem>>
      %dma_wait3A_112 = arith.constant 0 : i32
      %dma_wait3A_113 = tpu.memref_slice %arg9[%scan3A_86, %dma_wait3A_112] : memref<125x80xi32, #tpu.memory_space<vmem>> -> memref<1x80xi32, #tpu.memory_space<vmem>>
      %dma_wait3A_114 = tpu.memref_squeeze %dma_wait3A_113 : memref<1x80xi32, #tpu.memory_space<vmem>> -> memref<80xi32, #tpu.memory_space<vmem>>
      %dma_wait3A_115 = arith.constant 0 : i32
      %dma_wait3A_116 = arith.constant 0 : i32
      %dma_wait3A_117 = tpu.memref_slice %arg5[%dma_wait3A_115, %dma_wait3A_116] : memref<10240x16xf32, #tpu.memory_space<hbm>> -> memref<10240x16xf32, #tpu.memory_space<hbm>>
      %dma_wait3A_118 = tpu.memref_slice %arg17[%rem3A_89] : memref<2x!tpu.dma_semaphore, #tpu.memory_space<semaphore_mem>> -> memref<1x!tpu.dma_semaphore, #tpu.memory_space<semaphore_mem>>
      %dma_wait3A_119 = tpu.memref_squeeze %dma_wait3A_118 : memref<1x!tpu.dma_semaphore, #tpu.memory_space<semaphore_mem>> -> memref<!tpu.dma_semaphore, #tpu.memory_space<semaphore_mem>>
      tpu.wait_indirect_dma semaphore(%dma_wait3A_119 : memref<!tpu.dma_semaphore, #tpu.memory_space<semaphore_mem>>) src(%dma_wait3A_117 : memref<10240x16xf32, #tpu.memory_space<hbm>>) dst(%dma_wait3A_111 : memref<80x16xf32, #tpu.memory_space<vmem>>)
      %dma_wait3A_120 = arith.constant 0 : i32
      %dma_wait3A_121 = arith.constant 0 : i32
      %dma_wait3A_122 = tpu.memref_slice %arg13[%rem3A_89, %dma_wait3A_120, %dma_wait3A_121] : memref<2x80x8xf32, #tpu.memory_space<vmem>> -> memref<1x80x8xf32, #tpu.memory_space<vmem>>
      %dma_wait3A_123 = tpu.memref_squeeze %dma_wait3A_122 : memref<1x80x8xf32, #tpu.memory_space<vmem>> -> memref<80x8xf32, #tpu.memory_space<vmem>>
      %dma_wait3A_124 = arith.constant 0 : i32
      %dma_wait3A_125 = tpu.memref_slice %arg4[%add3A_92, %dma_wait3A_124] : memref<320000x8xf32, #tpu.memory_space<hbm>> -> memref<80x8xf32, #tpu.memory_space<hbm>>
      %dma_wait3A_126 = tpu.memref_slice %arg18[%rem3A_89] : memref<2x!tpu.dma_semaphore, #tpu.memory_space<semaphore_mem>> -> memref<1x!tpu.dma_semaphore, #tpu.memory_space<semaphore_mem>>
      %dma_wait3A_127 = tpu.memref_squeeze %dma_wait3A_126 : memref<1x!tpu.dma_semaphore, #tpu.memory_space<semaphore_mem>> -> memref<!tpu.dma_semaphore, #tpu.memory_space<semaphore_mem>>
      %dma_wait3A_128 = arith.constant 0 : i32
      %dma_wait3A_129 = arith.constant 0 : i32
      %dma_wait3A_130 = tpu.memref_slice %arg13[%rem3A_89, %dma_wait3A_128, %dma_wait3A_129] : memref<2x80x8xf32, #tpu.memory_space<vmem>> -> memref<1x80x8xf32, #tpu.memory_space<vmem>>
      %dma_wait3A_131 = tpu.memref_squeeze %dma_wait3A_130 : memref<1x80x8xf32, #tpu.memory_space<vmem>> -> memref<80x8xf32, #tpu.memory_space<vmem>>
      %dma_wait3A_132 = arith.constant 0 : i32
      %dma_wait3A_133 = tpu.memref_slice %arg4[%add3A_92, %dma_wait3A_132] : memref<320000x8xf32, #tpu.memory_space<hbm>> -> memref<80x8xf32, #tpu.memory_space<hbm>>
      tpu.wait_dma2 semaphore(%dma_wait3A_127 : memref<!tpu.dma_semaphore, #tpu.memory_space<semaphore_mem>>) src(%dma_wait3A_133 : memref<80x8xf32, #tpu.memory_space<hbm>>) dst(%dma_wait3A_131 : memref<80x8xf32, #tpu.memory_space<vmem>>)
      %parallel_loop3A = arith.constant 0 : i32
      %parallel_loop3A_134 = arith.constant 5 : i32
      %parallel_loop3A_135 = arith.constant 1 : i32
      scf.for %parallel_loop3A_140 = %parallel_loop3A to %parallel_loop3A_134 step %parallel_loop3A_135  : i32 {
        %parallel_loop3A_141 = tpu.iota {dimensions = array<i32: 0>} : vector<16xi32>
        %parallel_loop3A_142 = arith.constant 16 : i32
        %parallel_loop3A_143 = arith.muli %parallel_loop3A_140, %parallel_loop3A_142 : i32
        %parallel_loop3A_144 = vector.broadcast %parallel_loop3A_143 : i32 to vector<16xi32>
        %parallel_loop3A_145 = arith.addi %parallel_loop3A_141, %parallel_loop3A_144 : vector<16xi32>
        %parallel_loop3A_146 = arith.constant 0 : i32
        %parallel_loop3A_147 = vector.broadcast %parallel_loop3A_146 : i32 to vector<16xi32>
        %parallel_loop3A_148 = arith.constant 0 : i32
        %parallel_loop3A_149 = vector.broadcast %parallel_loop3A_148 : i32 to vector<16xi32>
        %parallel_loop3A_150 = arith.addi %parallel_loop3A_147, %parallel_loop3A_149 : vector<16xi32>
        %parallel_loop3A_151 = arith.constant 0 : i32
        %parallel_loop3A_152 = arith.constant 0 : i32
        %parallel_loop3A_153 = tpu.memref_slice %arg13[%rem3A_89, %parallel_loop3A_151, %parallel_loop3A_152] : memref<2x80x8xf32, #tpu.memory_space<vmem>> -> memref<1x80x8xf32, #tpu.memory_space<vmem>>
        %parallel_loop3A_154 = tpu.memref_squeeze %parallel_loop3A_153 : memref<1x80x8xf32, #tpu.memory_space<vmem>> -> memref<80x8xf32, #tpu.memory_space<vmem>>
        %parallel_loop3A_155 = tpu.vector_load_idx %parallel_loop3A_154[%parallel_loop3A_145, %parallel_loop3A_150] : memref<80x8xf32, #tpu.memory_space<vmem>>[vector<16xi32>, vector<16xi32>], vector<16xf32>,
        %parallel_loop3A_156 = arith.constant 0 : i32
        %parallel_loop3A_157 = vector.broadcast %parallel_loop3A_156 : i32 to vector<16xi32>
        %parallel_loop3A_158 = arith.constant 0 : i32
        %parallel_loop3A_159 = vector.broadcast %parallel_loop3A_158 : i32 to vector<16xi32>
        %parallel_loop3A_160 = arith.addi %parallel_loop3A_157, %parallel_loop3A_159 : vector<16xi32>
        %parallel_loop3A_161 = arith.constant 0 : i32
        %parallel_loop3A_162 = arith.constant 0 : i32
        %parallel_loop3A_163 = tpu.memref_slice %arg12[%rem3A_89, %parallel_loop3A_161, %parallel_loop3A_162] : memref<2x80x16xf32, #tpu.memory_space<vmem>> -> memref<1x80x16xf32, #tpu.memory_space<vmem>>
        %parallel_loop3A_164 = tpu.memref_squeeze %parallel_loop3A_163 : memref<1x80x16xf32, #tpu.memory_space<vmem>> -> memref<80x16xf32, #tpu.memory_space<vmem>>
        %parallel_loop3A_165 = tpu.vector_load_idx %parallel_loop3A_164[%parallel_loop3A_145, %parallel_loop3A_160] : memref<80x16xf32, #tpu.memory_space<vmem>>[vector<16xi32>, vector<16xi32>], vector<16xf32>,
        %parallel_loop3A_166 = arith.mulf %parallel_loop3A_155, %parallel_loop3A_165 : vector<16xf32>
        %parallel_loop3A_167 = arith.constant 0 : i32
        %parallel_loop3A_168 = vector.broadcast %parallel_loop3A_167 : i32 to vector<16xi32>
        %parallel_loop3A_169 = arith.constant 0 : i32
        %parallel_loop3A_170 = vector.broadcast %parallel_loop3A_169 : i32 to vector<16xi32>
        %parallel_loop3A_171 = arith.addi %parallel_loop3A_168, %parallel_loop3A_170 : vector<16xi32>
        tpu.vector_store_idx %arg14[%parallel_loop3A_145, %parallel_loop3A_171], %parallel_loop3A_166 : memref<80x8xf32, #tpu.memory_space<vmem>>[vector<16xi32>, vector<16xi32>], vector<16xf32>,
        %parallel_loop3A_172 = arith.constant 0 : i32
        %parallel_loop3A_173 = vector.broadcast %parallel_loop3A_172 : i32 to vector<16xi32>
        %parallel_loop3A_174 = arith.constant 1 : i32
        %parallel_loop3A_175 = vector.broadcast %parallel_loop3A_174 : i32 to vector<16xi32>
        %parallel_loop3A_176 = arith.addi %parallel_loop3A_173, %parallel_loop3A_175 : vector<16xi32>
        %parallel_loop3A_177 = arith.constant 0 : i32
        %parallel_loop3A_178 = arith.constant 0 : i32
        %parallel_loop3A_179 = tpu.memref_slice %arg13[%rem3A_89, %parallel_loop3A_177, %parallel_loop3A_178] : memref<2x80x8xf32, #tpu.memory_space<vmem>> -> memref<1x80x8xf32, #tpu.memory_space<vmem>>
        %parallel_loop3A_180 = tpu.memref_squeeze %parallel_loop3A_179 : memref<1x80x8xf32, #tpu.memory_space<vmem>> -> memref<80x8xf32, #tpu.memory_space<vmem>>
        %parallel_loop3A_181 = tpu.vector_load_idx %parallel_loop3A_180[%parallel_loop3A_145, %parallel_loop3A_176] : memref<80x8xf32, #tpu.memory_space<vmem>>[vector<16xi32>, vector<16xi32>], vector<16xf32>,
        %parallel_loop3A_182 = arith.constant 0 : i32
        %parallel_loop3A_183 = vector.broadcast %parallel_loop3A_182 : i32 to vector<16xi32>
        %parallel_loop3A_184 = arith.constant 1 : i32
        %parallel_loop3A_185 = vector.broadcast %parallel_loop3A_184 : i32 to vector<16xi32>
        %parallel_loop3A_186 = arith.addi %parallel_loop3A_183, %parallel_loop3A_185 : vector<16xi32>
        %parallel_loop3A_187 = arith.constant 0 : i32
        %parallel_loop3A_188 = arith.constant 0 : i32
        %parallel_loop3A_189 = tpu.memref_slice %arg12[%rem3A_89, %parallel_loop3A_187, %parallel_loop3A_188] : memref<2x80x16xf32, #tpu.memory_space<vmem>> -> memref<1x80x16xf32, #tpu.memory_space<vmem>>
        %parallel_loop3A_190 = tpu.memref_squeeze %parallel_loop3A_189 : memref<1x80x16xf32, #tpu.memory_space<vmem>> -> memref<80x16xf32, #tpu.memory_space<vmem>>
        %parallel_loop3A_191 = tpu.vector_load_idx %parallel_loop3A_190[%parallel_loop3A_145, %parallel_loop3A_186] : memref<80x16xf32, #tpu.memory_space<vmem>>[vector<16xi32>, vector<16xi32>], vector<16xf32>,
        %parallel_loop3A_192 = arith.mulf %parallel_loop3A_181, %parallel_loop3A_191 : vector<16xf32>
        %parallel_loop3A_193 = arith.constant 0 : i32
        %parallel_loop3A_194 = vector.broadcast %parallel_loop3A_193 : i32 to vector<16xi32>
        %parallel_loop3A_195 = arith.constant 1 : i32
        %parallel_loop3A_196 = vector.broadcast %parallel_loop3A_195 : i32 to vector<16xi32>
        %parallel_loop3A_197 = arith.addi %parallel_loop3A_194, %parallel_loop3A_196 : vector<16xi32>
        tpu.vector_store_idx %arg14[%parallel_loop3A_145, %parallel_loop3A_197], %parallel_loop3A_192 : memref<80x8xf32, #tpu.memory_space<vmem>>[vector<16xi32>, vector<16xi32>], vector<16xf32>,
        %parallel_loop3A_198 = arith.constant 0 : i32
        %parallel_loop3A_199 = vector.broadcast %parallel_loop3A_198 : i32 to vector<16xi32>
        %parallel_loop3A_200 = arith.constant 2 : i32
        %parallel_loop3A_201 = vector.broadcast %parallel_loop3A_200 : i32 to vector<16xi32>
        %parallel_loop3A_202 = arith.addi %parallel_loop3A_199, %parallel_loop3A_201 : vector<16xi32>
        %parallel_loop3A_203 = arith.constant 0 : i32
        %parallel_loop3A_204 = arith.constant 0 : i32
        %parallel_loop3A_205 = tpu.memref_slice %arg13[%rem3A_89, %parallel_loop3A_203, %parallel_loop3A_204] : memref<2x80x8xf32, #tpu.memory_space<vmem>> -> memref<1x80x8xf32, #tpu.memory_space<vmem>>
        %parallel_loop3A_206 = tpu.memref_squeeze %parallel_loop3A_205 : memref<1x80x8xf32, #tpu.memory_space<vmem>> -> memref<80x8xf32, #tpu.memory_space<vmem>>
        %parallel_loop3A_207 = tpu.vector_load_idx %parallel_loop3A_206[%parallel_loop3A_145, %parallel_loop3A_202] : memref<80x8xf32, #tpu.memory_space<vmem>>[vector<16xi32>, vector<16xi32>], vector<16xf32>,
        %parallel_loop3A_208 = arith.constant 0 : i32
        %parallel_loop3A_209 = vector.broadcast %parallel_loop3A_208 : i32 to vector<16xi32>
        %parallel_loop3A_210 = arith.constant 2 : i32
        %parallel_loop3A_211 = vector.broadcast %parallel_loop3A_210 : i32 to vector<16xi32>
        %parallel_loop3A_212 = arith.addi %parallel_loop3A_209, %parallel_loop3A_211 : vector<16xi32>
        %parallel_loop3A_213 = arith.constant 0 : i32
        %parallel_loop3A_214 = arith.constant 0 : i32
        %parallel_loop3A_215 = tpu.memref_slice %arg12[%rem3A_89, %parallel_loop3A_213, %parallel_loop3A_214] : memref<2x80x16xf32, #tpu.memory_space<vmem>> -> memref<1x80x16xf32, #tpu.memory_space<vmem>>
        %parallel_loop3A_216 = tpu.memref_squeeze %parallel_loop3A_215 : memref<1x80x16xf32, #tpu.memory_space<vmem>> -> memref<80x16xf32, #tpu.memory_space<vmem>>
        %parallel_loop3A_217 = tpu.vector_load_idx %parallel_loop3A_216[%parallel_loop3A_145, %parallel_loop3A_212] : memref<80x16xf32, #tpu.memory_space<vmem>>[vector<16xi32>, vector<16xi32>], vector<16xf32>,
        %parallel_loop3A_218 = arith.mulf %parallel_loop3A_207, %parallel_loop3A_217 : vector<16xf32>
        %parallel_loop3A_219 = arith.constant 0 : i32
        %parallel_loop3A_220 = vector.broadcast %parallel_loop3A_219 : i32 to vector<16xi32>
        %parallel_loop3A_221 = arith.constant 2 : i32
        %parallel_loop3A_222 = vector.broadcast %parallel_loop3A_221 : i32 to vector<16xi32>
        %parallel_loop3A_223 = arith.addi %parallel_loop3A_220, %parallel_loop3A_222 : vector<16xi32>
        tpu.vector_store_idx %arg14[%parallel_loop3A_145, %parallel_loop3A_223], %parallel_loop3A_218 : memref<80x8xf32, #tpu.memory_space<vmem>>[vector<16xi32>, vector<16xi32>], vector<16xf32>,
        %parallel_loop3A_224 = arith.constant 0 : i32
        %parallel_loop3A_225 = vector.broadcast %parallel_loop3A_224 : i32 to vector<16xi32>
        %parallel_loop3A_226 = arith.constant 3 : i32
        %parallel_loop3A_227 = vector.broadcast %parallel_loop3A_226 : i32 to vector<16xi32>
        %parallel_loop3A_228 = arith.addi %parallel_loop3A_225, %parallel_loop3A_227 : vector<16xi32>
        %parallel_loop3A_229 = arith.constant 0 : i32
        %parallel_loop3A_230 = arith.constant 0 : i32
        %parallel_loop3A_231 = tpu.memref_slice %arg13[%rem3A_89, %parallel_loop3A_229, %parallel_loop3A_230] : memref<2x80x8xf32, #tpu.memory_space<vmem>> -> memref<1x80x8xf32, #tpu.memory_space<vmem>>
        %parallel_loop3A_232 = tpu.memref_squeeze %parallel_loop3A_231 : memref<1x80x8xf32, #tpu.memory_space<vmem>> -> memref<80x8xf32, #tpu.memory_space<vmem>>
        %parallel_loop3A_233 = tpu.vector_load_idx %parallel_loop3A_232[%parallel_loop3A_145, %parallel_loop3A_228] : memref<80x8xf32, #tpu.memory_space<vmem>>[vector<16xi32>, vector<16xi32>], vector<16xf32>,
        %parallel_loop3A_234 = arith.constant 0 : i32
        %parallel_loop3A_235 = vector.broadcast %parallel_loop3A_234 : i32 to vector<16xi32>
        %parallel_loop3A_236 = arith.constant 3 : i32
        %parallel_loop3A_237 = vector.broadcast %parallel_loop3A_236 : i32 to vector<16xi32>
        %parallel_loop3A_238 = arith.addi %parallel_loop3A_235, %parallel_loop3A_237 : vector<16xi32>
        %parallel_loop3A_239 = arith.constant 0 : i32
        %parallel_loop3A_240 = arith.constant 0 : i32
        %parallel_loop3A_241 = tpu.memref_slice %arg12[%rem3A_89, %parallel_loop3A_239, %parallel_loop3A_240] : memref<2x80x16xf32, #tpu.memory_space<vmem>> -> memref<1x80x16xf32, #tpu.memory_space<vmem>>
        %parallel_loop3A_242 = tpu.memref_squeeze %parallel_loop3A_241 : memref<1x80x16xf32, #tpu.memory_space<vmem>> -> memref<80x16xf32, #tpu.memory_space<vmem>>
        %parallel_loop3A_243 = tpu.vector_load_idx %parallel_loop3A_242[%parallel_loop3A_145, %parallel_loop3A_238] : memref<80x16xf32, #tpu.memory_space<vmem>>[vector<16xi32>, vector<16xi32>], vector<16xf32>,
        %parallel_loop3A_244 = arith.mulf %parallel_loop3A_233, %parallel_loop3A_243 : vector<16xf32>
        %parallel_loop3A_245 = arith.constant 0 : i32
        %parallel_loop3A_246 = vector.broadcast %parallel_loop3A_245 : i32 to vector<16xi32>
        %parallel_loop3A_247 = arith.constant 3 : i32
        %parallel_loop3A_248 = vector.broadcast %parallel_loop3A_247 : i32 to vector<16xi32>
        %parallel_loop3A_249 = arith.addi %parallel_loop3A_246, %parallel_loop3A_248 : vector<16xi32>
        tpu.vector_store_idx %arg14[%parallel_loop3A_145, %parallel_loop3A_249], %parallel_loop3A_244 : memref<80x8xf32, #tpu.memory_space<vmem>>[vector<16xi32>, vector<16xi32>], vector<16xf32>,
        %parallel_loop3A_250 = arith.constant 0 : i32
        %parallel_loop3A_251 = vector.broadcast %parallel_loop3A_250 : i32 to vector<16xi32>
        %parallel_loop3A_252 = arith.constant 4 : i32
        %parallel_loop3A_253 = vector.broadcast %parallel_loop3A_252 : i32 to vector<16xi32>
        %parallel_loop3A_254 = arith.addi %parallel_loop3A_251, %parallel_loop3A_253 : vector<16xi32>
        %parallel_loop3A_255 = arith.constant 0 : i32
        %parallel_loop3A_256 = arith.constant 0 : i32
        %parallel_loop3A_257 = tpu.memref_slice %arg13[%rem3A_89, %parallel_loop3A_255, %parallel_loop3A_256] : memref<2x80x8xf32, #tpu.memory_space<vmem>> -> memref<1x80x8xf32, #tpu.memory_space<vmem>>
        %parallel_loop3A_258 = tpu.memref_squeeze %parallel_loop3A_257 : memref<1x80x8xf32, #tpu.memory_space<vmem>> -> memref<80x8xf32, #tpu.memory_space<vmem>>
        %parallel_loop3A_259 = tpu.vector_load_idx %parallel_loop3A_258[%parallel_loop3A_145, %parallel_loop3A_254] : memref<80x8xf32, #tpu.memory_space<vmem>>[vector<16xi32>, vector<16xi32>], vector<16xf32>,
        %parallel_loop3A_260 = arith.constant 0 : i32
        %parallel_loop3A_261 = vector.broadcast %parallel_loop3A_260 : i32 to vector<16xi32>
        %parallel_loop3A_262 = arith.constant 4 : i32
        %parallel_loop3A_263 = vector.broadcast %parallel_loop3A_262 : i32 to vector<16xi32>
        %parallel_loop3A_264 = arith.addi %parallel_loop3A_261, %parallel_loop3A_263 : vector<16xi32>
        %parallel_loop3A_265 = arith.constant 0 : i32
        %parallel_loop3A_266 = arith.constant 0 : i32
        %parallel_loop3A_267 = tpu.memref_slice %arg12[%rem3A_89, %parallel_loop3A_265, %parallel_loop3A_266] : memref<2x80x16xf32, #tpu.memory_space<vmem>> -> memref<1x80x16xf32, #tpu.memory_space<vmem>>
        %parallel_loop3A_268 = tpu.memref_squeeze %parallel_loop3A_267 : memref<1x80x16xf32, #tpu.memory_space<vmem>> -> memref<80x16xf32, #tpu.memory_space<vmem>>
        %parallel_loop3A_269 = tpu.vector_load_idx %parallel_loop3A_268[%parallel_loop3A_145, %parallel_loop3A_264] : memref<80x16xf32, #tpu.memory_space<vmem>>[vector<16xi32>, vector<16xi32>], vector<16xf32>,
        %parallel_loop3A_270 = arith.mulf %parallel_loop3A_259, %parallel_loop3A_269 : vector<16xf32>
        %parallel_loop3A_271 = arith.constant 0 : i32
        %parallel_loop3A_272 = vector.broadcast %parallel_loop3A_271 : i32 to vector<16xi32>
        %parallel_loop3A_273 = arith.constant 4 : i32
        %parallel_loop3A_274 = vector.broadcast %parallel_loop3A_273 : i32 to vector<16xi32>
        %parallel_loop3A_275 = arith.addi %parallel_loop3A_272, %parallel_loop3A_274 : vector<16xi32>
        tpu.vector_store_idx %arg14[%parallel_loop3A_145, %parallel_loop3A_275], %parallel_loop3A_270 : memref<80x8xf32, #tpu.memory_space<vmem>>[vector<16xi32>, vector<16xi32>], vector<16xf32>,
        %parallel_loop3A_276 = arith.constant 0 : i32
        %parallel_loop3A_277 = vector.broadcast %parallel_loop3A_276 : i32 to vector<16xi32>
        %parallel_loop3A_278 = arith.constant 5 : i32
        %parallel_loop3A_279 = vector.broadcast %parallel_loop3A_278 : i32 to vector<16xi32>
        %parallel_loop3A_280 = arith.addi %parallel_loop3A_277, %parallel_loop3A_279 : vector<16xi32>
        %parallel_loop3A_281 = arith.constant 0 : i32
        %parallel_loop3A_282 = arith.constant 0 : i32
        %parallel_loop3A_283 = tpu.memref_slice %arg13[%rem3A_89, %parallel_loop3A_281, %parallel_loop3A_282] : memref<2x80x8xf32, #tpu.memory_space<vmem>> -> memref<1x80x8xf32, #tpu.memory_space<vmem>>
        %parallel_loop3A_284 = tpu.memref_squeeze %parallel_loop3A_283 : memref<1x80x8xf32, #tpu.memory_space<vmem>> -> memref<80x8xf32, #tpu.memory_space<vmem>>
        %parallel_loop3A_285 = tpu.vector_load_idx %parallel_loop3A_284[%parallel_loop3A_145, %parallel_loop3A_280] : memref<80x8xf32, #tpu.memory_space<vmem>>[vector<16xi32>, vector<16xi32>], vector<16xf32>,
        %parallel_loop3A_286 = arith.constant 0 : i32
        %parallel_loop3A_287 = vector.broadcast %parallel_loop3A_286 : i32 to vector<16xi32>
        %parallel_loop3A_288 = arith.constant 5 : i32
        %parallel_loop3A_289 = vector.broadcast %parallel_loop3A_288 : i32 to vector<16xi32>
        %parallel_loop3A_290 = arith.addi %parallel_loop3A_287, %parallel_loop3A_289 : vector<16xi32>
        %parallel_loop3A_291 = arith.constant 0 : i32
        %parallel_loop3A_292 = arith.constant 0 : i32
        %parallel_loop3A_293 = tpu.memref_slice %arg12[%rem3A_89, %parallel_loop3A_291, %parallel_loop3A_292] : memref<2x80x16xf32, #tpu.memory_space<vmem>> -> memref<1x80x16xf32, #tpu.memory_space<vmem>>
        %parallel_loop3A_294 = tpu.memref_squeeze %parallel_loop3A_293 : memref<1x80x16xf32, #tpu.memory_space<vmem>> -> memref<80x16xf32, #tpu.memory_space<vmem>>
        %parallel_loop3A_295 = tpu.vector_load_idx %parallel_loop3A_294[%parallel_loop3A_145, %parallel_loop3A_290] : memref<80x16xf32, #tpu.memory_space<vmem>>[vector<16xi32>, vector<16xi32>], vector<16xf32>,
        %parallel_loop3A_296 = arith.mulf %parallel_loop3A_285, %parallel_loop3A_295 : vector<16xf32>
        %parallel_loop3A_297 = arith.constant 0 : i32
        %parallel_loop3A_298 = vector.broadcast %parallel_loop3A_297 : i32 to vector<16xi32>
        %parallel_loop3A_299 = arith.constant 5 : i32
        %parallel_loop3A_300 = vector.broadcast %parallel_loop3A_299 : i32 to vector<16xi32>
        %parallel_loop3A_301 = arith.addi %parallel_loop3A_298, %parallel_loop3A_300 : vector<16xi32>
        tpu.vector_store_idx %arg14[%parallel_loop3A_145, %parallel_loop3A_301], %parallel_loop3A_296 : memref<80x8xf32, #tpu.memory_space<vmem>>[vector<16xi32>, vector<16xi32>], vector<16xf32>,
        %parallel_loop3A_302 = arith.constant 0 : i32
        %parallel_loop3A_303 = vector.broadcast %parallel_loop3A_302 : i32 to vector<16xi32>
        %parallel_loop3A_304 = arith.constant 6 : i32
        %parallel_loop3A_305 = vector.broadcast %parallel_loop3A_304 : i32 to vector<16xi32>
        %parallel_loop3A_306 = arith.addi %parallel_loop3A_303, %parallel_loop3A_305 : vector<16xi32>
        %parallel_loop3A_307 = arith.constant 0 : i32
        %parallel_loop3A_308 = arith.constant 0 : i32
        %parallel_loop3A_309 = tpu.memref_slice %arg13[%rem3A_89, %parallel_loop3A_307, %parallel_loop3A_308] : memref<2x80x8xf32, #tpu.memory_space<vmem>> -> memref<1x80x8xf32, #tpu.memory_space<vmem>>
        %parallel_loop3A_310 = tpu.memref_squeeze %parallel_loop3A_309 : memref<1x80x8xf32, #tpu.memory_space<vmem>> -> memref<80x8xf32, #tpu.memory_space<vmem>>
        %parallel_loop3A_311 = tpu.vector_load_idx %parallel_loop3A_310[%parallel_loop3A_145, %parallel_loop3A_306] : memref<80x8xf32, #tpu.memory_space<vmem>>[vector<16xi32>, vector<16xi32>], vector<16xf32>,
        %parallel_loop3A_312 = arith.constant 0 : i32
        %parallel_loop3A_313 = vector.broadcast %parallel_loop3A_312 : i32 to vector<16xi32>
        %parallel_loop3A_314 = arith.constant 6 : i32
        %parallel_loop3A_315 = vector.broadcast %parallel_loop3A_314 : i32 to vector<16xi32>
        %parallel_loop3A_316 = arith.addi %parallel_loop3A_313, %parallel_loop3A_315 : vector<16xi32>
        %parallel_loop3A_317 = arith.constant 0 : i32
        %parallel_loop3A_318 = arith.constant 0 : i32
        %parallel_loop3A_319 = tpu.memref_slice %arg12[%rem3A_89, %parallel_loop3A_317, %parallel_loop3A_318] : memref<2x80x16xf32, #tpu.memory_space<vmem>> -> memref<1x80x16xf32, #tpu.memory_space<vmem>>
        %parallel_loop3A_320 = tpu.memref_squeeze %parallel_loop3A_319 : memref<1x80x16xf32, #tpu.memory_space<vmem>> -> memref<80x16xf32, #tpu.memory_space<vmem>>
        %parallel_loop3A_321 = tpu.vector_load_idx %parallel_loop3A_320[%parallel_loop3A_145, %parallel_loop3A_316] : memref<80x16xf32, #tpu.memory_space<vmem>>[vector<16xi32>, vector<16xi32>], vector<16xf32>,
        %parallel_loop3A_322 = arith.mulf %parallel_loop3A_311, %parallel_loop3A_321 : vector<16xf32>
        %parallel_loop3A_323 = arith.constant 0 : i32
        %parallel_loop3A_324 = vector.broadcast %parallel_loop3A_323 : i32 to vector<16xi32>
        %parallel_loop3A_325 = arith.constant 6 : i32
        %parallel_loop3A_326 = vector.broadcast %parallel_loop3A_325 : i32 to vector<16xi32>
        %parallel_loop3A_327 = arith.addi %parallel_loop3A_324, %parallel_loop3A_326 : vector<16xi32>
        tpu.vector_store_idx %arg14[%parallel_loop3A_145, %parallel_loop3A_327], %parallel_loop3A_322 : memref<80x8xf32, #tpu.memory_space<vmem>>[vector<16xi32>, vector<16xi32>], vector<16xf32>,
        %parallel_loop3A_328 = arith.constant 0 : i32
        %parallel_loop3A_329 = vector.broadcast %parallel_loop3A_328 : i32 to vector<16xi32>
        %parallel_loop3A_330 = arith.constant 7 : i32
        %parallel_loop3A_331 = vector.broadcast %parallel_loop3A_330 : i32 to vector<16xi32>
        %parallel_loop3A_332 = arith.addi %parallel_loop3A_329, %parallel_loop3A_331 : vector<16xi32>
        %parallel_loop3A_333 = arith.constant 0 : i32
        %parallel_loop3A_334 = arith.constant 0 : i32
        %parallel_loop3A_335 = tpu.memref_slice %arg13[%rem3A_89, %parallel_loop3A_333, %parallel_loop3A_334] : memref<2x80x8xf32, #tpu.memory_space<vmem>> -> memref<1x80x8xf32, #tpu.memory_space<vmem>>
        %parallel_loop3A_336 = tpu.memref_squeeze %parallel_loop3A_335 : memref<1x80x8xf32, #tpu.memory_space<vmem>> -> memref<80x8xf32, #tpu.memory_space<vmem>>
        %parallel_loop3A_337 = tpu.vector_load_idx %parallel_loop3A_336[%parallel_loop3A_145, %parallel_loop3A_332] : memref<80x8xf32, #tpu.memory_space<vmem>>[vector<16xi32>, vector<16xi32>], vector<16xf32>,
        %parallel_loop3A_338 = arith.constant 0 : i32
        %parallel_loop3A_339 = vector.broadcast %parallel_loop3A_338 : i32 to vector<16xi32>
        %parallel_loop3A_340 = arith.constant 7 : i32
        %parallel_loop3A_341 = vector.broadcast %parallel_loop3A_340 : i32 to vector<16xi32>
        %parallel_loop3A_342 = arith.addi %parallel_loop3A_339, %parallel_loop3A_341 : vector<16xi32>
        %parallel_loop3A_343 = arith.constant 0 : i32
        %parallel_loop3A_344 = arith.constant 0 : i32
        %parallel_loop3A_345 = tpu.memref_slice %arg12[%rem3A_89, %parallel_loop3A_343, %parallel_loop3A_344] : memref<2x80x16xf32, #tpu.memory_space<vmem>> -> memref<1x80x16xf32, #tpu.memory_space<vmem>>
        %parallel_loop3A_346 = tpu.memref_squeeze %parallel_loop3A_345 : memref<1x80x16xf32, #tpu.memory_space<vmem>> -> memref<80x16xf32, #tpu.memory_space<vmem>>
        %parallel_loop3A_347 = tpu.vector_load_idx %parallel_loop3A_346[%parallel_loop3A_145, %parallel_loop3A_342] : memref<80x16xf32, #tpu.memory_space<vmem>>[vector<16xi32>, vector<16xi32>], vector<16xf32>,
        %parallel_loop3A_348 = arith.mulf %parallel_loop3A_337, %parallel_loop3A_347 : vector<16xf32>
        %parallel_loop3A_349 = arith.constant 0 : i32
        %parallel_loop3A_350 = vector.broadcast %parallel_loop3A_349 : i32 to vector<16xi32>
        %parallel_loop3A_351 = arith.constant 7 : i32
        %parallel_loop3A_352 = vector.broadcast %parallel_loop3A_351 : i32 to vector<16xi32>
        %parallel_loop3A_353 = arith.addi %parallel_loop3A_350, %parallel_loop3A_352 : vector<16xi32>
        tpu.vector_store_idx %arg14[%parallel_loop3A_145, %parallel_loop3A_353], %parallel_loop3A_348 : memref<80x8xf32, #tpu.memory_space<vmem>>[vector<16xi32>, vector<16xi32>], vector<16xf32>,
      } {sc.loop_unroll_factor = 5 : i64, sc.parallel_access}
      %parallel_loop3A_136 = arith.constant 0 : i32
      %parallel_loop3A_137 = arith.constant 80 : i32
      %parallel_loop3A_138 = arith.constant 1 : i32
      scf.for %parallel_loop3A_140 = %parallel_loop3A_136 to %parallel_loop3A_137 step %parallel_loop3A_138  : i32 {
        %parallel_loop3A_141 = arith.constant 0 : i32
        %parallel_loop3A_142 = vector.broadcast %parallel_loop3A_141 : i32 to vector<16xi32>
        %parallel_loop3A_143 = vector.broadcast %parallel_loop3A_140 : i32 to vector<16xi32>
        %parallel_loop3A_144 = arith.addi %parallel_loop3A_142, %parallel_loop3A_143 : vector<16xi32>
        %parallel_loop3A_145 = tpu.vector_load_idx %arg14[%parallel_loop3A_144, %shift_right_logical3A_12] : memref<80x8xf32, #tpu.memory_space<vmem>>[vector<16xi32>, vector<16xi32>], vector<16xf32>,
        %parallel_loop3A_146 = arith.index_cast %rem3A_89 : i32 to index
        %parallel_loop3A_147 = arith.index_cast %parallel_loop3A_140 : i32 to index
        %parallel_loop3A_148 = arith.constant 0 : index
        %parallel_loop3A_149 = tpu.vector_load %arg11[%parallel_loop3A_146, %parallel_loop3A_147, %parallel_loop3A_148] {strides = array<i32>} : memref<2x80x64xf32, #tpu.memory_space<vmem>>, vector<16xf32>,
        %parallel_loop3A_150 = arith.mulf %parallel_loop3A_145, %parallel_loop3A_149 : vector<16xf32>
        %parallel_loop3A_151 = arith.index_cast %rem3A_89 : i32 to index
        %parallel_loop3A_152 = arith.index_cast %parallel_loop3A_140 : i32 to index
        %parallel_loop3A_153 = arith.constant 0 : index
        %parallel_loop3A_154 = tpu.vector_load %arg11[%parallel_loop3A_151, %parallel_loop3A_152, %parallel_loop3A_153] {strides = array<i32>} : memref<2x80x64xf32, #tpu.memory_space<vmem>>, vector<16xf32>,
        tpu.vector_store %arg11[%parallel_loop3A_151, %parallel_loop3A_152, %parallel_loop3A_153], %parallel_loop3A_150 {strides = array<i32>} : memref<2x80x64xf32, #tpu.memory_space<vmem>>, vector<16xf32>,
        %parallel_loop3A_155 = tpu.vector_load_idx %arg14[%parallel_loop3A_144, %shift_right_logical3A_19] : memref<80x8xf32, #tpu.memory_space<vmem>>[vector<16xi32>, vector<16xi32>], vector<16xf32>,
        %parallel_loop3A_156 = arith.index_cast %rem3A_89 : i32 to index
        %parallel_loop3A_157 = arith.index_cast %parallel_loop3A_140 : i32 to index
        %parallel_loop3A_158 = arith.constant 16 : index
        %parallel_loop3A_159 = tpu.vector_load %arg11[%parallel_loop3A_156, %parallel_loop3A_157, %parallel_loop3A_158] {strides = array<i32>} : memref<2x80x64xf32, #tpu.memory_space<vmem>>, vector<16xf32>,
        %parallel_loop3A_160 = arith.mulf %parallel_loop3A_155, %parallel_loop3A_159 : vector<16xf32>
        %parallel_loop3A_161 = arith.index_cast %rem3A_89 : i32 to index
        %parallel_loop3A_162 = arith.index_cast %parallel_loop3A_140 : i32 to index
        %parallel_loop3A_163 = arith.constant 16 : index
        %parallel_loop3A_164 = tpu.vector_load %arg11[%parallel_loop3A_161, %parallel_loop3A_162, %parallel_loop3A_163] {strides = array<i32>} : memref<2x80x64xf32, #tpu.memory_space<vmem>>, vector<16xf32>,
        tpu.vector_store %arg11[%parallel_loop3A_161, %parallel_loop3A_162, %parallel_loop3A_163], %parallel_loop3A_160 {strides = array<i32>} : memref<2x80x64xf32, #tpu.memory_space<vmem>>, vector<16xf32>,
        %parallel_loop3A_165 = tpu.vector_load_idx %arg14[%parallel_loop3A_144, %shift_right_logical3A_26] : memref<80x8xf32, #tpu.memory_space<vmem>>[vector<16xi32>, vector<16xi32>], vector<16xf32>,
        %parallel_loop3A_166 = arith.index_cast %rem3A_89 : i32 to index
        %parallel_loop3A_167 = arith.index_cast %parallel_loop3A_140 : i32 to index
        %parallel_loop3A_168 = arith.constant 32 : index
        %parallel_loop3A_169 = tpu.vector_load %arg11[%parallel_loop3A_166, %parallel_loop3A_167, %parallel_loop3A_168] {strides = array<i32>} : memref<2x80x64xf32, #tpu.memory_space<vmem>>, vector<16xf32>,
        %parallel_loop3A_170 = arith.mulf %parallel_loop3A_165, %parallel_loop3A_169 : vector<16xf32>
        %parallel_loop3A_171 = arith.index_cast %rem3A_89 : i32 to index
        %parallel_loop3A_172 = arith.index_cast %parallel_loop3A_140 : i32 to index
        %parallel_loop3A_173 = arith.constant 32 : index
        %parallel_loop3A_174 = tpu.vector_load %arg11[%parallel_loop3A_171, %parallel_loop3A_172, %parallel_loop3A_173] {strides = array<i32>} : memref<2x80x64xf32, #tpu.memory_space<vmem>>, vector<16xf32>,
        tpu.vector_store %arg11[%parallel_loop3A_171, %parallel_loop3A_172, %parallel_loop3A_173], %parallel_loop3A_170 {strides = array<i32>} : memref<2x80x64xf32, #tpu.memory_space<vmem>>, vector<16xf32>,
        %parallel_loop3A_175 = tpu.vector_load_idx %arg14[%parallel_loop3A_144, %shift_right_logical3A_33] : memref<80x8xf32, #tpu.memory_space<vmem>>[vector<16xi32>, vector<16xi32>], vector<16xf32>,
        %parallel_loop3A_176 = arith.index_cast %rem3A_89 : i32 to index
        %parallel_loop3A_177 = arith.index_cast %parallel_loop3A_140 : i32 to index
        %parallel_loop3A_178 = arith.constant 48 : index
        %parallel_loop3A_179 = tpu.vector_load %arg11[%parallel_loop3A_176, %parallel_loop3A_177, %parallel_loop3A_178] {strides = array<i32>} : memref<2x80x64xf32, #tpu.memory_space<vmem>>, vector<16xf32>,
        %parallel_loop3A_180 = arith.mulf %parallel_loop3A_175, %parallel_loop3A_179 : vector<16xf32>
        %parallel_loop3A_181 = arith.index_cast %rem3A_89 : i32 to index
        %parallel_loop3A_182 = arith.index_cast %parallel_loop3A_140 : i32 to index
        %parallel_loop3A_183 = arith.constant 48 : index
        %parallel_loop3A_184 = tpu.vector_load %arg11[%parallel_loop3A_181, %parallel_loop3A_182, %parallel_loop3A_183] {strides = array<i32>} : memref<2x80x64xf32, #tpu.memory_space<vmem>>, vector<16xf32>,
        tpu.vector_store %arg11[%parallel_loop3A_181, %parallel_loop3A_182, %parallel_loop3A_183], %parallel_loop3A_180 {strides = array<i32>} : memref<2x80x64xf32, #tpu.memory_space<vmem>>, vector<16xf32>,
      } {sc.loop_unroll_factor = 4 : i64, sc.parallel_access}
      "tpu.region"() ({
        %run_scoped3A = tpu.sem_alloc : memref<!tpu.dma_semaphore, #tpu.memory_space<semaphore_mem>>
        %dma_start3A_140 = arith.constant 0 : i32
        %dma_start3A_141 = arith.constant 0 : i32
        %dma_start3A_142 = tpu.memref_slice %arg11[%rem3A_89, %dma_start3A_140, %dma_start3A_141] : memref<2x80x64xf32, #tpu.memory_space<vmem>> -> memref<1x80x64xf32, #tpu.memory_space<vmem>>
        %dma_start3A_143 = tpu.memref_squeeze %dma_start3A_142 : memref<1x80x64xf32, #tpu.memory_space<vmem>> -> memref<80x64xf32, #tpu.memory_space<vmem>>
        %dma_start3A_144 = arith.constant 0 : i32
        %dma_start3A_145 = tpu.memref_slice %arg9[%scan3A_86, %dma_start3A_144] : memref<125x80xi32, #tpu.memory_space<vmem>> -> memref<1x80xi32, #tpu.memory_space<vmem>>
        %dma_start3A_146 = tpu.memref_squeeze %dma_start3A_145 : memref<1x80xi32, #tpu.memory_space<vmem>> -> memref<80xi32, #tpu.memory_space<vmem>>
        %dma_start3A_147 = arith.constant 0 : i32
        %dma_start3A_148 = arith.constant 0 : i32
        %dma_start3A_149 = tpu.memref_slice %arg15[%dma_start3A_147, %dma_start3A_148] : memref<10240x64xf32, #tpu.memory_space<vmem_shared>> -> memref<10240x64xf32, #tpu.memory_space<vmem_shared>>
        tpu.enqueue_indirect_dma source(%dma_start3A_143 : memref<80x64xf32, #tpu.memory_space<vmem>>) target(%dma_start3A_149 : memref<10240x64xf32, #tpu.memory_space<vmem_shared>>) offsets(%dma_start3A_146 : memref<80xi32, #tpu.memory_space<vmem>>) semaphore(%run_scoped3A : memref<!tpu.dma_semaphore, #tpu.memory_space<semaphore_mem>>) {add = true}
        %dma_wait3A_150 = arith.constant 0 : i32
        %dma_wait3A_151 = arith.constant 0 : i32
        %dma_wait3A_152 = tpu.memref_slice %arg11[%rem3A_89, %dma_wait3A_150, %dma_wait3A_151] : memref<2x80x64xf32, #tpu.memory_space<vmem>> -> memref<1x80x64xf32, #tpu.memory_space<vmem>>
        %dma_wait3A_153 = tpu.memref_squeeze %dma_wait3A_152 : memref<1x80x64xf32, #tpu.memory_space<vmem>> -> memref<80x64xf32, #tpu.memory_space<vmem>>
        %dma_wait3A_154 = arith.constant 0 : i32
        %dma_wait3A_155 = tpu.memref_slice %arg9[%scan3A_86, %dma_wait3A_154] : memref<125x80xi32, #tpu.memory_space<vmem>> -> memref<1x80xi32, #tpu.memory_space<vmem>>
        %dma_wait3A_156 = tpu.memref_squeeze %dma_wait3A_155 : memref<1x80xi32, #tpu.memory_space<vmem>> -> memref<80xi32, #tpu.memory_space<vmem>>
        %dma_wait3A_157 = arith.constant 0 : i32
        %dma_wait3A_158 = arith.constant 0 : i32
        %dma_wait3A_159 = tpu.memref_slice %arg15[%dma_wait3A_157, %dma_wait3A_158] : memref<10240x64xf32, #tpu.memory_space<vmem_shared>> -> memref<10240x64xf32, #tpu.memory_space<vmem_shared>>
        tpu.wait_indirect_dma semaphore(%run_scoped3A : memref<!tpu.dma_semaphore, #tpu.memory_space<semaphore_mem>>) src(%dma_wait3A_153 : memref<80x64xf32, #tpu.memory_space<vmem>>) dst(%dma_wait3A_159 : memref<10240x64xf32, #tpu.memory_space<vmem_shared>>)
        tpu.yield
      }) : () -> ()
      %scan3A_139 = arith.constant 0 : i32
      scf.yield %scan3A_139 : i32
    }
    %scan3A_84 = arith.constant 125 : i32
    %barrier3A_85 = arith.constant 0 : index
    tpu.barrier barrier_id(%barrier3A_85)
    "tpu.region"() ({
      %run_scoped3A = tpu.sem_alloc : memref<!tpu.dma_semaphore, #tpu.memory_space<semaphore_mem>>
      %dma_start3A_86 = arith.constant 0 : i32
      %dma_start3A_87 = tpu.memref_slice %arg8[%arg0, %mul3A_7, %dma_start3A_86] : memref<2x10240x64xf32, #tpu.memory_space<hbm>> -> memref<1x640x64xf32, #tpu.memory_space<hbm>>
      %dma_start3A_88 = tpu.memref_squeeze %dma_start3A_87 : memref<1x640x64xf32, #tpu.memory_space<hbm>> -> memref<640x64xf32, #tpu.memory_space<hbm>>
      %dma_start3A_89 = arith.constant 0 : i32
      %dma_start3A_90 = tpu.memref_slice %arg15[%mul3A_7, %dma_start3A_89] : memref<10240x64xf32, #tpu.memory_space<vmem_shared>> -> memref<640x64xf32, #tpu.memory_space<vmem_shared>>
      tpu.enqueue_dma source(%dma_start3A_90 : memref<640x64xf32, #tpu.memory_space<vmem_shared>>) target(%dma_start3A_88 : memref<640x64xf32, #tpu.memory_space<hbm>>) target_semaphore(%run_scoped3A : memref<!tpu.dma_semaphore, #tpu.memory_space<semaphore_mem>>)
      %dma_wait3A = arith.constant 0 : i32
      %dma_wait3A_91 = tpu.memref_slice %arg8[%arg0, %mul3A_7, %dma_wait3A] : memref<2x10240x64xf32, #tpu.memory_space<hbm>> -> memref<1x640x64xf32, #tpu.memory_space<hbm>>
      %dma_wait3A_92 = tpu.memref_squeeze %dma_wait3A_91 : memref<1x640x64xf32, #tpu.memory_space<hbm>> -> memref<640x64xf32, #tpu.memory_space<hbm>>
      %dma_wait3A_93 = arith.constant 0 : i32
      %dma_wait3A_94 = tpu.memref_slice %arg15[%mul3A_7, %dma_wait3A_93] : memref<10240x64xf32, #tpu.memory_space<vmem_shared>> -> memref<640x64xf32, #tpu.memory_space<vmem_shared>>
      tpu.wait_dma2 semaphore(%run_scoped3A : memref<!tpu.dma_semaphore, #tpu.memory_space<semaphore_mem>>) src(%dma_wait3A_94 : memref<640x64xf32, #tpu.memory_space<vmem_shared>>) dst(%dma_wait3A_92 : memref<640x64xf32, #tpu.memory_space<hbm>>)
      tpu.yield
    }) : () -> ()
    return
  }
}

module attributes {stable_mosaic.version = 14 : i64} {
  func.func @dense1(%arg0: i32, %arg1: memref<2000x128xf32, #tpu.memory_space<vmem>>, %arg2: memref<128x64xf32, #tpu.memory_space<vmem>>, %arg3: memref<64x16xf32, #tpu.memory_space<vmem>>, %arg4: memref<2000x64xf32, #tpu.memory_space<vmem>>, %arg5: memref<2000x16xf32, #tpu.memory_space<vmem>>, %arg6: memref<8x16xf32, #tpu.memory_space<vmem>>) attributes {dimension_semantics = [#tpu.dimension_semantics<arbitrary>], iteration_bounds = array<i64: 5>, scalar_prefetch = 0 : i64, scratch_operands = 0 : i64, tpu.core_type = #tpu.core_type<tc>, window_params = [{transform_indices = @transform_0, window_bounds = array<i64: 2000, 128>}, {pipeline_mode = #tpu.pipeline_mode<synchronous>, transform_indices = @transform_1, window_bounds = array<i64: 128, 64>}, {pipeline_mode = #tpu.pipeline_mode<synchronous>, transform_indices = @transform_2, window_bounds = array<i64: 64, 16>}, {transform_indices = @transform_3, window_bounds = array<i64: 2000, 64>}, {transform_indices = @transform_4, window_bounds = array<i64: 2000, 16>}, {pipeline_mode = #tpu.pipeline_mode<synchronous>, transform_indices = @transform_5, window_bounds = array<i64: 8, 16>}]} {
    %get3A = arith.constant 0 : index
    %get3A_0 = arith.constant 0 : index
    %get3A_1 = vector.load %arg1[%get3A, %get3A_0] : memref<2000x128xf32, #tpu.memory_space<vmem>>, vector<2000x128xf32>
    %get3A_2 = arith.constant 0 : index
    %get3A_3 = arith.constant 0 : index
    %get3A_4 = vector.load %arg2[%get3A_2, %get3A_3] : memref<128x64xf32, #tpu.memory_space<vmem>>, vector<128x64xf32>
    %dot_general3A = arith.constant dense<0.000000e+00> : vector<2000x64xf32>
    %dot_general3A_5 = tpu.matmul %get3A_1, %get3A_4, %dot_general3A {dimension_numbers = #tpu.dot_dimension_numbers<[1], [0], [0], [1], [0, 0, 1, 1], [], []>, transpose_lhs_hint = false} : vector<2000x128xf32>, vector<128x64xf32>, vector<2000x64xf32> -> vector<2000x64xf32>
    %get3A_6 = arith.constant 0 : index
    %get3A_7 = arith.constant 0 : index
    %get3A_8 = vector.load %arg3[%get3A_6, %get3A_7] : memref<64x16xf32, #tpu.memory_space<vmem>>, vector<64x16xf32>
    %dot_general3A_9 = arith.constant dense<0.000000e+00> : vector<2000x16xf32>
    %dot_general3A_10 = tpu.matmul %dot_general3A_5, %get3A_8, %dot_general3A_9 {dimension_numbers = #tpu.dot_dimension_numbers<[1], [0], [0], [1], [0, 0, 1, 1], [], []>, transpose_lhs_hint = false} : vector<2000x64xf32>, vector<64x16xf32>, vector<2000x16xf32> -> vector<2000x16xf32>
    %swap3A = arith.constant 0 : index
    %swap3A_11 = arith.constant 0 : index
    %swap3A_12 = vector.load %arg4[%swap3A, %swap3A_11] : memref<2000x64xf32, #tpu.memory_space<vmem>>, vector<2000x64xf32>
    tpu.vector_store %arg4[%swap3A, %swap3A_11], %dot_general3A_5 {strides = array<i32>} : memref<2000x64xf32, #tpu.memory_space<vmem>>, vector<2000x64xf32>,
    %swap3A_13 = arith.constant 0 : index
    %swap3A_14 = arith.constant 0 : index
    %swap3A_15 = vector.load %arg5[%swap3A_13, %swap3A_14] : memref<2000x16xf32, #tpu.memory_space<vmem>>, vector<2000x16xf32>
    tpu.vector_store %arg5[%swap3A_13, %swap3A_14], %dot_general3A_10 {strides = array<i32>} : memref<2000x16xf32, #tpu.memory_space<vmem>>, vector<2000x16xf32>,
    %reduce_max3A = arith.constant dense<0xFF800000> : vector<16xf32>
    %reduce_max3A_16 = vector.multi_reduction <maximumf>, %dot_general3A_10, %reduce_max3A [0] : vector<2000x16xf32> to vector<16xf32>
    %broadcast_in_dim3A = vector.shape_cast %reduce_max3A_16 : vector<16xf32> to vector<1x16xf32>
    %broadcast_in_dim3A_17 = vector.shape_cast %broadcast_in_dim3A : vector<1x16xf32> to vector<1x16xf32>
    %broadcast_in_dim3A_18 = vector.broadcast %broadcast_in_dim3A_17 : vector<1x16xf32> to vector<8x16xf32>
    %eq3A = arith.constant 0 : i32
    %eq3A_19 = arith.cmpi eq, %arg0, %eq3A : i32
    %convert_element_type3A = arith.extui %eq3A_19 : i1 to i32
    %cond3A = arith.constant 0 : i32
    %cond3A_20 = arith.cmpi ne, %convert_element_type3A, %cond3A : i32
    scf.if %cond3A_20 {
      %swap3A_25 = arith.constant 0 : index
      %swap3A_26 = arith.constant 0 : index
      %swap3A_27 = vector.load %arg6[%swap3A_25, %swap3A_26] : memref<8x16xf32, #tpu.memory_space<vmem>>, vector<8x16xf32>
      tpu.vector_store %arg6[%swap3A_25, %swap3A_26], %broadcast_in_dim3A_18 {strides = array<i32>} : memref<8x16xf32, #tpu.memory_space<vmem>>, vector<8x16xf32>,
    } else {
    }
    %gt3A = arith.constant 0 : i32
    %gt3A_21 = arith.cmpi sgt, %arg0, %gt3A : i32
    %convert_element_type3A_22 = arith.extui %gt3A_21 : i1 to i32
    %cond3A_23 = arith.constant 0 : i32
    %cond3A_24 = arith.cmpi ne, %convert_element_type3A_22, %cond3A_23 : i32
    scf.if %cond3A_24 {
      %get3A_25 = arith.constant 0 : index
      %get3A_26 = arith.constant 0 : index
      %get3A_27 = vector.load %arg6[%get3A_25, %get3A_26] : memref<8x16xf32, #tpu.memory_space<vmem>>, vector<8x16xf32>
      %max3A = arith.maximumf %get3A_27, %broadcast_in_dim3A_18 : vector<8x16xf32>
      %swap3A_28 = arith.constant 0 : index
      %swap3A_29 = arith.constant 0 : index
      %swap3A_30 = vector.load %arg6[%swap3A_28, %swap3A_29] : memref<8x16xf32, #tpu.memory_space<vmem>>, vector<8x16xf32>
      tpu.vector_store %arg6[%swap3A_28, %swap3A_29], %max3A {strides = array<i32>} : memref<8x16xf32, #tpu.memory_space<vmem>>, vector<8x16xf32>,
    } else {
    }
    return
  }
  func.func @transform_0(%arg0: i32) -> (i32, i32) {
    %c0_i32 = arith.constant 0 : i32
    %c0_i32_0 = arith.constant 0 : i32
    return %arg0, %c0_i32 : i32, i32
  }
  func.func @transform_1(%arg0: i32) -> (i32, i32) {
    %c0_i32 = arith.constant 0 : i32
    %c0_i32_0 = arith.constant 0 : i32
    %c0_i32_1 = arith.constant 0 : i32
    return %c0_i32, %c0_i32_0 : i32, i32
  }
  func.func @transform_2(%arg0: i32) -> (i32, i32) {
    %c0_i32 = arith.constant 0 : i32
    %c0_i32_0 = arith.constant 0 : i32
    %c0_i32_1 = arith.constant 0 : i32
    return %c0_i32, %c0_i32_0 : i32, i32
  }
  func.func @transform_3(%arg0: i32) -> (i32, i32) {
    %c0_i32 = arith.constant 0 : i32
    %c0_i32_0 = arith.constant 0 : i32
    return %arg0, %c0_i32 : i32, i32
  }
  func.func @transform_4(%arg0: i32) -> (i32, i32) {
    %c0_i32 = arith.constant 0 : i32
    %c0_i32_0 = arith.constant 0 : i32
    return %arg0, %c0_i32 : i32, i32
  }
  func.func @transform_5(%arg0: i32) -> (i32, i32) {
    %c0_i32 = arith.constant 0 : i32
    %c0_i32_0 = arith.constant 0 : i32
    %c0_i32_1 = arith.constant 0 : i32
    return %c0_i32, %c0_i32_0 : i32, i32
  }
}

module attributes {stable_mosaic.version = 14 : i64} {
  func.func @rsum(%arg0: i32, %arg1: memref<2x2048x8xf32, #tpu.memory_space<vmem>>, %arg2: memref<2048x16xf32, #tpu.memory_space<vmem>>) attributes {dimension_semantics = [#tpu.dimension_semantics<arbitrary>], iteration_bounds = array<i64: 5>, scalar_prefetch = 0 : i64, scratch_operands = 0 : i64, tpu.core_type = #tpu.core_type<tc>, window_params = [{transform_indices = @transform_0, window_bounds = array<i64: 2, 2048, 8>}, {transform_indices = @transform_1, window_bounds = array<i64: 2048, 16>}]} {
    %get3A = arith.constant 0 : index
    %get3A_0 = arith.constant 0 : index
    %get3A_1 = arith.constant 0 : index
    %get3A_2 = vector.load %arg1[%get3A, %get3A_0, %get3A_1] : memref<2x2048x8xf32, #tpu.memory_space<vmem>>, vector<1x2048x8xf32>
    %get3A_3 = vector.shape_cast %get3A_2 : vector<1x2048x8xf32> to vector<2048x8xf32>
    %get3A_4 = arith.constant 1 : index
    %get3A_5 = arith.constant 0 : index
    %get3A_6 = arith.constant 0 : index
    %get3A_7 = vector.load %arg1[%get3A_4, %get3A_5, %get3A_6] : memref<2x2048x8xf32, #tpu.memory_space<vmem>>, vector<1x2048x8xf32>
    %get3A_8 = vector.shape_cast %get3A_7 : vector<1x2048x8xf32> to vector<2048x8xf32>
    %add3A = arith.addf %get3A_3, %get3A_8 : vector<2048x8xf32>
    %add3A_9 = arith.constant 1.000000e-10 : f32
    %add3A_10 = vector.broadcast %add3A_9 : f32 to vector<2048x8xf32>
    %add3A_11 = arith.addf %add3A, %add3A_10 : vector<2048x8xf32>
    %div3A = arith.constant 1.000000e+00 : f32
    %div3A_12 = vector.broadcast %div3A : f32 to vector<2048x8xf32>
    %div3A_13 = arith.divf %div3A_12, %add3A_11 : vector<2048x8xf32>
    %concatenate3A = tpu.concatenate %div3A_13, %div3A_13 in 1 : vector<2048x8xf32>, vector<2048x8xf32> -> vector<2048x16xf32>
    %swap3A = arith.constant 0 : index
    %swap3A_14 = arith.constant 0 : index
    %swap3A_15 = vector.load %arg2[%swap3A, %swap3A_14] : memref<2048x16xf32, #tpu.memory_space<vmem>>, vector<2048x16xf32>
    tpu.vector_store %arg2[%swap3A, %swap3A_14], %concatenate3A {strides = array<i32>} : memref<2048x16xf32, #tpu.memory_space<vmem>>, vector<2048x16xf32>,
    return
  }
  func.func @transform_0(%arg0: i32) -> (i32, i32, i32) {
    %c0_i32 = arith.constant 0 : i32
    %c0_i32_0 = arith.constant 0 : i32
    %c0_i32_1 = arith.constant 0 : i32
    return %c0_i32, %arg0, %c0_i32_0 : i32, i32, i32
  }
  func.func @transform_1(%arg0: i32) -> (i32, i32) {
    %c0_i32 = arith.constant 0 : i32
    %c0_i32_0 = arith.constant 0 : i32
    return %arg0, %c0_i32 : i32, i32
  }
}

module attributes {stable_mosaic.version = 14 : i64} {
  func.func @dense2(%arg0: i32, %arg1: memref<2x1024x64xf32, #tpu.memory_space<vmem>>, %arg2: memref<1x64xf32, #tpu.memory_space<vmem>>, %arg3: memref<64x16xf32, #tpu.memory_space<vmem>>, %arg4: memref<16x16xf32, #tpu.memory_space<vmem>>, %arg5: memref<1024x16xf32, #tpu.memory_space<vmem>>, %arg6: memref<1024x16xf32, #tpu.memory_space<vmem>>, %arg7: memref<8x16xf32, #tpu.memory_space<vmem>>) attributes {dimension_semantics = [#tpu.dimension_semantics<arbitrary>], iteration_bounds = array<i64: 10>, scalar_prefetch = 0 : i64, scratch_operands = 0 : i64, tpu.core_type = #tpu.core_type<tc>, window_params = [{transform_indices = @transform_0, window_bounds = array<i64: 2, 1024, 64>}, {pipeline_mode = #tpu.pipeline_mode<synchronous>, transform_indices = @transform_1, window_bounds = array<i64: 1, 64>}, {pipeline_mode = #tpu.pipeline_mode<synchronous>, transform_indices = @transform_2, window_bounds = array<i64: 64, 16>}, {pipeline_mode = #tpu.pipeline_mode<synchronous>, transform_indices = @transform_3, window_bounds = array<i64: 16, 16>}, {transform_indices = @transform_4, window_bounds = array<i64: 1024, 16>}, {transform_indices = @transform_5, window_bounds = array<i64: 1024, 16>}, {pipeline_mode = #tpu.pipeline_mode<synchronous>, transform_indices = @transform_6, window_bounds = array<i64: 8, 16>}]} {
    %get3A = arith.constant 0 : index
    %get3A_0 = arith.constant 0 : index
    %get3A_1 = arith.constant 0 : index
    %get3A_2 = vector.load %arg1[%get3A, %get3A_0, %get3A_1] : memref<2x1024x64xf32, #tpu.memory_space<vmem>>, vector<1x1024x64xf32>
    %get3A_3 = vector.shape_cast %get3A_2 : vector<1x1024x64xf32> to vector<1024x64xf32>
    %get3A_4 = arith.constant 1 : index
    %get3A_5 = arith.constant 0 : index
    %get3A_6 = arith.constant 0 : index
    %get3A_7 = vector.load %arg1[%get3A_4, %get3A_5, %get3A_6] : memref<2x1024x64xf32, #tpu.memory_space<vmem>>, vector<1x1024x64xf32>
    %get3A_8 = vector.shape_cast %get3A_7 : vector<1x1024x64xf32> to vector<1024x64xf32>
    %add3A = arith.addf %get3A_3, %get3A_8 : vector<1024x64xf32>
    %get3A_9 = arith.constant 0 : index
    %get3A_10 = arith.constant 0 : index
    %get3A_11 = vector.load %arg2[%get3A_9, %get3A_10] : memref<1x64xf32, #tpu.memory_space<vmem>>, vector<1x64xf32>
    %add3A_12 = vector.broadcast %get3A_11 : vector<1x64xf32> to vector<1024x64xf32>
    %add3A_13 = arith.addf %add3A, %add3A_12 : vector<1024x64xf32>
    %gt3A = arith.constant 0.000000e+00 : f32
    %gt3A_14 = vector.broadcast %gt3A : f32 to vector<1024x64xf32>
    %gt3A_15 = arith.cmpf ogt, %add3A_13, %gt3A_14 : vector<1024x64xf32>
    %exp3A = math.exp %add3A_13 : vector<1024x64xf32>
    %sub3A = arith.constant 1.000000e+00 : f32
    %sub3A_16 = vector.broadcast %sub3A : f32 to vector<1024x64xf32>
    %sub3A_17 = arith.subf %exp3A, %sub3A_16 : vector<1024x64xf32>
    %select_n3A = arith.select %gt3A_15, %add3A_13, %sub3A_17 : vector<1024x64xi1>, vector<1024x64xf32>
    %get3A_18 = arith.constant 0 : index
    %get3A_19 = arith.constant 0 : index
    %get3A_20 = vector.load %arg3[%get3A_18, %get3A_19] : memref<64x16xf32, #tpu.memory_space<vmem>>, vector<64x16xf32>
    %dot_general3A = arith.constant dense<0.000000e+00> : vector<1024x16xf32>
    %dot_general3A_21 = tpu.matmul %select_n3A, %get3A_20, %dot_general3A {dimension_numbers = #tpu.dot_dimension_numbers<[1], [0], [0], [1], [0, 0, 1, 1], [], []>, transpose_lhs_hint = false} : vector<1024x64xf32>, vector<64x16xf32>, vector<1024x16xf32> -> vector<1024x16xf32>
    %get3A_22 = arith.constant 0 : index
    %get3A_23 = arith.constant 0 : index
    %get3A_24 = vector.load %arg4[%get3A_22, %get3A_23] : memref<16x16xf32, #tpu.memory_space<vmem>>, vector<16x16xf32>
    %dot_general3A_25 = arith.constant dense<0.000000e+00> : vector<1024x16xf32>
    %dot_general3A_26 = tpu.matmul %dot_general3A_21, %get3A_24, %dot_general3A_25 {dimension_numbers = #tpu.dot_dimension_numbers<[1], [0], [0], [1], [0, 0, 1, 1], [], []>, transpose_lhs_hint = false} : vector<1024x16xf32>, vector<16x16xf32>, vector<1024x16xf32> -> vector<1024x16xf32>
    %swap3A = arith.constant 0 : index
    %swap3A_27 = arith.constant 0 : index
    %swap3A_28 = vector.load %arg5[%swap3A, %swap3A_27] : memref<1024x16xf32, #tpu.memory_space<vmem>>, vector<1024x16xf32>
    tpu.vector_store %arg5[%swap3A, %swap3A_27], %dot_general3A_21 {strides = array<i32>} : memref<1024x16xf32, #tpu.memory_space<vmem>>, vector<1024x16xf32>,
    %swap3A_29 = arith.constant 0 : index
    %swap3A_30 = arith.constant 0 : index
    %swap3A_31 = vector.load %arg6[%swap3A_29, %swap3A_30] : memref<1024x16xf32, #tpu.memory_space<vmem>>, vector<1024x16xf32>
    tpu.vector_store %arg6[%swap3A_29, %swap3A_30], %dot_general3A_26 {strides = array<i32>} : memref<1024x16xf32, #tpu.memory_space<vmem>>, vector<1024x16xf32>,
    %reduce_max3A = arith.constant dense<0xFF800000> : vector<16xf32>
    %reduce_max3A_32 = vector.multi_reduction <maximumf>, %dot_general3A_26, %reduce_max3A [0] : vector<1024x16xf32> to vector<16xf32>
    %broadcast_in_dim3A = vector.shape_cast %reduce_max3A_32 : vector<16xf32> to vector<1x16xf32>
    %broadcast_in_dim3A_33 = vector.shape_cast %broadcast_in_dim3A : vector<1x16xf32> to vector<1x16xf32>
    %broadcast_in_dim3A_34 = vector.broadcast %broadcast_in_dim3A_33 : vector<1x16xf32> to vector<8x16xf32>
    %eq3A = arith.constant 0 : i32
    %eq3A_35 = arith.cmpi eq, %arg0, %eq3A : i32
    %convert_element_type3A = arith.extui %eq3A_35 : i1 to i32
    %cond3A = arith.constant 0 : i32
    %cond3A_36 = arith.cmpi ne, %convert_element_type3A, %cond3A : i32
    scf.if %cond3A_36 {
      %swap3A_42 = arith.constant 0 : index
      %swap3A_43 = arith.constant 0 : index
      %swap3A_44 = vector.load %arg7[%swap3A_42, %swap3A_43] : memref<8x16xf32, #tpu.memory_space<vmem>>, vector<8x16xf32>
      tpu.vector_store %arg7[%swap3A_42, %swap3A_43], %broadcast_in_dim3A_34 {strides = array<i32>} : memref<8x16xf32, #tpu.memory_space<vmem>>, vector<8x16xf32>,
    } else {
    }
    %gt3A_37 = arith.constant 0 : i32
    %gt3A_38 = arith.cmpi sgt, %arg0, %gt3A_37 : i32
    %convert_element_type3A_39 = arith.extui %gt3A_38 : i1 to i32
    %cond3A_40 = arith.constant 0 : i32
    %cond3A_41 = arith.cmpi ne, %convert_element_type3A_39, %cond3A_40 : i32
    scf.if %cond3A_41 {
      %get3A_42 = arith.constant 0 : index
      %get3A_43 = arith.constant 0 : index
      %get3A_44 = vector.load %arg7[%get3A_42, %get3A_43] : memref<8x16xf32, #tpu.memory_space<vmem>>, vector<8x16xf32>
      %max3A = arith.maximumf %get3A_44, %broadcast_in_dim3A_34 : vector<8x16xf32>
      %swap3A_45 = arith.constant 0 : index
      %swap3A_46 = arith.constant 0 : index
      %swap3A_47 = vector.load %arg7[%swap3A_45, %swap3A_46] : memref<8x16xf32, #tpu.memory_space<vmem>>, vector<8x16xf32>
      tpu.vector_store %arg7[%swap3A_45, %swap3A_46], %max3A {strides = array<i32>} : memref<8x16xf32, #tpu.memory_space<vmem>>, vector<8x16xf32>,
    } else {
    }
    return
  }
  func.func @transform_0(%arg0: i32) -> (i32, i32, i32) {
    %c0_i32 = arith.constant 0 : i32
    %c0_i32_0 = arith.constant 0 : i32
    %c0_i32_1 = arith.constant 0 : i32
    return %c0_i32, %arg0, %c0_i32_0 : i32, i32, i32
  }
  func.func @transform_1(%arg0: i32) -> (i32, i32) {
    %c0_i32 = arith.constant 0 : i32
    %c0_i32_0 = arith.constant 0 : i32
    %c0_i32_1 = arith.constant 0 : i32
    return %c0_i32, %c0_i32_0 : i32, i32
  }
  func.func @transform_2(%arg0: i32) -> (i32, i32) {
    %c0_i32 = arith.constant 0 : i32
    %c0_i32_0 = arith.constant 0 : i32
    %c0_i32_1 = arith.constant 0 : i32
    return %c0_i32, %c0_i32_0 : i32, i32
  }
  func.func @transform_3(%arg0: i32) -> (i32, i32) {
    %c0_i32 = arith.constant 0 : i32
    %c0_i32_0 = arith.constant 0 : i32
    %c0_i32_1 = arith.constant 0 : i32
    return %c0_i32, %c0_i32_0 : i32, i32
  }
  func.func @transform_4(%arg0: i32) -> (i32, i32) {
    %c0_i32 = arith.constant 0 : i32
    %c0_i32_0 = arith.constant 0 : i32
    return %arg0, %c0_i32 : i32, i32
  }
  func.func @transform_5(%arg0: i32) -> (i32, i32) {
    %c0_i32 = arith.constant 0 : i32
    %c0_i32_0 = arith.constant 0 : i32
    return %arg0, %c0_i32 : i32, i32
  }
  func.func @transform_6(%arg0: i32) -> (i32, i32) {
    %c0_i32 = arith.constant 0 : i32
    %c0_i32_0 = arith.constant 0 : i32
    %c0_i32_1 = arith.constant 0 : i32
    return %c0_i32, %c0_i32_0 : i32, i32
  }
}

module attributes {stable_mosaic.version = 14 : i64} {
  func.func @final_logsoftmax(%arg0: i32, %arg1: memref<2x1024x16xf32, #tpu.memory_space<vmem>>, %arg2: memref<1x16xf32, #tpu.memory_space<vmem>>, %arg3: memref<1024x16xf32, #tpu.memory_space<vmem>>) attributes {dimension_semantics = [#tpu.dimension_semantics<arbitrary>], iteration_bounds = array<i64: 10>, scalar_prefetch = 0 : i64, scratch_operands = 0 : i64, tpu.core_type = #tpu.core_type<tc>, window_params = [{transform_indices = @transform_0, window_bounds = array<i64: 2, 1024, 16>}, {pipeline_mode = #tpu.pipeline_mode<synchronous>, transform_indices = @transform_1, window_bounds = array<i64: 1, 16>}, {transform_indices = @transform_2, window_bounds = array<i64: 1024, 16>}]} {
    %get3A = arith.constant 0 : index
    %get3A_0 = arith.constant 0 : index
    %get3A_1 = arith.constant 0 : index
    %get3A_2 = vector.load %arg1[%get3A, %get3A_0, %get3A_1] : memref<2x1024x16xf32, #tpu.memory_space<vmem>>, vector<1x1024x16xf32>
    %get3A_3 = vector.shape_cast %get3A_2 : vector<1x1024x16xf32> to vector<1024x16xf32>
    %get3A_4 = arith.constant 1 : index
    %get3A_5 = arith.constant 0 : index
    %get3A_6 = arith.constant 0 : index
    %get3A_7 = vector.load %arg1[%get3A_4, %get3A_5, %get3A_6] : memref<2x1024x16xf32, #tpu.memory_space<vmem>>, vector<1x1024x16xf32>
    %get3A_8 = vector.shape_cast %get3A_7 : vector<1x1024x16xf32> to vector<1024x16xf32>
    %add3A = arith.addf %get3A_3, %get3A_8 : vector<1024x16xf32>
    %get3A_9 = arith.constant 0 : index
    %get3A_10 = arith.constant 0 : index
    %get3A_11 = vector.load %arg2[%get3A_9, %get3A_10] : memref<1x16xf32, #tpu.memory_space<vmem>>, vector<1x16xf32>
    %add3A_12 = vector.broadcast %get3A_11 : vector<1x16xf32> to vector<1024x16xf32>
    %add3A_13 = arith.addf %add3A, %add3A_12 : vector<1024x16xf32>
    %reduce_max3A = arith.constant dense<0xFF800000> : vector<1024xf32>
    %reduce_max3A_14 = vector.multi_reduction <maximumf>, %add3A_13, %reduce_max3A [1] : vector<1024x16xf32> to vector<1024xf32>
    %broadcast_in_dim3A = vector.shape_cast %reduce_max3A_14 : vector<1024xf32> to vector<1024x1xf32>
    %sub3A = vector.broadcast %broadcast_in_dim3A : vector<1024x1xf32> to vector<1024x16xf32>
    %sub3A_15 = arith.subf %add3A_13, %sub3A : vector<1024x16xf32>
    %exp3A = math.exp %sub3A_15 : vector<1024x16xf32>
    %sub3A_16 = vector.broadcast %broadcast_in_dim3A : vector<1024x1xf32> to vector<1024x16xf32>
    %sub3A_17 = arith.subf %add3A_13, %sub3A_16 : vector<1024x16xf32>
    %reduce_sum3A = arith.constant dense<0.000000e+00> : vector<1024xf32>
    %reduce_sum3A_18 = vector.multi_reduction <add>, %exp3A, %reduce_sum3A [1] : vector<1024x16xf32> to vector<1024xf32>
    %broadcast_in_dim3A_19 = vector.shape_cast %reduce_sum3A_18 : vector<1024xf32> to vector<1024x1xf32>
    %log3A = math.log %broadcast_in_dim3A_19 : vector<1024x1xf32>
    %sub3A_20 = vector.broadcast %log3A : vector<1024x1xf32> to vector<1024x16xf32>
    %sub3A_21 = arith.subf %sub3A_17, %sub3A_20 : vector<1024x16xf32>
    %swap3A = arith.constant 0 : index
    %swap3A_22 = arith.constant 0 : index
    %swap3A_23 = vector.load %arg3[%swap3A, %swap3A_22] : memref<1024x16xf32, #tpu.memory_space<vmem>>, vector<1024x16xf32>
    tpu.vector_store %arg3[%swap3A, %swap3A_22], %sub3A_21 {strides = array<i32>} : memref<1024x16xf32, #tpu.memory_space<vmem>>, vector<1024x16xf32>,
    return
  }
  func.func @transform_0(%arg0: i32) -> (i32, i32, i32) {
    %c0_i32 = arith.constant 0 : i32
    %c0_i32_0 = arith.constant 0 : i32
    %c0_i32_1 = arith.constant 0 : i32
    return %c0_i32, %arg0, %c0_i32_0 : i32, i32, i32
  }
  func.func @transform_1(%arg0: i32) -> (i32, i32) {
    %c0_i32 = arith.constant 0 : i32
    %c0_i32_0 = arith.constant 0 : i32
    %c0_i32_1 = arith.constant 0 : i32
    return %c0_i32, %c0_i32_0 : i32, i32
  }
  func.func @transform_2(%arg0: i32) -> (i32, i32) {
    %c0_i32 = arith.constant 0 : i32
    %c0_i32_0 = arith.constant 0 : i32
    return %arg0, %c0_i32 : i32, i32
  }
}

</mosaic_0001>

<sc_bundles>
// kernel: sc_edge_aggregate_f16.3.cloned.1.call-start
scs
__scs_entry_jumppad:
0x0: {  	(pc) =	sbr.rel $0x88, $3  }
0x1: {  	(tag) =	ssettag $0x0;
	lr =	simm.s32 $0x1  }
0x2: {  	[smem:$0x3F99] =	sst lr;
	_ =	strace $0xD0000000  }
0x3: {  	_ = 	snop  }
0x4: {  	_ = 	snop  }
0x5: {  	_ = 	snop  }
0x6: {  	_ = 	snop  }
0x7: {  	_ = 	snop  }
__scs_overlays_trampoline_lowered:
0x8: {  	[smem:$0x3FA8] =	sst s0  }
0x9: {  	[smem:$0x3FA9] =	sst s1  }
0xa: {  	[smem:$0x3FAA] =	sst s2  }
0xb: {  	[smem:$0x3FAB] =	sst s3  }
0xc: {  	[smem:$0x3FAC] =	sst s4  }
0xd: {  	[smem:$0x3FAD] =	sst s5  }
0xe: {  	[smem:$0x3FAE] =	sst s6  }
0xf: {  	[smem:$0x3FAF] =	sst s7  }
0x10: {  	[smem:$0x3FB0] =	sst s8  }
0x11: {  	[smem:$0x3FB1] =	sst s9;
	s0 =	simm.s32 @!p0 $0x0  }
0x12: {  	s1 =	sld [smem:$0x3F97];
	s0 =	simm.s32 @p0 $0x1  }
0x13: {  	[smem:$0x3FB2] =	sst s0;
	s0 =	simm.s32 @!p1 $0x0  }
0x14: {  	s2 =	sld [smem:$0x3F96];
	s0 =	simm.s32 @p1 $0x1  }
0x15: {  	[smem:$0x3FB3] =	sst s0;
	s0 =	simm.s32 @!p2 $0x0  }
0x16: {  	s3 =	sld [smem:$0x3FDB];
	s0 =	simm.s32 @p2 $0x1  }
0x17: {  	s4 =	simm.s32 $0x1BF5;
	[smem:$0x3FB5] =	sst s0  }
0x18: {  	s0 =	sld [smem:$0x3F98];
	_ =	swait.ge [sflag:s4], $0x0  }
0x19: {  	s7 =	sld [smem:$0x3F99]  }
0x1a: {  	s8 =	sadd.s32 $0xFFFFE003, lr  }
0x1b: {  	s9 =	sadd.s32 $0xFFFFFEF7, lr;
	s5 =	simm.s32 $0xFFFFFFFF;
	p2 =	slt.u32 s8, $0xFFFFF086  }
0x1c: {  	p1 =	slt.u32 s9, $0xF7A;
	s5 =	simm.s32 @!p2 $0x0  }
0x1d: {  	s5 =	simm.s32 @p1 $0x1;
	p0 =	seq.s32 s7, s2  }
0x1e: {  	s7 =	smul.u32 @!p0 $0xF7A, s2;
	p2 =	seq.s32 @!p0 s5, $0x0  }
0x1f: {  	s9 =	smul.u32 $0xF7A, s1;
	s8 =	simm.s32 @!p0 $0x1BF5;
	p2 =	por !p2, p0  }
0x20: {  	[sflag:s8] =	ssyncset.s32 @!p0 $0xFFFFF086;
	s6 =	sadd.s32 @!p0 s3, s7;
	s7 =	simm.s32 @!p0 $0x108  }
0x21: {  	s3 =	sadd.s32 s3, s9;
	s6 =	sadd.s32 @!p0 $0x88, s6;
	s7 =	simm.s32 @p2 $0x1082  }
0x22: {  	[simem:s7], [sflag:s8] =	dma.local @!p0 [hbm:s6], $0xF7A  }
0x23: {  	s9 =	sor.u32 $0xD0000000, s2;
	s6 =	simm.s32 $0x108;
	_ =	swait.ge @!p0 [sflag:s8], $0x0  }
0x24: {  	s3 =	sadd.s32 $0x88, s3;
	s6 =	simm.s32 @!p1 $0x1082;
	[sflag:s4] =	ssyncset.s32 $0xFFFFF086  }
0x25: {  	[simem:s6], [sflag:s4] =	dma.local [hbm:s3], $0xF7A  }
0x26: {  	[smem:$0x3F99] =	sst s1;
	(tag) =	ssettag s2;
	_ =	strace s9  }
0x27: {  	s1 =	sld [smem:$0x3FA9]  }
0x28: {  	s2 =	sld [smem:$0x3FAA]  }
0x29: {  	s4 =	sld [smem:$0x3FAC]  }
0x2a: {  	p0 =	seq.s32 s5, $0x0;
	s5 =	sld [smem:$0x3FAD]  }
0x2b: {  	s6 =	sld [smem:$0x3FAE]  }
0x2c: {  	s7 =	sld [smem:$0x3FAF]  }
0x2d: {  	s3 =	simm.s32 $0x108;
	s8 =	sld [smem:$0x3FB0]  }
0x2e: {  	s3 =	simm.s32 @!p0 $0x1082;
	s9 =	sld [smem:$0x3FB1]  }
0x2f: {  	lr =	sadd.s32 s0, s3;
	s0 =	sld [smem:$0x3FA8]  }
0x30: {  	s3 =	sld [smem:$0x3FAB]  }
0x31: {  	[smem:$0x3FB4] =	sst s10  }
0x32: {  	s10 =	sld [smem:$0x3FB2];
	_ =	sdelay $0x3  }
0x33: {  	p0 =	seq.s32 s10, $0x1;
	s10 =	sld [smem:$0x3FB4];
	_ =	sdelay $0x3  }
0x34: {  	[smem:$0x3FB4] =	sst s10  }
0x35: {  	s10 =	sld [smem:$0x3FB3];
	_ =	sdelay $0x3  }
0x36: {  	p1 =	seq.s32 s10, $0x1;
	s10 =	sld [smem:$0x3FB4];
	_ =	sdelay $0x3  }
0x37: {  	[smem:$0x3FB4] =	sst s10  }
0x38: {  	s10 =	sld [smem:$0x3FB5]  }
0x39: {  	_ = 	snop;
	(pc) =	sbr.ind lr, $3  }
0x3a: {  	_ = 	snop  }
0x3b: {  	_ = 	snop  }
0x3c: {  	p2 =	seq.s32 s10, $0x1;
	s10 =	sld [smem:$0x3FB4]  }
0x3d: {  	_ =	shalt  }
0x3e: {  	_ =	shalt  }
0x3f: {  	_ =	shalt  }
0x40: {  	_ =	shalt  }
0x41: {  	_ =	shalt  }
0x42: {  	_ =	shalt  }
0x43: {  	_ =	shalt  }
0x44: {  	_ =	shalt  }
0x45: {  	_ =	shalt  }
0x46: {  	_ =	shalt  }
0x47: {  	_ =	shalt  }
0x48: {  	_ =	shalt  }
0x49: {  	_ =	shalt  }
0x4a: {  	_ =	shalt  }
0x4b: {  	_ =	shalt  }
0x4c: {  	_ =	shalt  }
0x4d: {  	_ =	shalt  }
0x4e: {  	_ =	shalt  }
0x4f: {  	_ =	shalt  }
0x50: {  	_ =	shalt  }
0x51: {  	_ =	shalt  }
0x52: {  	_ =	shalt  }
0x53: {  	_ =	shalt  }
0x54: {  	_ =	shalt  }
0x55: {  	_ =	shalt  }
0x56: {  	_ =	shalt  }
0x57: {  	_ =	shalt  }
0x58: {  	_ =	shalt  }
0x59: {  	_ =	shalt  }
0x5a: {  	_ =	shalt  }
0x5b: {  	_ =	shalt  }
0x5c: {  	_ =	shalt  }
0x5d: {  	_ =	shalt  }
0x5e: {  	_ =	shalt  }
0x5f: {  	_ =	shalt  }
0x60: {  	_ =	shalt  }
0x61: {  	_ =	shalt  }
0x62: {  	_ =	shalt  }
0x63: {  	_ =	shalt  }
0x64: {  	_ =	shalt  }
0x65: {  	_ =	shalt  }
0x66: {  	_ =	shalt  }
0x67: {  	_ =	shalt  }
0x68: {  	_ =	shalt  }
0x69: {  	_ =	shalt  }
0x6a: {  	_ =	shalt  }
0x6b: {  	_ =	shalt  }
0x6c: {  	_ =	shalt  }
0x6d: {  	_ =	shalt  }
0x6e: {  	_ =	shalt  }
0x6f: {  	_ =	shalt  }
0x70: {  	_ =	shalt  }
0x71: {  	_ =	shalt  }
0x72: {  	_ =	shalt  }
0x73: {  	_ =	shalt  }
0x74: {  	_ =	shalt  }
0x75: {  	_ =	shalt  }
0x76: {  	_ =	shalt  }
0x77: {  	_ =	shalt  }
0x78: {  	_ =	shalt  }
0x79: {  	_ =	shalt  }
0x7a: {  	_ =	shalt  }
0x7b: {  	_ =	shalt  }
0x7c: {  	_ =	shalt  }
0x7d: {  	_ =	shalt  }
0x7e: {  	_ =	shalt  }
0x7f: {  	_ =	shalt  }
0x80: {  	_ =	shalt  }
0x81: {  	_ =	shalt  }
0x82: {  	_ =	shalt  }
0x83: {  	_ =	shalt  }
0x84: {  	_ =	shalt  }
0x85: {  	_ =	shalt  }
0x86: {  	_ =	shalt  }
0x87: {  	_ =	shalt  }
.Lfunc_end0:
.L_simem_size_0:
called_computation.3_lowered:
.L_overlay_start_0:
0x88: {  	s2 =	sld [smem:$0x3FD9]  }
0x89: {  	s3 =	sld [smem:$0x3FFE];
	_ =	sdelay $0x1  }
0x8a: {  	s1 =	srdreg.scid  }
0x8b: {  	s0 =	sand.u32 $0x1, s1  }
0x8c: {  	s16 =	sshll.u32 s0, $0xA;
	s2 =	sadd.s32 s3, s2  }
0x8d: {  	s2 =	sadd.s32 s2, s16  }
0x8e: {  	[smem:$0x3FC0] =	sst s2  }
0x8f: {  	_ = 	snop  }
0x90: {  	(tm) =	ssettm $0x1  }
0x91: {  	s17 =	sld [smem:$0x3FFB];
	_ =	sdelay $0x3  }
0x92: {  	_ =	strace s17  }
0x93: {  	s2 =	sld [smem:$0x3FFC];
	_ =	sdelay $0x3  }
0x94: {  	_ =	strace s2  }
0x95: {  	s2 =	sld [smem:$0x3FFD];
	_ =	sdelay $0x3  }
0x96: {  	_ =	strace s2  }
0x97: {  	_ =	strace $0x8FFFFFFF  }
0x98: {  	s18 =	sld [smem:$0x3FDB];
	_ =	sdelay $0x1  }
0x99: {  	s19 =	simm.s32 $_scs_section_size  }
0x9a: {  	s4 =	simm.s32 $_size__tile_overlayer_lowered;
	s5 =	simm.s32 $_tile_overlayer_lowered  }
0x9b: {  	s22 =	simm.s32 $0x1BFF;
	s21 =	sshll.u32 s5, $0x1;
	s2 =	sadd.s32 s19, s18  }
0x9c: {  	s6 =	simm.s32 $0x0;
	s20 =	sshll.u32 s4, $0x1;
	s4 =	sadd.s32 s21, s2  }
0x9d: {  	[timem:s6], [sflag:s22] =	dma.local [hbm:s4], s20  }
0x9e: {  	_ =	swait.ge [sflag:s22], s20  }
0x9f: {  	s3 =	ssub.s32 $0x0, s20;
	[sflag:s22] =	ssyncset.done $0x0  }
0xa0: {  	[sflag:s22] =	ssyncadd.s32 s3;
	_ =	sdelay $0x1  }
0xa1: {  	s23 =	simm.s32 $0x1B8B  }
0xa2: {  	_ =	swait.ge [sflag:s23], $0x1  }
0xa3: {  	[sflag:s23] =	ssyncset.done $0x0  }
0xa4: {  	s25 =	simm.s32 $0x1B8E;
	s24 =	sld [smem:$0x3FFE];
	[sflag:s23] =	ssyncadd.s32 $0xFFFFFFFF  }
0xa5: {  	s26 =	simm.s32 $execute0_lowered;
	[smem:$0x3FD2] =	sst s25  }
0xa6: {  	s4 =	sshll.u32 s26, $0x1;
	_ =	strace $0x8000004F;
	[dreg:$0x1] =	wrdreg $0xFFFFFFFF  }
0xa7: {  	s28 =	simm.s32 $_size_execute0_lowered;
	s2 =	sadd.s32 s2, s4;
	[dreg:$0x0] =	wrdreg $0x0  }
0xa8: {  	s4 =	sshll.u32 s28, $0x1;
	[dreg:$0x2] =	wrdreg s2  }
0xa9: {  	[dreg:$0x3] =	wrdreg s4  }
0xaa: {  	[dreg:$0x4] =	wrdreg $0xC0  }
0xab: {  	_ =	task [dreg:s6], $0x5FFFF  }
0xac: {  	[dreg:$0x1] =	wrdreg $0xFFFFFFFF  }
0xad: {  	[dreg:$0x0] =	wrdreg $0x60  }
0xae: {  	[dreg:$0x2] =	wrdreg s24  }
0xaf: {  	[dreg:$0x3] =	wrdreg $0x69A00  }
0xb0: {  	[dreg:$0x4] =	wrdreg $0x9  }
0xb1: {  	_ =	task.clear_ibuf [dreg:s6], $0x5FFFF;
	_ =	strace $0x9000004F  }
0xb2: {  	s29 =	simm.s32 $0x9;
	_ =	strace $0x80000051  }
0xb3: {  	_ =	swait.ge [sflag:s29], $0x1  }
0xb4: {  	[sflag:s29] =	ssyncadd.s32 $0xFFFFFFFF  }
0xb5: {  	_ =	strace $0x90000051  }
0xb6: {  	_ =	sfence  }
0xb7: {  	s30 =	sld [smem:$0x0];
	_ =	sdelay $0x2  }
0xb8: {  	s31 =	sshll.u32 s1, $0xD;
	s1 =	sshrl.u32 s1, $0x2  }
0xb9: {  	s3 =	sand.u32 $0x4000, s31;
	s1 =	sadd.s32 s1, s30  }
0xba: {  	s0 =	sor.u32 s3, s0;
	s1 =	sshll.u32 s1, $0x11  }
0xbb: {  	s0 =	sor.u32 s1, s0  }
0xbc: {  	s0 =	sadd.s32 $0x8F2B, s0  }
0xbd: {  	[sflag:s0] =	ssyncadd.remote.s32 $0x1  }
0xbe: {  	_ =	sfence.sel $0xFFFF  }
0xbf: {  	[dreg:$0x0] =	wrdreg $0xFFFFFFFF;
	(pc) =	sbr.abs _section_cstart, $3  }
0xc0: {  	[dreg:$0x1] =	wrdreg $0xFFFFFFFF  }
0xc1: {  	_ =	task.clear_ibuf [dreg:s6], $0x2FFFF;
	_ =	strace $0x9FFFFFFF  }
0xc2: {  	(tm) =	ssettm $0x7FFFFFFF  }
0xc3: {  	_ =	shalt  }
tec
execute0_lowered:
.L_overlay_start_1:
0x0: {  	(tag) =	ssettag $0x1  }
0x1: {  	s1 =	srdreg.scid  }
0x2: {  	s0 =	stileid.u32;
	s6 =	rddreg [dreg:$0x0]  }
0x3: {  	s2 =	rddreg [dreg:$0x1];
	s3 =	simm.s32 $0x0;
	s16 =	simm.s32 $0x50  }
0x4: {  	s17 =	simm.s32 $0x4E20;
	s18 =	simm.s32 $0x5820;
	s19 =	simm.s32 $0x6220  }
0x5: {  	s20 =	simm.s32 $0x6720;
	s7 =	sand.u32 $0x1, s1;
	s1 =	rddreg [dreg:$0x2]  }
0x6: {  	s21 =	simm.s32 $0x0;
	s30 =	sshll.u32 s0, $0x1;
	[smem:$0x7FF] =	sst s3  }
0x7: {  	s8 =	smul.u32 $0x2800, s0;
	s31 =	sshll.u32 s0, $0x6;
	s4 =	sor.u32 s7, s30  }
0x8: {  	_ =	strace $0x80000050;
	s9 =	smul.u32 $0x28000, s7;
	s7 =	ssub.s32 $0x2, s7  }
0x9: {  	s4 =	smul.u32 $0x2710, s4;
	s12 =	sshrl.u32 s8, $0x3;
	s13 =	sshrl.u32 s7, $0x1  }
0xa: {  	s15 =	sadd.s32 s8, s2;
	s9 =	sadd.s32 s8, s9;
	s12 =	sadd.s32 s12, s6  }
0xb: {  	v1 =	vlaneseq.u32;
	s13 =	ssub.s32 s7, s13;
	s15 =	sshrl.u32 s15, $0x3;
	s5 =	sshrl.u32 s4, $0x3  }
0xc: {  	v0 =	vmul.u32 $0x8, v1;
	v1 =	vmul.u32 $0x10, v1;
	s11 =	sadd.s32 s4, s6;
	s4 =	sadd.s32 $0x14600, s6;
	s9 =	sshrl.u32 s9, $0x3  }
0xd: {  	s8 =	sadd.s32 $0x19600, s12;
	s12 =	simm.s32 $0x7;
	s10 =	sadd.s32 s5, s6  }
0xe: {  	v2 =	vor.u32 $0x80, v0;
	v3 =	vor.u32 $0x100, v1;
	s5 =	sadd.s32 $0x6F200, s6;
	s14 =	sadd.s32 s9, s6;
	s9 =	sadd.s32 $0x21000, s11  }
0xf: {  	v4 =	vor.u32 $0x100, v0;
	v5 =	vor.u32 $0x200, v1;
	v6 =	vor.u32 $0x180, v0;
	s11 =	smax.u32 s13, $0x1;
	s13 =	simm.s32 $0x2710;
	s6 =	sadd.s32 $0xA800, s10  }
0x10: {  	v7 =	vor.u32 $0x300, v1;
	v8 =	vor.u32 $0x200, v0;
	v9 =	vor.u32 $0x400, v1;
	s7 =	sadd.s32 $0xA00, s10;
	s10 =	sadd.s32 $0x74200, s14;
	s14 =	sor.u32 $0x1C07, s31  }
.LBB2_1:
0x11: {  	[tilespmem:s3], [sflag:$0x7] =	stream.linear.gather [hbm4b:s6+s3], $0x2710, $0x38;
	[tilespmem:$0x91A0] =	vst v63  }
0x12: {  	_ =	swait.ge [sflag:s12], $0x2710  }
0x13: {  	[sflag:s12] =	ssyncset.done $0x0  }
0x14: {  	[sflag:s12] =	ssyncadd.s32 $0xFFFFD8F0  }
0x15: {  	[tilespmem:s13], [sflag:$0x7] =	stream.linear.gather [hbm4b:s7+s3], $0x2710, $0x38;
	[tilespmem:$0x91A0] =	vst v63  }
0x16: {  	_ =	swait.ge [sflag:s12], $0x2710  }
0x17: {  	[sflag:s12] =	ssyncset.done $0x0  }
0x18: {  	[sflag:s12] =	ssyncadd.s32 $0xFFFFD8F0  }
0x19: {  	[spmem:s15], [sflag:s14] =	dma.local [hbm:s8], $0x500  }
0x1a: {  	_ =	swait.ge [sflag:s12], $0x500  }
0x1b: {  	[sflag:s12] =	ssyncset.done $0x0  }
0x1c: {  	[sflag:s12] =	ssyncadd.s32 $0xFFFFFB00  }
0x1d: {  	[bflag:$0x0] =	sbarrier.arrive $0xFFFF  }
0x1e: {  	[tilespmem:s17], [sflag:$0x1] =	stream.indirect.gather [hbm4b:s5+s16], $0x10, s13, s16, $0xb8;
	[tilespmem:$0x91A0] =	vst v63  }
0x1f: {  	_ = 	snop  }
0x20: {  	[tilespmem:s18], [sflag:$0x3] =	stream.indirect.gather [hbm4b:s4+s16], $0x10, s3, s16, $0xb8;
	[tilespmem:$0x91A0] =	vst v63  }
0x21: {  	p0 =	por $0x0, $0x0;
	s23 =	simm.s32 $0x0  }
0x22: {  	[tilespmem:s19], [sflag:$0x5] =	stream.linear.gather [hbm4b:s9+s3], $0x280, $0x38;
	[tilespmem:$0x91A0] =	vst v63  }
.LBB2_2:
0x23: {  	s22 =	sadd.s32 $0x1, s23;
	p1 =	seq.s32 s23, $0x7C  }
0x24: {  	s24 =	sand.u32 @!p1 $0x1, s22;
	s26 =	smul.u32 @!p1 $0x50, s22  }
0x25: {  	s25 =	smul.u32 @!p1 $0x500, s24  }
0x26: {  	s31 =	simm.s32 @!p1 $0x50;
	s30 =	sadd.s32 @!p1 $0x1, s24  }
0x27: {  	s29 =	sadd.s32 @!p1 $0x2710, s26;
	s28 =	sadd.s32 @!p1 $0x4E20, s25;
	s25 =	sor.u32 @!p1 $0x5820, s25  }
0x28: {  	[tilespmem:s28], [sflag:s30] =	stream.indirect.gather @!p1 [hbm4b:s5+s31], $0x10, s29, s31, $0xb8;
	[tilespmem:$0x91A0] =	vst v63  }
0x29: {  	s28 =	sadd.s32 @!p1 $0x3, s24;
	s29 =	smul.u32 @!p1 $0xA00, s24;
	s24 =	sadd.s32 @!p1 $0x5, s24  }
0x2a: {  	[tilespmem:s25], [sflag:s28] =	stream.indirect.gather @!p1 [hbm4b:s4+s31], $0x10, s26, s31, $0xb8;
	[tilespmem:$0x91A0] =	vst v63  }
0x2b: {  	s25 =	sshrl.u32 @!p1 s29, $0x2;
	s28 =	sand.u32 $0x1, s23;
	s26 =	sadd.s32 @!p1 s26, s9  }
0x2c: {  	s29 =	simm.s32 @!p1 $0x0;
	s25 =	sadd.s32 @!p1 $0x6220, s25;
	s31 =	sadd.s32 $0x1, s28  }
0x2d: {  	[tilespmem:s25], [sflag:s24] =	stream.linear.gather @!p1 [hbm4b:s26+s29], $0x280, $0x38;
	[tilespmem:$0x91A0] =	vst v63  }
0x2e: {  	_ =	swait.ge [sflag:s31], $0x500  }
0x2f: {  	[sflag:s31] =	ssyncset.done $0x0  }
0x30: {  	s25 =	sadd.s32 $0x3, s28;
	[sflag:s31] =	ssyncadd.s32 $0xFFFFFB00  }
0x31: {  	_ =	swait.ge [sflag:s25], $0x500  }
0x32: {  	[sflag:s25] =	ssyncset.done $0x0  }
0x33: {  	s26 =	sadd.s32 $0x5, s28;
	[sflag:s25] =	ssyncadd.s32 $0xFFFFFB00  }
0x34: {  	s30 =	smul.u32 $0xA00, s28;
	_ =	swait.ge [sflag:s26], $0x280  }
0x35: {  	s28 =	smul.u32 $0x500, s28;
	[sflag:s26] =	ssyncset.done $0x0  }
0x36: {  	s25 =	sshrl.u32 s30, $0x2;
	[sflag:s26] =	ssyncadd.s32 $0xFFFFFD80  }
0x37: {  	s31 =	sor.u32 $0x5820, s28;
	v10 =	vld.idx.msk [tilespmem:v0+s25+$0x6220], $0xffff  }
0x38: {  	v11 =	vld.idx.msk [tilespmem:v1+s31+$0x0], $0xffff  }
0x39: {  	v12 =	vld.idx.msk [tilespmem:v2+s25+$0x6220], $0xffff  }
0x3a: {  	v13 =	vld.idx.msk [tilespmem:v3+s31+$0x0], $0xffff  }
0x3b: {  	v14 =	vld.idx.msk [tilespmem:v4+s25+$0x6220], $0xffff  }
0x3c: {  	v15 =	vld.idx.msk [tilespmem:v5+s31+$0x0], $0xffff  }
0x3d: {  	v16 =	vld.idx.msk [tilespmem:v6+s25+$0x6220], $0xffff  }
0x3e: {  	v17 =	vld.idx.msk [tilespmem:v7+s31+$0x0], $0xffff  }
0x3f: {  	v18 =	vld.idx.msk [tilespmem:v8+s25+$0x6220], $0xffff  }
0x40: {  	v19 =	vld.idx.msk [tilespmem:v9+s31+$0x0], $0xffff  }
0x41: {  	v10 =	vmul.f32 v11, v10  }
0x42: {  	s25 =	simm.s32 $0x0;
	v11 =	vmul.f32 v13, v12  }
0x43: {  	s26 =	simm.s32 $0x18;
	v12 =	vmov s25;
	[tilespmem:v0+s20+$0x0] =	vst.idx.msk $0xffff, v10;
	v10 =	vmul.f32 v15, v14  }
0x44: {  	s25 =	simm.s32 $0x1;
	v13 =	vmov s26;
	[tilespmem:v2+s20+$0x0] =	vst.idx.msk $0xffff, v11;
	v11 =	vmul.f32 v17, v16  }
0x45: {  	s25 =	simm.s32 @!p0 $0x0;
	[tilespmem:v4+s20+$0x0] =	vst.idx.msk $0xffff, v10;
	v10 =	vmul.f32 v19, v18  }
0x46: {  	s25 =	smul.u32 $0x1400, s25;
	[tilespmem:v6+s20+$0x0] =	vst.idx.msk $0xffff, v11  }
0x47: {  	[tilespmem:v8+s20+$0x0] =	vst.idx.msk $0xffff, v10  }
0x48: {  	s30 =	simm.s32 $0x8;
	s25 =	sshrl.u32 s25, $0x2;
	v19 =	vld.idx.msk [tilespmem:v12+s20+$0x0], $0xffff  }
0x49: {  	s31 =	simm.s32 $0x10;
	v11 =	vmov s30;
	s25 =	sadd.s32 $0x4E40, s25;
	v12 =	vld.idx.msk [tilespmem:v13+s20+$0x0], $0xffff  }
0x4a: {  	s30 =	simm.s32 $0x38;
	v10 =	vmov s31;
	v13 =	vld [tilespmem:s25+$0x10]  }
0x4b: {  	v17 =	vmov s30;
	v20 =	vld [tilespmem:s25+$0xFFFFFFE0]  }
0x4c: {  	s26 =	simm.s32 $0x20;
	v15 =	vld [tilespmem:s25+$0xFFFFFFF0]  }
0x4d: {  	v16 =	vmov s26;
	v14 =	vld [tilespmem:s25+$0x0]  }
0x4e: {  	s29 =	simm.s32 $0x28;
	v11 =	vld.idx.msk [tilespmem:v11+s20+$0x0], $0xffff  }
0x4f: {  	v18 =	vmov s29;
	s31 =	simm.s32 $0x30;
	v10 =	vld.idx.msk [tilespmem:v10+s20+$0x0], $0xffff  }
0x50: {  	v21 =	vmul.f32 v13, v12;
	v13 =	vld.idx.msk [tilespmem:v17+s20+$0x0], $0xffff;
	v17 =	vmov s31;
	_ =	sdelay $0x1  }
0x51: {  	s26 =	sadd.s32 $0x40, s25;
	v12 =	vld.idx.msk [tilespmem:v16+s20+$0x0], $0xffff  }
0x52: {  	s24 =	sadd.s32 $0x4E20, s28;
	s28 =	simm.s32 $0xC;
	s29 =	simm.s32 $0x40;
	v16 =	vld [tilespmem:s26+$0x10];
	v19 =	vmul.f32 v20, v19;
	[tilespmem:s25+$0x10] =	vst v21  }
.LBB2_3:
0x53: {  	p1 =	slt.u32 s28, $0x4C;
	v20 =	vmov s29;
	s30 =	sadd.s32 $0x8, s29;
	s31 =	sadd.s32 $0x18, s29;
	v15 =	vmul.f32 v15, v11;
	v11 =	vld.idx.msk [tilespmem:v18+s20+$0x0], $0xffff  }
0x54: {  	s29 =	sadd.s32 $0x10, s29;
	v18 =	vmov s30;
	v21 =	vmov s31;
	[tilespmem:s25+$0xFFFFFFE0] =	vst v19;
	v14 =	vmul.f32 v14, v10;
	v10 =	vld.idx.msk [tilespmem:v17+s20+$0x0], $0xffff  }
0x55: {  	v17 =	vmov s29;
	v19 =	vld [tilespmem:s26+$0xFFFFFFE0];
	[tilespmem:s25+$0xFFFFFFF0] =	vst v15  }
.Ltmp0:
0x56: {  	v22 =	vmov v12;
	v15 =	vld [tilespmem:s26+$0xFFFFFFF0];
	[tilespmem:s25+$0x0] =	vst v14;
	s25 =	smov.u32 s26;
	(pc) =	sbr.rel @p1 .LBB2_3-.Ltmp0, $4  }
0x57: {  	v14 =	vld [tilespmem:s26+$0x0];
	v16 =	vmul.f32 v16, v13  }
0x58: {  	v12 =	vld.idx.msk [tilespmem:v20+s20+$0x0], $0xffff  }
0x59: {  	s26 =	sadd.s32 $0x40, s26;
	v13 =	vld.idx.msk [tilespmem:v21+s20+$0x0], $0xffff;
	[tilespmem:s25+$0x10] =	vst v16  }
0x5a: {  	s29 =	sshll.u32 s28, $0x3;
	s28 =	sadd.s32 $0x4, s28;
	v16 =	vld [tilespmem:s26+$0x10];
	v19 =	vmul.f32 v19, v22  }
0x5b: {  	_ =	sdelay $0x3  }
0x5c: {  	v18 =	vld.idx.msk [tilespmem:v18+s20+$0x0], $0xffff  }
0x5d: {  	v17 =	vld.idx.msk [tilespmem:v17+s20+$0x0], $0xffff  }
0x5e: {  	v22 =	vld [tilespmem:s26+$0xFFFFFFE0]  }
0x5f: {  	s31 =	sadd.s32 $0x8, s29;
	v24 =	vld [tilespmem:s26+$0xFFFFFFF0]  }
0x60: {  	v20 =	vmov s29;
	s28 =	sadd.s32 $0x18, s29;
	v26 =	vld [tilespmem:s26+$0x0];
	v23 =	vmov s31;
	s31 =	sadd.s32 $0x40, s26  }
0x61: {  	s30 =	sadd.s32 $0x10, s29;
	v21 =	vmov s28;
	v27 =	vld [tilespmem:s31+$0x10]  }
0x62: {  	v25 =	vmov s30;
	v61 =	vld [tilespmem:s31+$0xFFFFFFE0]  }
0x63: {  	v62 =	vld [tilespmem:s31+$0xFFFFFFF0]  }
0x64: {  	v10 =	vmul.f32 v14, v10;
	v63 =	vld [tilespmem:s31+$0x0]  }
0x65: {  	v11 =	vmul.f32 v15, v11;
	[tilespmem:s25+$0xFFFFFFE0] =	vst v19;
	v20 =	vld.idx.msk [tilespmem:v20+s20+$0x0], $0xffff  }
0x66: {  	[tilespmem:s25+$0x0] =	vst v10;
	v10 =	vmul.f32 v22, v12;
	v21 =	vld.idx.msk [tilespmem:v21+s20+$0x0], $0xffff  }
0x67: {  	[tilespmem:s25+$0xFFFFFFF0] =	vst v11;
	v11 =	vmul.f32 v16, v13;
	v60 =	vld.idx.msk [tilespmem:v25+s20+$0x0], $0xffff  }
0x68: {  	v59 =	vld.idx.msk [tilespmem:v23+s20+$0x0], $0xffff;
	[tilespmem:s26+$0xFFFFFFE0] =	vst v10;
	v10 =	vmul.f32 v26, v17  }
0x69: {  	[tilespmem:s26+$0x10] =	vst v11;
	v11 =	vmul.f32 v24, v18  }
0x6a: {  	[tilespmem:s26+$0x0] =	vst v10;
	v10 =	vmul.f32 v61, v20  }
0x6b: {  	[tilespmem:s26+$0xFFFFFFF0] =	vst v11;
	v11 =	vmul.f32 v27, v21  }
0x6c: {  	[tilespmem:s31+$0xFFFFFFE0] =	vst v10;
	v10 =	vmul.f32 v63, v60  }
0x6d: {  	s23 =	smul.u32 $0x140, s23;
	[tilespmem:s31+$0x10] =	vst v11;
	v11 =	vmul.f32 v62, v59  }
0x6e: {  	p1 =	sne.s32 s22, $0x7D;
	[tilespmem:s31+$0x0] =	vst v10  }
.Ltmp1:
0x6f: {  	s23 =	sshra.s32 s23, $0x2;
	[tilespmem:s31+$0xFFFFFFF0] =	vst v11;
	(pc) =	sbr.rel @p1 .LBB2_2-.Ltmp1, $4  }
0x70: {  	[spmem:s2] =	stream.indirect.scatter.add.f32 [tilespmem:s24], [sflag:$0x7], $0x10, s23, s16, $0xb8;
	[tilespmem:$0x91A0] =	vst v63  }
0x71: {  	_ =	swait.ge [sflag:s12], $0x500  }
0x72: {  	[sflag:s12] =	ssyncset.done $0x0  }
0x73: {  	p0 =	por !p0, !p0;
	s23 =	smov.u32 s22;
	[sflag:s12] =	ssyncadd.s32 $0xFFFFFB00  }
0x74: {  	s21 =	sadd.s32 $0x1, s21  }
0x75: {  	p0 =	sne.s32 s21, s11  }
.Ltmp2:
0x76: {  	[bflag:$0x0] =	sbarrier.arrive $0xFFFF;
	(pc) =	sbr.rel @p0 .LBB2_1-.Ltmp2, $4  }
0x77: {  	[hbm:s10], [sflag:s14] =	dma.local [spmem:s15], $0x500  }
0x78: {  	_ =	swait.ge [sflag:s12], $0x500  }
0x79: {  	[sflag:s12] =	ssyncset.done $0x0  }
0x7a: {  	[sflag:s12] =	ssyncadd.s32 $0xFFFFFB00  }
0x7b: {  	_ =	sfence.sel $0x180000  }
0x7c: {  	[bflag:$0x0] =	sbarrier.arrive $0xFFFF  }
0x7d: {  	p0 =	sne.s32 s0, $0x0;
	_ =	strace $0x90000050  }
0x7e: {  	s0 =	sadd.s32 @!p0 $0x100000, s1;
	[bflag:$0x2] =	sbarrier.arrive $0xFFFF  }
0x7f: {  	[sflag:s0] =	ssyncadd.tile.s32 @!p0 $0x1;
	_ =	shalt  }
.Lfunc_end2:
_tile_overlayer_lowered:
.L_overlay_start_2:
0x80: {  	(tag) =	ssettag $0x2  }
0x81: {  	s0 =	rddreg [dreg:$0x0];
	s2 =	stileid.u32  }
0x82: {  	s1 =	rddreg [dreg:$0x1];
	p0 =	sne.s32 s2, $0x0  }
0x83: {  	s3 =	rddreg [dreg:$0x2];
	[bflag:$0x3] =	sbarrier.arrive $0xFFFF;
	s2 =	simm.s32 @!p0 $0x1C07  }
0x84: {  	[timem:s3], [sflag:s2] =	dma.local @!p0 [hbm:s0], s1  }
0x85: {  	s0 =	simm.s32 @!p0 $0x7  }
0x86: {  	_ =	swait.ge @!p0 [sflag:s0], s1  }
0x87: {  	s1 =	ssub.s32 @!p0 $0x0, s1;
	[sflag:s0] =	ssyncset.done @!p0 $0x0  }
0x88: {  	[sflag:s0] =	ssyncadd.s32 @!p0 s1  }
0x89: {  	[bflag:$0x3] =	sbarrier.arrive $0xFFFF  }
0x8a: {  	_ =	shalt  }

// kernel: sc_edge_aggregate_f64.3.cloned.1.call-start
scs
__scs_entry_jumppad:
0x0: {  	(pc) =	sbr.rel $0x88, $3  }
0x1: {  	(tag) =	ssettag $0x0;
	lr =	simm.s32 $0x1  }
0x2: {  	[smem:$0x3F99] =	sst lr;
	_ =	strace $0xD0000000  }
0x3: {  	_ = 	snop  }
0x4: {  	_ = 	snop  }
0x5: {  	_ = 	snop  }
0x6: {  	_ = 	snop  }
0x7: {  	_ = 	snop  }
__scs_overlays_trampoline_lowered:
0x8: {  	[smem:$0x3FA8] =	sst s0  }
0x9: {  	[smem:$0x3FA9] =	sst s1  }
0xa: {  	[smem:$0x3FAA] =	sst s2  }
0xb: {  	[smem:$0x3FAB] =	sst s3  }
0xc: {  	[smem:$0x3FAC] =	sst s4  }
0xd: {  	[smem:$0x3FAD] =	sst s5  }
0xe: {  	[smem:$0x3FAE] =	sst s6  }
0xf: {  	[smem:$0x3FAF] =	sst s7  }
0x10: {  	[smem:$0x3FB0] =	sst s8  }
0x11: {  	[smem:$0x3FB1] =	sst s9;
	s0 =	simm.s32 @!p0 $0x0  }
0x12: {  	s1 =	sld [smem:$0x3F97];
	s0 =	simm.s32 @p0 $0x1  }
0x13: {  	[smem:$0x3FB2] =	sst s0;
	s0 =	simm.s32 @!p1 $0x0  }
0x14: {  	s2 =	sld [smem:$0x3F96];
	s0 =	simm.s32 @p1 $0x1  }
0x15: {  	[smem:$0x3FB3] =	sst s0;
	s0 =	simm.s32 @!p2 $0x0  }
0x16: {  	s3 =	sld [smem:$0x3FDB];
	s0 =	simm.s32 @p2 $0x1  }
0x17: {  	s4 =	simm.s32 $0x1BF5;
	[smem:$0x3FB5] =	sst s0  }
0x18: {  	s0 =	sld [smem:$0x3F98];
	_ =	swait.ge [sflag:s4], $0x0  }
0x19: {  	s7 =	sld [smem:$0x3F99]  }
0x1a: {  	s8 =	sadd.s32 $0xFFFFE003, lr  }
0x1b: {  	s9 =	sadd.s32 $0xFFFFFEF7, lr;
	s5 =	simm.s32 $0xFFFFFFFF;
	p2 =	slt.u32 s8, $0xFFFFF086  }
0x1c: {  	p1 =	slt.u32 s9, $0xF7A;
	s5 =	simm.s32 @!p2 $0x0  }
0x1d: {  	s5 =	simm.s32 @p1 $0x1;
	p0 =	seq.s32 s7, s2  }
0x1e: {  	s7 =	smul.u32 @!p0 $0xF7A, s2;
	p2 =	seq.s32 @!p0 s5, $0x0  }
0x1f: {  	s9 =	smul.u32 $0xF7A, s1;
	s8 =	simm.s32 @!p0 $0x1BF5;
	p2 =	por !p2, p0  }
0x20: {  	[sflag:s8] =	ssyncset.s32 @!p0 $0xFFFFF086;
	s6 =	sadd.s32 @!p0 s3, s7;
	s7 =	simm.s32 @!p0 $0x108  }
0x21: {  	s3 =	sadd.s32 s3, s9;
	s6 =	sadd.s32 @!p0 $0x88, s6;
	s7 =	simm.s32 @p2 $0x1082  }
0x22: {  	[simem:s7], [sflag:s8] =	dma.local @!p0 [hbm:s6], $0xF7A  }
0x23: {  	s9 =	sor.u32 $0xD0000000, s2;
	s6 =	simm.s32 $0x108;
	_ =	swait.ge @!p0 [sflag:s8], $0x0  }
0x24: {  	s3 =	sadd.s32 $0x88, s3;
	s6 =	simm.s32 @!p1 $0x1082;
	[sflag:s4] =	ssyncset.s32 $0xFFFFF086  }
0x25: {  	[simem:s6], [sflag:s4] =	dma.local [hbm:s3], $0xF7A  }
0x26: {  	[smem:$0x3F99] =	sst s1;
	(tag) =	ssettag s2;
	_ =	strace s9  }
0x27: {  	s1 =	sld [smem:$0x3FA9]  }
0x28: {  	s2 =	sld [smem:$0x3FAA]  }
0x29: {  	s4 =	sld [smem:$0x3FAC]  }
0x2a: {  	p0 =	seq.s32 s5, $0x0;
	s5 =	sld [smem:$0x3FAD]  }
0x2b: {  	s6 =	sld [smem:$0x3FAE]  }
0x2c: {  	s7 =	sld [smem:$0x3FAF]  }
0x2d: {  	s3 =	simm.s32 $0x108;
	s8 =	sld [smem:$0x3FB0]  }
0x2e: {  	s3 =	simm.s32 @!p0 $0x1082;
	s9 =	sld [smem:$0x3FB1]  }
0x2f: {  	lr =	sadd.s32 s0, s3;
	s0 =	sld [smem:$0x3FA8]  }
0x30: {  	s3 =	sld [smem:$0x3FAB]  }
0x31: {  	[smem:$0x3FB4] =	sst s10  }
0x32: {  	s10 =	sld [smem:$0x3FB2];
	_ =	sdelay $0x3  }
0x33: {  	p0 =	seq.s32 s10, $0x1;
	s10 =	sld [smem:$0x3FB4];
	_ =	sdelay $0x3  }
0x34: {  	[smem:$0x3FB4] =	sst s10  }
0x35: {  	s10 =	sld [smem:$0x3FB3];
	_ =	sdelay $0x3  }
0x36: {  	p1 =	seq.s32 s10, $0x1;
	s10 =	sld [smem:$0x3FB4];
	_ =	sdelay $0x3  }
0x37: {  	[smem:$0x3FB4] =	sst s10  }
0x38: {  	s10 =	sld [smem:$0x3FB5]  }
0x39: {  	_ = 	snop;
	(pc) =	sbr.ind lr, $3  }
0x3a: {  	_ = 	snop  }
0x3b: {  	_ = 	snop  }
0x3c: {  	p2 =	seq.s32 s10, $0x1;
	s10 =	sld [smem:$0x3FB4]  }
0x3d: {  	_ =	shalt  }
0x3e: {  	_ =	shalt  }
0x3f: {  	_ =	shalt  }
0x40: {  	_ =	shalt  }
0x41: {  	_ =	shalt  }
0x42: {  	_ =	shalt  }
0x43: {  	_ =	shalt  }
0x44: {  	_ =	shalt  }
0x45: {  	_ =	shalt  }
0x46: {  	_ =	shalt  }
0x47: {  	_ =	shalt  }
0x48: {  	_ =	shalt  }
0x49: {  	_ =	shalt  }
0x4a: {  	_ =	shalt  }
0x4b: {  	_ =	shalt  }
0x4c: {  	_ =	shalt  }
0x4d: {  	_ =	shalt  }
0x4e: {  	_ =	shalt  }
0x4f: {  	_ =	shalt  }
0x50: {  	_ =	shalt  }
0x51: {  	_ =	shalt  }
0x52: {  	_ =	shalt  }
0x53: {  	_ =	shalt  }
0x54: {  	_ =	shalt  }
0x55: {  	_ =	shalt  }
0x56: {  	_ =	shalt  }
0x57: {  	_ =	shalt  }
0x58: {  	_ =	shalt  }
0x59: {  	_ =	shalt  }
0x5a: {  	_ =	shalt  }
0x5b: {  	_ =	shalt  }
0x5c: {  	_ =	shalt  }
0x5d: {  	_ =	shalt  }
0x5e: {  	_ =	shalt  }
0x5f: {  	_ =	shalt  }
0x60: {  	_ =	shalt  }
0x61: {  	_ =	shalt  }
0x62: {  	_ =	shalt  }
0x63: {  	_ =	shalt  }
0x64: {  	_ =	shalt  }
0x65: {  	_ =	shalt  }
0x66: {  	_ =	shalt  }
0x67: {  	_ =	shalt  }
0x68: {  	_ =	shalt  }
0x69: {  	_ =	shalt  }
0x6a: {  	_ =	shalt  }
0x6b: {  	_ =	shalt  }
0x6c: {  	_ =	shalt  }
0x6d: {  	_ =	shalt  }
0x6e: {  	_ =	shalt  }
0x6f: {  	_ =	shalt  }
0x70: {  	_ =	shalt  }
0x71: {  	_ =	shalt  }
0x72: {  	_ =	shalt  }
0x73: {  	_ =	shalt  }
0x74: {  	_ =	shalt  }
0x75: {  	_ =	shalt  }
0x76: {  	_ =	shalt  }
0x77: {  	_ =	shalt  }
0x78: {  	_ =	shalt  }
0x79: {  	_ =	shalt  }
0x7a: {  	_ =	shalt  }
0x7b: {  	_ =	shalt  }
0x7c: {  	_ =	shalt  }
0x7d: {  	_ =	shalt  }
0x7e: {  	_ =	shalt  }
0x7f: {  	_ =	shalt  }
0x80: {  	_ =	shalt  }
0x81: {  	_ =	shalt  }
0x82: {  	_ =	shalt  }
0x83: {  	_ =	shalt  }
0x84: {  	_ =	shalt  }
0x85: {  	_ =	shalt  }
0x86: {  	_ =	shalt  }
0x87: {  	_ =	shalt  }
.Lfunc_end0:
.L_simem_size_0:
called_computation.1_lowered:
.L_overlay_start_0:
0x88: {  	s2 =	sld [smem:$0x3FD9]  }
0x89: {  	s3 =	sld [smem:$0x3FFE];
	_ =	sdelay $0x1  }
0x8a: {  	s1 =	srdreg.scid  }
0x8b: {  	s0 =	sand.u32 $0x1, s1  }
0x8c: {  	s16 =	sshll.u32 s0, $0xA;
	s2 =	sadd.s32 s3, s2  }
0x8d: {  	s2 =	sadd.s32 s2, s16  }
0x8e: {  	[smem:$0x3FC0] =	sst s2  }
0x8f: {  	_ = 	snop  }
0x90: {  	(tm) =	ssettm $0x1  }
0x91: {  	s17 =	sld [smem:$0x3FFB];
	_ =	sdelay $0x3  }
0x92: {  	_ =	strace s17  }
0x93: {  	s2 =	sld [smem:$0x3FFC];
	_ =	sdelay $0x3  }
0x94: {  	_ =	strace s2  }
0x95: {  	s2 =	sld [smem:$0x3FFD];
	_ =	sdelay $0x3  }
0x96: {  	_ =	strace s2  }
0x97: {  	_ =	strace $0x8FFFFFFF  }
0x98: {  	s18 =	sld [smem:$0x3FDB];
	_ =	sdelay $0x1  }
0x99: {  	s19 =	simm.s32 $_scs_section_size  }
0x9a: {  	s4 =	simm.s32 $_size__tile_overlayer_lowered;
	s5 =	simm.s32 $_tile_overlayer_lowered  }
0x9b: {  	s22 =	simm.s32 $0x1BFF;
	s21 =	sshll.u32 s5, $0x1;
	s2 =	sadd.s32 s19, s18  }
0x9c: {  	s6 =	simm.s32 $0x0;
	s20 =	sshll.u32 s4, $0x1;
	s4 =	sadd.s32 s21, s2  }
0x9d: {  	[timem:s6], [sflag:s22] =	dma.local [hbm:s4], s20  }
0x9e: {  	_ =	swait.ge [sflag:s22], s20  }
0x9f: {  	s3 =	ssub.s32 $0x0, s20;
	[sflag:s22] =	ssyncset.done $0x0  }
0xa0: {  	[sflag:s22] =	ssyncadd.s32 s3;
	_ =	sdelay $0x1  }
0xa1: {  	s23 =	simm.s32 $0x1B8B  }
0xa2: {  	_ =	swait.ge [sflag:s23], $0x1  }
0xa3: {  	[sflag:s23] =	ssyncset.done $0x0  }
0xa4: {  	s25 =	simm.s32 $0x1B8E;
	s24 =	sld [smem:$0x3FFE];
	[sflag:s23] =	ssyncadd.s32 $0xFFFFFFFF  }
0xa5: {  	s26 =	simm.s32 $execute0_lowered;
	[smem:$0x3FD2] =	sst s25  }
0xa6: {  	s4 =	sshll.u32 s26, $0x1;
	_ =	strace $0x80000049;
	[dreg:$0x1] =	wrdreg $0xFFFFFFFF  }
0xa7: {  	s28 =	simm.s32 $_size_execute0_lowered;
	s2 =	sadd.s32 s2, s4;
	[dreg:$0x0] =	wrdreg $0x0  }
0xa8: {  	s4 =	sshll.u32 s28, $0x1;
	[dreg:$0x2] =	wrdreg s2  }
0xa9: {  	[dreg:$0x3] =	wrdreg s4  }
0xaa: {  	[dreg:$0x4] =	wrdreg $0xC0  }
0xab: {  	_ =	task [dreg:s6], $0x5FFFF  }
0xac: {  	[dreg:$0x1] =	wrdreg $0xFFFFFFFF  }
0xad: {  	[dreg:$0x0] =	wrdreg $0x60  }
0xae: {  	[dreg:$0x2] =	wrdreg s24  }
0xaf: {  	[dreg:$0x3] =	wrdreg $0x87A00  }
0xb0: {  	[dreg:$0x4] =	wrdreg $0x9  }
0xb1: {  	_ =	task.clear_ibuf [dreg:s6], $0x5FFFF;
	_ =	strace $0x90000049  }
0xb2: {  	s29 =	simm.s32 $0x9;
	_ =	strace $0x8000004B  }
0xb3: {  	_ =	swait.ge [sflag:s29], $0x1  }
0xb4: {  	[sflag:s29] =	ssyncadd.s32 $0xFFFFFFFF  }
0xb5: {  	_ =	strace $0x9000004B  }
0xb6: {  	_ =	sfence  }
0xb7: {  	s30 =	sld [smem:$0x0];
	_ =	sdelay $0x2  }
0xb8: {  	s31 =	sshll.u32 s1, $0xD;
	s1 =	sshrl.u32 s1, $0x2  }
0xb9: {  	s3 =	sand.u32 $0x4000, s31;
	s1 =	sadd.s32 s1, s30  }
0xba: {  	s0 =	sor.u32 s3, s0;
	s1 =	sshll.u32 s1, $0x11  }
0xbb: {  	s0 =	sor.u32 s1, s0  }
0xbc: {  	s0 =	sadd.s32 $0x8F2B, s0  }
0xbd: {  	[sflag:s0] =	ssyncadd.remote.s32 $0x1  }
0xbe: {  	_ =	sfence.sel $0xFFFF  }
0xbf: {  	[dreg:$0x0] =	wrdreg $0xFFFFFFFF;
	(pc) =	sbr.abs _section_cstart, $3  }
0xc0: {  	[dreg:$0x1] =	wrdreg $0xFFFFFFFF  }
0xc1: {  	_ =	task.clear_ibuf [dreg:s6], $0x2FFFF;
	_ =	strace $0x9FFFFFFF  }
0xc2: {  	(tm) =	ssettm $0x7FFFFFFF  }
0xc3: {  	_ =	shalt  }
tec
execute0_lowered:
.L_overlay_start_1:
0x0: {  	(tag) =	ssettag $0x1  }
0x1: {  	v0 =	vlaneseq.u32  }
0x2: {  	v2 =	vmul.u32 $0x10, v0;
	_ =	sdelay $0x1  }
0x3: {  	v1 =	vmul.u32 $0x8, v0;
	v0 =	vor.u32 $0x1, v2  }
0x4: {  	[tilespmem:$0x1FE40] =	vst v0;
	v0 =	vor.u32 $0x2, v2  }
0x5: {  	[tilespmem:$0x1FE50] =	vst v0;
	v0 =	vor.u32 $0x3, v2  }
0x6: {  	[tilespmem:$0x1FE60] =	vst v0;
	v0 =	vor.u32 $0x4, v2  }
0x7: {  	[tilespmem:$0x1FE70] =	vst v0;
	v0 =	vor.u32 $0x5, v2  }
0x8: {  	[tilespmem:$0x1FE80] =	vst v0;
	v0 =	vor.u32 $0x6, v2  }
0x9: {  	[tilespmem:$0x1FE90] =	vst v0;
	v0 =	vor.u32 $0x7, v2  }
0xa: {  	[tilespmem:$0x1FEA0] =	vst v0;
	v0 =	vor.u32 $0x100, v2  }
0xb: {  	[tilespmem:$0x1FEB0] =	vst v0;
	v0 =	vor.u32 $0x101, v2  }
0xc: {  	[tilespmem:$0x1FEC0] =	vst v0;
	v0 =	vor.u32 $0x102, v2  }
0xd: {  	[tilespmem:$0x1FED0] =	vst v0;
	v0 =	vor.u32 $0x103, v2  }
0xe: {  	s0 =	srdreg.scid;
	s13 =	stileid.u32;
	[tilespmem:$0x1FEE0] =	vst v0;
	v0 =	vor.u32 $0x104, v2  }
0xf: {  	s0 =	sand.u32 $0x1, s0;
	s3 =	sshll.u32 s13, $0x1;
	[tilespmem:$0x1FEF0] =	vst v0;
	v0 =	vor.u32 $0x105, v2  }
0x10: {  	s1 =	rddreg [dreg:$0x0];
	s4 =	sor.u32 s0, s3;
	s3 =	simm.s32 $0x0;
	v3 =	vor.u32 $0x1, v1;
	v5 =	vor.u32 $0x2, v1;
	[tilespmem:$0x1FF00] =	vst v0;
	v0 =	vor.u32 $0x106, v2  }
0x11: {  	v7 =	vor.u32 $0x3, v1;
	v9 =	vor.u32 $0x4, v1;
	[smem:$0x7FF] =	sst s3;
	[tilespmem:$0x1FF10] =	vst v0;
	v0 =	vor.u32 $0x107, v2  }
0x12: {  	s2 =	rddreg [dreg:$0x1];
	v11 =	vor.u32 $0x5, v1;
	v13 =	vor.u32 $0x6, v1;
	_ =	strace $0x8000004A;
	[tilespmem:$0x1FF20] =	vst v0;
	v0 =	vor.u32 $0x200, v2  }
0x13: {  	v17 =	vor.u32 $0x80, v1;
	v19 =	vor.u32 $0x81, v1;
	[tilespmem:$0x1FF30] =	vst v0;
	v0 =	vor.u32 $0x201, v2  }
0x14: {  	s16 =	simm.s32 $0x50;
	v21 =	vor.u32 $0x82, v1;
	v23 =	vor.u32 $0x83, v1;
	[tilespmem:$0x1FF40] =	vst v0;
	v0 =	vor.u32 $0x202, v2  }
0x15: {  	s12 =	simm.s32 $0x7;
	s17 =	simm.s32 $0x4E20;
	s18 =	simm.s32 $0x7620;
	v25 =	vor.u32 $0x84, v1;
	v27 =	vor.u32 $0x85, v1;
	[tilespmem:$0x1FF50] =	vst v0;
	v0 =	vor.u32 $0x203, v2  }
0x16: {  	s19 =	simm.s32 $0x8020;
	s20 =	simm.s32 $0x8520;
	s21 =	simm.s32 $0x0;
	v29 =	vor.u32 $0x86, v1;
	v31 =	vor.u32 $0x87, v1;
	[tilespmem:$0x1FF60] =	vst v0;
	v0 =	vor.u32 $0x204, v2  }
0x17: {  	s8 =	smul.u32 $0xA000, s13;
	s31 =	sshll.u32 s13, $0x6;
	s13 =	simm.s32 $0x2710;
	v33 =	vor.u32 $0x100, v1;
	v35 =	vor.u32 $0x101, v1;
	[tilespmem:$0x1FF70] =	vst v0;
	v0 =	vor.u32 $0x205, v2  }
0x18: {  	s6 =	smul.u32 $0xA0000, s0;
	s0 =	ssub.s32 $0x2, s0;
	s14 =	sor.u32 $0x1C07, s31;
	v37 =	vor.u32 $0x102, v1;
	v39 =	vor.u32 $0x103, v1;
	[tilespmem:$0x1FF80] =	vst v0;
	v0 =	vor.u32 $0x206, v2  }
0x19: {  	s4 =	smul.u32 $0x2710, s4;
	s10 =	sshrl.u32 s8, $0x3;
	s11 =	sshrl.u32 s0, $0x1;
	v41 =	vor.u32 $0x104, v1;
	v43 =	vor.u32 $0x105, v1;
	[tilespmem:$0x1FF90] =	vst v0;
	v0 =	vor.u32 $0x207, v2  }
0x1a: {  	v45 =	vor.u32 $0x106, v1;
	s15 =	sadd.s32 s8, s2;
	v47 =	vor.u32 $0x107, v1;
	s6 =	sadd.s32 s8, s6;
	s10 =	sadd.s32 s10, s1;
	[tilespmem:$0x1FFA0] =	vst v0;
	v0 =	vor.u32 $0x300, v2  }
0x1b: {  	v49 =	vor.u32 $0x180, v1;
	v51 =	vor.u32 $0x181, v1;
	s0 =	ssub.s32 s0, s11;
	s15 =	sshrl.u32 s15, $0x3;
	s5 =	sshrl.u32 s4, $0x3;
	[tilespmem:$0x1FFB0] =	vst v0;
	v0 =	vor.u32 $0x301, v2  }
0x1c: {  	v53 =	vor.u32 $0x182, v1;
	v55 =	vor.u32 $0x183, v1;
	s9 =	sadd.s32 s4, s1;
	s4 =	sadd.s32 $0x17000, s1;
	s6 =	sshrl.u32 s6, $0x3;
	[tilespmem:$0x1FFC0] =	vst v0;
	v0 =	vor.u32 $0x302, v2  }
0x1d: {  	v57 =	vor.u32 $0x184, v1;
	v59 =	vor.u32 $0x185, v1;
	s8 =	sadd.s32 $0x7DC00, s10;
	s11 =	smax.u32 s0, $0x1;
	s7 =	sadd.s32 s5, s1;
	[tilespmem:$0x1FFD0] =	vst v0;
	v0 =	vor.u32 $0x303, v2  }
0x1e: {  	v60 =	vor.u32 $0x305, v2;
	v61 =	vor.u32 $0x186, v1;
	s5 =	sadd.s32 $0x6A200, s1;
	s1 =	sadd.s32 s6, s1;
	s9 =	sadd.s32 $0x1C000, s9;
	[tilespmem:$0x1FFE0] =	vst v0;
	v0 =	vor.u32 $0x304, v2  }
0x1f: {  	v15 =	vor.u32 $0x7, v1;
	v62 =	vor.u32 $0x306, v2;
	v63 =	vor.u32 $0x187, v1;
	s6 =	sadd.s32 $0xA800, s7;
	s7 =	sadd.s32 $0xA00, s7;
	s10 =	sadd.s32 $0x91C00, s1;
	[tilespmem:$0x1FFF0] =	vst v0  }
.LBB2_1:
0x20: {  	[tilespmem:s3], [sflag:$0x7] =	stream.linear.gather [hbm4b:s6+s3], $0x2710, $0x38;
	[tilespmem:$0x127A0] =	vst v63  }
0x21: {  	_ =	swait.ge [sflag:s12], $0x2710  }
0x22: {  	[sflag:s12] =	ssyncset.done $0x0  }
0x23: {  	[sflag:s12] =	ssyncadd.s32 $0xFFFFD8F0  }
0x24: {  	[tilespmem:s13], [sflag:$0x7] =	stream.linear.gather [hbm4b:s7+s3], $0x2710, $0x38;
	[tilespmem:$0x127A0] =	vst v63  }
0x25: {  	_ =	swait.ge [sflag:s12], $0x2710  }
0x26: {  	[sflag:s12] =	ssyncset.done $0x0  }
0x27: {  	[sflag:s12] =	ssyncadd.s32 $0xFFFFD8F0  }
0x28: {  	[spmem:s15], [sflag:s14] =	dma.local [hbm:s8], $0x1400  }
0x29: {  	_ =	swait.ge [sflag:s12], $0x1400  }
0x2a: {  	[sflag:s12] =	ssyncset.done $0x0  }
0x2b: {  	[sflag:s12] =	ssyncadd.s32 $0xFFFFEC00  }
0x2c: {  	[bflag:$0x0] =	sbarrier.arrive $0xFFFF  }
0x2d: {  	[tilespmem:s17], [sflag:$0x1] =	stream.indirect.gather [hbm4b:s5+s16], $0x40, s13, s16, $0xb8;
	[tilespmem:$0x127A0] =	vst v63  }
0x2e: {  	_ = 	snop  }
0x2f: {  	[tilespmem:s18], [sflag:$0x3] =	stream.indirect.gather [hbm4b:s4+s16], $0x10, s3, s16, $0xb8;
	[tilespmem:$0x127A0] =	vst v63  }
0x30: {  	p0 =	por $0x0, $0x0;
	s23 =	simm.s32 $0x0  }
0x31: {  	[tilespmem:s19], [sflag:$0x5] =	stream.linear.gather [hbm4b:s9+s3], $0x280, $0x38;
	[tilespmem:$0x127A0] =	vst v63  }
.LBB2_2:
0x32: {  	s22 =	sadd.s32 $0x1, s23;
	p1 =	seq.s32 s23, $0x7C  }
0x33: {  	s0 =	sand.u32 @!p1 $0x1, s22  }
0x34: {  	s1 =	smul.u32 @!p1 $0x5000, s0  }
0x35: {  	s25 =	smul.u32 @!p1 $0x50, s22  }
0x36: {  	s28 =	simm.s32 @!p1 $0x50;
	s26 =	sadd.s32 @!p1 $0x1, s0;
	s1 =	sshrl.u32 @!p1 s1, $0x2  }
0x37: {  	s29 =	smul.u32 @!p1 $0x1400, s0;
	s24 =	sadd.s32 @!p1 $0x2710, s25;
	s1 =	sadd.s32 @!p1 $0x4E20, s1  }
0x38: {  	[tilespmem:s1], [sflag:s26] =	stream.indirect.gather @!p1 [hbm4b:s5+s28], $0x40, s24, s28, $0xb8;
	[tilespmem:$0x127A0] =	vst v63  }
0x39: {  	s1 =	sshrl.u32 @!p1 s29, $0x2;
	s24 =	sadd.s32 @!p1 $0x3, s0  }
0x3a: {  	s26 =	smul.u32 @!p1 $0xA00, s0;
	s0 =	sadd.s32 @!p1 $0x5, s0;
	s1 =	sadd.s32 @!p1 $0x7620, s1  }
0x3b: {  	[tilespmem:s1], [sflag:s24] =	stream.indirect.gather @!p1 [hbm4b:s4+s28], $0x10, s25, s28, $0xb8;
	[tilespmem:$0x127A0] =	vst v63  }
0x3c: {  	s1 =	sshrl.u32 @!p1 s26, $0x2;
	s24 =	sand.u32 $0x1, s23;
	s25 =	sadd.s32 @!p1 s25, s9  }
0x3d: {  	s26 =	simm.s32 @!p1 $0x0;
	s1 =	sor.u32 @!p1 $0x8020, s1;
	s31 =	sadd.s32 $0x1, s24  }
0x3e: {  	[tilespmem:s1], [sflag:s0] =	stream.linear.gather @!p1 [hbm4b:s25+s26], $0x280, $0x38;
	[tilespmem:$0x127A0] =	vst v63  }
0x3f: {  	_ =	swait.ge [sflag:s31], $0x1400  }
0x40: {  	[sflag:s31] =	ssyncset.done $0x0  }
0x41: {  	s1 =	sadd.s32 $0x3, s24;
	[sflag:s31] =	ssyncadd.s32 $0xFFFFEC00  }
0x42: {  	_ =	swait.ge [sflag:s1], $0x500  }
0x43: {  	[sflag:s1] =	ssyncset.done $0x0  }
0x44: {  	s25 =	sadd.s32 $0x5, s24;
	s26 =	smul.u32 $0xA00, s24;
	[sflag:s1] =	ssyncadd.s32 $0xFFFFFB00  }
0x45: {  	_ =	swait.ge [sflag:s25], $0x280  }
0x46: {  	s31 =	smul.u32 $0x1400, s24;
	s1 =	sshrl.u32 s26, $0x2;
	[sflag:s25] =	ssyncset.done $0x0  }
0x47: {  	s1 =	sor.u32 $0x8020, s1;
	[sflag:s25] =	ssyncadd.s32 $0xFFFFFD80  }
0x48: {  	s26 =	sshrl.u32 s31, $0x2;
	v0 =	vld.idx.msk [tilespmem:v1+s1+$0x0], $0xffff  }
0x49: {  	v4 =	vld.idx.msk [tilespmem:v2+s26+$0x7620], $0xffff;
	_ =	sdelay $0x4  }
0x4a: {  	v0 =	vmul.f32 v4, v0;
	v4 =	vld [tilespmem:$0x1FE40];
	_ =	sdelay $0x5  }
0x4b: {  	[tilespmem:v1+s20+$0x0] =	vst.idx.msk $0xffff, v0  }
0x4c: {  	v0 =	vld.idx.msk [tilespmem:v3+s1+$0x0], $0xffff  }
0x4d: {  	v4 =	vld.idx.msk [tilespmem:v4+s26+$0x7620], $0xffff;
	_ =	sdelay $0x4  }
0x4e: {  	v0 =	vmul.f32 v4, v0;
	v4 =	vld [tilespmem:$0x1FE50];
	_ =	sdelay $0x5  }
0x4f: {  	[tilespmem:v3+s20+$0x0] =	vst.idx.msk $0xffff, v0  }
0x50: {  	v0 =	vld.idx.msk [tilespmem:v5+s1+$0x0], $0xffff  }
0x51: {  	v4 =	vld.idx.msk [tilespmem:v4+s26+$0x7620], $0xffff;
	_ =	sdelay $0x4  }
0x52: {  	v0 =	vmul.f32 v4, v0;
	v4 =	vld [tilespmem:$0x1FE60];
	_ =	sdelay $0x3  }
0x53: {  	v6 =	vld [tilespmem:$0x1FEB0];
	_ =	sdelay $0x1  }
0x54: {  	v14 =	vld [tilespmem:$0x1FF30];
	[tilespmem:v5+s20+$0x0] =	vst.idx.msk $0xffff, v0  }
0x55: {  	v0 =	vld.idx.msk [tilespmem:v7+s1+$0x0], $0xffff  }
0x56: {  	v4 =	vld.idx.msk [tilespmem:v4+s26+$0x7620], $0xffff;
	_ =	sdelay $0x2  }
0x57: {  	v18 =	vld [tilespmem:$0x1FFB0]  }
0x58: {  	v6 =	vld.idx.msk [tilespmem:v6+s26+$0x7620], $0xffff  }
0x59: {  	v0 =	vmul.f32 v4, v0;
	v4 =	vld.idx.msk [tilespmem:v17+s1+$0x0], $0xffff  }
0x5a: {  	v10 =	vld.idx.msk [tilespmem:v33+s1+$0x0], $0xffff  }
0x5b: {  	v14 =	vld.idx.msk [tilespmem:v14+s26+$0x7620], $0xffff  }
0x5c: {  	v12 =	vor.u32 $0x400, v2;
	v20 =	vld [tilespmem:$0x1FE70];
	_ =	sdelay $0x1  }
0x5d: {  	v24 =	vld [tilespmem:$0x1FF40];
	v4 =	vmul.f32 v6, v4  }
0x5e: {  	v16 =	vld.idx.msk [tilespmem:v49+s1+$0x0], $0xffff  }
0x5f: {  	v8 =	vor.u32 $0x200, v1;
	[tilespmem:v17+s20+$0x0] =	vst.idx.msk $0xffff, v4;
	v4 =	vmul.f32 v14, v10;
	v14 =	vld [tilespmem:$0x1FEC0]  }
0x60: {  	v12 =	vld.idx.msk [tilespmem:v12+s26+$0x7620], $0xffff  }
0x61: {  	v18 =	vld.idx.msk [tilespmem:v18+s26+$0x7620], $0xffff;
	[tilespmem:v7+s20+$0x0] =	vst.idx.msk $0xffff, v0  }
0x62: {  	v0 =	vld.idx.msk [tilespmem:v9+s1+$0x0], $0xffff  }
0x63: {  	v20 =	vld.idx.msk [tilespmem:v20+s26+$0x7620], $0xffff  }
0x64: {  	v6 =	vld.idx.msk [tilespmem:v8+s1+$0x0], $0xffff  }
0x65: {  	v10 =	vld.idx.msk [tilespmem:v19+s1+$0x0], $0xffff;
	[tilespmem:v33+s20+$0x0] =	vst.idx.msk $0xffff, v4  }
0x66: {  	v4 =	vmul.f32 v18, v16;
	v18 =	vld.idx.msk [tilespmem:v35+s1+$0x0], $0xffff  }
0x67: {  	v16 =	vor.u32 $0x201, v1;
	v14 =	vld.idx.msk [tilespmem:v14+s26+$0x7620], $0xffff  }
0x68: {  	v22 =	vor.u32 $0x401, v2;
	v24 =	vld.idx.msk [tilespmem:v24+s26+$0x7620], $0xffff  }
0x69: {  	[tilespmem:v49+s20+$0x0] =	vst.idx.msk $0xffff, v4;
	v4 =	vmul.f32 v12, v6;
	v12 =	vld [tilespmem:$0x1FFC0];
	_ =	sdelay $0x1  }
0x6a: {  	v0 =	vmul.f32 v20, v0;
	[tilespmem:v8+s20+$0x0] =	vst.idx.msk $0xffff, v4  }
0x6b: {  	v8 =	vld.idx.msk [tilespmem:v16+s1+$0x0], $0xffff;
	v4 =	vmul.f32 v14, v10  }
0x6c: {  	[tilespmem:v9+s20+$0x0] =	vst.idx.msk $0xffff, v0;
	v0 =	vld.idx.msk [tilespmem:v22+s26+$0x7620], $0xffff  }
0x6d: {  	[tilespmem:v19+s20+$0x0] =	vst.idx.msk $0xffff, v4;
	v4 =	vmul.f32 v24, v18;
	v18 =	vld [tilespmem:$0x1FED0]  }
0x6e: {  	v6 =	vld.idx.msk [tilespmem:v51+s1+$0x0], $0xffff  }
0x6f: {  	v22 =	vld [tilespmem:$0x1FF50]  }
0x70: {  	v12 =	vld.idx.msk [tilespmem:v12+s26+$0x7620], $0xffff  }
0x71: {  	v0 =	vmul.f32 v0, v8;
	v8 =	vld [tilespmem:$0x1FFD0];
	_ =	sdelay $0x2  }
0x72: {  	v14 =	vld.idx.msk [tilespmem:v21+s1+$0x0], $0xffff  }
0x73: {  	[tilespmem:v35+s20+$0x0] =	vst.idx.msk $0xffff, v4;
	v4 =	vmul.f32 v12, v6;
	v18 =	vld.idx.msk [tilespmem:v18+s26+$0x7620], $0xffff  }
0x74: {  	v20 =	vor.u32 $0x402, v2;
	v12 =	vld.idx.msk [tilespmem:v37+s1+$0x0], $0xffff  }
0x75: {  	v6 =	vor.u32 $0x202, v1;
	v22 =	vld.idx.msk [tilespmem:v22+s26+$0x7620], $0xffff;
	[tilespmem:v51+s20+$0x0] =	vst.idx.msk $0xffff, v4  }
0x76: {  	v4 =	vld.idx.msk [tilespmem:v53+s1+$0x0], $0xffff  }
0x77: {  	v8 =	vld.idx.msk [tilespmem:v8+s26+$0x7620], $0xffff  }
0x78: {  	[tilespmem:v16+s20+$0x0] =	vst.idx.msk $0xffff, v0;
	v0 =	vmul.f32 v18, v14;
	v18 =	vld [tilespmem:$0x1FE80]  }
0x79: {  	v16 =	vld.idx.msk [tilespmem:v20+s26+$0x7620], $0xffff  }
0x7a: {  	v14 =	vld.idx.msk [tilespmem:v6+s1+$0x0], $0xffff  }
0x7b: {  	v20 =	vld [tilespmem:$0x1FEE0];
	[tilespmem:v21+s20+$0x0] =	vst.idx.msk $0xffff, v0;
	v0 =	vmul.f32 v22, v12;
	_ =	sdelay $0x1  }
0x7c: {  	v10 =	vld.idx.msk [tilespmem:v11+s1+$0x0], $0xffff;
	[tilespmem:v37+s20+$0x0] =	vst.idx.msk $0xffff, v0;
	v0 =	vmul.f32 v8, v4  }
0x7d: {  	v24 =	vld [tilespmem:$0x1FF60]  }
0x7e: {  	[tilespmem:v53+s20+$0x0] =	vst.idx.msk $0xffff, v0;
	v0 =	vmul.f32 v16, v14;
	v16 =	vld [tilespmem:$0x1FFE0]  }
0x7f: {  	v18 =	vld.idx.msk [tilespmem:v18+s26+$0x7620], $0xffff;
	_ =	sdelay $0x1  }
0x80: {  	v12 =	vld.idx.msk [tilespmem:v23+s1+$0x0], $0xffff  }
0x81: {  	v20 =	vld.idx.msk [tilespmem:v20+s26+$0x7620], $0xffff  }
0x82: {  	v4 =	vor.u32 $0x203, v1;
	v8 =	vld.idx.msk [tilespmem:v39+s1+$0x0], $0xffff  }
0x83: {  	v22 =	vor.u32 $0x403, v2;
	v10 =	vmul.f32 v18, v10;
	v18 =	vld [tilespmem:$0x1FEF0]  }
0x84: {  	v24 =	vld.idx.msk [tilespmem:v24+s26+$0x7620], $0xffff  }
0x85: {  	v14 =	vld.idx.msk [tilespmem:v55+s1+$0x0], $0xffff  }
0x86: {  	[tilespmem:v6+s20+$0x0] =	vst.idx.msk $0xffff, v0;
	v16 =	vld.idx.msk [tilespmem:v16+s26+$0x7620], $0xffff  }
0x87: {  	v0 =	vmul.f32 v20, v12;
	v6 =	vld.idx.msk [tilespmem:v4+s1+$0x0], $0xffff  }
0x88: {  	[tilespmem:v11+s20+$0x0] =	vst.idx.msk $0xffff, v10;
	v10 =	vld.idx.msk [tilespmem:v22+s26+$0x7620], $0xffff  }
0x89: {  	[tilespmem:v23+s20+$0x0] =	vst.idx.msk $0xffff, v0;
	v0 =	vmul.f32 v24, v8;
	v22 =	vld [tilespmem:$0x1FF70]  }
0x8a: {  	v8 =	vld.idx.msk [tilespmem:v25+s1+$0x0], $0xffff  }
0x8b: {  	[tilespmem:v39+s20+$0x0] =	vst.idx.msk $0xffff, v0;
	v0 =	vmul.f32 v16, v14;
	v18 =	vld.idx.msk [tilespmem:v18+s26+$0x7620], $0xffff;
	_ =	sdelay $0x1  }
0x8c: {  	v20 =	vor.u32 $0x404, v2;
	[tilespmem:v55+s20+$0x0] =	vst.idx.msk $0xffff, v0;
	v0 =	vmul.f32 v10, v6;
	v10 =	vld [tilespmem:$0x1FFF0]  }
0x8d: {  	v24 =	vld [tilespmem:$0x1FF80]  }
0x8e: {  	v16 =	vld.idx.msk [tilespmem:v41+s1+$0x0], $0xffff  }
0x8f: {  	[tilespmem:v4+s20+$0x0] =	vst.idx.msk $0xffff, v0;
	v0 =	vmul.f32 v18, v8;
	v18 =	vld [tilespmem:$0x1FE90]  }
0x90: {  	v22 =	vld.idx.msk [tilespmem:v22+s26+$0x7620], $0xffff  }
0x91: {  	v14 =	vor.u32 $0x204, v1;
	v8 =	vld.idx.msk [tilespmem:v20+s26+$0x7620], $0xffff  }
0x92: {  	v20 =	vld [tilespmem:$0x1FF00]  }
0x93: {  	v6 =	vld.idx.msk [tilespmem:v57+s1+$0x0], $0xffff  }
0x94: {  	v10 =	vld.idx.msk [tilespmem:v10+s26+$0x7620], $0xffff  }
0x95: {  	v12 =	vld.idx.msk [tilespmem:v13+s1+$0x0], $0xffff  }
0x96: {  	v4 =	vld.idx.msk [tilespmem:v14+s1+$0x0], $0xffff;
	[tilespmem:v25+s20+$0x0] =	vst.idx.msk $0xffff, v0;
	v0 =	vmul.f32 v22, v16  }
0x97: {  	v18 =	vld.idx.msk [tilespmem:v18+s26+$0x7620], $0xffff  }
0x98: {  	v16 =	vld.idx.msk [tilespmem:v27+s1+$0x0], $0xffff;
	[tilespmem:v41+s20+$0x0] =	vst.idx.msk $0xffff, v0  }
0x99: {  	v22 =	vor.u32 $0x405, v2;
	v24 =	vld.idx.msk [tilespmem:v24+s26+$0x7620], $0xffff;
	v0 =	vmul.f32 v10, v6  }
0x9a: {  	v20 =	vld.idx.msk [tilespmem:v20+s26+$0x7620], $0xffff  }
0x9b: {  	v10 =	vld.idx.msk [tilespmem:v43+s1+$0x0], $0xffff;
	[tilespmem:v57+s20+$0x0] =	vst.idx.msk $0xffff, v0;
	v0 =	vmul.f32 v8, v4  }
0x9c: {  	v4 =	vld.idx.msk [tilespmem:v59+s1+$0x0], $0xffff;
	v8 =	vmul.f32 v18, v12  }
0x9d: {  	v6 =	vor.u32 $0x205, v1;
	[tilespmem:v14+s20+$0x0] =	vst.idx.msk $0xffff, v0;
	v18 =	vld [tilespmem:$0x1FF10]  }
0x9e: {  	[tilespmem:v13+s20+$0x0] =	vst.idx.msk $0xffff, v8;
	v8 =	vld.idx.msk [tilespmem:v22+s26+$0x7620], $0xffff  }
0x9f: {  	v22 =	vld [tilespmem:$0x1FF90]  }
0xa0: {  	v12 =	vld.idx.msk [tilespmem:v60+s26+$0x7620], $0xffff  }
0xa1: {  	v26 =	vld [tilespmem:$0x1FFA0];
	v0 =	vmul.f32 v20, v16  }
0xa2: {  	v14 =	vld.idx.msk [tilespmem:v6+s1+$0x0], $0xffff  }
0xa3: {  	[tilespmem:v27+s20+$0x0] =	vst.idx.msk $0xffff, v0;
	v0 =	vmul.f32 v24, v10;
	v16 =	vld.idx.msk [tilespmem:v15+s1+$0x0], $0xffff  }
0xa4: {  	v10 =	vld.idx.msk [tilespmem:v29+s1+$0x0], $0xffff  }
0xa5: {  	[tilespmem:v43+s20+$0x0] =	vst.idx.msk $0xffff, v0;
	v0 =	vmul.f32 v12, v4;
	v4 =	vor.u32 $0x206, v1;
	v18 =	vld.idx.msk [tilespmem:v18+s26+$0x7620], $0xffff  }
0xa6: {  	v12 =	vld.idx.msk [tilespmem:v45+s1+$0x0], $0xffff  }
0xa7: {  	v20 =	vor.u32 $0x406, v2;
	[tilespmem:v59+s20+$0x0] =	vst.idx.msk $0xffff, v0;
	v0 =	vmul.f32 v8, v14;
	v22 =	vld.idx.msk [tilespmem:v22+s26+$0x7620], $0xffff  }
0xa8: {  	v8 =	vld.idx.msk [tilespmem:v61+s1+$0x0], $0xffff  }
0xa9: {  	v14 =	vld.idx.msk [tilespmem:v62+s26+$0x7620], $0xffff;
	[tilespmem:v6+s20+$0x0] =	vst.idx.msk $0xffff, v0  }
0xaa: {  	v6 =	vld.idx.msk [tilespmem:v4+s1+$0x0], $0xffff;
	v0 =	vmul.f32 v18, v10  }
0xab: {  	v18 =	vld [tilespmem:$0x1FEA0]  }
0xac: {  	v10 =	vld.idx.msk [tilespmem:v20+s26+$0x7620], $0xffff;
	[tilespmem:v29+s20+$0x0] =	vst.idx.msk $0xffff, v0;
	v0 =	vmul.f32 v22, v12  }
0xad: {  	v20 =	vor.u32 $0x307, v2;
	v22 =	vld [tilespmem:$0x1FF20]  }
0xae: {  	v12 =	vld.idx.msk [tilespmem:v31+s1+$0x0], $0xffff;
	[tilespmem:v45+s20+$0x0] =	vst.idx.msk $0xffff, v0;
	v0 =	vmul.f32 v14, v8  }
0xaf: {  	v8 =	vor.u32 $0x207, v1;
	v14 =	vld.idx.msk [tilespmem:v47+s1+$0x0], $0xffff  }
0xb0: {  	v24 =	vor.u32 $0x407, v2;
	v26 =	vld.idx.msk [tilespmem:v26+s26+$0x7620], $0xffff;
	[tilespmem:v61+s20+$0x0] =	vst.idx.msk $0xffff, v0  }
0xb1: {  	v0 =	vmul.f32 v10, v6;
	v6 =	vld.idx.msk [tilespmem:v63+s1+$0x0], $0xffff  }
0xb2: {  	v10 =	vld.idx.msk [tilespmem:v20+s26+$0x7620], $0xffff  }
0xb3: {  	v18 =	vld.idx.msk [tilespmem:v18+s26+$0x7620], $0xffff;
	[tilespmem:v4+s20+$0x0] =	vst.idx.msk $0xffff, v0  }
0xb4: {  	v0 =	vld.idx.msk [tilespmem:v8+s1+$0x0], $0xffff  }
0xb5: {  	v20 =	vld.idx.msk [tilespmem:v24+s26+$0x7620], $0xffff  }
0xb6: {  	v22 =	vld.idx.msk [tilespmem:v22+s26+$0x7620], $0xffff  }
0xb7: {  	v14 =	vmul.f32 v26, v14  }
0xb8: {  	v4 =	vlaneseq.u32;
	s1 =	simm.s32 $0x1;
	v6 =	vmul.f32 v10, v6  }
0xb9: {  	s31 =	simm.s32 $0x0;
	v4 =	vshrl.u32 v4, $0x3;
	s1 =	simm.s32 @!p0 $0x0;
	[tilespmem:v47+s20+$0x0] =	vst.idx.msk $0xffff, v14;
	v16 =	vmul.f32 v18, v16  }
0xba: {  	s1 =	smul.u32 $0x5000, s1;
	v10 =	vor.u32 s31, v4;
	v0 =	vmul.f32 v20, v0;
	[tilespmem:v63+s20+$0x0] =	vst.idx.msk $0xffff, v6  }
0xbb: {  	s26 =	simm.s32 $0x18;
	v12 =	vmul.f32 v22, v12;
	[tilespmem:v15+s20+$0x0] =	vst.idx.msk $0xffff, v16  }
0xbc: {  	s1 =	sshrl.u32 s1, $0x2;
	v16 =	vor.u32 s26, v4;
	[tilespmem:v8+s20+$0x0] =	vst.idx.msk $0xffff, v0  }
0xbd: {  	s28 =	simm.s32 $0x10;
	s25 =	sadd.s32 $0x4EA0, s1;
	[tilespmem:v31+s20+$0x0] =	vst.idx.msk $0xffff, v12  }
0xbe: {  	s29 =	simm.s32 $0x8;
	v0 =	vor.u32 s28, v4;
	v14 =	vld [tilespmem:s25+$0x40]  }
0xbf: {  	v6 =	vor.u32 s29, v4;
	v10 =	vld.idx.msk [tilespmem:v10+s20+$0x0], $0xffff  }
0xc0: {  	v18 =	vld [tilespmem:s25+$0xFFFFFF80]  }
0xc1: {  	v12 =	vld.idx.msk [tilespmem:v16+s20+$0x0], $0xffff  }
0xc2: {  	v8 =	vor.u32 $0x2, v4;
	v20 =	vld [tilespmem:s25+$0x0]  }
0xc3: {  	v22 =	vor.u32 s31, v8;
	v0 =	vld.idx.msk [tilespmem:v0+s20+$0x0], $0xffff  }
0xc4: {  	v16 =	vld.idx.msk [tilespmem:v6+s20+$0x0], $0xffff;
	v6 =	vor.u32 s26, v8  }
0xc5: {  	v24 =	vld [tilespmem:s25+$0x50];
	v10 =	vmul.f32 v18, v10  }
0xc6: {  	v30 =	vld [tilespmem:s25+$0xFFFFFF90];
	v12 =	vmul.f32 v14, v12  }
0xc7: {  	v14 =	vld [tilespmem:s25+$0xFFFFFFC0];
	[tilespmem:s25+$0xFFFFFF80] =	vst v10  }
0xc8: {  	v28 =	vor.u32 s28, v8;
	v0 =	vmul.f32 v20, v0;
	v20 =	vld.idx.msk [tilespmem:v22+s20+$0x0], $0xffff;
	[tilespmem:s25+$0x40] =	vst v12  }
0xc9: {  	v12 =	vld.idx.msk [tilespmem:v6+s20+$0x0], $0xffff  }
0xca: {  	v26 =	vor.u32 s29, v8;
	v32 =	vld [tilespmem:s25+$0xFFFFFFA0]  }
0xcb: {  	v34 =	vld [tilespmem:s25+$0xFFFFFFE0]  }
0xcc: {  	v10 =	vld [tilespmem:s25+$0x10];
	[tilespmem:s25+$0x0] =	vst v0;
	v14 =	vmul.f32 v14, v16  }
0xcd: {  	v6 =	vor.u32 $0x4, v4;
	v22 =	vld.idx.msk [tilespmem:v28+s20+$0x0], $0xffff;
	v20 =	vmul.f32 v30, v20  }
0xce: {  	v18 =	vor.u32 s26, v6;
	v16 =	vld [tilespmem:s25+$0xFFFFFFD0];
	[tilespmem:s25+$0xFFFFFFC0] =	vst v14;
	v12 =	vmul.f32 v24, v12  }
0xcf: {  	v0 =	vor.u32 $0x6, v4;
	v14 =	vld.idx.msk [tilespmem:v26+s20+$0x0], $0xffff;
	[tilespmem:s25+$0xFFFFFF90] =	vst v20  }
0xd0: {  	v26 =	vld [tilespmem:s25+$0x60];
	v20 =	vor.u32 s26, v0;
	s26 =	sadd.s32 $0x100, s25;
	[tilespmem:s25+$0x50] =	vst v12;
	v12 =	vor.u32 s31, v6  }
0xd1: {  	v42 =	vld [tilespmem:s26+$0xFFFFFF80]  }
0xd2: {  	s30 =	simm.s32 $0x30;
	v44 =	vld [tilespmem:s26+$0xFFFFFFC0]  }
0xd3: {  	v30 =	vor.u32 s30, v4;
	v18 =	vld.idx.msk [tilespmem:v18+s20+$0x0], $0xffff  }
0xd4: {  	v28 =	vor.u32 s28, v6;
	v48 =	vld [tilespmem:s26+$0xFFFFFF90]  }
0xd5: {  	v12 =	vld.idx.msk [tilespmem:v12+s20+$0x0], $0xffff  }
0xd6: {  	v24 =	vor.u32 s29, v6;
	v10 =	vmul.f32 v10, v22;
	v58 =	vld [tilespmem:s26+$0x50]  }
0xd7: {  	v56 =	vld [tilespmem:s26+$0x60]  }
0xd8: {  	s0 =	simm.s32 $0x38;
	[tilespmem:s25+$0x10] =	vst v10;
	v30 =	vld.idx.msk [tilespmem:v30+s20+$0x0], $0xffff;
	v14 =	vmul.f32 v16, v14;
	v10 =	vmul.f32 v26, v18;
	v18 =	vor.u32 s31, v0  }
0xd9: {  	v22 =	vld.idx.msk [tilespmem:v28+s20+$0x0], $0xffff;
	v26 =	vor.u32 s0, v4  }
0xda: {  	v16 =	vld [tilespmem:s25+$0x20];
	[tilespmem:s25+$0xFFFFFFD0] =	vst v14;
	s31 =	simm.s32 $0x20;
	v12 =	vmul.f32 v32, v12  }
0xdb: {  	v14 =	vld.idx.msk [tilespmem:v24+s20+$0x0], $0xffff;
	v36 =	vor.u32 s31, v4;
	[tilespmem:s25+$0x60] =	vst v10  }
0xdc: {  	v28 =	vld.idx.msk [tilespmem:v20+s20+$0x0], $0xffff;
	[tilespmem:s25+$0xFFFFFFA0] =	vst v12  }
0xdd: {  	s1 =	simm.s32 $0x28;
	v38 =	vld.idx.msk [tilespmem:v18+s20+$0x0], $0xffff  }
0xde: {  	v20 =	vor.u32 s1, v4;
	v18 =	vld.idx.msk [tilespmem:v26+s20+$0x0], $0xffff  }
0xdf: {  	v26 =	vld [tilespmem:s26+$0x40]  }
0xe0: {  	v36 =	vld.idx.msk [tilespmem:v36+s20+$0x0], $0xffff  }
0xe1: {  	v24 =	vld [tilespmem:s25+$0xFFFFFFB0]  }
0xe2: {  	v40 =	vor.u32 s0, v8;
	v10 =	vld [tilespmem:s25+$0xFFFFFFF0]  }
0xe3: {  	v46 =	vor.u32 s31, v8;
	v20 =	vld.idx.msk [tilespmem:v20+s20+$0x0], $0xffff  }
0xe4: {  	v32 =	vld [tilespmem:s25+$0x70];
	v18 =	vmul.f32 v26, v18  }
0xe5: {  	v36 =	vmul.f32 v42, v36;
	v26 =	vld [tilespmem:s26+$0x0]  }
0xe6: {  	v12 =	vld [tilespmem:s25+$0x30];
	[tilespmem:s26+$0x40] =	vst v18  }
0xe7: {  	[tilespmem:s26+$0xFFFFFF80] =	vst v36;
	v18 =	vor.u32 s1, v8;
	v40 =	vld.idx.msk [tilespmem:v40+s20+$0x0], $0xffff  }
0xe8: {  	v50 =	vor.u32 s30, v8;
	v20 =	vmul.f32 v44, v20;
	v46 =	vld.idx.msk [tilespmem:v46+s20+$0x0], $0xffff  }
0xe9: {  	v44 =	vld [tilespmem:s26+$0xFFFFFFD0]  }
0xea: {  	v36 =	vld [tilespmem:s26+$0x10];
	[tilespmem:s26+$0xFFFFFFC0] =	vst v20;
	v20 =	vor.u32 s0, v6;
	v26 =	vmul.f32 v26, v30  }
0xeb: {  	v14 =	vmul.f32 v34, v14;
	v34 =	vor.u32 s31, v6;
	v30 =	vld [tilespmem:s26+$0xFFFFFFA0]  }
0xec: {  	v52 =	vld.idx.msk [tilespmem:v18+s20+$0x0], $0xffff;
	[tilespmem:s26+$0x0] =	vst v26;
	v18 =	vmul.f32 v58, v40  }
0xed: {  	v16 =	vmul.f32 v16, v22;
	v22 =	vmul.f32 v48, v46;
	v26 =	vld.idx.msk [tilespmem:v50+s20+$0x0], $0xffff;
	v40 =	vor.u32 s29, v0  }
0xee: {  	v58 =	vor.u32 s28, v0;
	[tilespmem:s26+$0x50] =	vst v18;
	v18 =	vld [tilespmem:s26+$0xFFFFFFE0]  }
0xef: {  	v42 =	vor.u32 s1, v6;
	[tilespmem:s26+$0xFFFFFF90] =	vst v22;
	v54 =	vld.idx.msk [tilespmem:v20+s20+$0x0], $0xffff  }
0xf0: {  	[tilespmem:s25+$0xFFFFFFE0] =	vst v14;
	v14 =	vor.u32 s30, v6;
	v32 =	vmul.f32 v32, v28;
	v34 =	vld.idx.msk [tilespmem:v34+s20+$0x0], $0xffff  }
0xf1: {  	[tilespmem:s25+$0x20] =	vst v16;
	v20 =	vld [tilespmem:s26+$0x20];
	v16 =	vmul.f32 v44, v52  }
0xf2: {  	[tilespmem:s25+$0x70] =	vst v32;
	v26 =	vmul.f32 v36, v26;
	v22 =	vld.idx.msk [tilespmem:v40+s20+$0x0], $0xffff;
	v36 =	vor.u32 s0, v0  }
0xf3: {  	[tilespmem:s26+$0xFFFFFFD0] =	vst v16;
	v16 =	vmul.f32 v24, v38;
	v24 =	vld.idx.msk [tilespmem:v58+s20+$0x0], $0xffff  }
0xf4: {  	v32 =	vor.u32 s31, v0;
	v28 =	vld.idx.msk [tilespmem:v42+s20+$0x0], $0xffff;
	[tilespmem:s26+$0x10] =	vst v26;
	v38 =	vmul.f32 v56, v54  }
0xf5: {  	s29 =	simm.s32 $0x40;
	s28 =	smov.u32 s26;
	v26 =	vld.idx.msk [tilespmem:v14+s20+$0x0], $0xffff;
	[tilespmem:s25+$0xFFFFFFB0] =	vst v16;
	v16 =	vor.u32 s1, v0;
	v14 =	vor.u32 s30, v0;
	s30 =	simm.s32 $0xC  }
.LBB2_3:
0xf6: {  	p1 =	slt.u32 s30, $0x4C;
	s31 =	sadd.s32 $0x8, s29;
	s1 =	sadd.s32 $0x18, s29;
	v40 =	vld [tilespmem:s26+$0xFFFFFFB0];
	[tilespmem:s26+$0x60] =	vst v38  }
0xf7: {  	v38 =	vor.u32 s29, v4;
	s0 =	sadd.s32 $0x10, s29;
	v42 =	vor.u32 s31, v4;
	v44 =	vor.u32 s1, v4;
	v36 =	vld.idx.msk [tilespmem:v36+s20+$0x0], $0xffff  }
0xf8: {  	v22 =	vmul.f32 v10, v22;
	v46 =	vor.u32 s0, v4;
	v30 =	vmul.f32 v30, v34;
	v34 =	vld [tilespmem:s26+$0x70]  }
0xf9: {  	v18 =	vmul.f32 v18, v28;
	v10 =	vld [tilespmem:s26+$0xFFFFFFF0]  }
0xfa: {  	v20 =	vmul.f32 v20, v26;
	[tilespmem:s26+$0xFFFFFFA0] =	vst v30;
	v26 =	vld [tilespmem:s26+$0x30]  }
0xfb: {  	v12 =	vmul.f32 v12, v24;
	v28 =	vld.idx.msk [tilespmem:v32+s20+$0x0], $0xffff;
	[tilespmem:s26+$0xFFFFFFE0] =	vst v18  }
0xfc: {  	s26 =	sadd.s32 $0x100, s26;
	v18 =	vld.idx.msk [tilespmem:v44+s20+$0x0], $0xffff;
	[tilespmem:s28+$0x20] =	vst v20  }
0xfd: {  	v20 =	vld [tilespmem:s26+$0x40];
	v24 =	vmul.f32 v34, v36;
	[tilespmem:s25+$0xFFFFFFF0] =	vst v22  }
0xfe: {  	v22 =	vld.idx.msk [tilespmem:v42+s20+$0x0], $0xffff;
	[tilespmem:s25+$0x30] =	vst v12;
	s25 =	smov.u32 s28;
	s28 =	smov.u32 s26  }
0xff: {  	v30 =	vld.idx.msk [tilespmem:v46+s20+$0x0], $0xffff;
	[tilespmem:s25+$0x70] =	vst v24;
	v12 =	vmov v26  }
0x100: {  	v32 =	vor.u32 s31, v8;
	v34 =	vor.u32 s1, v8;
	v26 =	vor.u32 s29, v8;
	v24 =	vld.idx.msk [tilespmem:v38+s20+$0x0], $0xffff  }
0x101: {  	v38 =	vor.u32 s0, v8;
	v28 =	vmul.f32 v40, v28;
	v36 =	vld [tilespmem:s26+$0xFFFFFF80]  }
0x102: {  	v40 =	vld [tilespmem:s26+$0xFFFFFFC0];
	v18 =	vmul.f32 v20, v18  }
0x103: {  	v20 =	vld [tilespmem:s26+$0x0];
	[tilespmem:s25+$0xFFFFFFB0] =	vst v28  }
0x104: {  	v28 =	vld [tilespmem:s26+$0xFFFFFF90];
	[tilespmem:s26+$0x40] =	vst v18  }
0x105: {  	v18 =	vld.idx.msk [tilespmem:v34+s20+$0x0], $0xffff  }
0x106: {  	v24 =	vmul.f32 v36, v24;
	v34 =	vld [tilespmem:s26+$0x50]  }
0x107: {  	v22 =	vmul.f32 v40, v22;
	v36 =	vld [tilespmem:s26+$0xFFFFFFD0]  }
0x108: {  	[tilespmem:s26+$0xFFFFFF80] =	vst v24;
	v20 =	vmul.f32 v20, v30;
	v24 =	vld [tilespmem:s26+$0x10]  }
0x109: {  	v40 =	vor.u32 s29, v6;
	v26 =	vld.idx.msk [tilespmem:v26+s20+$0x0], $0xffff;
	[tilespmem:s26+$0xFFFFFFC0] =	vst v22;
	v22 =	vor.u32 s1, v6  }
0x10a: {  	v44 =	vor.u32 s0, v6;
	v42 =	vor.u32 s31, v6;
	v32 =	vld.idx.msk [tilespmem:v32+s20+$0x0], $0xffff;
	[tilespmem:s26+$0x0] =	vst v20  }
0x10b: {  	v38 =	vld.idx.msk [tilespmem:v38+s20+$0x0], $0xffff;
	v20 =	vmul.f32 v34, v18  }
0x10c: {  	v30 =	vld [tilespmem:s26+$0xFFFFFFA0]  }
0x10d: {  	v18 =	vld [tilespmem:s26+$0xFFFFFFE0];
	[tilespmem:s26+$0x50] =	vst v20  }
0x10e: {  	v46 =	vld.idx.msk [tilespmem:v22+s20+$0x0], $0xffff  }
0x10f: {  	v22 =	vmul.f32 v28, v26;
	v48 =	vld [tilespmem:s26+$0x60]  }
0x110: {  	v26 =	vmul.f32 v36, v32;
	v20 =	vld [tilespmem:s26+$0x20]  }
.Ltmp0:
0x111: {  	v24 =	vmul.f32 v24, v38;
	[tilespmem:s26+$0xFFFFFF90] =	vst v22;
	v22 =	vld.idx.msk [tilespmem:v16+s20+$0x0], $0xffff;
	(pc) =	sbr.rel @p1 .LBB2_3-.Ltmp0, $4  }
0x112: {  	v32 =	vor.u32 s29, v0;
	v36 =	vor.u32 s1, v0;
	v34 =	vld.idx.msk [tilespmem:v40+s20+$0x0], $0xffff;
	[tilespmem:s26+$0xFFFFFFD0] =	vst v26  }
0x113: {  	v16 =	vor.u32 s31, v0;
	v40 =	vor.u32 s0, v0;
	v28 =	vld.idx.msk [tilespmem:v42+s20+$0x0], $0xffff;
	[tilespmem:s26+$0x10] =	vst v24  }
0x114: {  	v26 =	vld.idx.msk [tilespmem:v44+s20+$0x0], $0xffff;
	v38 =	vmul.f32 v48, v46  }
0x115: {  	s29 =	sshll.u32 s30, $0x3;
	s30 =	sadd.s32 $0x4, s30;
	v24 =	vld.idx.msk [tilespmem:v14+s20+$0x0], $0xffff;
	v14 =	vmov v40  }
0x116: {  	_ =	sdelay $0x1  }
0x117: {  	v40 =	vld [tilespmem:s26+$0xFFFFFFB0]  }
0x118: {  	[tilespmem:s26+$0x60] =	vst v38;
	v44 =	vld [tilespmem:s26+$0xFFFFFFF0]  }
0x119: {  	v36 =	vld.idx.msk [tilespmem:v36+s20+$0x0], $0xffff  }
0x11a: {  	s31 =	sadd.s32 $0x18, s29;
	s0 =	sadd.s32 $0x100, s26;
	v30 =	vmul.f32 v30, v34;
	v34 =	vld [tilespmem:s26+$0x70]  }
0x11b: {  	s1 =	sadd.s32 $0x8, s29;
	v54 =	vor.u32 s31, v4;
	v48 =	vld [tilespmem:s0+$0x40]  }
0x11c: {  	s30 =	sadd.s32 $0x10, s29;
	v42 =	vor.u32 s1, v4;
	v52 =	vld [tilespmem:s0+$0xFFFFFF80]  }
0x11d: {  	v46 =	vor.u32 s30, v4;
	v4 =	vor.u32 s29, v4;
	v58 =	vld [tilespmem:s0+$0xFFFFFF90]  }
0x11e: {  	[tilespmem:s26+$0xFFFFFFA0] =	vst v30;
	v30 =	vld [tilespmem:s26+$0x30]  }
0x11f: {  	v32 =	vld.idx.msk [tilespmem:v32+s20+$0x0], $0xffff  }
0x120: {  	v38 =	vld.idx.msk [tilespmem:v54+s20+$0x0], $0xffff  }
0x121: {  	v42 =	vld.idx.msk [tilespmem:v42+s20+$0x0], $0xffff  }
0x122: {  	v4 =	vld.idx.msk [tilespmem:v4+s20+$0x0], $0xffff  }
0x123: {  	v50 =	vor.u32 s31, v8;
	v46 =	vld.idx.msk [tilespmem:v46+s20+$0x0], $0xffff  }
0x124: {  	v54 =	vld [tilespmem:s0+$0xFFFFFFC0]  }
0x125: {  	v38 =	vmul.f32 v48, v38;
	v48 =	vld [tilespmem:s0+$0x0]  }
0x126: {  	v56 =	vor.u32 s29, v8;
	v18 =	vmul.f32 v18, v28;
	v12 =	vmul.f32 v12, v24;
	v24 =	vld [tilespmem:s0+$0x70]  }
0x127: {  	v4 =	vmul.f32 v52, v4;
	v52 =	vld [tilespmem:s0+$0x50];
	[tilespmem:s0+$0x40] =	vst v38;
	v38 =	vor.u32 s1, v8  }
0x128: {  	[tilespmem:s26+$0xFFFFFFE0] =	vst v18;
	v8 =	vor.u32 s30, v8;
	v50 =	vld.idx.msk [tilespmem:v50+s20+$0x0], $0xffff  }
0x129: {  	v16 =	vld.idx.msk [tilespmem:v16+s20+$0x0], $0xffff;
	v42 =	vmul.f32 v54, v42  }
0x12a: {  	v54 =	vld [tilespmem:s0+$0xFFFFFFD0];
	[tilespmem:s0+$0xFFFFFF80] =	vst v4;
	v4 =	vmul.f32 v48, v46  }
0x12b: {  	[tilespmem:s0+$0xFFFFFFC0] =	vst v42;
	v48 =	vld.idx.msk [tilespmem:v56+s20+$0x0], $0xffff;
	v56 =	vor.u32 s31, v6  }
0x12c: {  	v38 =	vld.idx.msk [tilespmem:v38+s20+$0x0], $0xffff;
	[tilespmem:s0+$0x0] =	vst v4  }
0x12d: {  	v4 =	vld.idx.msk [tilespmem:v8+s20+$0x0], $0xffff;
	v8 =	vmul.f32 v52, v50  }
0x12e: {  	v46 =	vld [tilespmem:s0+$0x10]  }
0x12f: {  	v50 =	vld [tilespmem:s0+$0xFFFFFFA0];
	v52 =	vor.u32 s29, v6;
	[tilespmem:s0+$0x50] =	vst v8  }
0x130: {  	v28 =	vor.u32 s1, v6;
	v42 =	vld.idx.msk [tilespmem:v56+s20+$0x0], $0xffff  }
0x131: {  	v6 =	vor.u32 s30, v6;
	v48 =	vmul.f32 v58, v48;
	v56 =	vld [tilespmem:s0+$0x60]  }
0x132: {  	v8 =	vld [tilespmem:s0+$0xFFFFFFE0];
	v18 =	vmul.f32 v54, v38  }
0x133: {  	v58 =	vld [tilespmem:s0+$0x20];
	[tilespmem:s0+$0xFFFFFF90] =	vst v48;
	v4 =	vmul.f32 v46, v4  }
0x134: {  	v20 =	vmul.f32 v20, v26;
	v26 =	vld.idx.msk [tilespmem:v52+s20+$0x0], $0xffff;
	[tilespmem:s0+$0xFFFFFFD0] =	vst v18;
	v18 =	vor.u32 s31, v0  }
0x135: {  	[tilespmem:s0+$0x10] =	vst v4;
	v4 =	vld.idx.msk [tilespmem:v28+s20+$0x0], $0xffff  }
0x136: {  	[tilespmem:s28+$0x20] =	vst v20;
	v6 =	vld.idx.msk [tilespmem:v6+s20+$0x0], $0xffff;
	v20 =	vmul.f32 v56, v42  }
0x137: {  	v10 =	vmul.f32 v10, v22;
	v22 =	vor.u32 s29, v0;
	v14 =	vld.idx.msk [tilespmem:v14+s20+$0x0], $0xffff  }
0x138: {  	v28 =	vld [tilespmem:s0+$0xFFFFFFB0];
	[tilespmem:s0+$0x60] =	vst v20;
	v20 =	vor.u32 s1, v0  }
0x139: {  	[tilespmem:s25+$0xFFFFFFF0] =	vst v10;
	v0 =	vor.u32 s30, v0;
	v10 =	vmul.f32 v50, v26;
	v18 =	vld.idx.msk [tilespmem:v18+s20+$0x0], $0xffff  }
0x13a: {  	[tilespmem:s25+$0x30] =	vst v12;
	v4 =	vmul.f32 v8, v4;
	v8 =	vld [tilespmem:s0+$0xFFFFFFF0]  }
0x13b: {  	[tilespmem:s0+$0xFFFFFFA0] =	vst v10;
	v10 =	vld [tilespmem:s0+$0x30];
	v6 =	vmul.f32 v58, v6  }
0x13c: {  	v12 =	vmul.f32 v34, v36;
	v22 =	vld.idx.msk [tilespmem:v22+s20+$0x0], $0xffff;
	[tilespmem:s0+$0xFFFFFFE0] =	vst v4  }
0x13d: {  	v4 =	vmul.f32 v40, v32;
	[tilespmem:s0+$0x20] =	vst v6;
	v6 =	vld.idx.msk [tilespmem:v20+s20+$0x0], $0xffff  }
0x13e: {  	[tilespmem:s28+$0x70] =	vst v12;
	v12 =	vmul.f32 v44, v16;
	v0 =	vld.idx.msk [tilespmem:v0+s20+$0x0], $0xffff  }
0x13f: {  	[tilespmem:s28+$0xFFFFFFB0] =	vst v4;
	v4 =	vmul.f32 v30, v14  }
0x140: {  	[tilespmem:s28+$0xFFFFFFF0] =	vst v12;
	v14 =	vmul.f32 v24, v18  }
0x141: {  	[tilespmem:s28+$0x30] =	vst v4;
	v4 =	vmul.f32 v28, v22  }
0x142: {  	s29 =	smul.u32 $0x5000, s24;
	[tilespmem:s0+$0x70] =	vst v14;
	v6 =	vmul.f32 v8, v6  }
0x143: {  	s23 =	smul.u32 $0x140, s23;
	[tilespmem:s0+$0xFFFFFFB0] =	vst v4;
	v0 =	vmul.f32 v10, v0  }
0x144: {  	p1 =	sne.s32 s22, $0x7D;
	s1 =	sshrl.u32 s29, $0x2;
	[tilespmem:s0+$0xFFFFFFF0] =	vst v6  }
.Ltmp1:
0x145: {  	s31 =	sshra.s32 s23, $0x2;
	s30 =	sadd.s32 $0x4E20, s1;
	[tilespmem:s0+$0x30] =	vst v0;
	(pc) =	sbr.rel @p1 .LBB2_2-.Ltmp1, $4  }
0x146: {  	[spmem:s2] =	stream.indirect.scatter.add.f32 [tilespmem:s30], [sflag:$0x7], $0x40, s31, s16, $0xb8;
	[tilespmem:$0x127A0] =	vst v63  }
0x147: {  	_ =	swait.ge [sflag:s12], $0x1400  }
0x148: {  	[sflag:s12] =	ssyncset.done $0x0  }
0x149: {  	p0 =	por !p0, !p0;
	s23 =	smov.u32 s22;
	[sflag:s12] =	ssyncadd.s32 $0xFFFFEC00  }
0x14a: {  	s21 =	sadd.s32 $0x1, s21  }
0x14b: {  	p0 =	sne.s32 s21, s11  }
.Ltmp2:
0x14c: {  	[bflag:$0x0] =	sbarrier.arrive $0xFFFF;
	(pc) =	sbr.rel @p0 .LBB2_1-.Ltmp2, $4  }
0x14d: {  	[hbm:s10], [sflag:s14] =	dma.local [spmem:s15], $0x1400  }
0x14e: {  	_ =	swait.ge [sflag:s12], $0x1400  }
0x14f: {  	[sflag:s12] =	ssyncset.done $0x0  }
0x150: {  	[sflag:s12] =	ssyncadd.s32 $0xFFFFEC00  }
0x151: {  	_ =	sfence.sel $0x180000  }
0x152: {  	[bflag:$0x0] =	sbarrier.arrive $0xFFFF  }
0x153: {  	_ =	strace $0x9000004A  }
0x154: {  	s0 =	stileid.u32;
	[bflag:$0x2] =	sbarrier.arrive $0xFFFF  }
0x155: {  	p0 =	sne.s32 s0, $0x0;
	s0 =	rddreg [dreg:$0x2]  }
0x156: {  	s0 =	sadd.s32 @!p0 $0x100000, s0  }
0x157: {  	[sflag:s0] =	ssyncadd.tile.s32 @!p0 $0x1;
	_ =	shalt  }
.Lfunc_end2:
_tile_overlayer_lowered:
.L_overlay_start_2:
0x158: {  	(tag) =	ssettag $0x2  }
0x159: {  	s0 =	rddreg [dreg:$0x0];
	s2 =	stileid.u32  }
0x15a: {  	s1 =	rddreg [dreg:$0x1];
	p0 =	sne.s32 s2, $0x0  }
0x15b: {  	s3 =	rddreg [dreg:$0x2];
	[bflag:$0x3] =	sbarrier.arrive $0xFFFF;
	s2 =	simm.s32 @!p0 $0x1C07  }
0x15c: {  	[timem:s3], [sflag:s2] =	dma.local @!p0 [hbm:s0], s1  }
0x15d: {  	s0 =	simm.s32 @!p0 $0x7  }
0x15e: {  	_ =	swait.ge @!p0 [sflag:s0], s1  }
0x15f: {  	s1 =	ssub.s32 @!p0 $0x0, s1;
	[sflag:s0] =	ssyncset.done @!p0 $0x0  }
0x160: {  	[sflag:s0] =	ssyncadd.s32 @!p0 s1  }
0x161: {  	[bflag:$0x3] =	sbarrier.arrive $0xFFFF  }
0x162: {  	_ =	shalt  }

// kernel: sc_edge_softmax_h1.3.cloned.1.call-start
scs
__scs_entry_jumppad:
0x0: {  	(pc) =	sbr.rel $0x88, $3  }
0x1: {  	(tag) =	ssettag $0x0;
	lr =	simm.s32 $0x1  }
0x2: {  	[smem:$0x3F99] =	sst lr;
	_ =	strace $0xD0000000  }
0x3: {  	_ = 	snop  }
0x4: {  	_ = 	snop  }
0x5: {  	_ = 	snop  }
0x6: {  	_ = 	snop  }
0x7: {  	_ = 	snop  }
__scs_overlays_trampoline_lowered:
0x8: {  	[smem:$0x3FA8] =	sst s0  }
0x9: {  	[smem:$0x3FA9] =	sst s1  }
0xa: {  	[smem:$0x3FAA] =	sst s2  }
0xb: {  	[smem:$0x3FAB] =	sst s3  }
0xc: {  	[smem:$0x3FAC] =	sst s4  }
0xd: {  	[smem:$0x3FAD] =	sst s5  }
0xe: {  	[smem:$0x3FAE] =	sst s6  }
0xf: {  	[smem:$0x3FAF] =	sst s7  }
0x10: {  	[smem:$0x3FB0] =	sst s8  }
0x11: {  	[smem:$0x3FB1] =	sst s9;
	s0 =	simm.s32 @!p0 $0x0  }
0x12: {  	s1 =	sld [smem:$0x3F97];
	s0 =	simm.s32 @p0 $0x1  }
0x13: {  	[smem:$0x3FB2] =	sst s0;
	s0 =	simm.s32 @!p1 $0x0  }
0x14: {  	s2 =	sld [smem:$0x3F96];
	s0 =	simm.s32 @p1 $0x1  }
0x15: {  	[smem:$0x3FB3] =	sst s0;
	s0 =	simm.s32 @!p2 $0x0  }
0x16: {  	s3 =	sld [smem:$0x3FDB];
	s0 =	simm.s32 @p2 $0x1  }
0x17: {  	s4 =	simm.s32 $0x1BF5;
	[smem:$0x3FB5] =	sst s0  }
0x18: {  	s0 =	sld [smem:$0x3F98];
	_ =	swait.ge [sflag:s4], $0x0  }
0x19: {  	s7 =	sld [smem:$0x3F99]  }
0x1a: {  	s8 =	sadd.s32 $0xFFFFE003, lr  }
0x1b: {  	s9 =	sadd.s32 $0xFFFFFEF7, lr;
	s5 =	simm.s32 $0xFFFFFFFF;
	p2 =	slt.u32 s8, $0xFFFFF086  }
0x1c: {  	p1 =	slt.u32 s9, $0xF7A;
	s5 =	simm.s32 @!p2 $0x0  }
0x1d: {  	s5 =	simm.s32 @p1 $0x1;
	p0 =	seq.s32 s7, s2  }
0x1e: {  	s7 =	smul.u32 @!p0 $0xF7A, s2;
	p2 =	seq.s32 @!p0 s5, $0x0  }
0x1f: {  	s9 =	smul.u32 $0xF7A, s1;
	s8 =	simm.s32 @!p0 $0x1BF5;
	p2 =	por !p2, p0  }
0x20: {  	[sflag:s8] =	ssyncset.s32 @!p0 $0xFFFFF086;
	s6 =	sadd.s32 @!p0 s3, s7;
	s7 =	simm.s32 @!p0 $0x108  }
0x21: {  	s3 =	sadd.s32 s3, s9;
	s6 =	sadd.s32 @!p0 $0x88, s6;
	s7 =	simm.s32 @p2 $0x1082  }
0x22: {  	[simem:s7], [sflag:s8] =	dma.local @!p0 [hbm:s6], $0xF7A  }
0x23: {  	s9 =	sor.u32 $0xD0000000, s2;
	s6 =	simm.s32 $0x108;
	_ =	swait.ge @!p0 [sflag:s8], $0x0  }
0x24: {  	s3 =	sadd.s32 $0x88, s3;
	s6 =	simm.s32 @!p1 $0x1082;
	[sflag:s4] =	ssyncset.s32 $0xFFFFF086  }
0x25: {  	[simem:s6], [sflag:s4] =	dma.local [hbm:s3], $0xF7A  }
0x26: {  	[smem:$0x3F99] =	sst s1;
	(tag) =	ssettag s2;
	_ =	strace s9  }
0x27: {  	s1 =	sld [smem:$0x3FA9]  }
0x28: {  	s2 =	sld [smem:$0x3FAA]  }
0x29: {  	s4 =	sld [smem:$0x3FAC]  }
0x2a: {  	p0 =	seq.s32 s5, $0x0;
	s5 =	sld [smem:$0x3FAD]  }
0x2b: {  	s6 =	sld [smem:$0x3FAE]  }
0x2c: {  	s7 =	sld [smem:$0x3FAF]  }
0x2d: {  	s3 =	simm.s32 $0x108;
	s8 =	sld [smem:$0x3FB0]  }
0x2e: {  	s3 =	simm.s32 @!p0 $0x1082;
	s9 =	sld [smem:$0x3FB1]  }
0x2f: {  	lr =	sadd.s32 s0, s3;
	s0 =	sld [smem:$0x3FA8]  }
0x30: {  	s3 =	sld [smem:$0x3FAB]  }
0x31: {  	[smem:$0x3FB4] =	sst s10  }
0x32: {  	s10 =	sld [smem:$0x3FB2];
	_ =	sdelay $0x3  }
0x33: {  	p0 =	seq.s32 s10, $0x1;
	s10 =	sld [smem:$0x3FB4];
	_ =	sdelay $0x3  }
0x34: {  	[smem:$0x3FB4] =	sst s10  }
0x35: {  	s10 =	sld [smem:$0x3FB3];
	_ =	sdelay $0x3  }
0x36: {  	p1 =	seq.s32 s10, $0x1;
	s10 =	sld [smem:$0x3FB4];
	_ =	sdelay $0x3  }
0x37: {  	[smem:$0x3FB4] =	sst s10  }
0x38: {  	s10 =	sld [smem:$0x3FB5]  }
0x39: {  	_ = 	snop;
	(pc) =	sbr.ind lr, $3  }
0x3a: {  	_ = 	snop  }
0x3b: {  	_ = 	snop  }
0x3c: {  	p2 =	seq.s32 s10, $0x1;
	s10 =	sld [smem:$0x3FB4]  }
0x3d: {  	_ =	shalt  }
0x3e: {  	_ =	shalt  }
0x3f: {  	_ =	shalt  }
0x40: {  	_ =	shalt  }
0x41: {  	_ =	shalt  }
0x42: {  	_ =	shalt  }
0x43: {  	_ =	shalt  }
0x44: {  	_ =	shalt  }
0x45: {  	_ =	shalt  }
0x46: {  	_ =	shalt  }
0x47: {  	_ =	shalt  }
0x48: {  	_ =	shalt  }
0x49: {  	_ =	shalt  }
0x4a: {  	_ =	shalt  }
0x4b: {  	_ =	shalt  }
0x4c: {  	_ =	shalt  }
0x4d: {  	_ =	shalt  }
0x4e: {  	_ =	shalt  }
0x4f: {  	_ =	shalt  }
0x50: {  	_ =	shalt  }
0x51: {  	_ =	shalt  }
0x52: {  	_ =	shalt  }
0x53: {  	_ =	shalt  }
0x54: {  	_ =	shalt  }
0x55: {  	_ =	shalt  }
0x56: {  	_ =	shalt  }
0x57: {  	_ =	shalt  }
0x58: {  	_ =	shalt  }
0x59: {  	_ =	shalt  }
0x5a: {  	_ =	shalt  }
0x5b: {  	_ =	shalt  }
0x5c: {  	_ =	shalt  }
0x5d: {  	_ =	shalt  }
0x5e: {  	_ =	shalt  }
0x5f: {  	_ =	shalt  }
0x60: {  	_ =	shalt  }
0x61: {  	_ =	shalt  }
0x62: {  	_ =	shalt  }
0x63: {  	_ =	shalt  }
0x64: {  	_ =	shalt  }
0x65: {  	_ =	shalt  }
0x66: {  	_ =	shalt  }
0x67: {  	_ =	shalt  }
0x68: {  	_ =	shalt  }
0x69: {  	_ =	shalt  }
0x6a: {  	_ =	shalt  }
0x6b: {  	_ =	shalt  }
0x6c: {  	_ =	shalt  }
0x6d: {  	_ =	shalt  }
0x6e: {  	_ =	shalt  }
0x6f: {  	_ =	shalt  }
0x70: {  	_ =	shalt  }
0x71: {  	_ =	shalt  }
0x72: {  	_ =	shalt  }
0x73: {  	_ =	shalt  }
0x74: {  	_ =	shalt  }
0x75: {  	_ =	shalt  }
0x76: {  	_ =	shalt  }
0x77: {  	_ =	shalt  }
0x78: {  	_ =	shalt  }
0x79: {  	_ =	shalt  }
0x7a: {  	_ =	shalt  }
0x7b: {  	_ =	shalt  }
0x7c: {  	_ =	shalt  }
0x7d: {  	_ =	shalt  }
0x7e: {  	_ =	shalt  }
0x7f: {  	_ =	shalt  }
0x80: {  	_ =	shalt  }
0x81: {  	_ =	shalt  }
0x82: {  	_ =	shalt  }
0x83: {  	_ =	shalt  }
0x84: {  	_ =	shalt  }
0x85: {  	_ =	shalt  }
0x86: {  	_ =	shalt  }
0x87: {  	_ =	shalt  }
.Lfunc_end0:
.L_simem_size_0:
called_computation.2_lowered:
.L_overlay_start_0:
0x88: {  	s2 =	sld [smem:$0x3FD9]  }
0x89: {  	s3 =	sld [smem:$0x3FFE];
	_ =	sdelay $0x1  }
0x8a: {  	s1 =	srdreg.scid  }
0x8b: {  	s0 =	sand.u32 $0x1, s1  }
0x8c: {  	s17 =	sshll.u32 s0, $0xA;
	s2 =	sadd.s32 s3, s2  }
0x8d: {  	s2 =	sadd.s32 s2, s17  }
0x8e: {  	[smem:$0x3FC0] =	sst s2  }
0x8f: {  	_ = 	snop  }
0x90: {  	s2 =	sld [smem:$0x3FD0];
	(tm) =	ssettm $0x1  }
0x91: {  	s18 =	sld [smem:$0x3FFB];
	_ =	sdelay $0x3  }
0x92: {  	_ =	strace s18  }
0x93: {  	s3 =	sld [smem:$0x3FFC];
	_ =	sdelay $0x3  }
0x94: {  	_ =	strace s3  }
0x95: {  	s3 =	sld [smem:$0x3FFD];
	_ =	sdelay $0x3  }
0x96: {  	_ =	strace s3  }
0x97: {  	_ =	strace $0x8FFFFFFF  }
0x98: {  	s19 =	sld [smem:$0x3FDB];
	_ =	sdelay $0x1  }
0x99: {  	s4 =	simm.s32 $_scs_section_size  }
0x9a: {  	s5 =	simm.s32 $_size__tile_overlayer_lowered;
	s6 =	simm.s32 $_tile_overlayer_lowered  }
0x9b: {  	s22 =	simm.s32 $0x1BFF;
	s21 =	sshll.u32 s6, $0x1;
	s3 =	sadd.s32 s4, s19  }
0x9c: {  	s7 =	simm.s32 $0x0;
	s20 =	sshll.u32 s5, $0x1;
	s5 =	sadd.s32 s21, s3  }
0x9d: {  	[timem:s7], [sflag:s22] =	dma.local [hbm:s5], s20  }
0x9e: {  	_ =	swait.ge [sflag:s22], s20  }
0x9f: {  	s4 =	ssub.s32 $0x0, s20;
	[sflag:s22] =	ssyncset.done $0x0  }
0xa0: {  	[sflag:s22] =	ssyncadd.s32 s4;
	_ =	sdelay $0x1  }
0xa1: {  	s23 =	simm.s32 $0x1B8B  }
0xa2: {  	_ =	swait.ge [sflag:s23], $0x1  }
0xa3: {  	[sflag:s23] =	ssyncset.done $0x0  }
0xa4: {  	s25 =	simm.s32 $0x1B8E;
	s24 =	sld [smem:$0x3FFE];
	[sflag:s23] =	ssyncadd.s32 $0xFFFFFFFF  }
0xa5: {  	s26 =	simm.s32 $execute0_lowered;
	[smem:$0x3FD2] =	sst s25  }
0xa6: {  	s5 =	sshll.u32 s26, $0x1;
	_ =	strace $0x8000004C;
	[dreg:$0x1] =	wrdreg $0xFFFFFFFF  }
0xa7: {  	s28 =	simm.s32 $_size_execute0_lowered;
	s3 =	sadd.s32 s3, s5;
	[dreg:$0x0] =	wrdreg $0x0  }
0xa8: {  	s5 =	sshll.u32 s28, $0x1;
	[dreg:$0x2] =	wrdreg s3  }
0xa9: {  	[dreg:$0x3] =	wrdreg s5  }
0xaa: {  	[dreg:$0x4] =	wrdreg $0xC0  }
0xab: {  	_ =	task [dreg:s7], $0x5FFFF  }
0xac: {  	[dreg:$0x1] =	wrdreg $0xFFFFFFFF  }
0xad: {  	[dreg:$0x0] =	wrdreg $0x60  }
0xae: {  	[dreg:$0x2] =	wrdreg s24  }
0xaf: {  	[dreg:$0x3] =	wrdreg s2  }
0xb0: {  	[dreg:$0x4] =	wrdreg $0x67300  }
0xb1: {  	[dreg:$0x5] =	wrdreg $0x9  }
0xb2: {  	_ =	task.clear_ibuf [dreg:s7], $0x6FFFF;
	_ =	strace $0x9000004C  }
0xb3: {  	s29 =	simm.s32 $0x9;
	_ =	strace $0x8000004E  }
0xb4: {  	_ =	swait.ge [sflag:s29], $0x1  }
0xb5: {  	[sflag:s29] =	ssyncadd.s32 $0xFFFFFFFF  }
0xb6: {  	_ =	strace $0x9000004E  }
0xb7: {  	_ =	sfence  }
0xb8: {  	s30 =	sld [smem:$0x0];
	_ =	sdelay $0x2  }
0xb9: {  	s31 =	sshll.u32 s1, $0xD;
	s1 =	sshrl.u32 s1, $0x2  }
0xba: {  	s3 =	sand.u32 $0x4000, s31;
	s1 =	sadd.s32 s1, s30  }
0xbb: {  	s0 =	sor.u32 s3, s0;
	s1 =	sshll.u32 s1, $0x11  }
0xbc: {  	s0 =	sor.u32 s1, s0  }
0xbd: {  	s0 =	sadd.s32 $0x8F2B, s0  }
0xbe: {  	[sflag:s0] =	ssyncadd.remote.s32 $0x1  }
0xbf: {  	_ =	sfence.sel $0xFFFF  }
0xc0: {  	[dreg:$0x0] =	wrdreg $0xFFFFFFFF;
	(pc) =	sbr.abs _section_cstart, $3  }
0xc1: {  	[dreg:$0x1] =	wrdreg $0xFFFFFFFF  }
0xc2: {  	_ =	task.clear_ibuf [dreg:s7], $0x2FFFF;
	_ =	strace $0x9FFFFFFF  }
0xc3: {  	(tm) =	ssettm $0x7FFFFFFF  }
tec
execute0_lowered:
.L_overlay_start_1:
0x0: {  	(tag) =	ssettag $0x1  }
0x1: {  	s0 =	srdreg.scid;
	s1 =	rddreg [dreg:$0x0]  }
0x2: {  	s16 =	stileid.u32;
	s3 =	rddreg [dreg:$0x2]  }
0x3: {  	s4 =	simm.s32 $0x0;
	s13 =	simm.s32 $0x6720;
	s14 =	simm.s32 $0x7  }
0x4: {  	s15 =	simm.s32 $0x2710;
	s20 =	simm.s32 $0x50;
	s23 =	simm.s32 $0x6  }
0x5: {  	s24 =	simm.s32 $0x5;
	s25 =	simm.s32 $0x0;
	s0 =	sand.u32 $0x1, s0  }
0x6: {  	s2 =	sshll.u32 s16, $0x1;
	s9 =	smul.u32 $0x1400, s16;
	[smem:$0x7FF] =	sst s4  }
0x7: {  	s5 =	sadd.s32 $0x17000, s1;
	s7 =	smul.u32 $0x4E20, s16;
	s31 =	sshll.u32 s16, $0x6  }
0x8: {  	s2 =	sor.u32 s0, s2;
	s6 =	smul.u32 $0x14000, s0;
	_ =	strace $0x8000004D  }
0x9: {  	s10 =	ssub.s32 $0x2, s0;
	s0 =	smul.u32 $0x2710, s0;
	s18 =	sor.u32 $0x1C07, s31  }
0xa: {  	v1 =	vlaneseq.u32;
	s2 =	smul.u32 $0x2710, s2;
	s11 =	sshrl.u32 s10, $0x1;
	s12 =	sadd.s32 s7, s1  }
0xb: {  	v0 =	vmul.u32 $0x10, v1;
	s28 =	sshrl.u32 s9, $0x3;
	s29 =	sadd.s32 s9, s3;
	s8 =	sadd.s32 s9, s6  }
0xc: {  	v1 =	vmul.u32 $0x8, v1;
	s6 =	sadd.s32 $0x14800, s1;
	s11 =	ssub.s32 s10, s11;
	s2 =	sshrl.u32 s2, $0x3  }
0xd: {  	v2 =	vor.u32 $0x8, v0;
	s0 =	sadd.s32 s0, s12;
	s30 =	sadd.s32 s6, s28;
	s2 =	sadd.s32 s2, s1  }
0xe: {  	v3 =	vor.u32 $0x100, v0;
	v4 =	vor.u32 $0x108, v0;
	v5 =	vor.u32 $0x80, v1;
	s8 =	sshrl.u32 s8, $0x3;
	[dreg:$0x6] =	wrdreg s30;
	s26 =	sadd.s32 $0xA800, s2  }
0xf: {  	v6 =	vor.u32 $0x200, v0;
	v7 =	vor.u32 $0x208, v0;
	v8 =	vor.u32 $0x100, v1;
	s1 =	sadd.s32 s8, s1;
	s2 =	sadd.s32 $0xA00, s2;
	[dreg:$0x4] =	wrdreg s26  }
0x10: {  	v9 =	vor.u32 $0x300, v0;
	v10 =	vor.u32 $0x308, v0;
	v11 =	vor.u32 $0x180, v1;
	s19 =	sshrl.u32 s29, $0x3;
	s1 =	sadd.s32 $0x1C000, s1;
	[dreg:$0x5] =	wrdreg s2  }
0x11: {  	v12 =	vor.u32 $0x400, v0;
	v13 =	vor.u32 $0x408, v0;
	v14 =	vor.u32 $0x200, v1;
	s11 =	smax.u32 s11, $0x1;
	s21 =	sadd.s32 $0x21000, s0;
	[dreg:$0x7] =	wrdreg s1  }
.LBB2_1:
0x12: {  	s0 =	rddreg [dreg:$0x1]  }
0x13: {  	[tilespmem:s13], [sflag:$0x7] =	stream.linear.gather [hbm4b:s0+s4], $0x10, $0x38;
	[tilespmem:$0x7B30] =	vst v63  }
0x14: {  	_ =	swait.ge [sflag:s14], $0x10  }
0x15: {  	[sflag:s14] =	ssyncset.done $0x0  }
0x16: {  	s22 =	rddreg [dreg:$0x4];
	[sflag:s14] =	ssyncadd.s32 $0xFFFFFFF0  }
0x17: {  	[tilespmem:s4], [sflag:$0x7] =	stream.linear.gather [hbm4b:s22+s4], $0x2710, $0x38;
	[tilespmem:$0x7B30] =	vst v63  }
0x18: {  	_ =	swait.ge [sflag:s14], $0x2710  }
0x19: {  	[sflag:s14] =	ssyncset.done $0x0  }
0x1a: {  	s26 =	rddreg [dreg:$0x5];
	[sflag:s14] =	ssyncadd.s32 $0xFFFFD8F0  }
0x1b: {  	[tilespmem:s15], [sflag:$0x7] =	stream.linear.gather [hbm4b:s26+s4], $0x2710, $0x38;
	[tilespmem:$0x7B30] =	vst v63  }
0x1c: {  	_ =	swait.ge [sflag:s14], $0x2710  }
0x1d: {  	[sflag:s14] =	ssyncset.done $0x0  }
0x1e: {  	s1 =	simm.s32 $0x6220;
	[sflag:s14] =	ssyncadd.s32 $0xFFFFD8F0  }
0x1f: {  	[tilespmem:s1], [sflag:$0x7] =	stream.linear.gather [hbm4b:s6+s4], $0x280, $0x38;
	[tilespmem:$0x7B30] =	vst v63  }
0x20: {  	_ =	swait.ge [sflag:s14], $0x280  }
0x21: {  	[sflag:s14] =	ssyncset.done $0x0  }
0x22: {  	s2 =	simm.s32 $0x64A0;
	[sflag:s14] =	ssyncadd.s32 $0xFFFFFD80  }
0x23: {  	[tilespmem:s2], [sflag:$0x7] =	stream.linear.gather [hbm4b:s6+s4], $0x280, $0x38;
	[tilespmem:$0x7B30] =	vst v63  }
0x24: {  	_ =	swait.ge [sflag:s14], $0x280  }
0x25: {  	[sflag:s14] =	ssyncset.done $0x0  }
0x26: {  	s7 =	rddreg [dreg:$0x6];
	[sflag:s14] =	ssyncadd.s32 $0xFFFFFD80  }
0x27: {  	[spmem:s19], [sflag:s18] =	dma.local [hbm:s7], $0x280  }
0x28: {  	_ =	swait.ge [sflag:s14], $0x280  }
0x29: {  	s8 =	simm.s32 $0x4E20;
	s9 =	simm.s32 $0x5820;
	[sflag:s14] =	ssyncset.done $0x0  }
0x2a: {  	s30 =	simm.s32 $0x1;
	p0 =	por $0x0, $0x0;
	[sflag:s14] =	ssyncadd.s32 $0xFFFFFD80  }
0x2b: {  	s31 =	sand.u32 $0x1, s4;
	s0 =	sand.u32 @!p0 $0x1, s30;
	[bflag:$0x0] =	sbarrier.arrive $0xFFFF  }
0x2c: {  	[tilespmem:s8], [sflag:$0x1] =	stream.indirect.gather [hbm4b:s5+s20], $0x10, s4, s20, $0xb8;
	[tilespmem:$0x7B30] =	vst v63  }
0x2d: {  	s12 =	simm.s32 @!p0 $0x50;
	s16 =	simm.s32 @!p0 $0x50;
	s1 =	smul.u32 @!p0 $0x500, s0  }
0x2e: {  	[tilespmem:s9], [sflag:$0x3] =	stream.indirect.gather [hbm4b:s5+s20], $0x10, s15, s20, $0xb8;
	[tilespmem:$0x7B30] =	vst v63  }
0x2f: {  	s10 =	sadd.s32 $0x1, s31;
	s22 =	sadd.s32 @!p0 $0x1, s0;
	s17 =	sadd.s32 @!p0 $0x4E20, s1  }
0x30: {  	[tilespmem:s17], [sflag:s22] =	stream.indirect.gather @!p0 [hbm4b:s5+s16], $0x10, s12, s16, $0xb8;
	[tilespmem:$0x7B30] =	vst v63  }
0x31: {  	s0 =	sadd.s32 @!p0 $0x3, s0;
	s1 =	sor.u32 @!p0 $0x5820, s1;
	s2 =	simm.s32 @!p0 $0x2760  }
0x32: {  	[tilespmem:s1], [sflag:s0] =	stream.indirect.gather @!p0 [hbm4b:s5+s16], $0x10, s2, s16, $0xb8;
	[tilespmem:$0x7B30] =	vst v63  }
0x33: {  	_ =	swait.ge [sflag:s10], $0x500  }
0x34: {  	[sflag:s10] =	ssyncset.done $0x0  }
0x35: {  	s17 =	sadd.s32 $0x3, s31;
	[sflag:s10] =	ssyncadd.s32 $0xFFFFFB00  }
0x36: {  	_ =	swait.ge [sflag:s17], $0x500  }
0x37: {  	p0 =	por $0x1, $0x1;
	[sflag:s17] =	ssyncset.done $0x0  }
0x38: {  	s0 =	sadd.s32 @!p0 $0x5, s31;
	[sflag:s17] =	ssyncadd.s32 $0xFFFFFB00  }
0x39: {  	_ =	swait.ge @!p0 [sflag:s0], $0x280  }
0x3a: {  	s22 =	smul.u32 $0x500, s31;
	[sflag:s0] =	ssyncset.done @!p0 $0x0  }
0x3b: {  	[sflag:s0] =	ssyncadd.s32 @!p0 $0xFFFFFD80  }
0x3c: {  	s26 =	sor.u32 $0x5820, s22;
	v15 =	vld.idx.msk [tilespmem:v12+s22+$0x4E20], $0xffff  }
0x3d: {  	v16 =	vld.idx.msk [tilespmem:v7+s26+$0x0], $0xffff  }
0x3e: {  	v17 =	vld.idx.msk [tilespmem:v13+s26+$0x0], $0xffff  }
0x3f: {  	v18 =	vld.idx.msk [tilespmem:v2+s26+$0x0], $0xffff  }
0x40: {  	v19 =	vld.idx.msk [tilespmem:v6+s22+$0x4E20], $0xffff  }
0x41: {  	v20 =	vld.idx.msk [tilespmem:v4+s26+$0x0], $0xffff  }
0x42: {  	v21 =	vld.idx.msk [tilespmem:v10+s26+$0x0], $0xffff  }
0x43: {  	v22 =	vld.idx.msk [tilespmem:v0+s22+$0x4E20], $0xffff  }
0x44: {  	v23 =	vld.idx.msk [tilespmem:v9+s22+$0x4E20], $0xffff  }
0x45: {  	v24 =	vld.idx.msk [tilespmem:v3+s22+$0x4E20], $0xffff  }
0x46: {  	v25 =	vld.msk [tilespmem:s13+$0x0], $0xffff;
	v16 =	vadd.f32 v16, v19  }
0x47: {  	v15 =	vadd.f32 v17, v15  }
0x48: {  	v18 =	vadd.f32 v18, v22;
	v17 =	vmul.f32 $2.000000030e-01, v16  }
0x49: {  	v19 =	vadd.f32 v21, v23;
	v61 =	vmul.f32 $2.000000030e-01, v15  }
0x4a: {  	v20 =	vadd.f32 v20, v24;
	v16 =	vmax.f32 v16, v17;
	v17 =	vmul.f32 $2.000000030e-01, v18  }
0x4b: {  	v62 =	vmul.f32 $2.000000030e-01, v19;
	v15 =	vmax.f32 v15, v61;
	v16 =	vsub.f32 v16, v25  }
0x4c: {  	v15 =	vsub.f32 v15, v25;
	v17 =	vmax.f32 v18, v17;
	v18 =	vmul.f32 $2.000000030e-01, v20  }
0x4d: {  	v19 =	vmax.f32 v19, v62;
	v17 =	vsub.f32 v17, v25;
	v16 =	vmul.f32 $1.442695020e+00, v16  }
0x4e: {  	s29 =	smov.u32 s21;
	s28 =	sand.u32 $0x1, s30;
	s2 =	smul.u32 $0xA00, s31;
	v19 =	vsub.f32 v19, v25;
	v63 =	vmul.f32 $1.442695020e+00, v15;
	v18 =	vmax.f32 v20, v18  }
0x4f: {  	s12 =	smov.u32 s21;
	s16 =	simm.s32 $0x280;
	s1 =	smul.u32 $0xA00, s28;
	v15 =	vmul.f32 $1.442695020e+00, v17;
	(erf) = vpow2.f32 v16;
	v17 =	vsub.f32 v18, v25  }
0x50: {  	s17 =	simm.s32 $0x0;
	s0 =	simm.s32 $0x1;
	s26 =	simm.s32 $0x140;
	v16 =	vmul.f32 $1.442695020e+00, v19;
	(erf) = vpow2.f32 v63  }
.LBB2_2:
0x51: {  	v17 =	vmul.f32 $1.442695020e+00, v17;
	(erf) = vpow2.f32 v15;
	s22 =	smov.u32 s16;
	s16 =	sadd.s32 $0x140, s16  }
0x52: {  	p0 =	sne.s32 s16, $0x9C40;
	(erf) = vpow2.f32 v16  }
0x53: {  	(erf) = vpow2.f32 v17;
	_ =	sdelay $0x2  }
0x54: {  	s29 =	sadd.s32 $0x50, s29;
	_ =	sdelay $0x1  }
0x55: {  	s7 =	sshrl.u32 s2, $0x2;
	s2 =	smov.u32 s1;
	v15 =	vpop (erf)  }
0x56: {  	[tilespmem:v8+s7+$0x6220] =	vst.idx.msk $0xffff, v15;
	v15 =	vpop (erf)  }
0x57: {  	[tilespmem:v14+s7+$0x6220] =	vst.idx.msk $0xffff, v15;
	v15 =	vpop (erf)  }
0x58: {  	[tilespmem:v1+s7+$0x6220] =	vst.idx.msk $0xffff, v15;
	v15 =	vpop (erf)  }
0x59: {  	s8 =	sadd.s32 $0x5, s31;
	s31 =	smov.u32 s28;
	s1 =	sadd.s32 $0x6220, s7;
	[tilespmem:v11+s7+$0x6220] =	vst.idx.msk $0xffff, v15;
	v15 =	vpop (erf)  }
0x5a: {  	s30 =	sadd.s32 $0x1, s30;
	p1 =	seq.s32 s26, $0x9B00;
	[tilespmem:v5+s7+$0x6220] =	vst.idx.msk $0xffff, v15;
	s7 =	sshra.s32 s17, $0x2  }
0x5b: {  	[hbm4b:s12+s4] =	stream.linear.scatter [tilespmem:s1], [sflag:s8], $0x280, $0x38;
	[tilespmem:$0x7B30] =	vst v63  }
0x5c: {  	s28 =	sand.u32 $0x1, s30;
	s8 =	sand.u32 @!p1 $0x1, s30;
	s12 =	sshra.s32 @!p1 s26, $0x2  }
0x5d: {  	[spmem:s3] =	stream.indirect.scatter.add.f32 [tilespmem:s1], [sflag:$0x7], $0x8, s7, s20, $0xb8;
	[tilespmem:$0x7B30] =	vst v63  }
0x5e: {  	s1 =	smul.u32 @!p1 $0x500, s8;
	s7 =	sadd.s32 @!p1 $0x2760, s12;
	_ =	swait.ge [sflag:s14], $0x280  }
0x5f: {  	s17 =	simm.s32 @!p1 $0x50;
	s12 =	sadd.s32 @!p1 $0x50, s12;
	[sflag:s14] =	ssyncset.done $0x0  }
0x60: {  	s10 =	sadd.s32 @!p1 $0x1, s8;
	s9 =	sadd.s32 @!p1 $0x4E20, s1;
	[sflag:s14] =	ssyncadd.s32 $0xFFFFFD80  }
0x61: {  	[tilespmem:s9], [sflag:s10] =	stream.indirect.gather @!p1 [hbm4b:s5+s17], $0x10, s12, s17, $0xb8;
	[tilespmem:$0x7B30] =	vst v63  }
0x62: {  	s8 =	sadd.s32 @!p1 $0x3, s8;
	s1 =	sor.u32 @!p1 $0x5820, s1;
	s9 =	sadd.s32 $0x1, s31  }
0x63: {  	[tilespmem:s1], [sflag:s8] =	stream.indirect.gather @!p1 [hbm4b:s5+s17], $0x10, s7, s17, $0xb8;
	[tilespmem:$0x7B30] =	vst v63  }
0x64: {  	s1 =	smul.u32 $0xA00, s28;
	s17 =	smov.u32 s26;
	_ =	swait.ge [sflag:s9], $0x500  }
0x65: {  	s12 =	smov.u32 s29;
	s26 =	smov.u32 s22;
	[sflag:s9] =	ssyncset.done $0x0  }
0x66: {  	s7 =	sadd.s32 $0x3, s31;
	[sflag:s9] =	ssyncadd.s32 $0xFFFFFB00  }
0x67: {  	_ =	swait.ge [sflag:s7], $0x500  }
0x68: {  	p1 =	slt.u32 s0, $0x2;
	s0 =	smov.u32 s30;
	[sflag:s7] =	ssyncset.done $0x0  }
0x69: {  	[sflag:s7] =	ssyncadd.s32 $0xFFFFFB00;
	s7 =	sadd.s32 @!p1 $0x5, s31  }
0x6a: {  	_ =	swait.ge @!p1 [sflag:s7], $0x280  }
0x6b: {  	[sflag:s7] =	ssyncset.done @!p1 $0x0  }
0x6c: {  	[sflag:s7] =	ssyncadd.s32 @!p1 $0xFFFFFD80;
	s7 =	smul.u32 $0x500, s31  }
0x6d: {  	v16 =	vld.msk [tilespmem:s13+$0x0], $0xffff  }
0x6e: {  	s8 =	sor.u32 $0x5820, s7;
	v15 =	vld.idx.msk [tilespmem:v12+s7+$0x4E20], $0xffff  }
0x6f: {  	v17 =	vld.idx.msk [tilespmem:v7+s8+$0x0], $0xffff  }
0x70: {  	v18 =	vld.idx.msk [tilespmem:v13+s8+$0x0], $0xffff  }
0x71: {  	v19 =	vld.idx.msk [tilespmem:v2+s8+$0x0], $0xffff  }
0x72: {  	v20 =	vld.idx.msk [tilespmem:v6+s7+$0x4E20], $0xffff  }
0x73: {  	v21 =	vld.idx.msk [tilespmem:v4+s8+$0x0], $0xffff  }
0x74: {  	v22 =	vld.idx.msk [tilespmem:v10+s8+$0x0], $0xffff  }
0x75: {  	v23 =	vld.idx.msk [tilespmem:v0+s7+$0x4E20], $0xffff  }
0x76: {  	v24 =	vld.idx.msk [tilespmem:v9+s7+$0x4E20], $0xffff  }
0x77: {  	v25 =	vld.idx.msk [tilespmem:v3+s7+$0x4E20], $0xffff  }
0x78: {  	v17 =	vadd.f32 v17, v20;
	_ =	sdelay $0x1  }
0x79: {  	v15 =	vadd.f32 v18, v15;
	v20 =	vmul.f32 $2.000000030e-01, v17  }
0x7a: {  	v18 =	vadd.f32 v19, v23  }
0x7b: {  	v17 =	vmax.f32 v17, v20;
	v19 =	vadd.f32 v22, v24;
	v20 =	vmul.f32 $2.000000030e-01, v15  }
0x7c: {  	v22 =	vmul.f32 $2.000000030e-01, v18;
	v21 =	vadd.f32 v21, v25;
	v17 =	vsub.f32 v17, v16  }
0x7d: {  	v23 =	vmul.f32 $2.000000030e-01, v19;
	v15 =	vmax.f32 v15, v20  }
.Ltmp0:
0x7e: {  	v18 =	vmax.f32 v18, v22;
	v20 =	vmul.f32 $2.000000030e-01, v21;
	v15 =	vsub.f32 v15, v16;
	(pc) =	sbr.rel @p0 .LBB2_2-.Ltmp0, $4  }
0x7f: {  	v22 =	vmul.f32 $1.442695020e+00, v17;
	v18 =	vsub.f32 v18, v16;
	v17 =	vmax.f32 v19, v23  }
0x80: {  	v19 =	vmax.f32 v21, v20;
	v20 =	vsub.f32 v17, v16;
	v21 =	vmul.f32 $1.442695020e+00, v15  }
0x81: {  	v15 =	vmul.f32 $1.442695020e+00, v18;
	v17 =	vsub.f32 v19, v16;
	(erf) = vpow2.f32 v22  }
0x82: {  	v16 =	vmul.f32 $1.442695020e+00, v20;
	(erf) = vpow2.f32 v21  }
0x83: {  	v17 =	vmul.f32 $1.442695020e+00, v17;
	(erf) = vpow2.f32 v15  }
0x84: {  	(erf) = vpow2.f32 v16  }
0x85: {  	(erf) = vpow2.f32 v17;
	_ =	sdelay $0x4  }
0x86: {  	s2 =	sshrl.u32 s2, $0x2;
	v15 =	vpop (erf)  }
0x87: {  	[tilespmem:v8+s2+$0x6220] =	vst.idx.msk $0xffff, v15;
	v15 =	vpop (erf)  }
0x88: {  	[tilespmem:v14+s2+$0x6220] =	vst.idx.msk $0xffff, v15;
	v15 =	vpop (erf)  }
0x89: {  	[tilespmem:v1+s2+$0x6220] =	vst.idx.msk $0xffff, v15;
	v15 =	vpop (erf)  }
0x8a: {  	s8 =	sadd.s32 $0x5, s31;
	[tilespmem:v11+s2+$0x6220] =	vst.idx.msk $0xffff, v15;
	v15 =	vpop (erf)  }
0x8b: {  	s9 =	sadd.s32 $0x1, s30;
	p0 =	seq.s32 s26, $0x9B00;
	s7 =	sadd.s32 $0x6220, s2;
	[tilespmem:v5+s2+$0x6220] =	vst.idx.msk $0xffff, v15  }
0x8c: {  	[hbm4b:s12+s4] =	stream.linear.scatter [tilespmem:s7], [sflag:s8], $0x280, $0x38;
	[tilespmem:$0x7B30] =	vst v63  }
0x8d: {  	s30 =	sshra.s32 s17, $0x2;
	s10 =	simm.s32 @!p0 $0x50;
	s8 =	sand.u32 @!p0 $0x1, s9  }
0x8e: {  	[spmem:s3] =	stream.indirect.scatter.add.f32 [tilespmem:s7], [sflag:$0x7], $0x8, s30, s20, $0xb8;
	[tilespmem:$0x7B30] =	vst v63  }
0x8f: {  	s9 =	sshra.s32 @!p0 s26, $0x2;
	s2 =	smul.u32 @!p0 $0x500, s8;
	_ =	swait.ge [sflag:s14], $0x280  }
0x90: {  	s16 =	sadd.s32 @!p0 $0x1, s8;
	s7 =	sadd.s32 @!p0 $0x2760, s9;
	[sflag:s14] =	ssyncset.done $0x0  }
0x91: {  	s9 =	sadd.s32 @!p0 $0x50, s9;
	s12 =	sadd.s32 @!p0 $0x4E20, s2;
	[sflag:s14] =	ssyncadd.s32 $0xFFFFFD80  }
0x92: {  	[tilespmem:s12], [sflag:s16] =	stream.indirect.gather @!p0 [hbm4b:s5+s10], $0x10, s9, s10, $0xb8;
	[tilespmem:$0x7B30] =	vst v63  }
0x93: {  	s31 =	sadd.s32 $0x1, s28;
	s8 =	sadd.s32 @!p0 $0x3, s8;
	s2 =	sor.u32 @!p0 $0x5820, s2  }
0x94: {  	[tilespmem:s2], [sflag:s8] =	stream.indirect.gather @!p0 [hbm4b:s5+s10], $0x10, s7, s10, $0xb8;
	[tilespmem:$0x7B30] =	vst v63  }
0x95: {  	_ =	swait.ge [sflag:s31], $0x500  }
0x96: {  	[sflag:s31] =	ssyncset.done $0x0  }
0x97: {  	s9 =	sadd.s32 $0x3, s28;
	[sflag:s31] =	ssyncadd.s32 $0xFFFFFB00  }
0x98: {  	_ =	swait.ge [sflag:s9], $0x500  }
0x99: {  	p0 =	slt.u32 s0, $0x2;
	[sflag:s9] =	ssyncset.done $0x0  }
0x9a: {  	s0 =	sadd.s32 @!p0 $0x5, s28;
	[sflag:s9] =	ssyncadd.s32 $0xFFFFFB00  }
0x9b: {  	_ =	swait.ge @!p0 [sflag:s0], $0x280  }
0x9c: {  	s10 =	smul.u32 $0x500, s28;
	[sflag:s0] =	ssyncset.done @!p0 $0x0  }
0x9d: {  	[sflag:s0] =	ssyncadd.s32 @!p0 $0xFFFFFD80  }
0x9e: {  	s12 =	sor.u32 $0x5820, s10;
	v15 =	vld.idx.msk [tilespmem:v12+s10+$0x4E20], $0xffff  }
0x9f: {  	v55 =	vld.idx.msk [tilespmem:v7+s12+$0x0], $0xffff  }
0xa0: {  	v56 =	vld.idx.msk [tilespmem:v13+s12+$0x0], $0xffff  }
0xa1: {  	v18 =	vld.idx.msk [tilespmem:v2+s12+$0x0], $0xffff  }
0xa2: {  	v19 =	vld.idx.msk [tilespmem:v6+s10+$0x4E20], $0xffff  }
0xa3: {  	v20 =	vld.idx.msk [tilespmem:v4+s12+$0x0], $0xffff  }
0xa4: {  	v21 =	vld.idx.msk [tilespmem:v10+s12+$0x0], $0xffff  }
0xa5: {  	v22 =	vld.idx.msk [tilespmem:v0+s10+$0x4E20], $0xffff  }
0xa6: {  	v23 =	vld.idx.msk [tilespmem:v9+s10+$0x4E20], $0xffff  }
0xa7: {  	v24 =	vld.idx.msk [tilespmem:v3+s10+$0x4E20], $0xffff  }
0xa8: {  	v25 =	vld.msk [tilespmem:s13+$0x0], $0xffff;
	v16 =	vadd.f32 v55, v19  }
0xa9: {  	v15 =	vadd.f32 v56, v15  }
0xaa: {  	v18 =	vadd.f32 v18, v22;
	v57 =	vmul.f32 $2.000000030e-01, v16  }
0xab: {  	v58 =	vadd.f32 v21, v23;
	v59 =	vmul.f32 $2.000000030e-01, v15  }
0xac: {  	v20 =	vadd.f32 v20, v24;
	v60 =	vmul.f32 $2.000000030e-01, v18;
	v16 =	vmax.f32 v16, v57  }
0xad: {  	v61 =	vmul.f32 $2.000000030e-01, v58;
	v15 =	vmax.f32 v15, v59;
	v16 =	vsub.f32 v16, v25  }
0xae: {  	v62 =	vmul.f32 $2.000000030e-01, v20;
	v17 =	vmax.f32 v18, v60;
	v15 =	vsub.f32 v15, v25  }
0xaf: {  	v19 =	vmax.f32 v58, v61;
	v17 =	vsub.f32 v17, v25;
	v16 =	vmul.f32 $1.442695020e+00, v16  }
0xb0: {  	v18 =	vmax.f32 v20, v62;
	v19 =	vsub.f32 v19, v25;
	v15 =	vmul.f32 $1.442695020e+00, v15  }
0xb1: {  	v18 =	vsub.f32 v18, v25;
	v17 =	vmul.f32 $1.442695020e+00, v17;
	(erf) = vpow2.f32 v16  }
0xb2: {  	v63 =	vmul.f32 $1.442695020e+00, v19;
	(erf) = vpow2.f32 v15  }
0xb3: {  	v15 =	vmul.f32 $1.442695020e+00, v18;
	(erf) = vpow2.f32 v17  }
0xb4: {  	(erf) = vpow2.f32 v63  }
0xb5: {  	(erf) = vpow2.f32 v15;
	_ =	sdelay $0x4  }
0xb6: {  	s16 =	sshrl.u32 s1, $0x2;
	v15 =	vpop (erf)  }
0xb7: {  	[tilespmem:v8+s16+$0x6220] =	vst.idx.msk $0xffff, v15;
	v15 =	vpop (erf)  }
0xb8: {  	[tilespmem:v14+s16+$0x6220] =	vst.idx.msk $0xffff, v15;
	v15 =	vpop (erf)  }
0xb9: {  	[tilespmem:v1+s16+$0x6220] =	vst.idx.msk $0xffff, v15;
	v15 =	vpop (erf)  }
0xba: {  	[tilespmem:v11+s16+$0x6220] =	vst.idx.msk $0xffff, v15;
	v15 =	vpop (erf)  }
0xbb: {  	s17 =	sadd.s32 $0x50, s29;
	s29 =	sadd.s32 $0x5, s28;
	s22 =	sadd.s32 $0x6220, s16;
	[tilespmem:v5+s16+$0x6220] =	vst.idx.msk $0xffff, v15  }
0xbc: {  	[hbm4b:s17+s4] =	stream.linear.scatter [tilespmem:s22], [sflag:s29], $0x280, $0x38;
	[tilespmem:$0x7B30] =	vst v63  }
0xbd: {  	s30 =	sshra.s32 s26, $0x2  }
0xbe: {  	[spmem:s3] =	stream.indirect.scatter.add.f32 [tilespmem:s22], [sflag:$0x7], $0x8, s30, s20, $0xb8;
	[tilespmem:$0x7B30] =	vst v63  }
0xbf: {  	_ =	swait.ge [sflag:s14], $0x280  }
0xc0: {  	[sflag:s14] =	ssyncset.done $0x0  }
0xc1: {  	[sflag:s14] =	ssyncadd.s32 $0xFFFFFD80  }
0xc2: {  	_ =	swait.ge [sflag:s23], $0x280  }
0xc3: {  	[sflag:s23] =	ssyncset.done $0x0  }
0xc4: {  	[sflag:s23] =	ssyncadd.s32 $0xFFFFFD80  }
0xc5: {  	_ =	swait.ge [sflag:s24], $0x280  }
0xc6: {  	[sflag:s24] =	ssyncset.done $0x0  }
0xc7: {  	s25 =	sadd.s32 $0x1, s25;
	[sflag:s24] =	ssyncadd.s32 $0xFFFFFD80  }
0xc8: {  	p0 =	sne.s32 s25, s11;
	[bflag:$0x0] =	sbarrier.arrive $0xFFFF  }
.Ltmp1:
0xc9: {  	s31 =	rddreg [dreg:$0x7];
	(pc) =	sbr.rel @p0 .LBB2_1-.Ltmp1, $4  }
0xca: {  	[hbm:s31], [sflag:s18] =	dma.local [spmem:s19], $0x280  }
0xcb: {  	_ =	swait.ge [sflag:s14], $0x280  }
0xcc: {  	[sflag:s14] =	ssyncset.done $0x0  }
0xcd: {  	[sflag:s14] =	ssyncadd.s32 $0xFFFFFD80  }
0xce: {  	_ =	sfence.sel $0x180000  }
0xcf: {  	[bflag:$0x0] =	sbarrier.arrive $0xFFFF  }
0xd0: {  	_ =	strace $0x9000004D  }
0xd1: {  	s0 =	stileid.u32;
	[bflag:$0x2] =	sbarrier.arrive $0xFFFF  }
0xd2: {  	p0 =	sne.s32 s0, $0x0;
	s0 =	rddreg [dreg:$0x3]  }
0xd3: {  	s0 =	sadd.s32 @!p0 $0x100000, s0  }
0xd4: {  	[sflag:s0] =	ssyncadd.tile.s32 @!p0 $0x1;
	_ =	shalt  }
.Lfunc_end2:
_tile_overlayer_lowered:
.L_overlay_start_2:
0xd5: {  	(tag) =	ssettag $0x2  }
0xd6: {  	s0 =	rddreg [dreg:$0x0];
	s2 =	stileid.u32  }
0xd7: {  	s1 =	rddreg [dreg:$0x1];
	p0 =	sne.s32 s2, $0x0  }
0xd8: {  	s3 =	rddreg [dreg:$0x2];
	[bflag:$0x3] =	sbarrier.arrive $0xFFFF;
	s2 =	simm.s32 @!p0 $0x1C07  }
0xd9: {  	[timem:s3], [sflag:s2] =	dma.local @!p0 [hbm:s0], s1  }
0xda: {  	s0 =	simm.s32 @!p0 $0x7  }
0xdb: {  	_ =	swait.ge @!p0 [sflag:s0], s1  }
0xdc: {  	s1 =	ssub.s32 @!p0 $0x0, s1;
	[sflag:s0] =	ssyncset.done @!p0 $0x0  }
0xdd: {  	[sflag:s0] =	ssyncadd.s32 @!p0 s1  }
0xde: {  	[bflag:$0x3] =	sbarrier.arrive $0xFFFF  }
0xdf: {  	_ =	shalt  }

// kernel: sc_edge_softmax_h8.3.cloned.1.call-start
scs
__scs_entry_jumppad:
0x0: {  	(pc) =	sbr.rel $0x88, $3  }
0x1: {  	(tag) =	ssettag $0x0;
	lr =	simm.s32 $0x1  }
0x2: {  	[smem:$0x3F99] =	sst lr;
	_ =	strace $0xD0000000  }
0x3: {  	_ = 	snop  }
0x4: {  	_ = 	snop  }
0x5: {  	_ = 	snop  }
0x6: {  	_ = 	snop  }
0x7: {  	_ = 	snop  }
__scs_overlays_trampoline_lowered:
0x8: {  	[smem:$0x3FA8] =	sst s0  }
0x9: {  	[smem:$0x3FA9] =	sst s1  }
0xa: {  	[smem:$0x3FAA] =	sst s2  }
0xb: {  	[smem:$0x3FAB] =	sst s3  }
0xc: {  	[smem:$0x3FAC] =	sst s4  }
0xd: {  	[smem:$0x3FAD] =	sst s5  }
0xe: {  	[smem:$0x3FAE] =	sst s6  }
0xf: {  	[smem:$0x3FAF] =	sst s7  }
0x10: {  	[smem:$0x3FB0] =	sst s8  }
0x11: {  	[smem:$0x3FB1] =	sst s9;
	s0 =	simm.s32 @!p0 $0x0  }
0x12: {  	s1 =	sld [smem:$0x3F97];
	s0 =	simm.s32 @p0 $0x1  }
0x13: {  	[smem:$0x3FB2] =	sst s0;
	s0 =	simm.s32 @!p1 $0x0  }
0x14: {  	s2 =	sld [smem:$0x3F96];
	s0 =	simm.s32 @p1 $0x1  }
0x15: {  	[smem:$0x3FB3] =	sst s0;
	s0 =	simm.s32 @!p2 $0x0  }
0x16: {  	s3 =	sld [smem:$0x3FDB];
	s0 =	simm.s32 @p2 $0x1  }
0x17: {  	s4 =	simm.s32 $0x1BF5;
	[smem:$0x3FB5] =	sst s0  }
0x18: {  	s0 =	sld [smem:$0x3F98];
	_ =	swait.ge [sflag:s4], $0x0  }
0x19: {  	s7 =	sld [smem:$0x3F99]  }
0x1a: {  	s8 =	sadd.s32 $0xFFFFE003, lr  }
0x1b: {  	s9 =	sadd.s32 $0xFFFFFEF7, lr;
	s5 =	simm.s32 $0xFFFFFFFF;
	p2 =	slt.u32 s8, $0xFFFFF086  }
0x1c: {  	p1 =	slt.u32 s9, $0xF7A;
	s5 =	simm.s32 @!p2 $0x0  }
0x1d: {  	s5 =	simm.s32 @p1 $0x1;
	p0 =	seq.s32 s7, s2  }
0x1e: {  	s7 =	smul.u32 @!p0 $0xF7A, s2;
	p2 =	seq.s32 @!p0 s5, $0x0  }
0x1f: {  	s9 =	smul.u32 $0xF7A, s1;
	s8 =	simm.s32 @!p0 $0x1BF5;
	p2 =	por !p2, p0  }
0x20: {  	[sflag:s8] =	ssyncset.s32 @!p0 $0xFFFFF086;
	s6 =	sadd.s32 @!p0 s3, s7;
	s7 =	simm.s32 @!p0 $0x108  }
0x21: {  	s3 =	sadd.s32 s3, s9;
	s6 =	sadd.s32 @!p0 $0x88, s6;
	s7 =	simm.s32 @p2 $0x1082  }
0x22: {  	[simem:s7], [sflag:s8] =	dma.local @!p0 [hbm:s6], $0xF7A  }
0x23: {  	s9 =	sor.u32 $0xD0000000, s2;
	s6 =	simm.s32 $0x108;
	_ =	swait.ge @!p0 [sflag:s8], $0x0  }
0x24: {  	s3 =	sadd.s32 $0x88, s3;
	s6 =	simm.s32 @!p1 $0x1082;
	[sflag:s4] =	ssyncset.s32 $0xFFFFF086  }
0x25: {  	[simem:s6], [sflag:s4] =	dma.local [hbm:s3], $0xF7A  }
0x26: {  	[smem:$0x3F99] =	sst s1;
	(tag) =	ssettag s2;
	_ =	strace s9  }
0x27: {  	s1 =	sld [smem:$0x3FA9]  }
0x28: {  	s2 =	sld [smem:$0x3FAA]  }
0x29: {  	s4 =	sld [smem:$0x3FAC]  }
0x2a: {  	p0 =	seq.s32 s5, $0x0;
	s5 =	sld [smem:$0x3FAD]  }
0x2b: {  	s6 =	sld [smem:$0x3FAE]  }
0x2c: {  	s7 =	sld [smem:$0x3FAF]  }
0x2d: {  	s3 =	simm.s32 $0x108;
	s8 =	sld [smem:$0x3FB0]  }
0x2e: {  	s3 =	simm.s32 @!p0 $0x1082;
	s9 =	sld [smem:$0x3FB1]  }
0x2f: {  	lr =	sadd.s32 s0, s3;
	s0 =	sld [smem:$0x3FA8]  }
0x30: {  	s3 =	sld [smem:$0x3FAB]  }
0x31: {  	[smem:$0x3FB4] =	sst s10  }
0x32: {  	s10 =	sld [smem:$0x3FB2];
	_ =	sdelay $0x3  }
0x33: {  	p0 =	seq.s32 s10, $0x1;
	s10 =	sld [smem:$0x3FB4];
	_ =	sdelay $0x3  }
0x34: {  	[smem:$0x3FB4] =	sst s10  }
0x35: {  	s10 =	sld [smem:$0x3FB3];
	_ =	sdelay $0x3  }
0x36: {  	p1 =	seq.s32 s10, $0x1;
	s10 =	sld [smem:$0x3FB4];
	_ =	sdelay $0x3  }
0x37: {  	[smem:$0x3FB4] =	sst s10  }
0x38: {  	s10 =	sld [smem:$0x3FB5]  }
0x39: {  	_ = 	snop;
	(pc) =	sbr.ind lr, $3  }
0x3a: {  	_ = 	snop  }
0x3b: {  	_ = 	snop  }
0x3c: {  	p2 =	seq.s32 s10, $0x1;
	s10 =	sld [smem:$0x3FB4]  }
0x3d: {  	_ =	shalt  }
0x3e: {  	_ =	shalt  }
0x3f: {  	_ =	shalt  }
0x40: {  	_ =	shalt  }
0x41: {  	_ =	shalt  }
0x42: {  	_ =	shalt  }
0x43: {  	_ =	shalt  }
0x44: {  	_ =	shalt  }
0x45: {  	_ =	shalt  }
0x46: {  	_ =	shalt  }
0x47: {  	_ =	shalt  }
0x48: {  	_ =	shalt  }
0x49: {  	_ =	shalt  }
0x4a: {  	_ =	shalt  }
0x4b: {  	_ =	shalt  }
0x4c: {  	_ =	shalt  }
0x4d: {  	_ =	shalt  }
0x4e: {  	_ =	shalt  }
0x4f: {  	_ =	shalt  }
0x50: {  	_ =	shalt  }
0x51: {  	_ =	shalt  }
0x52: {  	_ =	shalt  }
0x53: {  	_ =	shalt  }
0x54: {  	_ =	shalt  }
0x55: {  	_ =	shalt  }
0x56: {  	_ =	shalt  }
0x57: {  	_ =	shalt  }
0x58: {  	_ =	shalt  }
0x59: {  	_ =	shalt  }
0x5a: {  	_ =	shalt  }
0x5b: {  	_ =	shalt  }
0x5c: {  	_ =	shalt  }
0x5d: {  	_ =	shalt  }
0x5e: {  	_ =	shalt  }
0x5f: {  	_ =	shalt  }
0x60: {  	_ =	shalt  }
0x61: {  	_ =	shalt  }
0x62: {  	_ =	shalt  }
0x63: {  	_ =	shalt  }
0x64: {  	_ =	shalt  }
0x65: {  	_ =	shalt  }
0x66: {  	_ =	shalt  }
0x67: {  	_ =	shalt  }
0x68: {  	_ =	shalt  }
0x69: {  	_ =	shalt  }
0x6a: {  	_ =	shalt  }
0x6b: {  	_ =	shalt  }
0x6c: {  	_ =	shalt  }
0x6d: {  	_ =	shalt  }
0x6e: {  	_ =	shalt  }
0x6f: {  	_ =	shalt  }
0x70: {  	_ =	shalt  }
0x71: {  	_ =	shalt  }
0x72: {  	_ =	shalt  }
0x73: {  	_ =	shalt  }
0x74: {  	_ =	shalt  }
0x75: {  	_ =	shalt  }
0x76: {  	_ =	shalt  }
0x77: {  	_ =	shalt  }
0x78: {  	_ =	shalt  }
0x79: {  	_ =	shalt  }
0x7a: {  	_ =	shalt  }
0x7b: {  	_ =	shalt  }
0x7c: {  	_ =	shalt  }
0x7d: {  	_ =	shalt  }
0x7e: {  	_ =	shalt  }
0x7f: {  	_ =	shalt  }
0x80: {  	_ =	shalt  }
0x81: {  	_ =	shalt  }
0x82: {  	_ =	shalt  }
0x83: {  	_ =	shalt  }
0x84: {  	_ =	shalt  }
0x85: {  	_ =	shalt  }
0x86: {  	_ =	shalt  }
0x87: {  	_ =	shalt  }
.Lfunc_end0:
.L_simem_size_0:
called_computation_lowered:
.L_overlay_start_0:
0x88: {  	s2 =	sld [smem:$0x3FD9]  }
0x89: {  	s3 =	sld [smem:$0x3FFE];
	_ =	sdelay $0x1  }
0x8a: {  	s1 =	srdreg.scid  }
0x8b: {  	s0 =	sand.u32 $0x1, s1  }
0x8c: {  	s17 =	sshll.u32 s0, $0xA;
	s2 =	sadd.s32 s3, s2  }
0x8d: {  	s2 =	sadd.s32 s2, s17  }
0x8e: {  	[smem:$0x3FC0] =	sst s2  }
0x8f: {  	_ = 	snop  }
0x90: {  	s2 =	sld [smem:$0x3FD0];
	(tm) =	ssettm $0x1  }
0x91: {  	s18 =	sld [smem:$0x3FFB];
	_ =	sdelay $0x3  }
0x92: {  	_ =	strace s18  }
0x93: {  	s3 =	sld [smem:$0x3FFC];
	_ =	sdelay $0x3  }
0x94: {  	_ =	strace s3  }
0x95: {  	s3 =	sld [smem:$0x3FFD];
	_ =	sdelay $0x3  }
0x96: {  	_ =	strace s3  }
0x97: {  	_ =	strace $0x8FFFFFFF  }
0x98: {  	s19 =	sld [smem:$0x3FDB];
	_ =	sdelay $0x1  }
0x99: {  	s4 =	simm.s32 $_scs_section_size  }
0x9a: {  	s5 =	simm.s32 $_size__tile_overlayer_lowered;
	s6 =	simm.s32 $_tile_overlayer_lowered  }
0x9b: {  	s22 =	simm.s32 $0x1BFF;
	s21 =	sshll.u32 s6, $0x1;
	s3 =	sadd.s32 s4, s19  }
0x9c: {  	s7 =	simm.s32 $0x0;
	s20 =	sshll.u32 s5, $0x1;
	s5 =	sadd.s32 s21, s3  }
0x9d: {  	[timem:s7], [sflag:s22] =	dma.local [hbm:s5], s20  }
0x9e: {  	_ =	swait.ge [sflag:s22], s20  }
0x9f: {  	s4 =	ssub.s32 $0x0, s20;
	[sflag:s22] =	ssyncset.done $0x0  }
0xa0: {  	[sflag:s22] =	ssyncadd.s32 s4;
	_ =	sdelay $0x1  }
0xa1: {  	s23 =	simm.s32 $0x1B8B  }
0xa2: {  	_ =	swait.ge [sflag:s23], $0x1  }
0xa3: {  	[sflag:s23] =	ssyncset.done $0x0  }
0xa4: {  	s25 =	simm.s32 $0x1B8E;
	s24 =	sld [smem:$0x3FFE];
	[sflag:s23] =	ssyncadd.s32 $0xFFFFFFFF  }
0xa5: {  	s26 =	simm.s32 $execute0_lowered;
	[smem:$0x3FD2] =	sst s25  }
0xa6: {  	s5 =	sshll.u32 s26, $0x1;
	_ =	strace $0x80000046;
	[dreg:$0x1] =	wrdreg $0xFFFFFFFF  }
0xa7: {  	s28 =	simm.s32 $_size_execute0_lowered;
	s3 =	sadd.s32 s3, s5;
	[dreg:$0x0] =	wrdreg $0x0  }
0xa8: {  	s5 =	sshll.u32 s28, $0x1;
	[dreg:$0x2] =	wrdreg s3  }
0xa9: {  	[dreg:$0x3] =	wrdreg s5  }
0xaa: {  	[dreg:$0x4] =	wrdreg $0xC0  }
0xab: {  	_ =	task [dreg:s7], $0x5FFFF  }
0xac: {  	[dreg:$0x1] =	wrdreg $0xFFFFFFFF  }
0xad: {  	[dreg:$0x0] =	wrdreg $0x60  }
0xae: {  	[dreg:$0x2] =	wrdreg s24  }
0xaf: {  	[dreg:$0x3] =	wrdreg s2  }
0xb0: {  	[dreg:$0x4] =	wrdreg $0x67300  }
0xb1: {  	[dreg:$0x5] =	wrdreg $0x9  }
0xb2: {  	_ =	task.clear_ibuf [dreg:s7], $0x6FFFF;
	_ =	strace $0x90000046  }
0xb3: {  	s29 =	simm.s32 $0x9;
	_ =	strace $0x80000048  }
0xb4: {  	_ =	swait.ge [sflag:s29], $0x1  }
0xb5: {  	[sflag:s29] =	ssyncadd.s32 $0xFFFFFFFF  }
0xb6: {  	_ =	strace $0x90000048  }
0xb7: {  	_ =	sfence  }
0xb8: {  	s30 =	sld [smem:$0x0];
	_ =	sdelay $0x2  }
0xb9: {  	s31 =	sshll.u32 s1, $0xD;
	s1 =	sshrl.u32 s1, $0x2  }
0xba: {  	s3 =	sand.u32 $0x4000, s31;
	s1 =	sadd.s32 s1, s30  }
0xbb: {  	s0 =	sor.u32 s3, s0;
	s1 =	sshll.u32 s1, $0x11  }
0xbc: {  	s0 =	sor.u32 s1, s0  }
0xbd: {  	s0 =	sadd.s32 $0x8F2B, s0  }
0xbe: {  	[sflag:s0] =	ssyncadd.remote.s32 $0x1  }
0xbf: {  	_ =	sfence.sel $0xFFFF  }
0xc0: {  	[dreg:$0x0] =	wrdreg $0xFFFFFFFF;
	(pc) =	sbr.abs _section_cstart, $3  }
0xc1: {  	[dreg:$0x1] =	wrdreg $0xFFFFFFFF  }
0xc2: {  	_ =	task.clear_ibuf [dreg:s7], $0x2FFFF;
	_ =	strace $0x9FFFFFFF  }
0xc3: {  	(tm) =	ssettm $0x7FFFFFFF  }
tec
execute0_lowered:
.L_overlay_start_1:
0x0: {  	(tag) =	ssettag $0x1  }
0x1: {  	v1 =	vlaneseq.u32  }
0x2: {  	v11 =	vimm.s32 $0x1;
	v12 =	vimm.s32 $0x2;
	v13 =	vimm.s32 $0x3  }
0x3: {  	v6 =	vimm.s32 $0x4;
	v21 =	vimm.s32 $0x5;
	v0 =	vmul.u32 $0x10, v1  }
0x4: {  	v25 =	vimm.s32 $0x6;
	v29 =	vimm.s32 $0x7;
	v2 =	vmul.u32 $0x8, v1  }
0x5: {  	v14 =	vor.u32 $0x8, v0;
	v15 =	vor.u32 $0x1, v0;
	v16 =	vor.u32 $0x9, v0  }
0x6: {  	v18 =	vor.u32 $0x1, v2;
	v19 =	vor.u32 $0x2, v0;
	v20 =	vor.u32 $0xA, v0  }
0x7: {  	s6 =	rddreg [dreg:$0x0];
	s2 =	srdreg.scid;
	v22 =	vor.u32 $0x2, v2;
	v23 =	vor.u32 $0x3, v0;
	v24 =	vor.u32 $0xB, v0  }
0x8: {  	s0 =	stileid.u32;
	s1 =	rddreg [dreg:$0x1];
	v26 =	vor.u32 $0x3, v2;
	v27 =	vor.u32 $0x4, v0;
	v28 =	vor.u32 $0xC, v0  }
0x9: {  	s3 =	rddreg [dreg:$0x2];
	s4 =	simm.s32 $0x0;
	s17 =	simm.s32 $0x50;
	v30 =	vor.u32 $0x4, v2;
	v31 =	vor.u32 $0x5, v0;
	v32 =	vor.u32 $0xD, v0  }
0xa: {  	s20 =	simm.s32 $0x6;
	s21 =	simm.s32 $0x5;
	s22 =	simm.s32 $0x0;
	v33 =	vor.u32 $0x5, v2;
	v34 =	vor.u32 $0x6, v0;
	v35 =	vor.u32 $0xE, v0  }
0xb: {  	s7 =	sand.u32 $0x1, s2;
	s29 =	sshll.u32 s0, $0x1;
	s8 =	smul.u32 $0x1400, s0;
	v36 =	vor.u32 $0x6, v2;
	v37 =	vor.u32 $0x7, v0;
	v38 =	vor.u32 $0xF, v0  }
0xc: {  	[smem:$0x7FF] =	sst s4;
	s12 =	smul.u32 $0x4E20, s0;
	s15 =	sshll.u32 s0, $0x6;
	v39 =	vor.u32 $0x7, v2;
	v40 =	vor.u32 $0x100, v0;
	v41 =	vor.u32 $0x108, v0  }
0xd: {  	s5 =	sor.u32 s7, s29;
	_ =	strace $0x80000047;
	s9 =	smul.u32 $0x14000, s7;
	v42 =	vor.u32 $0x80, v2;
	v43 =	vor.u32 $0x101, v0;
	v44 =	vor.u32 $0x109, v0  }
0xe: {  	s13 =	ssub.s32 $0x2, s7;
	s14 =	smul.u32 $0x2710, s7;
	s15 =	sor.u32 $0x1C07, s15;
	v45 =	vor.u32 $0x81, v2;
	v46 =	vor.u32 $0x102, v0;
	v47 =	vor.u32 $0x10A, v0  }
0xf: {  	s5 =	smul.u32 $0x2710, s5;
	s11 =	sshrl.u32 s8, $0x3;
	s12 =	sadd.s32 s12, s6;
	v48 =	vor.u32 $0x82, v2;
	v49 =	vor.u32 $0x103, v0;
	v50 =	vor.u32 $0x10B, v0  }
0x10: {  	s30 =	sshrl.u32 s13, $0x1;
	v51 =	vor.u32 $0x83, v2;
	v52 =	vor.u32 $0x104, v0;
	s16 =	sadd.s32 s8, s3;
	v1 =	vor.u32 $0x100, v2;
	s11 =	sadd.s32 s11, s6  }
0x11: {  	v53 =	vor.u32 $0x10C, v0;
	v54 =	vor.u32 $0x84, v2;
	s9 =	sadd.s32 s8, s9;
	s13 =	ssub.s32 s13, s30;
	s31 =	sadd.s32 s14, s12;
	[tilespmem:$0x1FFA0] =	vst v1;
	v1 =	vor.u32 $0x201, v0  }
0x12: {  	v55 =	vor.u32 $0x105, v0;
	v56 =	vor.u32 $0x10D, v0;
	s12 =	simm.s32 $0x6720;
	s14 =	simm.s32 $0x2710;
	s16 =	sshrl.u32 s16, $0x3;
	[tilespmem:$0x1FFB0] =	vst v1;
	v1 =	vor.u32 $0x209, v0  }
0x13: {  	v57 =	vor.u32 $0x85, v2;
	v58 =	vor.u32 $0x106, v0;
	s5 =	sshrl.u32 s5, $0x3;
	s9 =	sshrl.u32 s9, $0x3;
	s8 =	sadd.s32 $0x14800, s11;
	[tilespmem:$0x1FFC0] =	vst v1;
	v1 =	vor.u32 $0x101, v2  }
0x14: {  	v59 =	vor.u32 $0x10E, v0;
	v60 =	vor.u32 $0x86, v2;
	s11 =	sadd.s32 $0x1C000, s31;
	s10 =	sadd.s32 s5, s6;
	s5 =	sadd.s32 $0x14600, s6;
	[tilespmem:$0x1FFD0] =	vst v1;
	v1 =	vor.u32 $0x202, v0  }
0x15: {  	v61 =	vor.u32 $0x107, v0;
	v62 =	vor.u32 $0x10F, v0;
	s9 =	sadd.s32 s9, s6;
	s6 =	sadd.s32 $0xA800, s10;
	s7 =	sadd.s32 $0xA00, s10;
	[tilespmem:$0x1FFE0] =	vst v1;
	v1 =	vor.u32 $0x20A, v0  }
0x16: {  	v5 =	vor.u32 $0x87, v2;
	v9 =	vor.u32 $0x200, v0;
	v17 =	vor.u32 $0x208, v0;
	s9 =	sadd.s32 $0x17000, s9;
	s10 =	smax.u32 s13, $0x1;
	s13 =	simm.s32 $0x7;
	[tilespmem:$0x1FFF0] =	vst v1  }
.LBB2_1:
0x17: {  	[tilespmem:s12], [sflag:$0x7] =	stream.linear.gather [hbm4b:s5+s4], $0x10, $0x38;
	[tilespmem:$0x7B30] =	vst v63  }
0x18: {  	_ =	swait.ge [sflag:s13], $0x10  }
0x19: {  	[sflag:s13] =	ssyncset.done $0x0  }
0x1a: {  	[sflag:s13] =	ssyncadd.s32 $0xFFFFFFF0  }
0x1b: {  	[tilespmem:s4], [sflag:$0x7] =	stream.linear.gather [hbm4b:s6+s4], $0x2710, $0x38;
	[tilespmem:$0x7B30] =	vst v63  }
0x1c: {  	_ =	swait.ge [sflag:s13], $0x2710  }
0x1d: {  	[sflag:s13] =	ssyncset.done $0x0  }
0x1e: {  	[sflag:s13] =	ssyncadd.s32 $0xFFFFD8F0  }
0x1f: {  	[tilespmem:s14], [sflag:$0x7] =	stream.linear.gather [hbm4b:s7+s4], $0x2710, $0x38;
	[tilespmem:$0x7B30] =	vst v63  }
0x20: {  	_ =	swait.ge [sflag:s13], $0x2710  }
0x21: {  	[sflag:s13] =	ssyncset.done $0x0  }
0x22: {  	[sflag:s13] =	ssyncadd.s32 $0xFFFFD8F0  }
0x23: {  	[spmem:s16], [sflag:s15] =	dma.local [hbm:s8], $0x280  }
0x24: {  	_ =	swait.ge [sflag:s13], $0x280  }
0x25: {  	[sflag:s13] =	ssyncset.done $0x0  }
0x26: {  	[sflag:s13] =	ssyncadd.s32 $0xFFFFFD80  }
0x27: {  	s0 =	simm.s32 $0x4E20;
	s31 =	simm.s32 $0x5820;
	[bflag:$0x0] =	sbarrier.arrive $0xFFFF  }
0x28: {  	[tilespmem:s0], [sflag:$0x1] =	stream.indirect.gather [hbm4b:s1+s17], $0x10, s4, s17, $0xb8;
	[tilespmem:$0x7B30] =	vst v63  }
0x29: {  	s23 =	smov.u32 s11;
	s24 =	simm.s32 $0x0;
	s28 =	simm.s32 $0x0  }
0x2a: {  	[tilespmem:s31], [sflag:$0x3] =	stream.indirect.gather [hbm4b:s1+s17], $0x10, s14, s17, $0xb8;
	[tilespmem:$0x7B30] =	vst v63  }
.LBB2_2:
0x2b: {  	s25 =	sadd.s32 $0x1, s28;
	p0 =	seq.s32 s24, $0x9B00  }
0x2c: {  	s29 =	sand.u32 @!p0 $0x1, s25  }
0x2d: {  	s2 =	sshra.s32 @!p0 s24, $0x2;
	s30 =	smul.u32 @!p0 $0x500, s29  }
0x2e: {  	s26 =	sand.u32 $0x1, s28;
	s19 =	simm.s32 @!p0 $0x50;
	s0 =	sadd.s32 @!p0 $0x50, s2  }
0x2f: {  	s18 =	sadd.s32 @!p0 $0x1, s29;
	s2 =	sadd.s32 @!p0 $0x2760, s2;
	s31 =	sadd.s32 @!p0 $0x4E20, s30  }
0x30: {  	[tilespmem:s31], [sflag:s18] =	stream.indirect.gather @!p0 [hbm4b:s1+s19], $0x10, s0, s19, $0xb8;
	[tilespmem:$0x7B30] =	vst v63  }
0x31: {  	s0 =	sor.u32 @!p0 $0x5820, s30;
	s18 =	sadd.s32 @!p0 $0x3, s29;
	s30 =	sadd.s32 $0x1, s26  }
0x32: {  	[tilespmem:s0], [sflag:s18] =	stream.indirect.gather @!p0 [hbm4b:s1+s19], $0x10, s2, s19, $0xb8;
	[tilespmem:$0x7B30] =	vst v63  }
0x33: {  	_ =	swait.ge [sflag:s30], $0x500  }
0x34: {  	[sflag:s30] =	ssyncset.done $0x0  }
0x35: {  	s31 =	sadd.s32 $0x3, s26;
	[sflag:s30] =	ssyncadd.s32 $0xFFFFFB00  }
0x36: {  	_ =	swait.ge [sflag:s31], $0x500  }
0x37: {  	p0 =	slt.u32 s28, $0x2;
	[sflag:s31] =	ssyncset.done $0x0  }
0x38: {  	s0 =	sadd.s32 @!p0 $0x5, s26;
	[sflag:s31] =	ssyncadd.s32 $0xFFFFFB00  }
0x39: {  	_ =	swait.ge @!p0 [sflag:s0], $0x280  }
0x3a: {  	s2 =	smul.u32 $0x500, s26;
	[sflag:s0] =	ssyncset.done @!p0 $0x0  }
0x3b: {  	[sflag:s0] =	ssyncadd.s32 @!p0 $0xFFFFFD80  }
0x3c: {  	s18 =	sor.u32 $0x5820, s2;
	v1 =	vld.idx.msk [tilespmem:v0+s2+$0x4E20], $0xffff  }
0x3d: {  	v3 =	vld.idx.msk [tilespmem:v14+s18+$0x0], $0xffff;
	_ =	sdelay $0x4  }
0x3e: {  	v3 =	vadd.f32 v3, v1;
	v1 =	vld.msk [tilespmem:s12+$0x0], $0xffff;
	_ =	sdelay $0x1  }
0x3f: {  	v4 =	vmul.f32 $2.000000030e-01, v3;
	_ =	sdelay $0x1  }
0x40: {  	v3 =	vmax.f32 v3, v4  }
0x41: {  	v3 =	vsub.f32 v3, v1;
	_ =	sdelay $0x1  }
0x42: {  	v3 =	vmul.f32 $1.442695020e+00, v3;
	_ =	sdelay $0x1  }
0x43: {  	(erf) = vpow2.f32 v3;
	_ =	sdelay $0x6  }
0x44: {  	s19 =	smul.u32 $0xA00, s26;
	_ =	sdelay $0x1  }
0x45: {  	s28 =	sshrl.u32 s19, $0x2;
	v3 =	vpop (erf)  }
0x46: {  	[tilespmem:v2+s28+$0x6220] =	vst.idx.msk $0xffff, v3  }
0x47: {  	v3 =	vld.idx.msk [tilespmem:v15+s2+$0x4E20], $0xffff  }
0x48: {  	v4 =	vld.idx.msk [tilespmem:v16+s18+$0x0], $0xffff;
	_ =	sdelay $0x4  }
0x49: {  	v3 =	vadd.f32 v4, v3;
	v4 =	vld.idx.msk [tilespmem:v11+s12+$0x0], $0xffff;
	_ =	sdelay $0x1  }
0x4a: {  	v63 =	vmul.f32 $2.000000030e-01, v3;
	_ =	sdelay $0x1  }
0x4b: {  	v3 =	vmax.f32 v3, v63  }
0x4c: {  	v3 =	vsub.f32 v3, v4;
	_ =	sdelay $0x1  }
0x4d: {  	v3 =	vmul.f32 $1.442695020e+00, v3;
	_ =	sdelay $0x1  }
0x4e: {  	(erf) = vpow2.f32 v3;
	_ =	sdelay $0x8  }
0x4f: {  	v3 =	vpop (erf)  }
0x50: {  	[tilespmem:v18+s28+$0x6220] =	vst.idx.msk $0xffff, v3  }
0x51: {  	v3 =	vld.idx.msk [tilespmem:v19+s2+$0x4E20], $0xffff  }
0x52: {  	v4 =	vld.idx.msk [tilespmem:v20+s18+$0x0], $0xffff;
	_ =	sdelay $0x4  }
0x53: {  	v3 =	vadd.f32 v4, v3;
	v4 =	vld.idx.msk [tilespmem:v12+s12+$0x0], $0xffff;
	_ =	sdelay $0x1  }
0x54: {  	v63 =	vmul.f32 $2.000000030e-01, v3;
	_ =	sdelay $0x1  }
0x55: {  	v3 =	vmax.f32 v3, v63  }
0x56: {  	v3 =	vsub.f32 v3, v4;
	_ =	sdelay $0x1  }
0x57: {  	v3 =	vmul.f32 $1.442695020e+00, v3;
	_ =	sdelay $0x1  }
0x58: {  	(erf) = vpow2.f32 v3;
	_ =	sdelay $0x8  }
0x59: {  	v3 =	vpop (erf)  }
0x5a: {  	[tilespmem:v22+s28+$0x6220] =	vst.idx.msk $0xffff, v3  }
0x5b: {  	v3 =	vld.idx.msk [tilespmem:v23+s2+$0x4E20], $0xffff  }
0x5c: {  	v4 =	vld.idx.msk [tilespmem:v24+s18+$0x0], $0xffff;
	_ =	sdelay $0x4  }
0x5d: {  	v3 =	vadd.f32 v4, v3;
	v4 =	vld.idx.msk [tilespmem:v13+s12+$0x0], $0xffff;
	_ =	sdelay $0x1  }
0x5e: {  	v63 =	vmul.f32 $2.000000030e-01, v3;
	_ =	sdelay $0x1  }
0x5f: {  	v3 =	vmax.f32 v3, v63  }
0x60: {  	v3 =	vsub.f32 v3, v4;
	_ =	sdelay $0x1  }
0x61: {  	v3 =	vmul.f32 $1.442695020e+00, v3;
	_ =	sdelay $0x1  }
0x62: {  	(erf) = vpow2.f32 v3;
	_ =	sdelay $0x8  }
0x63: {  	v3 =	vpop (erf)  }
0x64: {  	[tilespmem:v26+s28+$0x6220] =	vst.idx.msk $0xffff, v3  }
0x65: {  	v3 =	vld.idx.msk [tilespmem:v27+s2+$0x4E20], $0xffff  }
0x66: {  	v4 =	vld.idx.msk [tilespmem:v28+s18+$0x0], $0xffff;
	_ =	sdelay $0x4  }
0x67: {  	v3 =	vadd.f32 v4, v3;
	v4 =	vld.idx.msk [tilespmem:v6+s12+$0x0], $0xffff;
	_ =	sdelay $0x1  }
0x68: {  	v63 =	vmul.f32 $2.000000030e-01, v3;
	_ =	sdelay $0x1  }
0x69: {  	v3 =	vmax.f32 v3, v63  }
0x6a: {  	v3 =	vsub.f32 v3, v4;
	_ =	sdelay $0x1  }
0x6b: {  	v3 =	vmul.f32 $1.442695020e+00, v3;
	_ =	sdelay $0x1  }
0x6c: {  	(erf) = vpow2.f32 v3;
	_ =	sdelay $0x8  }
0x6d: {  	v3 =	vpop (erf)  }
0x6e: {  	[tilespmem:v30+s28+$0x6220] =	vst.idx.msk $0xffff, v3  }
0x6f: {  	v3 =	vld.idx.msk [tilespmem:v31+s2+$0x4E20], $0xffff  }
0x70: {  	v4 =	vld.idx.msk [tilespmem:v32+s18+$0x0], $0xffff;
	_ =	sdelay $0x4  }
0x71: {  	v3 =	vadd.f32 v4, v3;
	v4 =	vld.idx.msk [tilespmem:v21+s12+$0x0], $0xffff;
	_ =	sdelay $0x1  }
0x72: {  	v63 =	vmul.f32 $2.000000030e-01, v3;
	_ =	sdelay $0x1  }
0x73: {  	v3 =	vmax.f32 v3, v63  }
0x74: {  	v3 =	vsub.f32 v3, v4;
	_ =	sdelay $0x1  }
0x75: {  	v3 =	vmul.f32 $1.442695020e+00, v3;
	_ =	sdelay $0x1  }
0x76: {  	(erf) = vpow2.f32 v3;
	_ =	sdelay $0x8  }
0x77: {  	v3 =	vpop (erf)  }
0x78: {  	[tilespmem:v33+s28+$0x6220] =	vst.idx.msk $0xffff, v3  }
0x79: {  	v3 =	vld.idx.msk [tilespmem:v34+s2+$0x4E20], $0xffff  }
0x7a: {  	v4 =	vld.idx.msk [tilespmem:v35+s18+$0x0], $0xffff;
	_ =	sdelay $0x4  }
0x7b: {  	v3 =	vadd.f32 v4, v3;
	v4 =	vld.idx.msk [tilespmem:v25+s12+$0x0], $0xffff;
	_ =	sdelay $0x1  }
0x7c: {  	v63 =	vmul.f32 $2.000000030e-01, v3;
	_ =	sdelay $0x1  }
0x7d: {  	v3 =	vmax.f32 v3, v63  }
0x7e: {  	v3 =	vsub.f32 v3, v4;
	_ =	sdelay $0x1  }
0x7f: {  	v3 =	vmul.f32 $1.442695020e+00, v3;
	_ =	sdelay $0x1  }
0x80: {  	(erf) = vpow2.f32 v3;
	_ =	sdelay $0x8  }
0x81: {  	v3 =	vpop (erf)  }
0x82: {  	v6 =	vld.idx.msk [tilespmem:v41+s18+$0x0], $0xffff;
	[tilespmem:v36+s28+$0x6220] =	vst.idx.msk $0xffff, v3  }
0x83: {  	v3 =	vld.idx.msk [tilespmem:v37+s2+$0x4E20], $0xffff  }
0x84: {  	v4 =	vld.idx.msk [tilespmem:v38+s18+$0x0], $0xffff  }
0x85: {  	v63 =	vld.idx.msk [tilespmem:v40+s2+$0x4E20], $0xffff;
	_ =	sdelay $0x3  }
0x86: {  	v3 =	vadd.f32 v4, v3;
	v4 =	vld.idx.msk [tilespmem:v29+s12+$0x0], $0xffff  }
0x87: {  	v6 =	vadd.f32 v6, v63  }
0x88: {  	v63 =	vmul.f32 $2.000000030e-01, v3  }
0x89: {  	v7 =	vmul.f32 $2.000000030e-01, v6  }
0x8a: {  	v3 =	vmax.f32 v3, v63  }
0x8b: {  	v3 =	vsub.f32 v3, v4;
	v4 =	vmax.f32 v6, v7  }
0x8c: {  	v4 =	vsub.f32 v4, v1  }
0x8d: {  	v3 =	vmul.f32 $1.442695020e+00, v3  }
0x8e: {  	v4 =	vmul.f32 $1.442695020e+00, v4  }
0x8f: {  	(erf) = vpow2.f32 v3  }
0x90: {  	(erf) = vpow2.f32 v4;
	_ =	sdelay $0x7  }
0x91: {  	v63 =	vpop (erf)  }
0x92: {  	v3 =	vpop (erf)  }
0x93: {  	[tilespmem:v42+s28+$0x6220] =	vst.idx.msk $0xffff, v3  }
0x94: {  	v3 =	vld.idx.msk [tilespmem:v43+s2+$0x4E20], $0xffff  }
0x95: {  	v4 =	vld.idx.msk [tilespmem:v44+s18+$0x0], $0xffff;
	_ =	sdelay $0x4  }
0x96: {  	v3 =	vadd.f32 v4, v3;
	v4 =	vld.idx.msk [tilespmem:v11+s12+$0x0], $0xffff;
	_ =	sdelay $0x1  }
0x97: {  	v6 =	vmul.f32 $2.000000030e-01, v3;
	_ =	sdelay $0x1  }
0x98: {  	v3 =	vmax.f32 v3, v6  }
0x99: {  	v3 =	vsub.f32 v3, v4;
	_ =	sdelay $0x1  }
0x9a: {  	v3 =	vmul.f32 $1.442695020e+00, v3;
	_ =	sdelay $0x1  }
0x9b: {  	(erf) = vpow2.f32 v3;
	_ =	sdelay $0x8  }
0x9c: {  	v3 =	vpop (erf)  }
0x9d: {  	[tilespmem:v45+s28+$0x6220] =	vst.idx.msk $0xffff, v3  }
0x9e: {  	v3 =	vld.idx.msk [tilespmem:v46+s2+$0x4E20], $0xffff  }
0x9f: {  	v4 =	vld.idx.msk [tilespmem:v47+s18+$0x0], $0xffff;
	_ =	sdelay $0x4  }
0xa0: {  	v3 =	vadd.f32 v4, v3;
	v4 =	vld.idx.msk [tilespmem:v12+s12+$0x0], $0xffff;
	_ =	sdelay $0x1  }
0xa1: {  	v6 =	vmul.f32 $2.000000030e-01, v3;
	_ =	sdelay $0x1  }
0xa2: {  	v3 =	vmax.f32 v3, v6  }
0xa3: {  	v3 =	vsub.f32 v3, v4;
	_ =	sdelay $0x1  }
0xa4: {  	v3 =	vmul.f32 $1.442695020e+00, v3;
	_ =	sdelay $0x1  }
0xa5: {  	(erf) = vpow2.f32 v3;
	_ =	sdelay $0x8  }
0xa6: {  	v3 =	vpop (erf)  }
0xa7: {  	[tilespmem:v48+s28+$0x6220] =	vst.idx.msk $0xffff, v3  }
0xa8: {  	v3 =	vld.idx.msk [tilespmem:v49+s2+$0x4E20], $0xffff  }
0xa9: {  	v4 =	vld.idx.msk [tilespmem:v50+s18+$0x0], $0xffff;
	_ =	sdelay $0x4  }
0xaa: {  	v3 =	vadd.f32 v4, v3;
	v4 =	vld.idx.msk [tilespmem:v13+s12+$0x0], $0xffff;
	_ =	sdelay $0x1  }
0xab: {  	v6 =	vmul.f32 $2.000000030e-01, v3;
	_ =	sdelay $0x1  }
0xac: {  	v3 =	vmax.f32 v3, v6  }
0xad: {  	v3 =	vsub.f32 v3, v4;
	_ =	sdelay $0x1  }
0xae: {  	v3 =	vmul.f32 $1.442695020e+00, v3;
	_ =	sdelay $0x1  }
0xaf: {  	(erf) = vpow2.f32 v3;
	_ =	sdelay $0x8  }
0xb0: {  	v3 =	vpop (erf)  }
0xb1: {  	[tilespmem:v51+s28+$0x6220] =	vst.idx.msk $0xffff, v3  }
0xb2: {  	v3 =	vld.idx.msk [tilespmem:v52+s2+$0x4E20], $0xffff  }
0xb3: {  	v21 =	vimm.s32 $0x4;
	v4 =	vld.idx.msk [tilespmem:v53+s18+$0x0], $0xffff;
	_ =	sdelay $0x4  }
0xb4: {  	v3 =	vadd.f32 v4, v3;
	v4 =	vld.idx.msk [tilespmem:v21+s12+$0x0], $0xffff;
	_ =	sdelay $0x1  }
0xb5: {  	v6 =	vmul.f32 $2.000000030e-01, v3;
	_ =	sdelay $0x1  }
0xb6: {  	v3 =	vmax.f32 v3, v6  }
0xb7: {  	v3 =	vsub.f32 v3, v4;
	_ =	sdelay $0x1  }
0xb8: {  	v3 =	vmul.f32 $1.442695020e+00, v3;
	_ =	sdelay $0x1  }
0xb9: {  	(erf) = vpow2.f32 v3;
	_ =	sdelay $0x8  }
0xba: {  	v3 =	vpop (erf)  }
0xbb: {  	[tilespmem:v54+s28+$0x6220] =	vst.idx.msk $0xffff, v3  }
0xbc: {  	v3 =	vld.idx.msk [tilespmem:v55+s2+$0x4E20], $0xffff  }
0xbd: {  	v25 =	vimm.s32 $0x5;
	v4 =	vld.idx.msk [tilespmem:v56+s18+$0x0], $0xffff;
	_ =	sdelay $0x4  }
0xbe: {  	v3 =	vadd.f32 v4, v3;
	v4 =	vld.idx.msk [tilespmem:v25+s12+$0x0], $0xffff;
	_ =	sdelay $0x1  }
0xbf: {  	v6 =	vmul.f32 $2.000000030e-01, v3;
	_ =	sdelay $0x1  }
0xc0: {  	v3 =	vmax.f32 v3, v6  }
0xc1: {  	v3 =	vsub.f32 v3, v4;
	_ =	sdelay $0x1  }
0xc2: {  	v3 =	vmul.f32 $1.442695020e+00, v3;
	_ =	sdelay $0x1  }
0xc3: {  	(erf) = vpow2.f32 v3;
	_ =	sdelay $0x8  }
0xc4: {  	v3 =	vpop (erf)  }
0xc5: {  	[tilespmem:v57+s28+$0x6220] =	vst.idx.msk $0xffff, v3  }
0xc6: {  	v3 =	vld.idx.msk [tilespmem:v58+s2+$0x4E20], $0xffff  }
0xc7: {  	v10 =	vimm.s32 $0x6;
	v4 =	vld.idx.msk [tilespmem:v59+s18+$0x0], $0xffff;
	_ =	sdelay $0x4  }
0xc8: {  	v3 =	vadd.f32 v4, v3;
	v4 =	vld.idx.msk [tilespmem:v10+s12+$0x0], $0xffff;
	_ =	sdelay $0x1  }
0xc9: {  	v6 =	vmul.f32 $2.000000030e-01, v3;
	_ =	sdelay $0x1  }
0xca: {  	v3 =	vmax.f32 v3, v6  }
0xcb: {  	v3 =	vsub.f32 v3, v4;
	_ =	sdelay $0x1  }
0xcc: {  	v3 =	vmul.f32 $1.442695020e+00, v3;
	_ =	sdelay $0x1  }
0xcd: {  	(erf) = vpow2.f32 v3;
	_ =	sdelay $0x8  }
0xce: {  	v3 =	vpop (erf)  }
0xcf: {  	v7 =	vld.idx.msk [tilespmem:v17+s18+$0x0], $0xffff;
	[tilespmem:v60+s28+$0x6220] =	vst.idx.msk $0xffff, v3  }
0xd0: {  	v3 =	vld.idx.msk [tilespmem:v61+s2+$0x4E20], $0xffff  }
0xd1: {  	v4 =	vld.idx.msk [tilespmem:v62+s18+$0x0], $0xffff  }
0xd2: {  	v6 =	vld.idx.msk [tilespmem:v9+s2+$0x4E20], $0xffff;
	_ =	sdelay $0x3  }
0xd3: {  	v3 =	vadd.f32 v4, v3;
	v4 =	vld.idx.msk [tilespmem:v29+s12+$0x0], $0xffff  }
0xd4: {  	v6 =	vadd.f32 v7, v6  }
0xd5: {  	v7 =	vmul.f32 $2.000000030e-01, v3  }
0xd6: {  	v8 =	vmul.f32 $2.000000030e-01, v6  }
0xd7: {  	v3 =	vmax.f32 v3, v7  }
0xd8: {  	v3 =	vsub.f32 v3, v4;
	v4 =	vmax.f32 v6, v8  }
0xd9: {  	v4 =	vsub.f32 v4, v1  }
0xda: {  	v3 =	vmul.f32 $1.442695020e+00, v3  }
0xdb: {  	v4 =	vmul.f32 $1.442695020e+00, v4  }
0xdc: {  	(erf) = vpow2.f32 v3  }
0xdd: {  	(erf) = vpow2.f32 v4;
	_ =	sdelay $0x1  }
0xde: {  	v6 =	vld [tilespmem:$0x1FFA0];
	_ =	sdelay $0x5  }
0xdf: {  	v3 =	vpop (erf)  }
0xe0: {  	v4 =	vpop (erf)  }
0xe1: {  	[tilespmem:v6+s28+$0x6220] =	vst.idx.msk $0xffff, v4;
	v4 =	vld [tilespmem:$0x1FFB0]  }
0xe2: {  	v6 =	vld [tilespmem:$0x1FFC0];
	_ =	sdelay $0x6  }
0xe3: {  	v4 =	vld.idx.msk [tilespmem:v4+s2+$0x4E20], $0xffff  }
0xe4: {  	v6 =	vld.idx.msk [tilespmem:v6+s18+$0x0], $0xffff;
	_ =	sdelay $0x4  }
0xe5: {  	v4 =	vadd.f32 v6, v4;
	v6 =	vld.idx.msk [tilespmem:v11+s12+$0x0], $0xffff;
	_ =	sdelay $0x1  }
0xe6: {  	v7 =	vmul.f32 $2.000000030e-01, v4;
	_ =	sdelay $0x1  }
0xe7: {  	v4 =	vmax.f32 v4, v7  }
0xe8: {  	v4 =	vsub.f32 v4, v6;
	_ =	sdelay $0x1  }
0xe9: {  	v4 =	vmul.f32 $1.442695020e+00, v4;
	_ =	sdelay $0x1  }
0xea: {  	(erf) = vpow2.f32 v4;
	_ =	sdelay $0x1  }
0xeb: {  	v6 =	vld [tilespmem:$0x1FFD0];
	_ =	sdelay $0x6  }
0xec: {  	v4 =	vpop (erf)  }
0xed: {  	[tilespmem:v6+s28+$0x6220] =	vst.idx.msk $0xffff, v4;
	v4 =	vld [tilespmem:$0x1FFE0]  }
0xee: {  	v6 =	vld [tilespmem:$0x1FFF0];
	_ =	sdelay $0x6  }
0xef: {  	v4 =	vld.idx.msk [tilespmem:v4+s2+$0x4E20], $0xffff  }
0xf0: {  	v6 =	vld.idx.msk [tilespmem:v6+s18+$0x0], $0xffff;
	_ =	sdelay $0x4  }
0xf1: {  	v4 =	vadd.f32 v6, v4;
	v6 =	vld.idx.msk [tilespmem:v12+s12+$0x0], $0xffff;
	_ =	sdelay $0x1  }
0xf2: {  	v7 =	vmul.f32 $2.000000030e-01, v4;
	_ =	sdelay $0x1  }
0xf3: {  	v4 =	vmax.f32 v4, v7  }
0xf4: {  	v4 =	vsub.f32 v4, v6;
	_ =	sdelay $0x1  }
0xf5: {  	v4 =	vmul.f32 $1.442695020e+00, v4;
	_ =	sdelay $0x1  }
0xf6: {  	(erf) = vpow2.f32 v4;
	_ =	sdelay $0x4  }
0xf7: {  	v4 =	vor.u32 $0x102, v2  }
0xf8: {  	v6 =	vor.u32 $0x203, v0  }
0xf9: {  	v7 =	vor.u32 $0x20B, v0;
	_ =	sdelay $0x1  }
0xfa: {  	v8 =	vpop (erf)  }
0xfb: {  	[tilespmem:v4+s28+$0x6220] =	vst.idx.msk $0xffff, v8  }
0xfc: {  	v4 =	vld.idx.msk [tilespmem:v6+s2+$0x4E20], $0xffff  }
0xfd: {  	v6 =	vld.idx.msk [tilespmem:v7+s18+$0x0], $0xffff;
	_ =	sdelay $0x4  }
0xfe: {  	v4 =	vadd.f32 v6, v4;
	v6 =	vld.idx.msk [tilespmem:v13+s12+$0x0], $0xffff;
	_ =	sdelay $0x1  }
0xff: {  	v7 =	vmul.f32 $2.000000030e-01, v4;
	_ =	sdelay $0x1  }
0x100: {  	v4 =	vmax.f32 v4, v7  }
0x101: {  	v4 =	vsub.f32 v4, v6;
	_ =	sdelay $0x1  }
0x102: {  	v4 =	vmul.f32 $1.442695020e+00, v4;
	_ =	sdelay $0x1  }
0x103: {  	(erf) = vpow2.f32 v4;
	_ =	sdelay $0x4  }
0x104: {  	v4 =	vor.u32 $0x103, v2  }
0x105: {  	v6 =	vor.u32 $0x204, v0  }
0x106: {  	v7 =	vor.u32 $0x20C, v0;
	_ =	sdelay $0x1  }
0x107: {  	v8 =	vpop (erf)  }
0x108: {  	[tilespmem:v4+s28+$0x6220] =	vst.idx.msk $0xffff, v8  }
0x109: {  	v4 =	vld.idx.msk [tilespmem:v6+s2+$0x4E20], $0xffff  }
0x10a: {  	v6 =	vld.idx.msk [tilespmem:v7+s18+$0x0], $0xffff;
	_ =	sdelay $0x4  }
0x10b: {  	v4 =	vadd.f32 v6, v4;
	v6 =	vld.idx.msk [tilespmem:v21+s12+$0x0], $0xffff;
	_ =	sdelay $0x1  }
0x10c: {  	v7 =	vmul.f32 $2.000000030e-01, v4;
	_ =	sdelay $0x1  }
0x10d: {  	v4 =	vmax.f32 v4, v7  }
0x10e: {  	v4 =	vsub.f32 v4, v6;
	_ =	sdelay $0x1  }
0x10f: {  	v4 =	vmul.f32 $1.442695020e+00, v4;
	_ =	sdelay $0x1  }
0x110: {  	(erf) = vpow2.f32 v4;
	_ =	sdelay $0x4  }
0x111: {  	v4 =	vor.u32 $0x104, v2  }
0x112: {  	v6 =	vor.u32 $0x205, v0  }
0x113: {  	v7 =	vor.u32 $0x20D, v0;
	_ =	sdelay $0x1  }
0x114: {  	v8 =	vpop (erf)  }
0x115: {  	[tilespmem:v4+s28+$0x6220] =	vst.idx.msk $0xffff, v8  }
0x116: {  	v4 =	vld.idx.msk [tilespmem:v6+s2+$0x4E20], $0xffff  }
0x117: {  	v6 =	vld.idx.msk [tilespmem:v7+s18+$0x0], $0xffff;
	_ =	sdelay $0x4  }
0x118: {  	v4 =	vadd.f32 v6, v4;
	v6 =	vld.idx.msk [tilespmem:v25+s12+$0x0], $0xffff;
	_ =	sdelay $0x1  }
0x119: {  	v7 =	vmul.f32 $2.000000030e-01, v4;
	_ =	sdelay $0x1  }
0x11a: {  	v4 =	vmax.f32 v4, v7  }
0x11b: {  	v4 =	vsub.f32 v4, v6;
	_ =	sdelay $0x1  }
0x11c: {  	v4 =	vmul.f32 $1.442695020e+00, v4;
	_ =	sdelay $0x1  }
0x11d: {  	(erf) = vpow2.f32 v4;
	_ =	sdelay $0x4  }
0x11e: {  	v4 =	vor.u32 $0x105, v2  }
0x11f: {  	v6 =	vor.u32 $0x206, v0  }
0x120: {  	v7 =	vor.u32 $0x20E, v0;
	_ =	sdelay $0x1  }
0x121: {  	v8 =	vpop (erf)  }
0x122: {  	[tilespmem:v4+s28+$0x6220] =	vst.idx.msk $0xffff, v8  }
0x123: {  	v4 =	vld.idx.msk [tilespmem:v6+s2+$0x4E20], $0xffff  }
0x124: {  	v6 =	vld.idx.msk [tilespmem:v7+s18+$0x0], $0xffff;
	_ =	sdelay $0x4  }
0x125: {  	v4 =	vadd.f32 v6, v4;
	v6 =	vld.idx.msk [tilespmem:v10+s12+$0x0], $0xffff;
	_ =	sdelay $0x1  }
0x126: {  	v7 =	vmul.f32 $2.000000030e-01, v4;
	_ =	sdelay $0x1  }
0x127: {  	v4 =	vmax.f32 v4, v7  }
0x128: {  	v4 =	vsub.f32 v4, v6;
	_ =	sdelay $0x1  }
0x129: {  	v4 =	vmul.f32 $1.442695020e+00, v4;
	_ =	sdelay $0x1  }
0x12a: {  	(erf) = vpow2.f32 v4;
	_ =	sdelay $0x4  }
0x12b: {  	v4 =	vor.u32 $0x106, v2  }
0x12c: {  	v6 =	vor.u32 $0x207, v0  }
0x12d: {  	v7 =	vor.u32 $0x20F, v0  }
0x12e: {  	v8 =	vor.u32 $0x300, v0  }
0x12f: {  	v11 =	vor.u32 $0x308, v0;
	v10 =	vpop (erf)  }
0x130: {  	[tilespmem:v4+s28+$0x6220] =	vst.idx.msk $0xffff, v10  }
0x131: {  	v4 =	vld.idx.msk [tilespmem:v6+s2+$0x4E20], $0xffff  }
0x132: {  	v6 =	vld.idx.msk [tilespmem:v7+s18+$0x0], $0xffff  }
0x133: {  	v7 =	vld.idx.msk [tilespmem:v8+s2+$0x4E20], $0xffff  }
0x134: {  	v8 =	vld.idx.msk [tilespmem:v11+s18+$0x0], $0xffff;
	_ =	sdelay $0x3  }
0x135: {  	v4 =	vadd.f32 v6, v4;
	v6 =	vld.idx.msk [tilespmem:v29+s12+$0x0], $0xffff  }
0x136: {  	v7 =	vadd.f32 v8, v7  }
0x137: {  	v8 =	vmul.f32 $2.000000030e-01, v4  }
0x138: {  	v10 =	vmul.f32 $2.000000030e-01, v7  }
0x139: {  	v4 =	vmax.f32 v4, v8  }
0x13a: {  	v4 =	vsub.f32 v4, v6;
	v6 =	vmax.f32 v7, v10  }
0x13b: {  	v6 =	vsub.f32 v6, v1  }
0x13c: {  	v4 =	vmul.f32 $1.442695020e+00, v4  }
0x13d: {  	v6 =	vmul.f32 $1.442695020e+00, v6  }
0x13e: {  	(erf) = vpow2.f32 v4  }
0x13f: {  	(erf) = vpow2.f32 v6;
	_ =	sdelay $0x4  }
0x140: {  	v6 =	vor.u32 $0x180, v2  }
0x141: {  	v7 =	vor.u32 $0x301, v0  }
0x142: {  	v8 =	vor.u32 $0x309, v0  }
0x143: {  	v4 =	vpop (erf)  }
0x144: {  	v10 =	vpop (erf)  }
0x145: {  	[tilespmem:v6+s28+$0x6220] =	vst.idx.msk $0xffff, v10  }
0x146: {  	v6 =	vld.idx.msk [tilespmem:v7+s2+$0x4E20], $0xffff  }
0x147: {  	v12 =	vimm.s32 $0x1;
	v7 =	vld.idx.msk [tilespmem:v8+s18+$0x0], $0xffff;
	_ =	sdelay $0x4  }
0x148: {  	v6 =	vadd.f32 v7, v6;
	v7 =	vld.idx.msk [tilespmem:v12+s12+$0x0], $0xffff;
	_ =	sdelay $0x1  }
0x149: {  	v8 =	vmul.f32 $2.000000030e-01, v6;
	_ =	sdelay $0x1  }
0x14a: {  	v6 =	vmax.f32 v6, v8  }
0x14b: {  	v6 =	vsub.f32 v6, v7;
	_ =	sdelay $0x1  }
0x14c: {  	v6 =	vmul.f32 $1.442695020e+00, v6;
	_ =	sdelay $0x1  }
0x14d: {  	(erf) = vpow2.f32 v6;
	_ =	sdelay $0x4  }
0x14e: {  	v6 =	vor.u32 $0x181, v2  }
0x14f: {  	v7 =	vor.u32 $0x302, v0  }
0x150: {  	v8 =	vor.u32 $0x30A, v0;
	_ =	sdelay $0x1  }
0x151: {  	v10 =	vpop (erf)  }
0x152: {  	[tilespmem:v6+s28+$0x6220] =	vst.idx.msk $0xffff, v10  }
0x153: {  	v6 =	vld.idx.msk [tilespmem:v7+s2+$0x4E20], $0xffff  }
0x154: {  	v13 =	vimm.s32 $0x2;
	v7 =	vld.idx.msk [tilespmem:v8+s18+$0x0], $0xffff;
	_ =	sdelay $0x4  }
0x155: {  	v6 =	vadd.f32 v7, v6;
	v7 =	vld.idx.msk [tilespmem:v13+s12+$0x0], $0xffff;
	_ =	sdelay $0x1  }
0x156: {  	v8 =	vmul.f32 $2.000000030e-01, v6;
	_ =	sdelay $0x1  }
0x157: {  	v6 =	vmax.f32 v6, v8  }
0x158: {  	v6 =	vsub.f32 v6, v7;
	_ =	sdelay $0x1  }
0x159: {  	v6 =	vmul.f32 $1.442695020e+00, v6;
	_ =	sdelay $0x1  }
0x15a: {  	(erf) = vpow2.f32 v6;
	_ =	sdelay $0x4  }
0x15b: {  	v6 =	vor.u32 $0x182, v2  }
0x15c: {  	v7 =	vor.u32 $0x303, v0  }
0x15d: {  	v8 =	vor.u32 $0x30B, v0;
	_ =	sdelay $0x1  }
0x15e: {  	v10 =	vpop (erf)  }
0x15f: {  	[tilespmem:v6+s28+$0x6220] =	vst.idx.msk $0xffff, v10  }
0x160: {  	v6 =	vld.idx.msk [tilespmem:v7+s2+$0x4E20], $0xffff  }
0x161: {  	v13 =	vimm.s32 $0x3;
	v7 =	vld.idx.msk [tilespmem:v8+s18+$0x0], $0xffff;
	_ =	sdelay $0x4  }
0x162: {  	v6 =	vadd.f32 v7, v6;
	v7 =	vld.idx.msk [tilespmem:v13+s12+$0x0], $0xffff;
	_ =	sdelay $0x1  }
0x163: {  	v8 =	vmul.f32 $2.000000030e-01, v6;
	_ =	sdelay $0x1  }
0x164: {  	v6 =	vmax.f32 v6, v8  }
0x165: {  	v6 =	vsub.f32 v6, v7;
	_ =	sdelay $0x1  }
0x166: {  	v6 =	vmul.f32 $1.442695020e+00, v6;
	_ =	sdelay $0x1  }
0x167: {  	(erf) = vpow2.f32 v6;
	_ =	sdelay $0x4  }
0x168: {  	v6 =	vor.u32 $0x183, v2  }
0x169: {  	v7 =	vor.u32 $0x304, v0  }
0x16a: {  	v8 =	vor.u32 $0x30C, v0;
	_ =	sdelay $0x1  }
0x16b: {  	v10 =	vpop (erf)  }
0x16c: {  	[tilespmem:v6+s28+$0x6220] =	vst.idx.msk $0xffff, v10  }
0x16d: {  	v6 =	vld.idx.msk [tilespmem:v7+s2+$0x4E20], $0xffff  }
0x16e: {  	v7 =	vld.idx.msk [tilespmem:v8+s18+$0x0], $0xffff;
	_ =	sdelay $0x4  }
0x16f: {  	v6 =	vadd.f32 v7, v6;
	v7 =	vld.idx.msk [tilespmem:v21+s12+$0x0], $0xffff;
	_ =	sdelay $0x1  }
0x170: {  	v8 =	vmul.f32 $2.000000030e-01, v6;
	_ =	sdelay $0x1  }
0x171: {  	v6 =	vmax.f32 v6, v8  }
0x172: {  	v6 =	vsub.f32 v6, v7;
	_ =	sdelay $0x1  }
0x173: {  	v6 =	vmul.f32 $1.442695020e+00, v6;
	_ =	sdelay $0x1  }
0x174: {  	(erf) = vpow2.f32 v6;
	_ =	sdelay $0x4  }
0x175: {  	v6 =	vor.u32 $0x184, v2  }
0x176: {  	v7 =	vor.u32 $0x305, v0  }
0x177: {  	v8 =	vor.u32 $0x30D, v0;
	_ =	sdelay $0x1  }
0x178: {  	v10 =	vpop (erf)  }
0x179: {  	[tilespmem:v6+s28+$0x6220] =	vst.idx.msk $0xffff, v10  }
0x17a: {  	v6 =	vld.idx.msk [tilespmem:v7+s2+$0x4E20], $0xffff  }
0x17b: {  	v7 =	vld.idx.msk [tilespmem:v8+s18+$0x0], $0xffff;
	_ =	sdelay $0x4  }
0x17c: {  	v6 =	vadd.f32 v7, v6;
	v7 =	vld.idx.msk [tilespmem:v25+s12+$0x0], $0xffff;
	_ =	sdelay $0x1  }
0x17d: {  	v8 =	vmul.f32 $2.000000030e-01, v6;
	_ =	sdelay $0x1  }
0x17e: {  	v6 =	vmax.f32 v6, v8  }
0x17f: {  	v6 =	vsub.f32 v6, v7;
	_ =	sdelay $0x1  }
0x180: {  	v6 =	vmul.f32 $1.442695020e+00, v6;
	_ =	sdelay $0x1  }
0x181: {  	(erf) = vpow2.f32 v6;
	_ =	sdelay $0x4  }
0x182: {  	v6 =	vor.u32 $0x185, v2  }
0x183: {  	v7 =	vor.u32 $0x306, v0  }
0x184: {  	v8 =	vor.u32 $0x30E, v0;
	_ =	sdelay $0x1  }
0x185: {  	v10 =	vpop (erf)  }
0x186: {  	[tilespmem:v6+s28+$0x6220] =	vst.idx.msk $0xffff, v10  }
0x187: {  	v6 =	vld.idx.msk [tilespmem:v7+s2+$0x4E20], $0xffff  }
0x188: {  	v25 =	vimm.s32 $0x6;
	v7 =	vld.idx.msk [tilespmem:v8+s18+$0x0], $0xffff;
	_ =	sdelay $0x4  }
0x189: {  	v6 =	vadd.f32 v7, v6;
	v7 =	vld.idx.msk [tilespmem:v25+s12+$0x0], $0xffff;
	_ =	sdelay $0x1  }
0x18a: {  	v8 =	vmul.f32 $2.000000030e-01, v6;
	_ =	sdelay $0x1  }
0x18b: {  	v6 =	vmax.f32 v6, v8  }
0x18c: {  	v6 =	vsub.f32 v6, v7;
	_ =	sdelay $0x1  }
0x18d: {  	v6 =	vmul.f32 $1.442695020e+00, v6;
	_ =	sdelay $0x1  }
0x18e: {  	(erf) = vpow2.f32 v6;
	_ =	sdelay $0x4  }
0x18f: {  	v6 =	vor.u32 $0x186, v2  }
0x190: {  	v7 =	vor.u32 $0x307, v0  }
0x191: {  	v8 =	vor.u32 $0x30F, v0  }
0x192: {  	v10 =	vor.u32 $0x400, v0  }
0x193: {  	v12 =	vor.u32 $0x408, v0;
	v11 =	vpop (erf)  }
0x194: {  	[tilespmem:v6+s28+$0x6220] =	vst.idx.msk $0xffff, v11  }
0x195: {  	v6 =	vld.idx.msk [tilespmem:v7+s2+$0x4E20], $0xffff  }
0x196: {  	v7 =	vld.idx.msk [tilespmem:v8+s18+$0x0], $0xffff  }
0x197: {  	v8 =	vld.idx.msk [tilespmem:v10+s2+$0x4E20], $0xffff  }
0x198: {  	v10 =	vld.idx.msk [tilespmem:v12+s18+$0x0], $0xffff;
	_ =	sdelay $0x3  }
0x199: {  	v6 =	vadd.f32 v7, v6;
	v7 =	vld.idx.msk [tilespmem:v29+s12+$0x0], $0xffff  }
0x19a: {  	v8 =	vadd.f32 v10, v8  }
0x19b: {  	v10 =	vmul.f32 $2.000000030e-01, v6  }
0x19c: {  	v11 =	vmul.f32 $2.000000030e-01, v8  }
0x19d: {  	v6 =	vmax.f32 v6, v10  }
0x19e: {  	v6 =	vsub.f32 v6, v7;
	v7 =	vmax.f32 v8, v11  }
0x19f: {  	v1 =	vsub.f32 v7, v1  }
0x1a0: {  	v6 =	vmul.f32 $1.442695020e+00, v6  }
0x1a1: {  	v1 =	vmul.f32 $1.442695020e+00, v1  }
0x1a2: {  	(erf) = vpow2.f32 v6  }
0x1a3: {  	(erf) = vpow2.f32 v1;
	_ =	sdelay $0x4  }
0x1a4: {  	v1 =	vor.u32 $0x200, v2  }
0x1a5: {  	v6 =	vor.u32 $0x401, v0  }
0x1a6: {  	v7 =	vor.u32 $0x409, v0  }
0x1a7: {  	v8 =	vpop (erf)  }
0x1a8: {  	v10 =	vpop (erf)  }
0x1a9: {  	[tilespmem:v1+s28+$0x6220] =	vst.idx.msk $0xffff, v10  }
0x1aa: {  	v1 =	vld.idx.msk [tilespmem:v6+s2+$0x4E20], $0xffff  }
0x1ab: {  	v11 =	vimm.s32 $0x1;
	v6 =	vld.idx.msk [tilespmem:v7+s18+$0x0], $0xffff;
	_ =	sdelay $0x4  }
0x1ac: {  	v1 =	vadd.f32 v6, v1;
	v6 =	vld.idx.msk [tilespmem:v11+s12+$0x0], $0xffff;
	_ =	sdelay $0x1  }
0x1ad: {  	v7 =	vmul.f32 $2.000000030e-01, v1;
	_ =	sdelay $0x1  }
0x1ae: {  	v1 =	vmax.f32 v1, v7  }
0x1af: {  	v1 =	vsub.f32 v1, v6;
	_ =	sdelay $0x1  }
0x1b0: {  	v1 =	vmul.f32 $1.442695020e+00, v1;
	_ =	sdelay $0x1  }
0x1b1: {  	(erf) = vpow2.f32 v1;
	_ =	sdelay $0x4  }
0x1b2: {  	v1 =	vor.u32 $0x201, v2  }
0x1b3: {  	v6 =	vor.u32 $0x402, v0  }
0x1b4: {  	v7 =	vor.u32 $0x40A, v0;
	_ =	sdelay $0x1  }
0x1b5: {  	v10 =	vpop (erf)  }
0x1b6: {  	[tilespmem:v1+s28+$0x6220] =	vst.idx.msk $0xffff, v10  }
0x1b7: {  	v1 =	vld.idx.msk [tilespmem:v6+s2+$0x4E20], $0xffff  }
0x1b8: {  	v12 =	vimm.s32 $0x2;
	v6 =	vld.idx.msk [tilespmem:v7+s18+$0x0], $0xffff;
	_ =	sdelay $0x4  }
0x1b9: {  	v1 =	vadd.f32 v6, v1;
	v6 =	vld.idx.msk [tilespmem:v12+s12+$0x0], $0xffff;
	_ =	sdelay $0x1  }
0x1ba: {  	v7 =	vmul.f32 $2.000000030e-01, v1;
	_ =	sdelay $0x1  }
0x1bb: {  	v1 =	vmax.f32 v1, v7  }
0x1bc: {  	v1 =	vsub.f32 v1, v6;
	_ =	sdelay $0x1  }
0x1bd: {  	v1 =	vmul.f32 $1.442695020e+00, v1;
	_ =	sdelay $0x1  }
0x1be: {  	(erf) = vpow2.f32 v1;
	_ =	sdelay $0x4  }
0x1bf: {  	v1 =	vor.u32 $0x202, v2  }
0x1c0: {  	v6 =	vor.u32 $0x403, v0  }
0x1c1: {  	v7 =	vor.u32 $0x40B, v0;
	_ =	sdelay $0x1  }
0x1c2: {  	v10 =	vpop (erf)  }
0x1c3: {  	[tilespmem:v1+s28+$0x6220] =	vst.idx.msk $0xffff, v10  }
0x1c4: {  	v1 =	vld.idx.msk [tilespmem:v6+s2+$0x4E20], $0xffff  }
0x1c5: {  	v6 =	vld.idx.msk [tilespmem:v7+s18+$0x0], $0xffff;
	_ =	sdelay $0x4  }
0x1c6: {  	v1 =	vadd.f32 v6, v1;
	v6 =	vld.idx.msk [tilespmem:v13+s12+$0x0], $0xffff;
	_ =	sdelay $0x1  }
0x1c7: {  	v7 =	vmul.f32 $2.000000030e-01, v1;
	_ =	sdelay $0x1  }
0x1c8: {  	v1 =	vmax.f32 v1, v7  }
0x1c9: {  	v1 =	vsub.f32 v1, v6;
	_ =	sdelay $0x1  }
0x1ca: {  	v1 =	vmul.f32 $1.442695020e+00, v1;
	_ =	sdelay $0x1  }
0x1cb: {  	(erf) = vpow2.f32 v1;
	_ =	sdelay $0x4  }
0x1cc: {  	v1 =	vor.u32 $0x203, v2  }
0x1cd: {  	v6 =	vor.u32 $0x404, v0  }
0x1ce: {  	v7 =	vor.u32 $0x40C, v0;
	_ =	sdelay $0x1  }
0x1cf: {  	v10 =	vpop (erf)  }
0x1d0: {  	[tilespmem:v1+s28+$0x6220] =	vst.idx.msk $0xffff, v10  }
0x1d1: {  	v1 =	vld.idx.msk [tilespmem:v6+s2+$0x4E20], $0xffff  }
0x1d2: {  	v6 =	vld.idx.msk [tilespmem:v7+s18+$0x0], $0xffff;
	_ =	sdelay $0x4  }
0x1d3: {  	v1 =	vadd.f32 v6, v1;
	v6 =	vld.idx.msk [tilespmem:v21+s12+$0x0], $0xffff;
	_ =	sdelay $0x1  }
0x1d4: {  	v7 =	vmul.f32 $2.000000030e-01, v1;
	_ =	sdelay $0x1  }
0x1d5: {  	v1 =	vmax.f32 v1, v7  }
0x1d6: {  	v1 =	vsub.f32 v1, v6;
	_ =	sdelay $0x1  }
0x1d7: {  	v1 =	vmul.f32 $1.442695020e+00, v1;
	_ =	sdelay $0x1  }
0x1d8: {  	(erf) = vpow2.f32 v1;
	_ =	sdelay $0x4  }
0x1d9: {  	v1 =	vor.u32 $0x204, v2  }
0x1da: {  	v6 =	vor.u32 $0x405, v0  }
0x1db: {  	v7 =	vor.u32 $0x40D, v0;
	_ =	sdelay $0x1  }
0x1dc: {  	v10 =	vpop (erf)  }
0x1dd: {  	[tilespmem:v1+s28+$0x6220] =	vst.idx.msk $0xffff, v10  }
0x1de: {  	v1 =	vld.idx.msk [tilespmem:v6+s2+$0x4E20], $0xffff  }
0x1df: {  	v21 =	vimm.s32 $0x5;
	v6 =	vld.idx.msk [tilespmem:v7+s18+$0x0], $0xffff;
	_ =	sdelay $0x4  }
0x1e0: {  	v1 =	vadd.f32 v6, v1;
	v6 =	vld.idx.msk [tilespmem:v21+s12+$0x0], $0xffff;
	_ =	sdelay $0x1  }
0x1e1: {  	v7 =	vmul.f32 $2.000000030e-01, v1;
	_ =	sdelay $0x1  }
0x1e2: {  	v1 =	vmax.f32 v1, v7  }
0x1e3: {  	v1 =	vsub.f32 v1, v6;
	_ =	sdelay $0x1  }
0x1e4: {  	v1 =	vmul.f32 $1.442695020e+00, v1;
	_ =	sdelay $0x1  }
0x1e5: {  	(erf) = vpow2.f32 v1;
	_ =	sdelay $0x4  }
0x1e6: {  	v1 =	vor.u32 $0x205, v2  }
0x1e7: {  	v6 =	vor.u32 $0x406, v0  }
0x1e8: {  	v7 =	vor.u32 $0x40E, v0;
	_ =	sdelay $0x1  }
0x1e9: {  	v10 =	vpop (erf)  }
0x1ea: {  	[tilespmem:v1+s28+$0x6220] =	vst.idx.msk $0xffff, v10  }
0x1eb: {  	v1 =	vld.idx.msk [tilespmem:v6+s2+$0x4E20], $0xffff  }
0x1ec: {  	v6 =	vld.idx.msk [tilespmem:v7+s18+$0x0], $0xffff;
	_ =	sdelay $0x4  }
0x1ed: {  	v1 =	vadd.f32 v6, v1;
	v6 =	vld.idx.msk [tilespmem:v25+s12+$0x0], $0xffff;
	_ =	sdelay $0x1  }
0x1ee: {  	v7 =	vmul.f32 $2.000000030e-01, v1;
	_ =	sdelay $0x1  }
0x1ef: {  	v1 =	vmax.f32 v1, v7  }
0x1f0: {  	v1 =	vsub.f32 v1, v6;
	_ =	sdelay $0x1  }
0x1f1: {  	v1 =	vmul.f32 $1.442695020e+00, v1;
	_ =	sdelay $0x1  }
0x1f2: {  	(erf) = vpow2.f32 v1;
	_ =	sdelay $0x4  }
0x1f3: {  	v1 =	vor.u32 $0x206, v2  }
0x1f4: {  	v6 =	vor.u32 $0x407, v0  }
0x1f5: {  	v7 =	vor.u32 $0x40F, v0;
	_ =	sdelay $0x1  }
0x1f6: {  	v10 =	vpop (erf)  }
0x1f7: {  	[tilespmem:v1+s28+$0x6220] =	vst.idx.msk $0xffff, v10  }
0x1f8: {  	v1 =	vld.idx.msk [tilespmem:v6+s2+$0x4E20], $0xffff  }
0x1f9: {  	v6 =	vld.idx.msk [tilespmem:v7+s18+$0x0], $0xffff;
	_ =	sdelay $0x4  }
0x1fa: {  	v1 =	vadd.f32 v6, v1;
	v6 =	vld.idx.msk [tilespmem:v29+s12+$0x0], $0xffff;
	_ =	sdelay $0x1  }
0x1fb: {  	v7 =	vmul.f32 $2.000000030e-01, v1;
	_ =	sdelay $0x1  }
0x1fc: {  	v1 =	vmax.f32 v1, v7  }
0x1fd: {  	v1 =	vsub.f32 v1, v6;
	_ =	sdelay $0x1  }
0x1fe: {  	v1 =	vmul.f32 $1.442695020e+00, v1;
	_ =	sdelay $0x1  }
0x1ff: {  	(erf) = vpow2.f32 v1;
	_ =	sdelay $0x2  }
0x200: {  	v6 =	vor.u32 $0x187, v2  }
0x201: {  	v1 =	vor.u32 $0x107, v2  }
0x202: {  	v7 =	vor.u32 $0x207, v2  }
0x203: {  	[tilespmem:v39+s28+$0x6220] =	vst.idx.msk $0xffff, v63  }
0x204: {  	[tilespmem:v5+s28+$0x6220] =	vst.idx.msk $0xffff, v3  }
0x205: {  	[tilespmem:v6+s28+$0x6220] =	vst.idx.msk $0xffff, v8  }
0x206: {  	s31 =	sshra.s32 s24, $0x2;
	s24 =	sadd.s32 $0x140, s24;
	[tilespmem:v1+s28+$0x6220] =	vst.idx.msk $0xffff, v4;
	v1 =	vpop (erf)  }
0x207: {  	s30 =	sadd.s32 $0x5, s26;
	s0 =	sadd.s32 $0x6220, s28;
	p0 =	sne.s32 s24, $0x9C40;
	[tilespmem:v7+s28+$0x6220] =	vst.idx.msk $0xffff, v1  }
0x208: {  	[hbm4b:s23+s4] =	stream.linear.scatter [tilespmem:s0], [sflag:s30], $0x280, $0x38;
	[tilespmem:$0x7B30] =	vst v63  }
.Ltmp0:
0x209: {  	_ = 	snop;
	(pc) =	sbr.rel @p0 .LBB2_2-.Ltmp0, $4  }
0x20a: {  	[spmem:s3] =	stream.indirect.scatter.add.f32 [tilespmem:s0], [sflag:$0x7], $0x8, s31, s17, $0xb8;
	[tilespmem:$0x7B30] =	vst v63  }
0x20b: {  	_ =	swait.ge [sflag:s13], $0x280  }
0x20c: {  	[sflag:s13] =	ssyncset.done $0x0  }
0x20d: {  	v6 =	vimm.s32 $0x4;
	s28 =	smov.u32 s25;
	s23 =	sadd.s32 $0x50, s23;
	[sflag:s13] =	ssyncadd.s32 $0xFFFFFD80  }
0x20e: {  	_ =	swait.ge [sflag:s20], $0x280  }
0x20f: {  	[sflag:s20] =	ssyncset.done $0x0  }
0x210: {  	[sflag:s20] =	ssyncadd.s32 $0xFFFFFD80  }
0x211: {  	_ =	swait.ge [sflag:s21], $0x280  }
0x212: {  	s22 =	sadd.s32 $0x1, s22;
	[sflag:s21] =	ssyncset.done $0x0  }
0x213: {  	p0 =	sne.s32 s22, s10;
	[sflag:s21] =	ssyncadd.s32 $0xFFFFFD80  }
.Ltmp1:
0x214: {  	[bflag:$0x0] =	sbarrier.arrive $0xFFFF;
	(pc) =	sbr.rel @p0 .LBB2_1-.Ltmp1, $4  }
0x215: {  	[hbm:s9], [sflag:s15] =	dma.local [spmem:s16], $0x280  }
0x216: {  	_ =	swait.ge [sflag:s13], $0x280  }
0x217: {  	[sflag:s13] =	ssyncset.done $0x0  }
0x218: {  	[sflag:s13] =	ssyncadd.s32 $0xFFFFFD80  }
0x219: {  	_ =	sfence.sel $0x180000  }
0x21a: {  	[bflag:$0x0] =	sbarrier.arrive $0xFFFF  }
0x21b: {  	_ =	strace $0x90000047  }
0x21c: {  	s0 =	stileid.u32;
	[bflag:$0x2] =	sbarrier.arrive $0xFFFF  }
0x21d: {  	p0 =	sne.s32 s0, $0x0;
	s0 =	rddreg [dreg:$0x3]  }
0x21e: {  	s0 =	sadd.s32 @!p0 $0x100000, s0  }
0x21f: {  	[sflag:s0] =	ssyncadd.tile.s32 @!p0 $0x1;
	_ =	shalt  }
.Lfunc_end2:
_tile_overlayer_lowered:
.L_overlay_start_2:
0x220: {  	(tag) =	ssettag $0x2  }
0x221: {  	s0 =	rddreg [dreg:$0x0];
	s2 =	stileid.u32  }
0x222: {  	s1 =	rddreg [dreg:$0x1];
	p0 =	sne.s32 s2, $0x0  }
0x223: {  	s3 =	rddreg [dreg:$0x2];
	[bflag:$0x3] =	sbarrier.arrive $0xFFFF;
	s2 =	simm.s32 @!p0 $0x1C07  }
0x224: {  	[timem:s3], [sflag:s2] =	dma.local @!p0 [hbm:s0], s1  }
0x225: {  	s0 =	simm.s32 @!p0 $0x7  }
0x226: {  	_ =	swait.ge @!p0 [sflag:s0], s1  }
0x227: {  	s1 =	ssub.s32 @!p0 $0x0, s1;
	[sflag:s0] =	ssyncset.done @!p0 $0x0  }
0x228: {  	[sflag:s0] =	ssyncadd.s32 @!p0 s1  }
0x229: {  	[bflag:$0x3] =	sbarrier.arrive $0xFFFF  }
0x22a: {  	_ =	shalt  }

</sc_bundles>
